<compile_context>
chip_gen: v7x
topology: tpu7x:2x2x1
jax: 0.10.2.dev20260603
libtpu: 0.0.44.dev20260713+nightly
codegen_flags: <defaults>
</compile_context>

<pallas_src>
import functools

import jax
import jax.numpy as jnp
from jax import lax
from jax.experimental import pallas as pl
from jax.experimental.pallas import tpu as pltpu
from jax.experimental.pallas import tpu_sc as plsc

_GAMMA = 0.5
_TOPK = 512
_NCORE = 2
_NSUB = 16
_NW = _NCORE * _NSUB
_CAP = 1024
_BCAP = 16 * _CAP
_SENT = -3.0e38
_IMIN = -(2 ** 31)
_KEY_LO = -2139095040
_KEY_HI = 2139095039
_SUB_NV = 256
_SUB_RANK = 48
_NUDGE = 1 << 19
_U = 25


def _ceil_avg(lo, hi):
    return (lo >> 1) + (hi >> 1) + (lo & hi & 1) + ((lo ^ hi) & 1)


def _key_to_fvec(mid):
    mv = jnp.full((16,), mid, jnp.int32)
    bv = jnp.where(mv >= 0, mv, _IMIN - mv)
    return plsc.bitcast(bv, jnp.float32)


def _sc_topk(x, tgt):
    b, c = x.shape
    nv = c // 16
    rpw = b // _NW
    mesh = plsc.VectorSubcoreMesh(core_axis_name="c", subcore_axis_name="s")

    @functools.partial(
        pl.kernel,
        out_type=[
            jax.ShapeDtypeStruct((b, _TOPK), jnp.float32),
            jax.ShapeDtypeStruct((b,), jnp.float32),
        ],
        mesh=mesh,
        compiler_params=pltpu.CompilerParams(needs_layout_passes=False),
        scratch_types=[
            pltpu.VMEM((c,), jnp.float32),
            pltpu.VMEM((_BCAP + 80,), jnp.float32),
            pltpu.VMEM((_TOPK,), jnp.float32),
            pltpu.VMEM((rpw,), jnp.int32),
            pltpu.VMEM((rpw,), jnp.float32),
            pltpu.VMEM((16,), jnp.int32),
            pltpu.VMEM((16,), jnp.int32),
            pltpu.SemaphoreType.DMA,
            pltpu.SemaphoreType.DMA,
        ],
    )
    def sc_kernel(x_hbm, tgt_hbm, outneg_hbm, outpos_hbm,
                  row_v, blk_v, out_v, tgt_v, pos_v, cnt_v, key_v,
                  dma_sem, out_sem):
        wid = lax.axis_index("s") * _NCORE + lax.axis_index("c")
        base = wid * rpw
        iota = lax.iota(jnp.int32, 16)
        lane0 = iota == 0
        zero16 = jnp.zeros((16,), jnp.int32)
        sent_vec = jnp.full((16,), _SENT, jnp.float32)

        def count_ref(ref, ngroups, tvec):
            def cbody(i, acc):
                ps = []
                for u in range(4):
                    xv = ref[pl.ds((i * 4 + u) * 16, 16)]
                    ps.append(plsc.all_reduce_population_count(xv >= tvec))
                return acc + ((ps[0] + ps[1]) + (ps[2] + ps[3]))
            return jnp.max(lax.fori_loop(0, ngroups, cbody, zero16))

        def seg_sweep(tvec, base0, niters, off0):
            def sbody(it, off):
                xs, advs = [], []
                for u in range(_U):
                    xv = row_v[pl.ds((base0 + it * _U + u) * 16, 16)]
                    m = xv >= tvec
                    pc = plsc.all_reduce_population_count(m)
                    xs.append(xv)
                    advs.append(jnp.where(pc > 0, jnp.int32(16), jnp.int32(0)))
                for u in range(_U):
                    idx = (off & jnp.int32(_BCAP - 1)) + iota
                    plsc.store_scatter(blk_v, [idx], xs[u])
                    off = off + advs[u]
                return off
            return lax.fori_loop(0, niters, sbody, off0)

        def exact_compact(tvec, nwords):
            def p2(k, carry):
                off2, mx = carry
                xs, ms, css, pcs = [], [], [], []
                for u in range(4):
                    xv = blk_v[pl.ds((k * 4 + u) * 16, 16)]
                    m = xv >= tvec
                    css.append(plsc.cumsum(
                        jnp.where(m, jnp.int32(1), jnp.int32(0))))
                    pcs.append(plsc.all_reduce_population_count(m))
                    mx = jnp.maximum(mx, jnp.where(m, xv, sent_vec))
                    xs.append(xv)
                    ms.append(m)
                for u in range(4):
                    plsc.store_scatter(blk_v, [off2 + css[u] - 1], xs[u],
                                       mask=ms[u])
                    off2 = off2 + pcs[u]
                return off2, mx
            return lax.fori_loop(0, (nwords // 16 + 3) // 4, p2,
                                 (zero16, sent_vec))

        def strict_compact(tvec):
            def sbody(i, off):
                xv = row_v[pl.ds(i * 16, 16)]
                m = xv > tvec
                cs = plsc.cumsum(jnp.where(m, jnp.int32(1), jnp.int32(0)))
                idx = jnp.minimum(off + cs - 1, jnp.int32(_BCAP + 15))
                plsc.store_scatter(blk_v, [idx], xv, mask=m)
                return off + plsc.all_reduce_population_count(m)
            return lax.fori_loop(0, nv, sbody, zero16)

        def bootstrap():
            def cond(st):
                lo, hi = st
                return lo < hi
            def bbody(st):
                lo, hi = st
                mid = _ceil_avg(lo, hi)
                cc = count_ref(row_v, _SUB_NV // 4, _key_to_fvec(mid))
                return (jnp.where(cc >= _SUB_RANK, mid, lo),
                        jnp.where(cc >= _SUB_RANK, hi, mid - 1))
            lo, _ = lax.while_loop(
                cond, bbody, (jnp.int32(_KEY_LO), jnp.int32(_KEY_HI)))
            return lo

        def process_row(r, warm, fetch_next):
            def cond(st):
                lo, hi, mid, it, hit = st
                return jnp.logical_and(jnp.logical_not(hit), lo < hi)

            def obody(st):
                lo, hi, mid, it, _ = st
                tvec = _key_to_fvec(mid)
                nw = jnp.max(seg_sweep(tvec, 0, nv // _U, zero16))
                cap_ok = nw <= _BCAP
                cnt_v[...] = zero16

                @pl.when(cap_ok)
                def _():
                    for w in range(4):
                        plsc.store_scatter(
                            blk_v,
                            [jnp.full((16,), nw + 16 * w, jnp.int32) + iota],
                            sent_vec)
                    c2v, mxv = exact_compact(tvec, nw)
                    cnt_v[...] = c2v
                    bk = plsc.bitcast(mxv, jnp.int32)
                    kk = jnp.where(bk >= 0, bk, _IMIN - bk)
                    key_v[...] = jnp.minimum(jnp.full((16,), hi, jnp.int32),
                                             kk)

                c2 = jnp.max(cnt_v[...])
                ge = jnp.logical_or(jnp.logical_not(cap_ok), c2 >= _TOPK)
                hit = jnp.logical_and(cap_ok, c2 >= _TOPK)
                lo2 = jnp.where(ge, mid, lo)
                hi2 = jnp.where(ge, hi, mid - 1)
                mid2 = jnp.where(hit, mid, _ceil_avg(lo2, hi2))
                return (lo2, hi2, mid2, it + 1, hit)

            mid0 = jnp.clip(warm, jnp.int32(_KEY_LO + 1), jnp.int32(_KEY_HI))
            st0 = (jnp.int32(_KEY_LO), jnp.int32(_KEY_HI), mid0,
                   jnp.int32(0), jnp.bool_(False))
            lo, hi, mid, it, hit = lax.while_loop(cond, obody, st0)

            @pl.when(jnp.logical_not(hit))
            def _():
                cnt_v[...] = strict_compact(_key_to_fvec(lo))
                key_v[...] = jnp.full((16,), lo, jnp.int32)

            @pl.when(fetch_next)
            def _():
                pltpu.async_copy(x_hbm.at[r + 1], row_v, dma_sem)

            c2 = jnp.max(cnt_v[...])
            hi2 = jnp.max(key_v[...])
            lo2 = jnp.where(hit, mid, lo)

            for w in range(4):
                plsc.store_scatter(
                    blk_v,
                    [jnp.full((16,), c2 + 16 * w, jnp.int32) + iota],
                    sent_vec)
            ng2 = (c2 + 63) // 64
            nv2 = (c2 + 15) // 16

            def rcond(st):
                rlo, rhi = st
                return rlo < rhi
            def rbody(st):
                rlo, rhi = st
                rmid = _ceil_avg(rlo, rhi)
                rc = count_ref(blk_v, ng2, _key_to_fvec(rmid))
                return (jnp.where(rc >= _TOPK, rmid, rlo),
                        jnp.where(rc >= _TOPK, rhi, rmid - 1))
            t_key, _ = lax.while_loop(rcond, rbody, (lo2, hi2))

            @pl.when(r > base)
            def _():
                pltpu.make_async_copy(out_v, outneg_hbm.at[r], out_sem).wait()

            tvec = _key_to_fvec(t_key)
            def fbody(v, _):
                out_v[pl.ds(v * 16, 16)] = tvec
                return 0
            lax.fori_loop(0, _TOPK // 16, fbody, 0)

            def ebody(i, off):
                xv = blk_v[pl.ds(i * 16, 16)]
                m = xv > tvec
                cs = plsc.cumsum(jnp.where(m, jnp.int32(1), jnp.int32(0)))
                idx = jnp.minimum(off + cs - 1, jnp.int32(_TOPK - 1))
                plsc.store_scatter(out_v, [idx], xv, mask=m)
                return off + plsc.all_reduce_population_count(m)
            lax.fori_loop(0, nv2, ebody, zero16)

            pltpu.async_copy(out_v, outneg_hbm.at[r], out_sem)
            return t_key

        def prep_row(j):
            jv = jnp.full((16,), j, jnp.int32)
            tg = plsc.load_gather(tgt_v, [jv])
            xpos = plsc.load_gather(row_v, [tg])
            plsc.store_scatter(pos_v, [jv], xpos, mask=lane0)
            plsc.store_scatter(row_v, [tg], sent_vec, mask=lane0)

        pltpu.sync_copy(tgt_hbm.at[pl.ds(base, rpw)], tgt_v)

        pltpu.sync_copy(x_hbm.at[base], row_v)
        prep_row(jnp.int32(0))
        t0 = process_row(base, bootstrap(), jnp.bool_(rpw > 1))

        def rowbody(j, warm):
            r = base + j
            pltpu.make_async_copy(x_hbm.at[r], row_v, dma_sem).wait()
            prep_row(j)
            t = process_row(r, warm, j < rpw - 1)
            return t - _NUDGE

        lax.fori_loop(1, rpw, rowbody, t0 - _NUDGE)
        pltpu.make_async_copy(out_v, outneg_hbm.at[base], out_sem).wait()
        pltpu.sync_copy(pos_v, outpos_hbm.at[pl.ds(base, rpw)])

    return sc_kernel(x, tgt)


def _f_neg(v):
    s = 1.0 / (1.0 + jnp.exp(-v))
    return jnp.log(1.0 - jnp.minimum(s, jnp.float32(0.999)))


def _tc_reduce_body(neg_ref, pos_ref, out_ref):
    neg_sum = jnp.sum(_f_neg(neg_ref[...]), keepdims=True)
    p = jnp.maximum(1.0 / (1.0 + jnp.exp(-pos_ref[...])), jnp.float32(0.001))
    pos_sum = jnp.sum(jnp.log(p), keepdims=True)
    b = pos_ref.shape[0] * pos_ref.shape[1]
    out_ref[...] = (_GAMMA * (-pos_sum / b)
                    + (1.0 - _GAMMA) * (-neg_sum / (b * _TOPK)))


def kernel(input, target):
    b, c = input.shape
    neg_tops, pos_logits = _sc_topk(input, target.astype(jnp.int32))
    loss = pl.pallas_call(
        _tc_reduce_body,
        out_shape=jax.ShapeDtypeStruct((1, 1), jnp.float32),
    )(neg_tops, pos_logits.reshape(8, b // 8))
    return loss[0, 0]

# --- scband reference (transcript-rebuilt; emitter-appended) ---
"""Pipeline reference for scband-loss-6545530159443 (READ-ONLY COPY).

The authoritative reference and input builder live on the scoring server;
editing this copy changes nothing except your own understanding.
"""

import jax, jax.numpy as jnp
import numpy as np

GAMMA = 0.5
NUM_CLASSES = 100000
TOP_K = 512


def setup_inputs(seed: int = 0) -> dict:
    key = jax.random.key(seed)
    k1, k2 = jax.random.split(key)
    inp = jax.random.normal(k1, (1024, NUM_CLASSES), dtype=jnp.float32)
    target = jax.random.randint(k2, (1024,), 0, NUM_CLASSES, dtype=jnp.int64)
    return {"input": inp, "target": target}


def reference(input, target):
    batch_size = input.shape[0]
    target = target.reshape(-1, 1).astype(jnp.int32)
    sigmoid = jax.nn.sigmoid(input)
    # positive: exactly one per row where index == target
    p_sigmoid = jnp.take_along_axis(sigmoid, target, axis=1)  # [B, 1]
    p_sigmoid = jnp.clip(p_sigmoid, 0.001, None)
    pos_loss = -jnp.mean(jnp.log(p_sigmoid))
    # negatives: all entries except the target column per row
    n_sigmoid = jnp.clip(sigmoid, None, 0.999)
    rows = jnp.arange(batch_size)
    # exclude the positive column by scattering a sentinel strictly below the
    # valid sigmoid range so it can never enter the top-k (top_k <= num_classes-1)
    n_sigmoid = n_sigmoid.at[rows, target[:, 0]].set(-1.0)
    top_vals, _ = jax.lax.top_k(n_sigmoid, TOP_K)  # [B, TOP_K], largest
    neg_loss = -jnp.mean(jnp.log(1.0 - top_vals))
    loss = pos_loss * GAMMA + neg_loss * (1.0 - GAMMA)
    return loss

if __name__ == "__main__":
    import jax
    _d = setup_inputs()
    print(jax.jit(kernel)(*tuple(_d.values())))

</pallas_src>

<mosaic_0001>
#map = affine_map<(d0, d1) -> (0, 0)>
#map1 = affine_map<(d0, d1) -> (0)>
module attributes {stable_mosaic.version = 14 : i64} {
  func.func @sc_kernel(%arg0: i32, %arg1: i32, %arg2: memref<1024x100000xf32, #tpu.memory_space<hbm>>, %arg3: memref<1024xi32, #tpu.memory_space<hbm>>, %arg4: memref<1024x512xf32, #tpu.memory_space<hbm>>, %arg5: memref<1024xf32, #tpu.memory_space<hbm>>, %arg6: memref<100000xf32, #tpu.memory_space<vmem>>, %arg7: memref<16464xf32, #tpu.memory_space<vmem>>, %arg8: memref<512xf32, #tpu.memory_space<vmem>>, %arg9: memref<32xi32, #tpu.memory_space<vmem>>, %arg10: memref<32xf32, #tpu.memory_space<vmem>>, %arg11: memref<16xi32, #tpu.memory_space<vmem>>, %arg12: memref<16xi32, #tpu.memory_space<vmem>>, %arg13: memref<!tpu.dma_semaphore, #tpu.memory_space<semaphore_mem>>, %arg14: memref<!tpu.dma_semaphore, #tpu.memory_space<semaphore_mem>>) attributes {dimension_semantics = [#tpu.dimension_semantics<core_parallel>, #tpu.dimension_semantics<subcore_parallel>], iteration_bounds = array<i64: 2, 16>, scalar_prefetch = 0 : i64, scratch_operands = 9 : i64, tpu.core_type = #tpu.core_type<sc_vector_subcore>, window_params = [{transform_indices = #map}, {transform_indices = #map1}, {transform_indices = #map}, {transform_indices = #map1}]} {
    %mul3A = arith.constant 2 : i32
    %mul3A_0 = arith.muli %arg1, %mul3A : i32
    %add3A = arith.addi %mul3A_0, %arg0 : i32
    %mul3A_1 = arith.constant 32 : i32
    %mul3A_2 = arith.muli %add3A, %mul3A_1 : i32
    %iota3A = tpu.iota {dimensions = array<i32: 0>} : vector<16xi32>
    %eq3A = arith.constant 0 : i32
    %eq3A_3 = vector.broadcast %eq3A : i32 to vector<16xi32>
    %eq3A_4 = arith.cmpi eq, %iota3A, %eq3A_3 : vector<16xi32>
    %broadcast_in_dim3A = arith.constant 0 : i32
    %broadcast_in_dim3A_5 = vector.broadcast %broadcast_in_dim3A : i32 to vector<16xi32>
    %broadcast_in_dim3A_6 = arith.constant -3.000000e+38 : f32
    %broadcast_in_dim3A_7 = vector.broadcast %broadcast_in_dim3A_6 : f32 to vector<16xf32>
    "tpu.region"() ({
      %run_scoped3A = tpu.sem_alloc : memref<!tpu.dma_semaphore, #tpu.memory_space<semaphore_mem>>
      %dma_start3A_156 = tpu.memref_slice %arg3[%mul3A_2] : memref<1024xi32, #tpu.memory_space<hbm>> -> memref<32xi32, #tpu.memory_space<hbm>>
      %dma_start3A_157 = tpu.memref_slice %arg3[%mul3A_2] : memref<1024xi32, #tpu.memory_space<hbm>> -> memref<32xi32, #tpu.memory_space<hbm>>
      tpu.enqueue_dma source(%dma_start3A_157 : memref<32xi32, #tpu.memory_space<hbm>>) target(%arg9 : memref<32xi32, #tpu.memory_space<vmem>>) target_semaphore(%run_scoped3A : memref<!tpu.dma_semaphore, #tpu.memory_space<semaphore_mem>>)
      %dma_wait3A_158 = tpu.memref_slice %arg3[%mul3A_2] : memref<1024xi32, #tpu.memory_space<hbm>> -> memref<32xi32, #tpu.memory_space<hbm>>
      %dma_wait3A_159 = tpu.memref_slice %arg3[%mul3A_2] : memref<1024xi32, #tpu.memory_space<hbm>> -> memref<32xi32, #tpu.memory_space<hbm>>
      tpu.wait_dma2 semaphore(%run_scoped3A : memref<!tpu.dma_semaphore, #tpu.memory_space<semaphore_mem>>) src(%dma_wait3A_159 : memref<32xi32, #tpu.memory_space<hbm>>) dst(%arg9 : memref<32xi32, #tpu.memory_space<vmem>>)
      tpu.yield
    }) : () -> ()
    "tpu.region"() ({
      %run_scoped3A = tpu.sem_alloc : memref<!tpu.dma_semaphore, #tpu.memory_space<semaphore_mem>>
      %dma_start3A_156 = arith.constant 0 : i32
      %dma_start3A_157 = tpu.memref_slice %arg2[%mul3A_2, %dma_start3A_156] : memref<1024x100000xf32, #tpu.memory_space<hbm>> -> memref<1x100000xf32, #tpu.memory_space<hbm>>
      %dma_start3A_158 = tpu.memref_squeeze %dma_start3A_157 : memref<1x100000xf32, #tpu.memory_space<hbm>> -> memref<100000xf32, #tpu.memory_space<hbm>>
      %dma_start3A_159 = arith.constant 0 : i32
      %dma_start3A_160 = tpu.memref_slice %arg2[%mul3A_2, %dma_start3A_159] : memref<1024x100000xf32, #tpu.memory_space<hbm>> -> memref<1x100000xf32, #tpu.memory_space<hbm>>
      %dma_start3A_161 = tpu.memref_squeeze %dma_start3A_160 : memref<1x100000xf32, #tpu.memory_space<hbm>> -> memref<100000xf32, #tpu.memory_space<hbm>>
      tpu.enqueue_dma source(%dma_start3A_161 : memref<100000xf32, #tpu.memory_space<hbm>>) target(%arg6 : memref<100000xf32, #tpu.memory_space<vmem>>) target_semaphore(%run_scoped3A : memref<!tpu.dma_semaphore, #tpu.memory_space<semaphore_mem>>)
      %dma_wait3A_162 = arith.constant 0 : i32
      %dma_wait3A_163 = tpu.memref_slice %arg2[%mul3A_2, %dma_wait3A_162] : memref<1024x100000xf32, #tpu.memory_space<hbm>> -> memref<1x100000xf32, #tpu.memory_space<hbm>>
      %dma_wait3A_164 = tpu.memref_squeeze %dma_wait3A_163 : memref<1x100000xf32, #tpu.memory_space<hbm>> -> memref<100000xf32, #tpu.memory_space<hbm>>
      %dma_wait3A_165 = arith.constant 0 : i32
      %dma_wait3A_166 = tpu.memref_slice %arg2[%mul3A_2, %dma_wait3A_165] : memref<1024x100000xf32, #tpu.memory_space<hbm>> -> memref<1x100000xf32, #tpu.memory_space<hbm>>
      %dma_wait3A_167 = tpu.memref_squeeze %dma_wait3A_166 : memref<1x100000xf32, #tpu.memory_space<hbm>> -> memref<100000xf32, #tpu.memory_space<hbm>>
      tpu.wait_dma2 semaphore(%run_scoped3A : memref<!tpu.dma_semaphore, #tpu.memory_space<semaphore_mem>>) src(%dma_wait3A_167 : memref<100000xf32, #tpu.memory_space<hbm>>) dst(%arg6 : memref<100000xf32, #tpu.memory_space<vmem>>)
      tpu.yield
    }) : () -> ()
    %broadcast_in_dim3A_8 = arith.constant 0 : i32
    %broadcast_in_dim3A_9 = vector.broadcast %broadcast_in_dim3A_8 : i32 to vector<16xi32>
    %gather3A = tpu.vector_load_idx %arg9[%broadcast_in_dim3A_9] : memref<32xi32, #tpu.memory_space<vmem>>[vector<16xi32>], vector<16xi32>,
    %gather3A_10 = tpu.vector_load_idx %arg6[%gather3A] : memref<100000xf32, #tpu.memory_space<vmem>>[vector<16xi32>], vector<16xf32>,
    tpu.vector_store_idx %arg10[%broadcast_in_dim3A_9], %gather3A_10 masked %eq3A_4 : memref<32xf32, #tpu.memory_space<vmem>>[vector<16xi32>], vector<16xf32>, vector<16xi1>
    tpu.vector_store_idx %arg6[%gather3A], %broadcast_in_dim3A_7 masked %eq3A_4 : memref<100000xf32, #tpu.memory_space<vmem>>[vector<16xi32>], vector<16xf32>, vector<16xi1>
    %while3A = arith.constant -2139095040 : i32
    %while3A_11 = arith.constant 2139095039 : i32
    %while3A_12:2 = scf.while (%while3A_156 = %while3A, %while3A_157 = %while3A_11) : (i32, i32) -> (i32, i32) {
      %lt3A = arith.cmpi slt, %while3A_156, %while3A_157 : i32
      scf.condition(%lt3A) %while3A_156, %while3A_157 : i32, i32
    } do {
    ^bb0(%while3A_156: i32, %while3A_157: i32):
      %shift_right_arithmetic3A = arith.constant 1 : i32
      %shift_right_arithmetic3A_158 = arith.shrsi %while3A_156, %shift_right_arithmetic3A : i32
      %shift_right_arithmetic3A_159 = arith.constant 1 : i32
      %shift_right_arithmetic3A_160 = arith.shrsi %while3A_157, %shift_right_arithmetic3A_159 : i32
      %add3A_161 = arith.addi %shift_right_arithmetic3A_158, %shift_right_arithmetic3A_160 : i32
      %and3A_162 = arith.andi %while3A_156, %while3A_157 : i32
      %and3A_163 = arith.constant 1 : i32
      %and3A_164 = arith.andi %and3A_162, %and3A_163 : i32
      %add3A_165 = arith.addi %add3A_161, %and3A_164 : i32
      %xor3A = arith.xori %while3A_156, %while3A_157 : i32
      %and3A_166 = arith.constant 1 : i32
      %and3A_167 = arith.andi %xor3A, %and3A_166 : i32
      %add3A_168 = arith.addi %add3A_165, %and3A_167 : i32
      %broadcast_in_dim3A_169 = vector.broadcast %add3A_168 : i32 to vector<16xi32>
      %ge3A_170 = arith.constant 0 : i32
      %ge3A_171 = vector.broadcast %ge3A_170 : i32 to vector<16xi32>
      %ge3A_172 = arith.cmpi sge, %broadcast_in_dim3A_169, %ge3A_171 : vector<16xi32>
      %sub3A_173 = arith.constant -2147483648 : i32
      %sub3A_174 = vector.broadcast %sub3A_173 : i32 to vector<16xi32>
      %sub3A_175 = arith.subi %sub3A_174, %broadcast_in_dim3A_169 : vector<16xi32>
      %select_n3A_176 = arith.select %ge3A_172, %broadcast_in_dim3A_169, %sub3A_175 : vector<16xi1>, vector<16xi32>
      %bitcast3A_177 = vector.bitcast %select_n3A_176 : vector<16xi32> to vector<16xf32>
      %scan3A_178 = arith.constant 0 : i32
      %scan3A_179 = arith.constant 64 : i32
      %scan3A_180 = arith.addi %scan3A_178, %scan3A_179 : i32
      %scan3A_181 = arith.constant 1 : i32
      %scan3A_182 = scf.for %scan3A_200 = %scan3A_178 to %scan3A_180 step %scan3A_181 iter_args(%scan3A_201 = %broadcast_in_dim3A_5) -> (vector<16xi32>)  : i32 {
        %mul3A_202 = arith.constant 4 : i32
        %mul3A_203 = arith.muli %scan3A_200, %mul3A_202 : i32
        %add3A_204 = arith.constant 0 : i32
        %add3A_205 = arith.addi %mul3A_203, %add3A_204 : i32
        %mul3A_206 = arith.constant 16 : i32
        %mul3A_207 = arith.muli %add3A_205, %mul3A_206 : i32
        %get3A_208 = arith.index_cast %mul3A_207 : i32 to index
        %get3A_209 = tpu.vector_load %arg6[%get3A_208] {strides = array<i32>} : memref<100000xf32, #tpu.memory_space<vmem>>, vector<16xf32>,
        %ge3A_210 = arith.cmpf oge, %get3A_209, %bitcast3A_177 : vector<16xf32>
        %all_reduce_population_count3A = tpu.all_reduce %ge3A_210 {dim = 0 : i64, kind = #tpu.reduction_kind<sum>} : vector<16xi1> -> vector<16xi32>
        %mul3A_211 = arith.constant 4 : i32
        %mul3A_212 = arith.muli %scan3A_200, %mul3A_211 : i32
        %add3A_213 = arith.constant 1 : i32
        %add3A_214 = arith.addi %mul3A_212, %add3A_213 : i32
        %mul3A_215 = arith.constant 16 : i32
        %mul3A_216 = arith.muli %add3A_214, %mul3A_215 : i32
        %get3A_217 = arith.index_cast %mul3A_216 : i32 to index
        %get3A_218 = tpu.vector_load %arg6[%get3A_217] {strides = array<i32>} : memref<100000xf32, #tpu.memory_space<vmem>>, vector<16xf32>,
        %ge3A_219 = arith.cmpf oge, %get3A_218, %bitcast3A_177 : vector<16xf32>
        %all_reduce_population_count3A_220 = tpu.all_reduce %ge3A_219 {dim = 0 : i64, kind = #tpu.reduction_kind<sum>} : vector<16xi1> -> vector<16xi32>
        %mul3A_221 = arith.constant 4 : i32
        %mul3A_222 = arith.muli %scan3A_200, %mul3A_221 : i32
        %add3A_223 = arith.constant 2 : i32
        %add3A_224 = arith.addi %mul3A_222, %add3A_223 : i32
        %mul3A_225 = arith.constant 16 : i32
        %mul3A_226 = arith.muli %add3A_224, %mul3A_225 : i32
        %get3A_227 = arith.index_cast %mul3A_226 : i32 to index
        %get3A_228 = tpu.vector_load %arg6[%get3A_227] {strides = array<i32>} : memref<100000xf32, #tpu.memory_space<vmem>>, vector<16xf32>,
        %ge3A_229 = arith.cmpf oge, %get3A_228, %bitcast3A_177 : vector<16xf32>
        %all_reduce_population_count3A_230 = tpu.all_reduce %ge3A_229 {dim = 0 : i64, kind = #tpu.reduction_kind<sum>} : vector<16xi1> -> vector<16xi32>
        %mul3A_231 = arith.constant 4 : i32
        %mul3A_232 = arith.muli %scan3A_200, %mul3A_231 : i32
        %add3A_233 = arith.constant 3 : i32
        %add3A_234 = arith.addi %mul3A_232, %add3A_233 : i32
        %mul3A_235 = arith.constant 16 : i32
        %mul3A_236 = arith.muli %add3A_234, %mul3A_235 : i32
        %get3A_237 = arith.index_cast %mul3A_236 : i32 to index
        %get3A_238 = tpu.vector_load %arg6[%get3A_237] {strides = array<i32>} : memref<100000xf32, #tpu.memory_space<vmem>>, vector<16xf32>,
        %ge3A_239 = arith.cmpf oge, %get3A_238, %bitcast3A_177 : vector<16xf32>
        %all_reduce_population_count3A_240 = tpu.all_reduce %ge3A_239 {dim = 0 : i64, kind = #tpu.reduction_kind<sum>} : vector<16xi1> -> vector<16xi32>
        %add3A_241 = arith.addi %all_reduce_population_count3A, %all_reduce_population_count3A_220 : vector<16xi32>
        %add3A_242 = arith.addi %all_reduce_population_count3A_230, %all_reduce_population_count3A_240 : vector<16xi32>
        %add3A_243 = arith.addi %add3A_241, %add3A_242 : vector<16xi32>
        %add3A_244 = arith.addi %scan3A_201, %add3A_243 : vector<16xi32>
        scf.yield %add3A_244 : vector<16xi32>
      }
      %scan3A_183 = arith.constant 64 : i32
      %reduce_max3A_184 = arith.constant true
      %reduce_max3A_185 = vector.broadcast %reduce_max3A_184 : i1 to vector<16xi1>
      %reduce_max3A_186 = arith.constant -2147483648 : i32
      %reduce_max3A_187 = vector.broadcast %reduce_max3A_186 : i32 to vector<16xi32>
      %reduce_max3A_188 = arith.xori %scan3A_182, %reduce_max3A_187 : vector<16xi32>
      %reduce_max3A_189 = tpu.scan <max>, %reduce_max3A_188 masked %reduce_max3A_185 : vector<16xi32>, vector<16xi1> -> vector<16xi32>
      %reduce_max3A_190 = arith.xori %reduce_max3A_189, %reduce_max3A_187 : vector<16xi32>
      %reduce_max3A_191 = vector.extract %reduce_max3A_190[15] : i32 from vector<16xi32>
      %ge3A_192 = arith.constant 48 : i32
      %ge3A_193 = arith.cmpi sge, %reduce_max3A_191, %ge3A_192 : i32
      %select_n3A_194 = arith.select %ge3A_193, %add3A_168, %while3A_156 : i32
      %ge3A_195 = arith.constant 48 : i32
      %ge3A_196 = arith.cmpi sge, %reduce_max3A_191, %ge3A_195 : i32
      %sub3A_197 = arith.constant 1 : i32
      %sub3A_198 = arith.subi %add3A_168, %sub3A_197 : i32
      %select_n3A_199 = arith.select %ge3A_196, %while3A_157, %sub3A_198 : i32
      scf.yield %select_n3A_194, %select_n3A_199 : i32, i32
    }
    %jit3A = arith.constant -2139095039 : i32
    %jit3A_13 = arith.constant 2139095039 : i32
    %max3A = arith.maxsi %jit3A, %while3A_12#0 : i32
    %min3A = arith.minsi %jit3A_13, %max3A : i32
    %while3A_14 = arith.constant -2139095040 : i32
    %while3A_15 = arith.constant 2139095039 : i32
    %while3A_16 = arith.constant 0 : i32
    %while3A_17 = arith.constant false
    %while3A_18:5 = scf.while (%while3A_156 = %while3A_14, %while3A_157 = %while3A_15, %while3A_158 = %min3A, %while3A_159 = %while3A_16, %while3A_160 = %while3A_17) : (i32, i32, i32, i32, i1) -> (i32, i32, i32, i32, i1) {
      %not3A_161 = arith.constant true
      %not3A_162 = arith.xori %while3A_160, %not3A_161 : i1
      %lt3A = arith.cmpi slt, %while3A_156, %while3A_157 : i32
      %and3A_163 = arith.andi %not3A_162, %lt3A : i1
      scf.condition(%and3A_163) %while3A_156, %while3A_157, %while3A_158, %while3A_159, %while3A_160 : i32, i32, i32, i32, i1
    } do {
    ^bb0(%while3A_156: i32, %while3A_157: i32, %while3A_158: i32, %while3A_159: i32, %while3A_160: i1):
      %broadcast_in_dim3A_161 = vector.broadcast %while3A_158 : i32 to vector<16xi32>
      %ge3A_162 = arith.constant 0 : i32
      %ge3A_163 = vector.broadcast %ge3A_162 : i32 to vector<16xi32>
      %ge3A_164 = arith.cmpi sge, %broadcast_in_dim3A_161, %ge3A_163 : vector<16xi32>
      %sub3A_165 = arith.constant -2147483648 : i32
      %sub3A_166 = vector.broadcast %sub3A_165 : i32 to vector<16xi32>
      %sub3A_167 = arith.subi %sub3A_166, %broadcast_in_dim3A_161 : vector<16xi32>
      %select_n3A_168 = arith.select %ge3A_164, %broadcast_in_dim3A_161, %sub3A_167 : vector<16xi1>, vector<16xi32>
      %bitcast3A_169 = vector.bitcast %select_n3A_168 : vector<16xi32> to vector<16xf32>
      %scan3A_170 = arith.constant 0 : i32
      %scan3A_171 = arith.constant 250 : i32
      %scan3A_172 = arith.addi %scan3A_170, %scan3A_171 : i32
      %scan3A_173 = arith.constant 1 : i32
      %scan3A_174 = scf.for %scan3A_224 = %scan3A_170 to %scan3A_172 step %scan3A_173 iter_args(%scan3A_225 = %broadcast_in_dim3A_5) -> (vector<16xi32>)  : i32 {
        %mul3A_226 = arith.constant 25 : i32
        %mul3A_227 = arith.muli %scan3A_224, %mul3A_226 : i32
        %add3A_228 = arith.constant 0 : i32
        %add3A_229 = arith.addi %add3A_228, %mul3A_227 : i32
        %add3A_230 = arith.constant 0 : i32
        %add3A_231 = arith.addi %add3A_229, %add3A_230 : i32
        %mul3A_232 = arith.constant 16 : i32
        %mul3A_233 = arith.muli %add3A_231, %mul3A_232 : i32
        %get3A_234 = arith.index_cast %mul3A_233 : i32 to index
        %get3A_235 = tpu.vector_load %arg6[%get3A_234] {strides = array<i32>} : memref<100000xf32, #tpu.memory_space<vmem>>, vector<16xf32>,
        %ge3A_236 = arith.cmpf oge, %get3A_235, %bitcast3A_169 : vector<16xf32>
        %all_reduce_population_count3A = tpu.all_reduce %ge3A_236 {dim = 0 : i64, kind = #tpu.reduction_kind<sum>} : vector<16xi1> -> vector<16xi32>
        %gt3A_237 = arith.constant 0 : i32
        %gt3A_238 = vector.broadcast %gt3A_237 : i32 to vector<16xi32>
        %gt3A_239 = arith.cmpi sgt, %all_reduce_population_count3A, %gt3A_238 : vector<16xi32>
        %jit3A_240 = arith.constant 16 : i32
        %jit3A_241 = arith.constant 0 : i32
        %broadcast_in_dim3A_242 = vector.broadcast %jit3A_240 : i32 to vector<16xi32>
        %broadcast_in_dim3A_243 = vector.broadcast %jit3A_241 : i32 to vector<16xi32>
        %select_n3A_244 = arith.select %gt3A_239, %broadcast_in_dim3A_242, %broadcast_in_dim3A_243 : vector<16xi1>, vector<16xi32>
        %mul3A_245 = arith.constant 25 : i32
        %mul3A_246 = arith.muli %scan3A_224, %mul3A_245 : i32
        %add3A_247 = arith.constant 0 : i32
        %add3A_248 = arith.addi %add3A_247, %mul3A_246 : i32
        %add3A_249 = arith.constant 1 : i32
        %add3A_250 = arith.addi %add3A_248, %add3A_249 : i32
        %mul3A_251 = arith.constant 16 : i32
        %mul3A_252 = arith.muli %add3A_250, %mul3A_251 : i32
        %get3A_253 = arith.index_cast %mul3A_252 : i32 to index
        %get3A_254 = tpu.vector_load %arg6[%get3A_253] {strides = array<i32>} : memref<100000xf32, #tpu.memory_space<vmem>>, vector<16xf32>,
        %ge3A_255 = arith.cmpf oge, %get3A_254, %bitcast3A_169 : vector<16xf32>
        %all_reduce_population_count3A_256 = tpu.all_reduce %ge3A_255 {dim = 0 : i64, kind = #tpu.reduction_kind<sum>} : vector<16xi1> -> vector<16xi32>
        %gt3A_257 = arith.constant 0 : i32
        %gt3A_258 = vector.broadcast %gt3A_257 : i32 to vector<16xi32>
        %gt3A_259 = arith.cmpi sgt, %all_reduce_population_count3A_256, %gt3A_258 : vector<16xi32>
        %jit3A_260 = arith.constant 16 : i32
        %jit3A_261 = arith.constant 0 : i32
        %broadcast_in_dim3A_262 = vector.broadcast %jit3A_260 : i32 to vector<16xi32>
        %broadcast_in_dim3A_263 = vector.broadcast %jit3A_261 : i32 to vector<16xi32>
        %select_n3A_264 = arith.select %gt3A_259, %broadcast_in_dim3A_262, %broadcast_in_dim3A_263 : vector<16xi1>, vector<16xi32>
        %mul3A_265 = arith.constant 25 : i32
        %mul3A_266 = arith.muli %scan3A_224, %mul3A_265 : i32
        %add3A_267 = arith.constant 0 : i32
        %add3A_268 = arith.addi %add3A_267, %mul3A_266 : i32
        %add3A_269 = arith.constant 2 : i32
        %add3A_270 = arith.addi %add3A_268, %add3A_269 : i32
        %mul3A_271 = arith.constant 16 : i32
        %mul3A_272 = arith.muli %add3A_270, %mul3A_271 : i32
        %get3A_273 = arith.index_cast %mul3A_272 : i32 to index
        %get3A_274 = tpu.vector_load %arg6[%get3A_273] {strides = array<i32>} : memref<100000xf32, #tpu.memory_space<vmem>>, vector<16xf32>,
        %ge3A_275 = arith.cmpf oge, %get3A_274, %bitcast3A_169 : vector<16xf32>
        %all_reduce_population_count3A_276 = tpu.all_reduce %ge3A_275 {dim = 0 : i64, kind = #tpu.reduction_kind<sum>} : vector<16xi1> -> vector<16xi32>
        %gt3A_277 = arith.constant 0 : i32
        %gt3A_278 = vector.broadcast %gt3A_277 : i32 to vector<16xi32>
        %gt3A_279 = arith.cmpi sgt, %all_reduce_population_count3A_276, %gt3A_278 : vector<16xi32>
        %jit3A_280 = arith.constant 16 : i32
        %jit3A_281 = arith.constant 0 : i32
        %broadcast_in_dim3A_282 = vector.broadcast %jit3A_280 : i32 to vector<16xi32>
        %broadcast_in_dim3A_283 = vector.broadcast %jit3A_281 : i32 to vector<16xi32>
        %select_n3A_284 = arith.select %gt3A_279, %broadcast_in_dim3A_282, %broadcast_in_dim3A_283 : vector<16xi1>, vector<16xi32>
        %mul3A_285 = arith.constant 25 : i32
        %mul3A_286 = arith.muli %scan3A_224, %mul3A_285 : i32
        %add3A_287 = arith.constant 0 : i32
        %add3A_288 = arith.addi %add3A_287, %mul3A_286 : i32
        %add3A_289 = arith.constant 3 : i32
        %add3A_290 = arith.addi %add3A_288, %add3A_289 : i32
        %mul3A_291 = arith.constant 16 : i32
        %mul3A_292 = arith.muli %add3A_290, %mul3A_291 : i32
        %get3A_293 = arith.index_cast %mul3A_292 : i32 to index
        %get3A_294 = tpu.vector_load %arg6[%get3A_293] {strides = array<i32>} : memref<100000xf32, #tpu.memory_space<vmem>>, vector<16xf32>,
        %ge3A_295 = arith.cmpf oge, %get3A_294, %bitcast3A_169 : vector<16xf32>
        %all_reduce_population_count3A_296 = tpu.all_reduce %ge3A_295 {dim = 0 : i64, kind = #tpu.reduction_kind<sum>} : vector<16xi1> -> vector<16xi32>
        %gt3A_297 = arith.constant 0 : i32
        %gt3A_298 = vector.broadcast %gt3A_297 : i32 to vector<16xi32>
        %gt3A_299 = arith.cmpi sgt, %all_reduce_population_count3A_296, %gt3A_298 : vector<16xi32>
        %jit3A_300 = arith.constant 16 : i32
        %jit3A_301 = arith.constant 0 : i32
        %broadcast_in_dim3A_302 = vector.broadcast %jit3A_300 : i32 to vector<16xi32>
        %broadcast_in_dim3A_303 = vector.broadcast %jit3A_301 : i32 to vector<16xi32>
        %select_n3A_304 = arith.select %gt3A_299, %broadcast_in_dim3A_302, %broadcast_in_dim3A_303 : vector<16xi1>, vector<16xi32>
        %mul3A_305 = arith.constant 25 : i32
        %mul3A_306 = arith.muli %scan3A_224, %mul3A_305 : i32
        %add3A_307 = arith.constant 0 : i32
        %add3A_308 = arith.addi %add3A_307, %mul3A_306 : i32
        %add3A_309 = arith.constant 4 : i32
        %add3A_310 = arith.addi %add3A_308, %add3A_309 : i32
        %mul3A_311 = arith.constant 16 : i32
        %mul3A_312 = arith.muli %add3A_310, %mul3A_311 : i32
        %get3A_313 = arith.index_cast %mul3A_312 : i32 to index
        %get3A_314 = tpu.vector_load %arg6[%get3A_313] {strides = array<i32>} : memref<100000xf32, #tpu.memory_space<vmem>>, vector<16xf32>,
        %ge3A_315 = arith.cmpf oge, %get3A_314, %bitcast3A_169 : vector<16xf32>
        %all_reduce_population_count3A_316 = tpu.all_reduce %ge3A_315 {dim = 0 : i64, kind = #tpu.reduction_kind<sum>} : vector<16xi1> -> vector<16xi32>
        %gt3A_317 = arith.constant 0 : i32
        %gt3A_318 = vector.broadcast %gt3A_317 : i32 to vector<16xi32>
        %gt3A_319 = arith.cmpi sgt, %all_reduce_population_count3A_316, %gt3A_318 : vector<16xi32>
        %jit3A_320 = arith.constant 16 : i32
        %jit3A_321 = arith.constant 0 : i32
        %broadcast_in_dim3A_322 = vector.broadcast %jit3A_320 : i32 to vector<16xi32>
        %broadcast_in_dim3A_323 = vector.broadcast %jit3A_321 : i32 to vector<16xi32>
        %select_n3A_324 = arith.select %gt3A_319, %broadcast_in_dim3A_322, %broadcast_in_dim3A_323 : vector<16xi1>, vector<16xi32>
        %mul3A_325 = arith.constant 25 : i32
        %mul3A_326 = arith.muli %scan3A_224, %mul3A_325 : i32
        %add3A_327 = arith.constant 0 : i32
        %add3A_328 = arith.addi %add3A_327, %mul3A_326 : i32
        %add3A_329 = arith.constant 5 : i32
        %add3A_330 = arith.addi %add3A_328, %add3A_329 : i32
        %mul3A_331 = arith.constant 16 : i32
        %mul3A_332 = arith.muli %add3A_330, %mul3A_331 : i32
        %get3A_333 = arith.index_cast %mul3A_332 : i32 to index
        %get3A_334 = tpu.vector_load %arg6[%get3A_333] {strides = array<i32>} : memref<100000xf32, #tpu.memory_space<vmem>>, vector<16xf32>,
        %ge3A_335 = arith.cmpf oge, %get3A_334, %bitcast3A_169 : vector<16xf32>
        %all_reduce_population_count3A_336 = tpu.all_reduce %ge3A_335 {dim = 0 : i64, kind = #tpu.reduction_kind<sum>} : vector<16xi1> -> vector<16xi32>
        %gt3A_337 = arith.constant 0 : i32
        %gt3A_338 = vector.broadcast %gt3A_337 : i32 to vector<16xi32>
        %gt3A_339 = arith.cmpi sgt, %all_reduce_population_count3A_336, %gt3A_338 : vector<16xi32>
        %jit3A_340 = arith.constant 16 : i32
        %jit3A_341 = arith.constant 0 : i32
        %broadcast_in_dim3A_342 = vector.broadcast %jit3A_340 : i32 to vector<16xi32>
        %broadcast_in_dim3A_343 = vector.broadcast %jit3A_341 : i32 to vector<16xi32>
        %select_n3A_344 = arith.select %gt3A_339, %broadcast_in_dim3A_342, %broadcast_in_dim3A_343 : vector<16xi1>, vector<16xi32>
        %mul3A_345 = arith.constant 25 : i32
        %mul3A_346 = arith.muli %scan3A_224, %mul3A_345 : i32
        %add3A_347 = arith.constant 0 : i32
        %add3A_348 = arith.addi %add3A_347, %mul3A_346 : i32
        %add3A_349 = arith.constant 6 : i32
        %add3A_350 = arith.addi %add3A_348, %add3A_349 : i32
        %mul3A_351 = arith.constant 16 : i32
        %mul3A_352 = arith.muli %add3A_350, %mul3A_351 : i32
        %get3A_353 = arith.index_cast %mul3A_352 : i32 to index
        %get3A_354 = tpu.vector_load %arg6[%get3A_353] {strides = array<i32>} : memref<100000xf32, #tpu.memory_space<vmem>>, vector<16xf32>,
        %ge3A_355 = arith.cmpf oge, %get3A_354, %bitcast3A_169 : vector<16xf32>
        %all_reduce_population_count3A_356 = tpu.all_reduce %ge3A_355 {dim = 0 : i64, kind = #tpu.reduction_kind<sum>} : vector<16xi1> -> vector<16xi32>
        %gt3A_357 = arith.constant 0 : i32
        %gt3A_358 = vector.broadcast %gt3A_357 : i32 to vector<16xi32>
        %gt3A_359 = arith.cmpi sgt, %all_reduce_population_count3A_356, %gt3A_358 : vector<16xi32>
        %jit3A_360 = arith.constant 16 : i32
        %jit3A_361 = arith.constant 0 : i32
        %broadcast_in_dim3A_362 = vector.broadcast %jit3A_360 : i32 to vector<16xi32>
        %broadcast_in_dim3A_363 = vector.broadcast %jit3A_361 : i32 to vector<16xi32>
        %select_n3A_364 = arith.select %gt3A_359, %broadcast_in_dim3A_362, %broadcast_in_dim3A_363 : vector<16xi1>, vector<16xi32>
        %mul3A_365 = arith.constant 25 : i32
        %mul3A_366 = arith.muli %scan3A_224, %mul3A_365 : i32
        %add3A_367 = arith.constant 0 : i32
        %add3A_368 = arith.addi %add3A_367, %mul3A_366 : i32
        %add3A_369 = arith.constant 7 : i32
        %add3A_370 = arith.addi %add3A_368, %add3A_369 : i32
        %mul3A_371 = arith.constant 16 : i32
        %mul3A_372 = arith.muli %add3A_370, %mul3A_371 : i32
        %get3A_373 = arith.index_cast %mul3A_372 : i32 to index
        %get3A_374 = tpu.vector_load %arg6[%get3A_373] {strides = array<i32>} : memref<100000xf32, #tpu.memory_space<vmem>>, vector<16xf32>,
        %ge3A_375 = arith.cmpf oge, %get3A_374, %bitcast3A_169 : vector<16xf32>
        %all_reduce_population_count3A_376 = tpu.all_reduce %ge3A_375 {dim = 0 : i64, kind = #tpu.reduction_kind<sum>} : vector<16xi1> -> vector<16xi32>
        %gt3A_377 = arith.constant 0 : i32
        %gt3A_378 = vector.broadcast %gt3A_377 : i32 to vector<16xi32>
        %gt3A_379 = arith.cmpi sgt, %all_reduce_population_count3A_376, %gt3A_378 : vector<16xi32>
        %jit3A_380 = arith.constant 16 : i32
        %jit3A_381 = arith.constant 0 : i32
        %broadcast_in_dim3A_382 = vector.broadcast %jit3A_380 : i32 to vector<16xi32>
        %broadcast_in_dim3A_383 = vector.broadcast %jit3A_381 : i32 to vector<16xi32>
        %select_n3A_384 = arith.select %gt3A_379, %broadcast_in_dim3A_382, %broadcast_in_dim3A_383 : vector<16xi1>, vector<16xi32>
        %mul3A_385 = arith.constant 25 : i32
        %mul3A_386 = arith.muli %scan3A_224, %mul3A_385 : i32
        %add3A_387 = arith.constant 0 : i32
        %add3A_388 = arith.addi %add3A_387, %mul3A_386 : i32
        %add3A_389 = arith.constant 8 : i32
        %add3A_390 = arith.addi %add3A_388, %add3A_389 : i32
        %mul3A_391 = arith.constant 16 : i32
        %mul3A_392 = arith.muli %add3A_390, %mul3A_391 : i32
        %get3A_393 = arith.index_cast %mul3A_392 : i32 to index
        %get3A_394 = tpu.vector_load %arg6[%get3A_393] {strides = array<i32>} : memref<100000xf32, #tpu.memory_space<vmem>>, vector<16xf32>,
        %ge3A_395 = arith.cmpf oge, %get3A_394, %bitcast3A_169 : vector<16xf32>
        %all_reduce_population_count3A_396 = tpu.all_reduce %ge3A_395 {dim = 0 : i64, kind = #tpu.reduction_kind<sum>} : vector<16xi1> -> vector<16xi32>
        %gt3A_397 = arith.constant 0 : i32
        %gt3A_398 = vector.broadcast %gt3A_397 : i32 to vector<16xi32>
        %gt3A_399 = arith.cmpi sgt, %all_reduce_population_count3A_396, %gt3A_398 : vector<16xi32>
        %jit3A_400 = arith.constant 16 : i32
        %jit3A_401 = arith.constant 0 : i32
        %broadcast_in_dim3A_402 = vector.broadcast %jit3A_400 : i32 to vector<16xi32>
        %broadcast_in_dim3A_403 = vector.broadcast %jit3A_401 : i32 to vector<16xi32>
        %select_n3A_404 = arith.select %gt3A_399, %broadcast_in_dim3A_402, %broadcast_in_dim3A_403 : vector<16xi1>, vector<16xi32>
        %mul3A_405 = arith.constant 25 : i32
        %mul3A_406 = arith.muli %scan3A_224, %mul3A_405 : i32
        %add3A_407 = arith.constant 0 : i32
        %add3A_408 = arith.addi %add3A_407, %mul3A_406 : i32
        %add3A_409 = arith.constant 9 : i32
        %add3A_410 = arith.addi %add3A_408, %add3A_409 : i32
        %mul3A_411 = arith.constant 16 : i32
        %mul3A_412 = arith.muli %add3A_410, %mul3A_411 : i32
        %get3A_413 = arith.index_cast %mul3A_412 : i32 to index
        %get3A_414 = tpu.vector_load %arg6[%get3A_413] {strides = array<i32>} : memref<100000xf32, #tpu.memory_space<vmem>>, vector<16xf32>,
        %ge3A_415 = arith.cmpf oge, %get3A_414, %bitcast3A_169 : vector<16xf32>
        %all_reduce_population_count3A_416 = tpu.all_reduce %ge3A_415 {dim = 0 : i64, kind = #tpu.reduction_kind<sum>} : vector<16xi1> -> vector<16xi32>
        %gt3A_417 = arith.constant 0 : i32
        %gt3A_418 = vector.broadcast %gt3A_417 : i32 to vector<16xi32>
        %gt3A_419 = arith.cmpi sgt, %all_reduce_population_count3A_416, %gt3A_418 : vector<16xi32>
        %jit3A_420 = arith.constant 16 : i32
        %jit3A_421 = arith.constant 0 : i32
        %broadcast_in_dim3A_422 = vector.broadcast %jit3A_420 : i32 to vector<16xi32>
        %broadcast_in_dim3A_423 = vector.broadcast %jit3A_421 : i32 to vector<16xi32>
        %select_n3A_424 = arith.select %gt3A_419, %broadcast_in_dim3A_422, %broadcast_in_dim3A_423 : vector<16xi1>, vector<16xi32>
        %mul3A_425 = arith.constant 25 : i32
        %mul3A_426 = arith.muli %scan3A_224, %mul3A_425 : i32
        %add3A_427 = arith.constant 0 : i32
        %add3A_428 = arith.addi %add3A_427, %mul3A_426 : i32
        %add3A_429 = arith.constant 10 : i32
        %add3A_430 = arith.addi %add3A_428, %add3A_429 : i32
        %mul3A_431 = arith.constant 16 : i32
        %mul3A_432 = arith.muli %add3A_430, %mul3A_431 : i32
        %get3A_433 = arith.index_cast %mul3A_432 : i32 to index
        %get3A_434 = tpu.vector_load %arg6[%get3A_433] {strides = array<i32>} : memref<100000xf32, #tpu.memory_space<vmem>>, vector<16xf32>,
        %ge3A_435 = arith.cmpf oge, %get3A_434, %bitcast3A_169 : vector<16xf32>
        %all_reduce_population_count3A_436 = tpu.all_reduce %ge3A_435 {dim = 0 : i64, kind = #tpu.reduction_kind<sum>} : vector<16xi1> -> vector<16xi32>
        %gt3A_437 = arith.constant 0 : i32
        %gt3A_438 = vector.broadcast %gt3A_437 : i32 to vector<16xi32>
        %gt3A_439 = arith.cmpi sgt, %all_reduce_population_count3A_436, %gt3A_438 : vector<16xi32>
        %jit3A_440 = arith.constant 16 : i32
        %jit3A_441 = arith.constant 0 : i32
        %broadcast_in_dim3A_442 = vector.broadcast %jit3A_440 : i32 to vector<16xi32>
        %broadcast_in_dim3A_443 = vector.broadcast %jit3A_441 : i32 to vector<16xi32>
        %select_n3A_444 = arith.select %gt3A_439, %broadcast_in_dim3A_442, %broadcast_in_dim3A_443 : vector<16xi1>, vector<16xi32>
        %mul3A_445 = arith.constant 25 : i32
        %mul3A_446 = arith.muli %scan3A_224, %mul3A_445 : i32
        %add3A_447 = arith.constant 0 : i32
        %add3A_448 = arith.addi %add3A_447, %mul3A_446 : i32
        %add3A_449 = arith.constant 11 : i32
        %add3A_450 = arith.addi %add3A_448, %add3A_449 : i32
        %mul3A_451 = arith.constant 16 : i32
        %mul3A_452 = arith.muli %add3A_450, %mul3A_451 : i32
        %get3A_453 = arith.index_cast %mul3A_452 : i32 to index
        %get3A_454 = tpu.vector_load %arg6[%get3A_453] {strides = array<i32>} : memref<100000xf32, #tpu.memory_space<vmem>>, vector<16xf32>,
        %ge3A_455 = arith.cmpf oge, %get3A_454, %bitcast3A_169 : vector<16xf32>
        %all_reduce_population_count3A_456 = tpu.all_reduce %ge3A_455 {dim = 0 : i64, kind = #tpu.reduction_kind<sum>} : vector<16xi1> -> vector<16xi32>
        %gt3A_457 = arith.constant 0 : i32
        %gt3A_458 = vector.broadcast %gt3A_457 : i32 to vector<16xi32>
        %gt3A_459 = arith.cmpi sgt, %all_reduce_population_count3A_456, %gt3A_458 : vector<16xi32>
        %jit3A_460 = arith.constant 16 : i32
        %jit3A_461 = arith.constant 0 : i32
        %broadcast_in_dim3A_462 = vector.broadcast %jit3A_460 : i32 to vector<16xi32>
        %broadcast_in_dim3A_463 = vector.broadcast %jit3A_461 : i32 to vector<16xi32>
        %select_n3A_464 = arith.select %gt3A_459, %broadcast_in_dim3A_462, %broadcast_in_dim3A_463 : vector<16xi1>, vector<16xi32>
        %mul3A_465 = arith.constant 25 : i32
        %mul3A_466 = arith.muli %scan3A_224, %mul3A_465 : i32
        %add3A_467 = arith.constant 0 : i32
        %add3A_468 = arith.addi %add3A_467, %mul3A_466 : i32
        %add3A_469 = arith.constant 12 : i32
        %add3A_470 = arith.addi %add3A_468, %add3A_469 : i32
        %mul3A_471 = arith.constant 16 : i32
        %mul3A_472 = arith.muli %add3A_470, %mul3A_471 : i32
        %get3A_473 = arith.index_cast %mul3A_472 : i32 to index
        %get3A_474 = tpu.vector_load %arg6[%get3A_473] {strides = array<i32>} : memref<100000xf32, #tpu.memory_space<vmem>>, vector<16xf32>,
        %ge3A_475 = arith.cmpf oge, %get3A_474, %bitcast3A_169 : vector<16xf32>
        %all_reduce_population_count3A_476 = tpu.all_reduce %ge3A_475 {dim = 0 : i64, kind = #tpu.reduction_kind<sum>} : vector<16xi1> -> vector<16xi32>
        %gt3A_477 = arith.constant 0 : i32
        %gt3A_478 = vector.broadcast %gt3A_477 : i32 to vector<16xi32>
        %gt3A_479 = arith.cmpi sgt, %all_reduce_population_count3A_476, %gt3A_478 : vector<16xi32>
        %jit3A_480 = arith.constant 16 : i32
        %jit3A_481 = arith.constant 0 : i32
        %broadcast_in_dim3A_482 = vector.broadcast %jit3A_480 : i32 to vector<16xi32>
        %broadcast_in_dim3A_483 = vector.broadcast %jit3A_481 : i32 to vector<16xi32>
        %select_n3A_484 = arith.select %gt3A_479, %broadcast_in_dim3A_482, %broadcast_in_dim3A_483 : vector<16xi1>, vector<16xi32>
        %mul3A_485 = arith.constant 25 : i32
        %mul3A_486 = arith.muli %scan3A_224, %mul3A_485 : i32
        %add3A_487 = arith.constant 0 : i32
        %add3A_488 = arith.addi %add3A_487, %mul3A_486 : i32
        %add3A_489 = arith.constant 13 : i32
        %add3A_490 = arith.addi %add3A_488, %add3A_489 : i32
        %mul3A_491 = arith.constant 16 : i32
        %mul3A_492 = arith.muli %add3A_490, %mul3A_491 : i32
        %get3A_493 = arith.index_cast %mul3A_492 : i32 to index
        %get3A_494 = tpu.vector_load %arg6[%get3A_493] {strides = array<i32>} : memref<100000xf32, #tpu.memory_space<vmem>>, vector<16xf32>,
        %ge3A_495 = arith.cmpf oge, %get3A_494, %bitcast3A_169 : vector<16xf32>
        %all_reduce_population_count3A_496 = tpu.all_reduce %ge3A_495 {dim = 0 : i64, kind = #tpu.reduction_kind<sum>} : vector<16xi1> -> vector<16xi32>
        %gt3A_497 = arith.constant 0 : i32
        %gt3A_498 = vector.broadcast %gt3A_497 : i32 to vector<16xi32>
        %gt3A_499 = arith.cmpi sgt, %all_reduce_population_count3A_496, %gt3A_498 : vector<16xi32>
        %jit3A_500 = arith.constant 16 : i32
        %jit3A_501 = arith.constant 0 : i32
        %broadcast_in_dim3A_502 = vector.broadcast %jit3A_500 : i32 to vector<16xi32>
        %broadcast_in_dim3A_503 = vector.broadcast %jit3A_501 : i32 to vector<16xi32>
        %select_n3A_504 = arith.select %gt3A_499, %broadcast_in_dim3A_502, %broadcast_in_dim3A_503 : vector<16xi1>, vector<16xi32>
        %mul3A_505 = arith.constant 25 : i32
        %mul3A_506 = arith.muli %scan3A_224, %mul3A_505 : i32
        %add3A_507 = arith.constant 0 : i32
        %add3A_508 = arith.addi %add3A_507, %mul3A_506 : i32
        %add3A_509 = arith.constant 14 : i32
        %add3A_510 = arith.addi %add3A_508, %add3A_509 : i32
        %mul3A_511 = arith.constant 16 : i32
        %mul3A_512 = arith.muli %add3A_510, %mul3A_511 : i32
        %get3A_513 = arith.index_cast %mul3A_512 : i32 to index
        %get3A_514 = tpu.vector_load %arg6[%get3A_513] {strides = array<i32>} : memref<100000xf32, #tpu.memory_space<vmem>>, vector<16xf32>,
        %ge3A_515 = arith.cmpf oge, %get3A_514, %bitcast3A_169 : vector<16xf32>
        %all_reduce_population_count3A_516 = tpu.all_reduce %ge3A_515 {dim = 0 : i64, kind = #tpu.reduction_kind<sum>} : vector<16xi1> -> vector<16xi32>
        %gt3A_517 = arith.constant 0 : i32
        %gt3A_518 = vector.broadcast %gt3A_517 : i32 to vector<16xi32>
        %gt3A_519 = arith.cmpi sgt, %all_reduce_population_count3A_516, %gt3A_518 : vector<16xi32>
        %jit3A_520 = arith.constant 16 : i32
        %jit3A_521 = arith.constant 0 : i32
        %broadcast_in_dim3A_522 = vector.broadcast %jit3A_520 : i32 to vector<16xi32>
        %broadcast_in_dim3A_523 = vector.broadcast %jit3A_521 : i32 to vector<16xi32>
        %select_n3A_524 = arith.select %gt3A_519, %broadcast_in_dim3A_522, %broadcast_in_dim3A_523 : vector<16xi1>, vector<16xi32>
        %mul3A_525 = arith.constant 25 : i32
        %mul3A_526 = arith.muli %scan3A_224, %mul3A_525 : i32
        %add3A_527 = arith.constant 0 : i32
        %add3A_528 = arith.addi %add3A_527, %mul3A_526 : i32
        %add3A_529 = arith.constant 15 : i32
        %add3A_530 = arith.addi %add3A_528, %add3A_529 : i32
        %mul3A_531 = arith.constant 16 : i32
        %mul3A_532 = arith.muli %add3A_530, %mul3A_531 : i32
        %get3A_533 = arith.index_cast %mul3A_532 : i32 to index
        %get3A_534 = tpu.vector_load %arg6[%get3A_533] {strides = array<i32>} : memref<100000xf32, #tpu.memory_space<vmem>>, vector<16xf32>,
        %ge3A_535 = arith.cmpf oge, %get3A_534, %bitcast3A_169 : vector<16xf32>
        %all_reduce_population_count3A_536 = tpu.all_reduce %ge3A_535 {dim = 0 : i64, kind = #tpu.reduction_kind<sum>} : vector<16xi1> -> vector<16xi32>
        %gt3A_537 = arith.constant 0 : i32
        %gt3A_538 = vector.broadcast %gt3A_537 : i32 to vector<16xi32>
        %gt3A_539 = arith.cmpi sgt, %all_reduce_population_count3A_536, %gt3A_538 : vector<16xi32>
        %jit3A_540 = arith.constant 16 : i32
        %jit3A_541 = arith.constant 0 : i32
        %broadcast_in_dim3A_542 = vector.broadcast %jit3A_540 : i32 to vector<16xi32>
        %broadcast_in_dim3A_543 = vector.broadcast %jit3A_541 : i32 to vector<16xi32>
        %select_n3A_544 = arith.select %gt3A_539, %broadcast_in_dim3A_542, %broadcast_in_dim3A_543 : vector<16xi1>, vector<16xi32>
        %mul3A_545 = arith.constant 25 : i32
        %mul3A_546 = arith.muli %scan3A_224, %mul3A_545 : i32
        %add3A_547 = arith.constant 0 : i32
        %add3A_548 = arith.addi %add3A_547, %mul3A_546 : i32
        %add3A_549 = arith.constant 16 : i32
        %add3A_550 = arith.addi %add3A_548, %add3A_549 : i32
        %mul3A_551 = arith.constant 16 : i32
        %mul3A_552 = arith.muli %add3A_550, %mul3A_551 : i32
        %get3A_553 = arith.index_cast %mul3A_552 : i32 to index
        %get3A_554 = tpu.vector_load %arg6[%get3A_553] {strides = array<i32>} : memref<100000xf32, #tpu.memory_space<vmem>>, vector<16xf32>,
        %ge3A_555 = arith.cmpf oge, %get3A_554, %bitcast3A_169 : vector<16xf32>
        %all_reduce_population_count3A_556 = tpu.all_reduce %ge3A_555 {dim = 0 : i64, kind = #tpu.reduction_kind<sum>} : vector<16xi1> -> vector<16xi32>
        %gt3A_557 = arith.constant 0 : i32
        %gt3A_558 = vector.broadcast %gt3A_557 : i32 to vector<16xi32>
        %gt3A_559 = arith.cmpi sgt, %all_reduce_population_count3A_556, %gt3A_558 : vector<16xi32>
        %jit3A_560 = arith.constant 16 : i32
        %jit3A_561 = arith.constant 0 : i32
        %broadcast_in_dim3A_562 = vector.broadcast %jit3A_560 : i32 to vector<16xi32>
        %broadcast_in_dim3A_563 = vector.broadcast %jit3A_561 : i32 to vector<16xi32>
        %select_n3A_564 = arith.select %gt3A_559, %broadcast_in_dim3A_562, %broadcast_in_dim3A_563 : vector<16xi1>, vector<16xi32>
        %mul3A_565 = arith.constant 25 : i32
        %mul3A_566 = arith.muli %scan3A_224, %mul3A_565 : i32
        %add3A_567 = arith.constant 0 : i32
        %add3A_568 = arith.addi %add3A_567, %mul3A_566 : i32
        %add3A_569 = arith.constant 17 : i32
        %add3A_570 = arith.addi %add3A_568, %add3A_569 : i32
        %mul3A_571 = arith.constant 16 : i32
        %mul3A_572 = arith.muli %add3A_570, %mul3A_571 : i32
        %get3A_573 = arith.index_cast %mul3A_572 : i32 to index
        %get3A_574 = tpu.vector_load %arg6[%get3A_573] {strides = array<i32>} : memref<100000xf32, #tpu.memory_space<vmem>>, vector<16xf32>,
        %ge3A_575 = arith.cmpf oge, %get3A_574, %bitcast3A_169 : vector<16xf32>
        %all_reduce_population_count3A_576 = tpu.all_reduce %ge3A_575 {dim = 0 : i64, kind = #tpu.reduction_kind<sum>} : vector<16xi1> -> vector<16xi32>
        %gt3A_577 = arith.constant 0 : i32
        %gt3A_578 = vector.broadcast %gt3A_577 : i32 to vector<16xi32>
        %gt3A_579 = arith.cmpi sgt, %all_reduce_population_count3A_576, %gt3A_578 : vector<16xi32>
        %jit3A_580 = arith.constant 16 : i32
        %jit3A_581 = arith.constant 0 : i32
        %broadcast_in_dim3A_582 = vector.broadcast %jit3A_580 : i32 to vector<16xi32>
        %broadcast_in_dim3A_583 = vector.broadcast %jit3A_581 : i32 to vector<16xi32>
        %select_n3A_584 = arith.select %gt3A_579, %broadcast_in_dim3A_582, %broadcast_in_dim3A_583 : vector<16xi1>, vector<16xi32>
        %mul3A_585 = arith.constant 25 : i32
        %mul3A_586 = arith.muli %scan3A_224, %mul3A_585 : i32
        %add3A_587 = arith.constant 0 : i32
        %add3A_588 = arith.addi %add3A_587, %mul3A_586 : i32
        %add3A_589 = arith.constant 18 : i32
        %add3A_590 = arith.addi %add3A_588, %add3A_589 : i32
        %mul3A_591 = arith.constant 16 : i32
        %mul3A_592 = arith.muli %add3A_590, %mul3A_591 : i32
        %get3A_593 = arith.index_cast %mul3A_592 : i32 to index
        %get3A_594 = tpu.vector_load %arg6[%get3A_593] {strides = array<i32>} : memref<100000xf32, #tpu.memory_space<vmem>>, vector<16xf32>,
        %ge3A_595 = arith.cmpf oge, %get3A_594, %bitcast3A_169 : vector<16xf32>
        %all_reduce_population_count3A_596 = tpu.all_reduce %ge3A_595 {dim = 0 : i64, kind = #tpu.reduction_kind<sum>} : vector<16xi1> -> vector<16xi32>
        %gt3A_597 = arith.constant 0 : i32
        %gt3A_598 = vector.broadcast %gt3A_597 : i32 to vector<16xi32>
        %gt3A_599 = arith.cmpi sgt, %all_reduce_population_count3A_596, %gt3A_598 : vector<16xi32>
        %jit3A_600 = arith.constant 16 : i32
        %jit3A_601 = arith.constant 0 : i32
        %broadcast_in_dim3A_602 = vector.broadcast %jit3A_600 : i32 to vector<16xi32>
        %broadcast_in_dim3A_603 = vector.broadcast %jit3A_601 : i32 to vector<16xi32>
        %select_n3A_604 = arith.select %gt3A_599, %broadcast_in_dim3A_602, %broadcast_in_dim3A_603 : vector<16xi1>, vector<16xi32>
        %mul3A_605 = arith.constant 25 : i32
        %mul3A_606 = arith.muli %scan3A_224, %mul3A_605 : i32
        %add3A_607 = arith.constant 0 : i32
        %add3A_608 = arith.addi %add3A_607, %mul3A_606 : i32
        %add3A_609 = arith.constant 19 : i32
        %add3A_610 = arith.addi %add3A_608, %add3A_609 : i32
        %mul3A_611 = arith.constant 16 : i32
        %mul3A_612 = arith.muli %add3A_610, %mul3A_611 : i32
        %get3A_613 = arith.index_cast %mul3A_612 : i32 to index
        %get3A_614 = tpu.vector_load %arg6[%get3A_613] {strides = array<i32>} : memref<100000xf32, #tpu.memory_space<vmem>>, vector<16xf32>,
        %ge3A_615 = arith.cmpf oge, %get3A_614, %bitcast3A_169 : vector<16xf32>
        %all_reduce_population_count3A_616 = tpu.all_reduce %ge3A_615 {dim = 0 : i64, kind = #tpu.reduction_kind<sum>} : vector<16xi1> -> vector<16xi32>
        %gt3A_617 = arith.constant 0 : i32
        %gt3A_618 = vector.broadcast %gt3A_617 : i32 to vector<16xi32>
        %gt3A_619 = arith.cmpi sgt, %all_reduce_population_count3A_616, %gt3A_618 : vector<16xi32>
        %jit3A_620 = arith.constant 16 : i32
        %jit3A_621 = arith.constant 0 : i32
        %broadcast_in_dim3A_622 = vector.broadcast %jit3A_620 : i32 to vector<16xi32>
        %broadcast_in_dim3A_623 = vector.broadcast %jit3A_621 : i32 to vector<16xi32>
        %select_n3A_624 = arith.select %gt3A_619, %broadcast_in_dim3A_622, %broadcast_in_dim3A_623 : vector<16xi1>, vector<16xi32>
        %mul3A_625 = arith.constant 25 : i32
        %mul3A_626 = arith.muli %scan3A_224, %mul3A_625 : i32
        %add3A_627 = arith.constant 0 : i32
        %add3A_628 = arith.addi %add3A_627, %mul3A_626 : i32
        %add3A_629 = arith.constant 20 : i32
        %add3A_630 = arith.addi %add3A_628, %add3A_629 : i32
        %mul3A_631 = arith.constant 16 : i32
        %mul3A_632 = arith.muli %add3A_630, %mul3A_631 : i32
        %get3A_633 = arith.index_cast %mul3A_632 : i32 to index
        %get3A_634 = tpu.vector_load %arg6[%get3A_633] {strides = array<i32>} : memref<100000xf32, #tpu.memory_space<vmem>>, vector<16xf32>,
        %ge3A_635 = arith.cmpf oge, %get3A_634, %bitcast3A_169 : vector<16xf32>
        %all_reduce_population_count3A_636 = tpu.all_reduce %ge3A_635 {dim = 0 : i64, kind = #tpu.reduction_kind<sum>} : vector<16xi1> -> vector<16xi32>
        %gt3A_637 = arith.constant 0 : i32
        %gt3A_638 = vector.broadcast %gt3A_637 : i32 to vector<16xi32>
        %gt3A_639 = arith.cmpi sgt, %all_reduce_population_count3A_636, %gt3A_638 : vector<16xi32>
        %jit3A_640 = arith.constant 16 : i32
        %jit3A_641 = arith.constant 0 : i32
        %broadcast_in_dim3A_642 = vector.broadcast %jit3A_640 : i32 to vector<16xi32>
        %broadcast_in_dim3A_643 = vector.broadcast %jit3A_641 : i32 to vector<16xi32>
        %select_n3A_644 = arith.select %gt3A_639, %broadcast_in_dim3A_642, %broadcast_in_dim3A_643 : vector<16xi1>, vector<16xi32>
        %mul3A_645 = arith.constant 25 : i32
        %mul3A_646 = arith.muli %scan3A_224, %mul3A_645 : i32
        %add3A_647 = arith.constant 0 : i32
        %add3A_648 = arith.addi %add3A_647, %mul3A_646 : i32
        %add3A_649 = arith.constant 21 : i32
        %add3A_650 = arith.addi %add3A_648, %add3A_649 : i32
        %mul3A_651 = arith.constant 16 : i32
        %mul3A_652 = arith.muli %add3A_650, %mul3A_651 : i32
        %get3A_653 = arith.index_cast %mul3A_652 : i32 to index
        %get3A_654 = tpu.vector_load %arg6[%get3A_653] {strides = array<i32>} : memref<100000xf32, #tpu.memory_space<vmem>>, vector<16xf32>,
        %ge3A_655 = arith.cmpf oge, %get3A_654, %bitcast3A_169 : vector<16xf32>
        %all_reduce_population_count3A_656 = tpu.all_reduce %ge3A_655 {dim = 0 : i64, kind = #tpu.reduction_kind<sum>} : vector<16xi1> -> vector<16xi32>
        %gt3A_657 = arith.constant 0 : i32
        %gt3A_658 = vector.broadcast %gt3A_657 : i32 to vector<16xi32>
        %gt3A_659 = arith.cmpi sgt, %all_reduce_population_count3A_656, %gt3A_658 : vector<16xi32>
        %jit3A_660 = arith.constant 16 : i32
        %jit3A_661 = arith.constant 0 : i32
        %broadcast_in_dim3A_662 = vector.broadcast %jit3A_660 : i32 to vector<16xi32>
        %broadcast_in_dim3A_663 = vector.broadcast %jit3A_661 : i32 to vector<16xi32>
        %select_n3A_664 = arith.select %gt3A_659, %broadcast_in_dim3A_662, %broadcast_in_dim3A_663 : vector<16xi1>, vector<16xi32>
        %mul3A_665 = arith.constant 25 : i32
        %mul3A_666 = arith.muli %scan3A_224, %mul3A_665 : i32
        %add3A_667 = arith.constant 0 : i32
        %add3A_668 = arith.addi %add3A_667, %mul3A_666 : i32
        %add3A_669 = arith.constant 22 : i32
        %add3A_670 = arith.addi %add3A_668, %add3A_669 : i32
        %mul3A_671 = arith.constant 16 : i32
        %mul3A_672 = arith.muli %add3A_670, %mul3A_671 : i32
        %get3A_673 = arith.index_cast %mul3A_672 : i32 to index
        %get3A_674 = tpu.vector_load %arg6[%get3A_673] {strides = array<i32>} : memref<100000xf32, #tpu.memory_space<vmem>>, vector<16xf32>,
        %ge3A_675 = arith.cmpf oge, %get3A_674, %bitcast3A_169 : vector<16xf32>
        %all_reduce_population_count3A_676 = tpu.all_reduce %ge3A_675 {dim = 0 : i64, kind = #tpu.reduction_kind<sum>} : vector<16xi1> -> vector<16xi32>
        %gt3A_677 = arith.constant 0 : i32
        %gt3A_678 = vector.broadcast %gt3A_677 : i32 to vector<16xi32>
        %gt3A_679 = arith.cmpi sgt, %all_reduce_population_count3A_676, %gt3A_678 : vector<16xi32>
        %jit3A_680 = arith.constant 16 : i32
        %jit3A_681 = arith.constant 0 : i32
        %broadcast_in_dim3A_682 = vector.broadcast %jit3A_680 : i32 to vector<16xi32>
        %broadcast_in_dim3A_683 = vector.broadcast %jit3A_681 : i32 to vector<16xi32>
        %select_n3A_684 = arith.select %gt3A_679, %broadcast_in_dim3A_682, %broadcast_in_dim3A_683 : vector<16xi1>, vector<16xi32>
        %mul3A_685 = arith.constant 25 : i32
        %mul3A_686 = arith.muli %scan3A_224, %mul3A_685 : i32
        %add3A_687 = arith.constant 0 : i32
        %add3A_688 = arith.addi %add3A_687, %mul3A_686 : i32
        %add3A_689 = arith.constant 23 : i32
        %add3A_690 = arith.addi %add3A_688, %add3A_689 : i32
        %mul3A_691 = arith.constant 16 : i32
        %mul3A_692 = arith.muli %add3A_690, %mul3A_691 : i32
        %get3A_693 = arith.index_cast %mul3A_692 : i32 to index
        %get3A_694 = tpu.vector_load %arg6[%get3A_693] {strides = array<i32>} : memref<100000xf32, #tpu.memory_space<vmem>>, vector<16xf32>,
        %ge3A_695 = arith.cmpf oge, %get3A_694, %bitcast3A_169 : vector<16xf32>
        %all_reduce_population_count3A_696 = tpu.all_reduce %ge3A_695 {dim = 0 : i64, kind = #tpu.reduction_kind<sum>} : vector<16xi1> -> vector<16xi32>
        %gt3A_697 = arith.constant 0 : i32
        %gt3A_698 = vector.broadcast %gt3A_697 : i32 to vector<16xi32>
        %gt3A_699 = arith.cmpi sgt, %all_reduce_population_count3A_696, %gt3A_698 : vector<16xi32>
        %jit3A_700 = arith.constant 16 : i32
        %jit3A_701 = arith.constant 0 : i32
        %broadcast_in_dim3A_702 = vector.broadcast %jit3A_700 : i32 to vector<16xi32>
        %broadcast_in_dim3A_703 = vector.broadcast %jit3A_701 : i32 to vector<16xi32>
        %select_n3A_704 = arith.select %gt3A_699, %broadcast_in_dim3A_702, %broadcast_in_dim3A_703 : vector<16xi1>, vector<16xi32>
        %mul3A_705 = arith.constant 25 : i32
        %mul3A_706 = arith.muli %scan3A_224, %mul3A_705 : i32
        %add3A_707 = arith.constant 0 : i32
        %add3A_708 = arith.addi %add3A_707, %mul3A_706 : i32
        %add3A_709 = arith.constant 24 : i32
        %add3A_710 = arith.addi %add3A_708, %add3A_709 : i32
        %mul3A_711 = arith.constant 16 : i32
        %mul3A_712 = arith.muli %add3A_710, %mul3A_711 : i32
        %get3A_713 = arith.index_cast %mul3A_712 : i32 to index
        %get3A_714 = tpu.vector_load %arg6[%get3A_713] {strides = array<i32>} : memref<100000xf32, #tpu.memory_space<vmem>>, vector<16xf32>,
        %ge3A_715 = arith.cmpf oge, %get3A_714, %bitcast3A_169 : vector<16xf32>
        %all_reduce_population_count3A_716 = tpu.all_reduce %ge3A_715 {dim = 0 : i64, kind = #tpu.reduction_kind<sum>} : vector<16xi1> -> vector<16xi32>
        %gt3A_717 = arith.constant 0 : i32
        %gt3A_718 = vector.broadcast %gt3A_717 : i32 to vector<16xi32>
        %gt3A_719 = arith.cmpi sgt, %all_reduce_population_count3A_716, %gt3A_718 : vector<16xi32>
        %jit3A_720 = arith.constant 16 : i32
        %jit3A_721 = arith.constant 0 : i32
        %broadcast_in_dim3A_722 = vector.broadcast %jit3A_720 : i32 to vector<16xi32>
        %broadcast_in_dim3A_723 = vector.broadcast %jit3A_721 : i32 to vector<16xi32>
        %select_n3A_724 = arith.select %gt3A_719, %broadcast_in_dim3A_722, %broadcast_in_dim3A_723 : vector<16xi1>, vector<16xi32>
        %and3A_725 = arith.constant 16383 : i32
        %and3A_726 = vector.broadcast %and3A_725 : i32 to vector<16xi32>
        %and3A_727 = arith.andi %scan3A_225, %and3A_726 : vector<16xi32>
        %add3A_728 = arith.addi %and3A_727, %iota3A : vector<16xi32>
        tpu.vector_store_idx %arg7[%add3A_728], %get3A_235 : memref<16464xf32, #tpu.memory_space<vmem>>[vector<16xi32>], vector<16xf32>,
        %add3A_729 = arith.addi %scan3A_225, %select_n3A_244 : vector<16xi32>
        %and3A_730 = arith.constant 16383 : i32
        %and3A_731 = vector.broadcast %and3A_730 : i32 to vector<16xi32>
        %and3A_732 = arith.andi %add3A_729, %and3A_731 : vector<16xi32>
        %add3A_733 = arith.addi %and3A_732, %iota3A : vector<16xi32>
        tpu.vector_store_idx %arg7[%add3A_733], %get3A_254 : memref<16464xf32, #tpu.memory_space<vmem>>[vector<16xi32>], vector<16xf32>,
        %add3A_734 = arith.addi %add3A_729, %select_n3A_264 : vector<16xi32>
        %and3A_735 = arith.constant 16383 : i32
        %and3A_736 = vector.broadcast %and3A_735 : i32 to vector<16xi32>
        %and3A_737 = arith.andi %add3A_734, %and3A_736 : vector<16xi32>
        %add3A_738 = arith.addi %and3A_737, %iota3A : vector<16xi32>
        tpu.vector_store_idx %arg7[%add3A_738], %get3A_274 : memref<16464xf32, #tpu.memory_space<vmem>>[vector<16xi32>], vector<16xf32>,
        %add3A_739 = arith.addi %add3A_734, %select_n3A_284 : vector<16xi32>
        %and3A_740 = arith.constant 16383 : i32
        %and3A_741 = vector.broadcast %and3A_740 : i32 to vector<16xi32>
        %and3A_742 = arith.andi %add3A_739, %and3A_741 : vector<16xi32>
        %add3A_743 = arith.addi %and3A_742, %iota3A : vector<16xi32>
        tpu.vector_store_idx %arg7[%add3A_743], %get3A_294 : memref<16464xf32, #tpu.memory_space<vmem>>[vector<16xi32>], vector<16xf32>,
        %add3A_744 = arith.addi %add3A_739, %select_n3A_304 : vector<16xi32>
        %and3A_745 = arith.constant 16383 : i32
        %and3A_746 = vector.broadcast %and3A_745 : i32 to vector<16xi32>
        %and3A_747 = arith.andi %add3A_744, %and3A_746 : vector<16xi32>
        %add3A_748 = arith.addi %and3A_747, %iota3A : vector<16xi32>
        tpu.vector_store_idx %arg7[%add3A_748], %get3A_314 : memref<16464xf32, #tpu.memory_space<vmem>>[vector<16xi32>], vector<16xf32>,
        %add3A_749 = arith.addi %add3A_744, %select_n3A_324 : vector<16xi32>
        %and3A_750 = arith.constant 16383 : i32
        %and3A_751 = vector.broadcast %and3A_750 : i32 to vector<16xi32>
        %and3A_752 = arith.andi %add3A_749, %and3A_751 : vector<16xi32>
        %add3A_753 = arith.addi %and3A_752, %iota3A : vector<16xi32>
        tpu.vector_store_idx %arg7[%add3A_753], %get3A_334 : memref<16464xf32, #tpu.memory_space<vmem>>[vector<16xi32>], vector<16xf32>,
        %add3A_754 = arith.addi %add3A_749, %select_n3A_344 : vector<16xi32>
        %and3A_755 = arith.constant 16383 : i32
        %and3A_756 = vector.broadcast %and3A_755 : i32 to vector<16xi32>
        %and3A_757 = arith.andi %add3A_754, %and3A_756 : vector<16xi32>
        %add3A_758 = arith.addi %and3A_757, %iota3A : vector<16xi32>
        tpu.vector_store_idx %arg7[%add3A_758], %get3A_354 : memref<16464xf32, #tpu.memory_space<vmem>>[vector<16xi32>], vector<16xf32>,
        %add3A_759 = arith.addi %add3A_754, %select_n3A_364 : vector<16xi32>
        %and3A_760 = arith.constant 16383 : i32
        %and3A_761 = vector.broadcast %and3A_760 : i32 to vector<16xi32>
        %and3A_762 = arith.andi %add3A_759, %and3A_761 : vector<16xi32>
        %add3A_763 = arith.addi %and3A_762, %iota3A : vector<16xi32>
        tpu.vector_store_idx %arg7[%add3A_763], %get3A_374 : memref<16464xf32, #tpu.memory_space<vmem>>[vector<16xi32>], vector<16xf32>,
        %add3A_764 = arith.addi %add3A_759, %select_n3A_384 : vector<16xi32>
        %and3A_765 = arith.constant 16383 : i32
        %and3A_766 = vector.broadcast %and3A_765 : i32 to vector<16xi32>
        %and3A_767 = arith.andi %add3A_764, %and3A_766 : vector<16xi32>
        %add3A_768 = arith.addi %and3A_767, %iota3A : vector<16xi32>
        tpu.vector_store_idx %arg7[%add3A_768], %get3A_394 : memref<16464xf32, #tpu.memory_space<vmem>>[vector<16xi32>], vector<16xf32>,
        %add3A_769 = arith.addi %add3A_764, %select_n3A_404 : vector<16xi32>
        %and3A_770 = arith.constant 16383 : i32
        %and3A_771 = vector.broadcast %and3A_770 : i32 to vector<16xi32>
        %and3A_772 = arith.andi %add3A_769, %and3A_771 : vector<16xi32>
        %add3A_773 = arith.addi %and3A_772, %iota3A : vector<16xi32>
        tpu.vector_store_idx %arg7[%add3A_773], %get3A_414 : memref<16464xf32, #tpu.memory_space<vmem>>[vector<16xi32>], vector<16xf32>,
        %add3A_774 = arith.addi %add3A_769, %select_n3A_424 : vector<16xi32>
        %and3A_775 = arith.constant 16383 : i32
        %and3A_776 = vector.broadcast %and3A_775 : i32 to vector<16xi32>
        %and3A_777 = arith.andi %add3A_774, %and3A_776 : vector<16xi32>
        %add3A_778 = arith.addi %and3A_777, %iota3A : vector<16xi32>
        tpu.vector_store_idx %arg7[%add3A_778], %get3A_434 : memref<16464xf32, #tpu.memory_space<vmem>>[vector<16xi32>], vector<16xf32>,
        %add3A_779 = arith.addi %add3A_774, %select_n3A_444 : vector<16xi32>
        %and3A_780 = arith.constant 16383 : i32
        %and3A_781 = vector.broadcast %and3A_780 : i32 to vector<16xi32>
        %and3A_782 = arith.andi %add3A_779, %and3A_781 : vector<16xi32>
        %add3A_783 = arith.addi %and3A_782, %iota3A : vector<16xi32>
        tpu.vector_store_idx %arg7[%add3A_783], %get3A_454 : memref<16464xf32, #tpu.memory_space<vmem>>[vector<16xi32>], vector<16xf32>,
        %add3A_784 = arith.addi %add3A_779, %select_n3A_464 : vector<16xi32>
        %and3A_785 = arith.constant 16383 : i32
        %and3A_786 = vector.broadcast %and3A_785 : i32 to vector<16xi32>
        %and3A_787 = arith.andi %add3A_784, %and3A_786 : vector<16xi32>
        %add3A_788 = arith.addi %and3A_787, %iota3A : vector<16xi32>
        tpu.vector_store_idx %arg7[%add3A_788], %get3A_474 : memref<16464xf32, #tpu.memory_space<vmem>>[vector<16xi32>], vector<16xf32>,
        %add3A_789 = arith.addi %add3A_784, %select_n3A_484 : vector<16xi32>
        %and3A_790 = arith.constant 16383 : i32
        %and3A_791 = vector.broadcast %and3A_790 : i32 to vector<16xi32>
        %and3A_792 = arith.andi %add3A_789, %and3A_791 : vector<16xi32>
        %add3A_793 = arith.addi %and3A_792, %iota3A : vector<16xi32>
        tpu.vector_store_idx %arg7[%add3A_793], %get3A_494 : memref<16464xf32, #tpu.memory_space<vmem>>[vector<16xi32>], vector<16xf32>,
        %add3A_794 = arith.addi %add3A_789, %select_n3A_504 : vector<16xi32>
        %and3A_795 = arith.constant 16383 : i32
        %and3A_796 = vector.broadcast %and3A_795 : i32 to vector<16xi32>
        %and3A_797 = arith.andi %add3A_794, %and3A_796 : vector<16xi32>
        %add3A_798 = arith.addi %and3A_797, %iota3A : vector<16xi32>
        tpu.vector_store_idx %arg7[%add3A_798], %get3A_514 : memref<16464xf32, #tpu.memory_space<vmem>>[vector<16xi32>], vector<16xf32>,
        %add3A_799 = arith.addi %add3A_794, %select_n3A_524 : vector<16xi32>
        %and3A_800 = arith.constant 16383 : i32
        %and3A_801 = vector.broadcast %and3A_800 : i32 to vector<16xi32>
        %and3A_802 = arith.andi %add3A_799, %and3A_801 : vector<16xi32>
        %add3A_803 = arith.addi %and3A_802, %iota3A : vector<16xi32>
        tpu.vector_store_idx %arg7[%add3A_803], %get3A_534 : memref<16464xf32, #tpu.memory_space<vmem>>[vector<16xi32>], vector<16xf32>,
        %add3A_804 = arith.addi %add3A_799, %select_n3A_544 : vector<16xi32>
        %and3A_805 = arith.constant 16383 : i32
        %and3A_806 = vector.broadcast %and3A_805 : i32 to vector<16xi32>
        %and3A_807 = arith.andi %add3A_804, %and3A_806 : vector<16xi32>
        %add3A_808 = arith.addi %and3A_807, %iota3A : vector<16xi32>
        tpu.vector_store_idx %arg7[%add3A_808], %get3A_554 : memref<16464xf32, #tpu.memory_space<vmem>>[vector<16xi32>], vector<16xf32>,
        %add3A_809 = arith.addi %add3A_804, %select_n3A_564 : vector<16xi32>
        %and3A_810 = arith.constant 16383 : i32
        %and3A_811 = vector.broadcast %and3A_810 : i32 to vector<16xi32>
        %and3A_812 = arith.andi %add3A_809, %and3A_811 : vector<16xi32>
        %add3A_813 = arith.addi %and3A_812, %iota3A : vector<16xi32>
        tpu.vector_store_idx %arg7[%add3A_813], %get3A_574 : memref<16464xf32, #tpu.memory_space<vmem>>[vector<16xi32>], vector<16xf32>,
        %add3A_814 = arith.addi %add3A_809, %select_n3A_584 : vector<16xi32>
        %and3A_815 = arith.constant 16383 : i32
        %and3A_816 = vector.broadcast %and3A_815 : i32 to vector<16xi32>
        %and3A_817 = arith.andi %add3A_814, %and3A_816 : vector<16xi32>
        %add3A_818 = arith.addi %and3A_817, %iota3A : vector<16xi32>
        tpu.vector_store_idx %arg7[%add3A_818], %get3A_594 : memref<16464xf32, #tpu.memory_space<vmem>>[vector<16xi32>], vector<16xf32>,
        %add3A_819 = arith.addi %add3A_814, %select_n3A_604 : vector<16xi32>
        %and3A_820 = arith.constant 16383 : i32
        %and3A_821 = vector.broadcast %and3A_820 : i32 to vector<16xi32>
        %and3A_822 = arith.andi %add3A_819, %and3A_821 : vector<16xi32>
        %add3A_823 = arith.addi %and3A_822, %iota3A : vector<16xi32>
        tpu.vector_store_idx %arg7[%add3A_823], %get3A_614 : memref<16464xf32, #tpu.memory_space<vmem>>[vector<16xi32>], vector<16xf32>,
        %add3A_824 = arith.addi %add3A_819, %select_n3A_624 : vector<16xi32>
        %and3A_825 = arith.constant 16383 : i32
        %and3A_826 = vector.broadcast %and3A_825 : i32 to vector<16xi32>
        %and3A_827 = arith.andi %add3A_824, %and3A_826 : vector<16xi32>
        %add3A_828 = arith.addi %and3A_827, %iota3A : vector<16xi32>
        tpu.vector_store_idx %arg7[%add3A_828], %get3A_634 : memref<16464xf32, #tpu.memory_space<vmem>>[vector<16xi32>], vector<16xf32>,
        %add3A_829 = arith.addi %add3A_824, %select_n3A_644 : vector<16xi32>
        %and3A_830 = arith.constant 16383 : i32
        %and3A_831 = vector.broadcast %and3A_830 : i32 to vector<16xi32>
        %and3A_832 = arith.andi %add3A_829, %and3A_831 : vector<16xi32>
        %add3A_833 = arith.addi %and3A_832, %iota3A : vector<16xi32>
        tpu.vector_store_idx %arg7[%add3A_833], %get3A_654 : memref<16464xf32, #tpu.memory_space<vmem>>[vector<16xi32>], vector<16xf32>,
        %add3A_834 = arith.addi %add3A_829, %select_n3A_664 : vector<16xi32>
        %and3A_835 = arith.constant 16383 : i32
        %and3A_836 = vector.broadcast %and3A_835 : i32 to vector<16xi32>
        %and3A_837 = arith.andi %add3A_834, %and3A_836 : vector<16xi32>
        %add3A_838 = arith.addi %and3A_837, %iota3A : vector<16xi32>
        tpu.vector_store_idx %arg7[%add3A_838], %get3A_674 : memref<16464xf32, #tpu.memory_space<vmem>>[vector<16xi32>], vector<16xf32>,
        %add3A_839 = arith.addi %add3A_834, %select_n3A_684 : vector<16xi32>
        %and3A_840 = arith.constant 16383 : i32
        %and3A_841 = vector.broadcast %and3A_840 : i32 to vector<16xi32>
        %and3A_842 = arith.andi %add3A_839, %and3A_841 : vector<16xi32>
        %add3A_843 = arith.addi %and3A_842, %iota3A : vector<16xi32>
        tpu.vector_store_idx %arg7[%add3A_843], %get3A_694 : memref<16464xf32, #tpu.memory_space<vmem>>[vector<16xi32>], vector<16xf32>,
        %add3A_844 = arith.addi %add3A_839, %select_n3A_704 : vector<16xi32>
        %and3A_845 = arith.constant 16383 : i32
        %and3A_846 = vector.broadcast %and3A_845 : i32 to vector<16xi32>
        %and3A_847 = arith.andi %add3A_844, %and3A_846 : vector<16xi32>
        %add3A_848 = arith.addi %and3A_847, %iota3A : vector<16xi32>
        tpu.vector_store_idx %arg7[%add3A_848], %get3A_714 : memref<16464xf32, #tpu.memory_space<vmem>>[vector<16xi32>], vector<16xf32>,
        %add3A_849 = arith.addi %add3A_844, %select_n3A_724 : vector<16xi32>
        scf.yield %add3A_849 : vector<16xi32>
      }
      %scan3A_175 = arith.constant 250 : i32
      %reduce_max3A_176 = arith.constant true
      %reduce_max3A_177 = vector.broadcast %reduce_max3A_176 : i1 to vector<16xi1>
      %reduce_max3A_178 = arith.constant -2147483648 : i32
      %reduce_max3A_179 = vector.broadcast %reduce_max3A_178 : i32 to vector<16xi32>
      %reduce_max3A_180 = arith.xori %scan3A_174, %reduce_max3A_179 : vector<16xi32>
      %reduce_max3A_181 = tpu.scan <max>, %reduce_max3A_180 masked %reduce_max3A_177 : vector<16xi32>, vector<16xi1> -> vector<16xi32>
      %reduce_max3A_182 = arith.xori %reduce_max3A_181, %reduce_max3A_179 : vector<16xi32>
      %reduce_max3A_183 = vector.extract %reduce_max3A_182[15] : i32 from vector<16xi32>
      %le3A = arith.constant 16384 : i32
      %le3A_184 = arith.cmpi sle, %reduce_max3A_183, %le3A : i32
      %swap3A = arith.constant 0 : index
      %swap3A_185 = tpu.vector_load %arg11[%swap3A] {strides = array<i32>} : memref<16xi32, #tpu.memory_space<vmem>>, vector<16xi32>,
      tpu.vector_store %arg11[%swap3A], %broadcast_in_dim3A_5 {strides = array<i32>} : memref<16xi32, #tpu.memory_space<vmem>>, vector<16xi32>,
      %convert_element_type3A_186 = arith.extui %le3A_184 : i1 to i32
      %cond3A_187 = arith.constant 0 : i32
      %cond3A_188 = arith.cmpi ne, %convert_element_type3A_186, %cond3A_187 : i32
      scf.if %cond3A_188 {
        %add3A_224 = arith.constant 0 : i32
        %add3A_225 = arith.addi %reduce_max3A_183, %add3A_224 : i32
        %broadcast_in_dim3A_226 = vector.broadcast %add3A_225 : i32 to vector<16xi32>
        %add3A_227 = arith.addi %broadcast_in_dim3A_226, %iota3A : vector<16xi32>
        tpu.vector_store_idx %arg7[%add3A_227], %broadcast_in_dim3A_7 : memref<16464xf32, #tpu.memory_space<vmem>>[vector<16xi32>], vector<16xf32>,
        %add3A_228 = arith.constant 16 : i32
        %add3A_229 = arith.addi %reduce_max3A_183, %add3A_228 : i32
        %broadcast_in_dim3A_230 = vector.broadcast %add3A_229 : i32 to vector<16xi32>
        %add3A_231 = arith.addi %broadcast_in_dim3A_230, %iota3A : vector<16xi32>
        tpu.vector_store_idx %arg7[%add3A_231], %broadcast_in_dim3A_7 : memref<16464xf32, #tpu.memory_space<vmem>>[vector<16xi32>], vector<16xf32>,
        %add3A_232 = arith.constant 32 : i32
        %add3A_233 = arith.addi %reduce_max3A_183, %add3A_232 : i32
        %broadcast_in_dim3A_234 = vector.broadcast %add3A_233 : i32 to vector<16xi32>
        %add3A_235 = arith.addi %broadcast_in_dim3A_234, %iota3A : vector<16xi32>
        tpu.vector_store_idx %arg7[%add3A_235], %broadcast_in_dim3A_7 : memref<16464xf32, #tpu.memory_space<vmem>>[vector<16xi32>], vector<16xf32>,
        %add3A_236 = arith.constant 48 : i32
        %add3A_237 = arith.addi %reduce_max3A_183, %add3A_236 : i32
        %broadcast_in_dim3A_238 = vector.broadcast %add3A_237 : i32 to vector<16xi32>
        %add3A_239 = arith.addi %broadcast_in_dim3A_238, %iota3A : vector<16xi32>
        tpu.vector_store_idx %arg7[%add3A_239], %broadcast_in_dim3A_7 : memref<16464xf32, #tpu.memory_space<vmem>>[vector<16xi32>], vector<16xf32>,
        %jit3A_240 = arith.constant 16 : i32
        %div3A_241 = arith.divsi %reduce_max3A_183, %jit3A_240 : i32
        %sign3A_242 = arith.constant 0 : i32
        %sign3A_243 = arith.cmpi sgt, %reduce_max3A_183, %sign3A_242 : i32
        %sign3A_244 = arith.extui %sign3A_243 : i1 to i32
        %sign3A_245 = arith.constant 0 : i32
        %sign3A_246 = arith.cmpi slt, %reduce_max3A_183, %sign3A_245 : i32
        %sign3A_247 = arith.extui %sign3A_246 : i1 to i32
        %sign3A_248 = arith.subi %sign3A_244, %sign3A_247 : i32
        %sign3A_249 = arith.constant 0 : i32
        %sign3A_250 = arith.cmpi sgt, %jit3A_240, %sign3A_249 : i32
        %sign3A_251 = arith.extui %sign3A_250 : i1 to i32
        %sign3A_252 = arith.constant 0 : i32
        %sign3A_253 = arith.cmpi slt, %jit3A_240, %sign3A_252 : i32
        %sign3A_254 = arith.extui %sign3A_253 : i1 to i32
        %sign3A_255 = arith.subi %sign3A_251, %sign3A_254 : i32
        %ne3A_256 = arith.cmpi ne, %sign3A_248, %sign3A_255 : i32
        %rem3A_257 = arith.remsi %reduce_max3A_183, %jit3A_240 : i32
        %ne3A_258 = arith.constant 0 : i32
        %ne3A_259 = arith.cmpi ne, %rem3A_257, %ne3A_258 : i32
        %and3A_260 = arith.andi %ne3A_256, %ne3A_259 : i1
        %sub3A_261 = arith.constant 1 : i32
        %sub3A_262 = arith.subi %div3A_241, %sub3A_261 : i32
        %select_n3A_263 = arith.select %and3A_260, %sub3A_262, %div3A_241 : i32
        %add3A_264 = arith.constant 3 : i32
        %add3A_265 = arith.addi %select_n3A_263, %add3A_264 : i32
        %jit3A_266 = arith.constant 4 : i32
        %div3A_267 = arith.divsi %add3A_265, %jit3A_266 : i32
        %sign3A_268 = arith.constant 0 : i32
        %sign3A_269 = arith.cmpi sgt, %add3A_265, %sign3A_268 : i32
        %sign3A_270 = arith.extui %sign3A_269 : i1 to i32
        %sign3A_271 = arith.constant 0 : i32
        %sign3A_272 = arith.cmpi slt, %add3A_265, %sign3A_271 : i32
        %sign3A_273 = arith.extui %sign3A_272 : i1 to i32
        %sign3A_274 = arith.subi %sign3A_270, %sign3A_273 : i32
        %sign3A_275 = arith.constant 0 : i32
        %sign3A_276 = arith.cmpi sgt, %jit3A_266, %sign3A_275 : i32
        %sign3A_277 = arith.extui %sign3A_276 : i1 to i32
        %sign3A_278 = arith.constant 0 : i32
        %sign3A_279 = arith.cmpi slt, %jit3A_266, %sign3A_278 : i32
        %sign3A_280 = arith.extui %sign3A_279 : i1 to i32
        %sign3A_281 = arith.subi %sign3A_277, %sign3A_280 : i32
        %ne3A_282 = arith.cmpi ne, %sign3A_274, %sign3A_281 : i32
        %rem3A_283 = arith.remsi %add3A_265, %jit3A_266 : i32
        %ne3A_284 = arith.constant 0 : i32
        %ne3A_285 = arith.cmpi ne, %rem3A_283, %ne3A_284 : i32
        %and3A_286 = arith.andi %ne3A_282, %ne3A_285 : i1
        %sub3A_287 = arith.constant 1 : i32
        %sub3A_288 = arith.subi %div3A_267, %sub3A_287 : i32
        %select_n3A_289 = arith.select %and3A_286, %sub3A_288, %div3A_267 : i32
        %while3A_290 = arith.constant 0 : i32
        %while3A_291 = arith.subi %select_n3A_289, %while3A_290 : i32
        %while3A_292 = arith.addi %while3A_290, %while3A_291 : i32
        %while3A_293 = arith.constant 1 : i32
        %while3A_294 = arith.divsi %while3A_291, %while3A_293 : i32
        %while3A_295 = arith.muli %while3A_294, %while3A_293 : i32
        %while3A_296 = arith.addi %while3A_290, %while3A_295 : i32
        %while3A_297 = arith.constant 1 : i32
        %while3A_298:2 = scf.for %while3A_315 = %while3A_290 to %while3A_296 step %while3A_297 iter_args(%while3A_316 = %broadcast_in_dim3A_5, %while3A_317 = %broadcast_in_dim3A_7) -> (vector<16xi32>, vector<16xf32>)  : i32 {
          %mul3A_318 = arith.constant 4 : i32
          %mul3A_319 = arith.muli %while3A_315, %mul3A_318 : i32
          %add3A_320 = arith.constant 0 : i32
          %add3A_321 = arith.addi %mul3A_319, %add3A_320 : i32
          %mul3A_322 = arith.constant 16 : i32
          %mul3A_323 = arith.muli %add3A_321, %mul3A_322 : i32
          %get3A_324 = arith.index_cast %mul3A_323 : i32 to index
          %get3A_325 = tpu.vector_load %arg7[%get3A_324] {strides = array<i32>} : memref<16464xf32, #tpu.memory_space<vmem>>, vector<16xf32>,
          %ge3A_326 = arith.cmpf oge, %get3A_325, %bitcast3A_169 : vector<16xf32>
          %jit3A_327 = arith.constant 1 : i32
          %jit3A_328 = arith.constant 0 : i32
          %broadcast_in_dim3A_329 = vector.broadcast %jit3A_327 : i32 to vector<16xi32>
          %broadcast_in_dim3A_330 = vector.broadcast %jit3A_328 : i32 to vector<16xi32>
          %select_n3A_331 = arith.select %ge3A_326, %broadcast_in_dim3A_329, %broadcast_in_dim3A_330 : vector<16xi1>, vector<16xi32>
          %broadcast_in_dim3A_332 = arith.constant true
          %broadcast_in_dim3A_333 = vector.broadcast %broadcast_in_dim3A_332 : i1 to vector<16xi1>
          %masked_cumsum3A = tpu.scan <sum>, %select_n3A_331 masked %broadcast_in_dim3A_333 : vector<16xi32>, vector<16xi1> -> vector<16xi32>
          %all_reduce_population_count3A = tpu.all_reduce %ge3A_326 {dim = 0 : i64, kind = #tpu.reduction_kind<sum>} : vector<16xi1> -> vector<16xi32>
          %select_n3A_334 = arith.select %ge3A_326, %get3A_325, %broadcast_in_dim3A_7 : vector<16xi1>, vector<16xf32>
          %max3A_335 = arith.maximumf %while3A_317, %select_n3A_334 : vector<16xf32>
          %mul3A_336 = arith.constant 4 : i32
          %mul3A_337 = arith.muli %while3A_315, %mul3A_336 : i32
          %add3A_338 = arith.constant 1 : i32
          %add3A_339 = arith.addi %mul3A_337, %add3A_338 : i32
          %mul3A_340 = arith.constant 16 : i32
          %mul3A_341 = arith.muli %add3A_339, %mul3A_340 : i32
          %get3A_342 = arith.index_cast %mul3A_341 : i32 to index
          %get3A_343 = tpu.vector_load %arg7[%get3A_342] {strides = array<i32>} : memref<16464xf32, #tpu.memory_space<vmem>>, vector<16xf32>,
          %ge3A_344 = arith.cmpf oge, %get3A_343, %bitcast3A_169 : vector<16xf32>
          %jit3A_345 = arith.constant 1 : i32
          %jit3A_346 = arith.constant 0 : i32
          %broadcast_in_dim3A_347 = vector.broadcast %jit3A_345 : i32 to vector<16xi32>
          %broadcast_in_dim3A_348 = vector.broadcast %jit3A_346 : i32 to vector<16xi32>
          %select_n3A_349 = arith.select %ge3A_344, %broadcast_in_dim3A_347, %broadcast_in_dim3A_348 : vector<16xi1>, vector<16xi32>
          %broadcast_in_dim3A_350 = arith.constant true
          %broadcast_in_dim3A_351 = vector.broadcast %broadcast_in_dim3A_350 : i1 to vector<16xi1>
          %masked_cumsum3A_352 = tpu.scan <sum>, %select_n3A_349 masked %broadcast_in_dim3A_351 : vector<16xi32>, vector<16xi1> -> vector<16xi32>
          %all_reduce_population_count3A_353 = tpu.all_reduce %ge3A_344 {dim = 0 : i64, kind = #tpu.reduction_kind<sum>} : vector<16xi1> -> vector<16xi32>
          %select_n3A_354 = arith.select %ge3A_344, %get3A_343, %broadcast_in_dim3A_7 : vector<16xi1>, vector<16xf32>
          %max3A_355 = arith.maximumf %max3A_335, %select_n3A_354 : vector<16xf32>
          %mul3A_356 = arith.constant 4 : i32
          %mul3A_357 = arith.muli %while3A_315, %mul3A_356 : i32
          %add3A_358 = arith.constant 2 : i32
          %add3A_359 = arith.addi %mul3A_357, %add3A_358 : i32
          %mul3A_360 = arith.constant 16 : i32
          %mul3A_361 = arith.muli %add3A_359, %mul3A_360 : i32
          %get3A_362 = arith.index_cast %mul3A_361 : i32 to index
          %get3A_363 = tpu.vector_load %arg7[%get3A_362] {strides = array<i32>} : memref<16464xf32, #tpu.memory_space<vmem>>, vector<16xf32>,
          %ge3A_364 = arith.cmpf oge, %get3A_363, %bitcast3A_169 : vector<16xf32>
          %jit3A_365 = arith.constant 1 : i32
          %jit3A_366 = arith.constant 0 : i32
          %broadcast_in_dim3A_367 = vector.broadcast %jit3A_365 : i32 to vector<16xi32>
          %broadcast_in_dim3A_368 = vector.broadcast %jit3A_366 : i32 to vector<16xi32>
          %select_n3A_369 = arith.select %ge3A_364, %broadcast_in_dim3A_367, %broadcast_in_dim3A_368 : vector<16xi1>, vector<16xi32>
          %broadcast_in_dim3A_370 = arith.constant true
          %broadcast_in_dim3A_371 = vector.broadcast %broadcast_in_dim3A_370 : i1 to vector<16xi1>
          %masked_cumsum3A_372 = tpu.scan <sum>, %select_n3A_369 masked %broadcast_in_dim3A_371 : vector<16xi32>, vector<16xi1> -> vector<16xi32>
          %all_reduce_population_count3A_373 = tpu.all_reduce %ge3A_364 {dim = 0 : i64, kind = #tpu.reduction_kind<sum>} : vector<16xi1> -> vector<16xi32>
          %select_n3A_374 = arith.select %ge3A_364, %get3A_363, %broadcast_in_dim3A_7 : vector<16xi1>, vector<16xf32>
          %max3A_375 = arith.maximumf %max3A_355, %select_n3A_374 : vector<16xf32>
          %mul3A_376 = arith.constant 4 : i32
          %mul3A_377 = arith.muli %while3A_315, %mul3A_376 : i32
          %add3A_378 = arith.constant 3 : i32
          %add3A_379 = arith.addi %mul3A_377, %add3A_378 : i32
          %mul3A_380 = arith.constant 16 : i32
          %mul3A_381 = arith.muli %add3A_379, %mul3A_380 : i32
          %get3A_382 = arith.index_cast %mul3A_381 : i32 to index
          %get3A_383 = tpu.vector_load %arg7[%get3A_382] {strides = array<i32>} : memref<16464xf32, #tpu.memory_space<vmem>>, vector<16xf32>,
          %ge3A_384 = arith.cmpf oge, %get3A_383, %bitcast3A_169 : vector<16xf32>
          %jit3A_385 = arith.constant 1 : i32
          %jit3A_386 = arith.constant 0 : i32
          %broadcast_in_dim3A_387 = vector.broadcast %jit3A_385 : i32 to vector<16xi32>
          %broadcast_in_dim3A_388 = vector.broadcast %jit3A_386 : i32 to vector<16xi32>
          %select_n3A_389 = arith.select %ge3A_384, %broadcast_in_dim3A_387, %broadcast_in_dim3A_388 : vector<16xi1>, vector<16xi32>
          %broadcast_in_dim3A_390 = arith.constant true
          %broadcast_in_dim3A_391 = vector.broadcast %broadcast_in_dim3A_390 : i1 to vector<16xi1>
          %masked_cumsum3A_392 = tpu.scan <sum>, %select_n3A_389 masked %broadcast_in_dim3A_391 : vector<16xi32>, vector<16xi1> -> vector<16xi32>
          %all_reduce_population_count3A_393 = tpu.all_reduce %ge3A_384 {dim = 0 : i64, kind = #tpu.reduction_kind<sum>} : vector<16xi1> -> vector<16xi32>
          %select_n3A_394 = arith.select %ge3A_384, %get3A_383, %broadcast_in_dim3A_7 : vector<16xi1>, vector<16xf32>
          %max3A_395 = arith.maximumf %max3A_375, %select_n3A_394 : vector<16xf32>
          %add3A_396 = arith.addi %while3A_316, %masked_cumsum3A : vector<16xi32>
          %sub3A_397 = arith.constant 1 : i32
          %sub3A_398 = vector.broadcast %sub3A_397 : i32 to vector<16xi32>
          %sub3A_399 = arith.subi %add3A_396, %sub3A_398 : vector<16xi32>
          tpu.vector_store_idx %arg7[%sub3A_399], %get3A_325 masked %ge3A_326 : memref<16464xf32, #tpu.memory_space<vmem>>[vector<16xi32>], vector<16xf32>, vector<16xi1>
          %add3A_400 = arith.addi %while3A_316, %all_reduce_population_count3A : vector<16xi32>
          %add3A_401 = arith.addi %add3A_400, %masked_cumsum3A_352 : vector<16xi32>
          %sub3A_402 = arith.constant 1 : i32
          %sub3A_403 = vector.broadcast %sub3A_402 : i32 to vector<16xi32>
          %sub3A_404 = arith.subi %add3A_401, %sub3A_403 : vector<16xi32>
          tpu.vector_store_idx %arg7[%sub3A_404], %get3A_343 masked %ge3A_344 : memref<16464xf32, #tpu.memory_space<vmem>>[vector<16xi32>], vector<16xf32>, vector<16xi1>
          %add3A_405 = arith.addi %add3A_400, %all_reduce_population_count3A_353 : vector<16xi32>
          %add3A_406 = arith.addi %add3A_405, %masked_cumsum3A_372 : vector<16xi32>
          %sub3A_407 = arith.constant 1 : i32
          %sub3A_408 = vector.broadcast %sub3A_407 : i32 to vector<16xi32>
          %sub3A_409 = arith.subi %add3A_406, %sub3A_408 : vector<16xi32>
          tpu.vector_store_idx %arg7[%sub3A_409], %get3A_363 masked %ge3A_364 : memref<16464xf32, #tpu.memory_space<vmem>>[vector<16xi32>], vector<16xf32>, vector<16xi1>
          %add3A_410 = arith.addi %add3A_405, %all_reduce_population_count3A_373 : vector<16xi32>
          %add3A_411 = arith.addi %add3A_410, %masked_cumsum3A_392 : vector<16xi32>
          %sub3A_412 = arith.constant 1 : i32
          %sub3A_413 = vector.broadcast %sub3A_412 : i32 to vector<16xi32>
          %sub3A_414 = arith.subi %add3A_411, %sub3A_413 : vector<16xi32>
          tpu.vector_store_idx %arg7[%sub3A_414], %get3A_383 masked %ge3A_384 : memref<16464xf32, #tpu.memory_space<vmem>>[vector<16xi32>], vector<16xf32>, vector<16xi1>
          %add3A_415 = arith.addi %add3A_410, %all_reduce_population_count3A_393 : vector<16xi32>
          scf.yield %add3A_415, %max3A_395 : vector<16xi32>, vector<16xf32>
        }
        %while3A_299 = arith.constant 1 : i32
        %while3A_300:2 = scf.for %while3A_315 = %while3A_296 to %while3A_292 step %while3A_299 iter_args(%while3A_316 = %while3A_298#0, %while3A_317 = %while3A_298#1) -> (vector<16xi32>, vector<16xf32>)  : i32 {
          %mul3A_318 = arith.constant 4 : i32
          %mul3A_319 = arith.muli %while3A_315, %mul3A_318 : i32
          %add3A_320 = arith.constant 0 : i32
          %add3A_321 = arith.addi %mul3A_319, %add3A_320 : i32
          %mul3A_322 = arith.constant 16 : i32
          %mul3A_323 = arith.muli %add3A_321, %mul3A_322 : i32
          %get3A_324 = arith.index_cast %mul3A_323 : i32 to index
          %get3A_325 = tpu.vector_load %arg7[%get3A_324] {strides = array<i32>} : memref<16464xf32, #tpu.memory_space<vmem>>, vector<16xf32>,
          %ge3A_326 = arith.cmpf oge, %get3A_325, %bitcast3A_169 : vector<16xf32>
          %jit3A_327 = arith.constant 1 : i32
          %jit3A_328 = arith.constant 0 : i32
          %broadcast_in_dim3A_329 = vector.broadcast %jit3A_327 : i32 to vector<16xi32>
          %broadcast_in_dim3A_330 = vector.broadcast %jit3A_328 : i32 to vector<16xi32>
          %select_n3A_331 = arith.select %ge3A_326, %broadcast_in_dim3A_329, %broadcast_in_dim3A_330 : vector<16xi1>, vector<16xi32>
          %broadcast_in_dim3A_332 = arith.constant true
          %broadcast_in_dim3A_333 = vector.broadcast %broadcast_in_dim3A_332 : i1 to vector<16xi1>
          %masked_cumsum3A = tpu.scan <sum>, %select_n3A_331 masked %broadcast_in_dim3A_333 : vector<16xi32>, vector<16xi1> -> vector<16xi32>
          %all_reduce_population_count3A = tpu.all_reduce %ge3A_326 {dim = 0 : i64, kind = #tpu.reduction_kind<sum>} : vector<16xi1> -> vector<16xi32>
          %select_n3A_334 = arith.select %ge3A_326, %get3A_325, %broadcast_in_dim3A_7 : vector<16xi1>, vector<16xf32>
          %max3A_335 = arith.maximumf %while3A_317, %select_n3A_334 : vector<16xf32>
          %mul3A_336 = arith.constant 4 : i32
          %mul3A_337 = arith.muli %while3A_315, %mul3A_336 : i32
          %add3A_338 = arith.constant 1 : i32
          %add3A_339 = arith.addi %mul3A_337, %add3A_338 : i32
          %mul3A_340 = arith.constant 16 : i32
          %mul3A_341 = arith.muli %add3A_339, %mul3A_340 : i32
          %get3A_342 = arith.index_cast %mul3A_341 : i32 to index
          %get3A_343 = tpu.vector_load %arg7[%get3A_342] {strides = array<i32>} : memref<16464xf32, #tpu.memory_space<vmem>>, vector<16xf32>,
          %ge3A_344 = arith.cmpf oge, %get3A_343, %bitcast3A_169 : vector<16xf32>
          %jit3A_345 = arith.constant 1 : i32
          %jit3A_346 = arith.constant 0 : i32
          %broadcast_in_dim3A_347 = vector.broadcast %jit3A_345 : i32 to vector<16xi32>
          %broadcast_in_dim3A_348 = vector.broadcast %jit3A_346 : i32 to vector<16xi32>
          %select_n3A_349 = arith.select %ge3A_344, %broadcast_in_dim3A_347, %broadcast_in_dim3A_348 : vector<16xi1>, vector<16xi32>
          %broadcast_in_dim3A_350 = arith.constant true
          %broadcast_in_dim3A_351 = vector.broadcast %broadcast_in_dim3A_350 : i1 to vector<16xi1>
          %masked_cumsum3A_352 = tpu.scan <sum>, %select_n3A_349 masked %broadcast_in_dim3A_351 : vector<16xi32>, vector<16xi1> -> vector<16xi32>
          %all_reduce_population_count3A_353 = tpu.all_reduce %ge3A_344 {dim = 0 : i64, kind = #tpu.reduction_kind<sum>} : vector<16xi1> -> vector<16xi32>
          %select_n3A_354 = arith.select %ge3A_344, %get3A_343, %broadcast_in_dim3A_7 : vector<16xi1>, vector<16xf32>
          %max3A_355 = arith.maximumf %max3A_335, %select_n3A_354 : vector<16xf32>
          %mul3A_356 = arith.constant 4 : i32
          %mul3A_357 = arith.muli %while3A_315, %mul3A_356 : i32
          %add3A_358 = arith.constant 2 : i32
          %add3A_359 = arith.addi %mul3A_357, %add3A_358 : i32
          %mul3A_360 = arith.constant 16 : i32
          %mul3A_361 = arith.muli %add3A_359, %mul3A_360 : i32
          %get3A_362 = arith.index_cast %mul3A_361 : i32 to index
          %get3A_363 = tpu.vector_load %arg7[%get3A_362] {strides = array<i32>} : memref<16464xf32, #tpu.memory_space<vmem>>, vector<16xf32>,
          %ge3A_364 = arith.cmpf oge, %get3A_363, %bitcast3A_169 : vector<16xf32>
          %jit3A_365 = arith.constant 1 : i32
          %jit3A_366 = arith.constant 0 : i32
          %broadcast_in_dim3A_367 = vector.broadcast %jit3A_365 : i32 to vector<16xi32>
          %broadcast_in_dim3A_368 = vector.broadcast %jit3A_366 : i32 to vector<16xi32>
          %select_n3A_369 = arith.select %ge3A_364, %broadcast_in_dim3A_367, %broadcast_in_dim3A_368 : vector<16xi1>, vector<16xi32>
          %broadcast_in_dim3A_370 = arith.constant true
          %broadcast_in_dim3A_371 = vector.broadcast %broadcast_in_dim3A_370 : i1 to vector<16xi1>
          %masked_cumsum3A_372 = tpu.scan <sum>, %select_n3A_369 masked %broadcast_in_dim3A_371 : vector<16xi32>, vector<16xi1> -> vector<16xi32>
          %all_reduce_population_count3A_373 = tpu.all_reduce %ge3A_364 {dim = 0 : i64, kind = #tpu.reduction_kind<sum>} : vector<16xi1> -> vector<16xi32>
          %select_n3A_374 = arith.select %ge3A_364, %get3A_363, %broadcast_in_dim3A_7 : vector<16xi1>, vector<16xf32>
          %max3A_375 = arith.maximumf %max3A_355, %select_n3A_374 : vector<16xf32>
          %mul3A_376 = arith.constant 4 : i32
          %mul3A_377 = arith.muli %while3A_315, %mul3A_376 : i32
          %add3A_378 = arith.constant 3 : i32
          %add3A_379 = arith.addi %mul3A_377, %add3A_378 : i32
          %mul3A_380 = arith.constant 16 : i32
          %mul3A_381 = arith.muli %add3A_379, %mul3A_380 : i32
          %get3A_382 = arith.index_cast %mul3A_381 : i32 to index
          %get3A_383 = tpu.vector_load %arg7[%get3A_382] {strides = array<i32>} : memref<16464xf32, #tpu.memory_space<vmem>>, vector<16xf32>,
          %ge3A_384 = arith.cmpf oge, %get3A_383, %bitcast3A_169 : vector<16xf32>
          %jit3A_385 = arith.constant 1 : i32
          %jit3A_386 = arith.constant 0 : i32
          %broadcast_in_dim3A_387 = vector.broadcast %jit3A_385 : i32 to vector<16xi32>
          %broadcast_in_dim3A_388 = vector.broadcast %jit3A_386 : i32 to vector<16xi32>
          %select_n3A_389 = arith.select %ge3A_384, %broadcast_in_dim3A_387, %broadcast_in_dim3A_388 : vector<16xi1>, vector<16xi32>
          %broadcast_in_dim3A_390 = arith.constant true
          %broadcast_in_dim3A_391 = vector.broadcast %broadcast_in_dim3A_390 : i1 to vector<16xi1>
          %masked_cumsum3A_392 = tpu.scan <sum>, %select_n3A_389 masked %broadcast_in_dim3A_391 : vector<16xi32>, vector<16xi1> -> vector<16xi32>
          %all_reduce_population_count3A_393 = tpu.all_reduce %ge3A_384 {dim = 0 : i64, kind = #tpu.reduction_kind<sum>} : vector<16xi1> -> vector<16xi32>
          %select_n3A_394 = arith.select %ge3A_384, %get3A_383, %broadcast_in_dim3A_7 : vector<16xi1>, vector<16xf32>
          %max3A_395 = arith.maximumf %max3A_375, %select_n3A_394 : vector<16xf32>
          %add3A_396 = arith.addi %while3A_316, %masked_cumsum3A : vector<16xi32>
          %sub3A_397 = arith.constant 1 : i32
          %sub3A_398 = vector.broadcast %sub3A_397 : i32 to vector<16xi32>
          %sub3A_399 = arith.subi %add3A_396, %sub3A_398 : vector<16xi32>
          tpu.vector_store_idx %arg7[%sub3A_399], %get3A_325 masked %ge3A_326 : memref<16464xf32, #tpu.memory_space<vmem>>[vector<16xi32>], vector<16xf32>, vector<16xi1>
          %add3A_400 = arith.addi %while3A_316, %all_reduce_population_count3A : vector<16xi32>
          %add3A_401 = arith.addi %add3A_400, %masked_cumsum3A_352 : vector<16xi32>
          %sub3A_402 = arith.constant 1 : i32
          %sub3A_403 = vector.broadcast %sub3A_402 : i32 to vector<16xi32>
          %sub3A_404 = arith.subi %add3A_401, %sub3A_403 : vector<16xi32>
          tpu.vector_store_idx %arg7[%sub3A_404], %get3A_343 masked %ge3A_344 : memref<16464xf32, #tpu.memory_space<vmem>>[vector<16xi32>], vector<16xf32>, vector<16xi1>
          %add3A_405 = arith.addi %add3A_400, %all_reduce_population_count3A_353 : vector<16xi32>
          %add3A_406 = arith.addi %add3A_405, %masked_cumsum3A_372 : vector<16xi32>
          %sub3A_407 = arith.constant 1 : i32
          %sub3A_408 = vector.broadcast %sub3A_407 : i32 to vector<16xi32>
          %sub3A_409 = arith.subi %add3A_406, %sub3A_408 : vector<16xi32>
          tpu.vector_store_idx %arg7[%sub3A_409], %get3A_363 masked %ge3A_364 : memref<16464xf32, #tpu.memory_space<vmem>>[vector<16xi32>], vector<16xf32>, vector<16xi1>
          %add3A_410 = arith.addi %add3A_405, %all_reduce_population_count3A_373 : vector<16xi32>
          %add3A_411 = arith.addi %add3A_410, %masked_cumsum3A_392 : vector<16xi32>
          %sub3A_412 = arith.constant 1 : i32
          %sub3A_413 = vector.broadcast %sub3A_412 : i32 to vector<16xi32>
          %sub3A_414 = arith.subi %add3A_411, %sub3A_413 : vector<16xi32>
          tpu.vector_store_idx %arg7[%sub3A_414], %get3A_383 masked %ge3A_384 : memref<16464xf32, #tpu.memory_space<vmem>>[vector<16xi32>], vector<16xf32>, vector<16xi1>
          %add3A_415 = arith.addi %add3A_410, %all_reduce_population_count3A_393 : vector<16xi32>
          scf.yield %add3A_415, %max3A_395 : vector<16xi32>, vector<16xf32>
        }
        %swap3A_301 = arith.constant 0 : index
        %swap3A_302 = tpu.vector_load %arg11[%swap3A_301] {strides = array<i32>} : memref<16xi32, #tpu.memory_space<vmem>>, vector<16xi32>,
        tpu.vector_store %arg11[%swap3A_301], %while3A_300#0 {strides = array<i32>} : memref<16xi32, #tpu.memory_space<vmem>>, vector<16xi32>,
        %bitcast3A_303 = vector.bitcast %while3A_300#1 : vector<16xf32> to vector<16xi32>
        %ge3A_304 = arith.constant 0 : i32
        %ge3A_305 = vector.broadcast %ge3A_304 : i32 to vector<16xi32>
        %ge3A_306 = arith.cmpi sge, %bitcast3A_303, %ge3A_305 : vector<16xi32>
        %sub3A_307 = arith.constant -2147483648 : i32
        %sub3A_308 = vector.broadcast %sub3A_307 : i32 to vector<16xi32>
        %sub3A_309 = arith.subi %sub3A_308, %bitcast3A_303 : vector<16xi32>
        %select_n3A_310 = arith.select %ge3A_306, %bitcast3A_303, %sub3A_309 : vector<16xi1>, vector<16xi32>
        %broadcast_in_dim3A_311 = vector.broadcast %while3A_157 : i32 to vector<16xi32>
        %min3A_312 = arith.minsi %broadcast_in_dim3A_311, %select_n3A_310 : vector<16xi32>
        %swap3A_313 = arith.constant 0 : index
        %swap3A_314 = tpu.vector_load %arg12[%swap3A_313] {strides = array<i32>} : memref<16xi32, #tpu.memory_space<vmem>>, vector<16xi32>,
        tpu.vector_store %arg12[%swap3A_313], %min3A_312 {strides = array<i32>} : memref<16xi32, #tpu.memory_space<vmem>>, vector<16xi32>,
      } else {
      }
      %get3A_189 = arith.constant 0 : index
      %get3A_190 = tpu.vector_load %arg11[%get3A_189] {strides = array<i32>} : memref<16xi32, #tpu.memory_space<vmem>>, vector<16xi32>,
      %reduce_max3A_191 = arith.constant true
      %reduce_max3A_192 = vector.broadcast %reduce_max3A_191 : i1 to vector<16xi1>
      %reduce_max3A_193 = arith.constant -2147483648 : i32
      %reduce_max3A_194 = vector.broadcast %reduce_max3A_193 : i32 to vector<16xi32>
      %reduce_max3A_195 = arith.xori %get3A_190, %reduce_max3A_194 : vector<16xi32>
      %reduce_max3A_196 = tpu.scan <max>, %reduce_max3A_195 masked %reduce_max3A_192 : vector<16xi32>, vector<16xi1> -> vector<16xi32>
      %reduce_max3A_197 = arith.xori %reduce_max3A_196, %reduce_max3A_194 : vector<16xi32>
      %reduce_max3A_198 = vector.extract %reduce_max3A_197[15] : i32 from vector<16xi32>
      %not3A_199 = arith.constant true
      %not3A_200 = arith.xori %le3A_184, %not3A_199 : i1
      %ge3A_201 = arith.constant 512 : i32
      %ge3A_202 = arith.cmpi sge, %reduce_max3A_198, %ge3A_201 : i32
      %or3A = arith.ori %not3A_200, %ge3A_202 : i1
      %ge3A_203 = arith.constant 512 : i32
      %ge3A_204 = arith.cmpi sge, %reduce_max3A_198, %ge3A_203 : i32
      %and3A_205 = arith.andi %le3A_184, %ge3A_204 : i1
      %select_n3A_206 = arith.select %or3A, %while3A_158, %while3A_156 : i32
      %sub3A_207 = arith.constant 1 : i32
      %sub3A_208 = arith.subi %while3A_158, %sub3A_207 : i32
      %select_n3A_209 = arith.select %or3A, %while3A_157, %sub3A_208 : i32
      %shift_right_arithmetic3A = arith.constant 1 : i32
      %shift_right_arithmetic3A_210 = arith.shrsi %select_n3A_206, %shift_right_arithmetic3A : i32
      %shift_right_arithmetic3A_211 = arith.constant 1 : i32
      %shift_right_arithmetic3A_212 = arith.shrsi %select_n3A_209, %shift_right_arithmetic3A_211 : i32
      %add3A_213 = arith.addi %shift_right_arithmetic3A_210, %shift_right_arithmetic3A_212 : i32
      %and3A_214 = arith.andi %select_n3A_206, %select_n3A_209 : i32
      %and3A_215 = arith.constant 1 : i32
      %and3A_216 = arith.andi %and3A_214, %and3A_215 : i32
      %add3A_217 = arith.addi %add3A_213, %and3A_216 : i32
      %xor3A = arith.xori %select_n3A_206, %select_n3A_209 : i32
      %and3A_218 = arith.constant 1 : i32
      %and3A_219 = arith.andi %xor3A, %and3A_218 : i32
      %add3A_220 = arith.addi %add3A_217, %and3A_219 : i32
      %select_n3A_221 = arith.select %and3A_205, %while3A_158, %add3A_220 : i32
      %add3A_222 = arith.constant 1 : i32
      %add3A_223 = arith.addi %while3A_159, %add3A_222 : i32
      scf.yield %select_n3A_206, %select_n3A_209, %select_n3A_221, %add3A_223, %and3A_205 : i32, i32, i32, i32, i1
    }
    %not3A = arith.constant true
    %not3A_19 = arith.xori %while3A_18#4, %not3A : i1
    %convert_element_type3A = arith.extui %not3A_19 : i1 to i32
    %cond3A = arith.constant 0 : i32
    %cond3A_20 = arith.cmpi ne, %convert_element_type3A, %cond3A : i32
    scf.if %cond3A_20 {
      %broadcast_in_dim3A_156 = vector.broadcast %while3A_18#0 : i32 to vector<16xi32>
      %ge3A_157 = arith.constant 0 : i32
      %ge3A_158 = vector.broadcast %ge3A_157 : i32 to vector<16xi32>
      %ge3A_159 = arith.cmpi sge, %broadcast_in_dim3A_156, %ge3A_158 : vector<16xi32>
      %sub3A_160 = arith.constant -2147483648 : i32
      %sub3A_161 = vector.broadcast %sub3A_160 : i32 to vector<16xi32>
      %sub3A_162 = arith.subi %sub3A_161, %broadcast_in_dim3A_156 : vector<16xi32>
      %select_n3A_163 = arith.select %ge3A_159, %broadcast_in_dim3A_156, %sub3A_162 : vector<16xi1>, vector<16xi32>
      %bitcast3A_164 = vector.bitcast %select_n3A_163 : vector<16xi32> to vector<16xf32>
      %scan3A_165 = arith.constant 0 : i32
      %scan3A_166 = arith.constant 6250 : i32
      %scan3A_167 = arith.addi %scan3A_165, %scan3A_166 : i32
      %scan3A_168 = arith.constant 1 : i32
      %scan3A_169 = scf.for %scan3A_175 = %scan3A_165 to %scan3A_167 step %scan3A_168 iter_args(%scan3A_176 = %broadcast_in_dim3A_5) -> (vector<16xi32>)  : i32 {
        %mul3A_177 = arith.constant 16 : i32
        %mul3A_178 = arith.muli %scan3A_175, %mul3A_177 : i32
        %get3A_179 = arith.index_cast %mul3A_178 : i32 to index
        %get3A_180 = tpu.vector_load %arg6[%get3A_179] {strides = array<i32>} : memref<100000xf32, #tpu.memory_space<vmem>>, vector<16xf32>,
        %gt3A_181 = arith.cmpf ogt, %get3A_180, %bitcast3A_164 : vector<16xf32>
        %jit3A_182 = arith.constant 1 : i32
        %jit3A_183 = arith.constant 0 : i32
        %broadcast_in_dim3A_184 = vector.broadcast %jit3A_182 : i32 to vector<16xi32>
        %broadcast_in_dim3A_185 = vector.broadcast %jit3A_183 : i32 to vector<16xi32>
        %select_n3A_186 = arith.select %gt3A_181, %broadcast_in_dim3A_184, %broadcast_in_dim3A_185 : vector<16xi1>, vector<16xi32>
        %broadcast_in_dim3A_187 = arith.constant true
        %broadcast_in_dim3A_188 = vector.broadcast %broadcast_in_dim3A_187 : i1 to vector<16xi1>
        %masked_cumsum3A = tpu.scan <sum>, %select_n3A_186 masked %broadcast_in_dim3A_188 : vector<16xi32>, vector<16xi1> -> vector<16xi32>
        %add3A_189 = arith.addi %scan3A_176, %masked_cumsum3A : vector<16xi32>
        %sub3A_190 = arith.constant 1 : i32
        %sub3A_191 = vector.broadcast %sub3A_190 : i32 to vector<16xi32>
        %sub3A_192 = arith.subi %add3A_189, %sub3A_191 : vector<16xi32>
        %min3A_193 = arith.constant 16399 : i32
        %min3A_194 = vector.broadcast %min3A_193 : i32 to vector<16xi32>
        %min3A_195 = arith.minsi %sub3A_192, %min3A_194 : vector<16xi32>
        tpu.vector_store_idx %arg7[%min3A_195], %get3A_180 masked %gt3A_181 : memref<16464xf32, #tpu.memory_space<vmem>>[vector<16xi32>], vector<16xf32>, vector<16xi1>
        %all_reduce_population_count3A = tpu.all_reduce %gt3A_181 {dim = 0 : i64, kind = #tpu.reduction_kind<sum>} : vector<16xi1> -> vector<16xi32>
        %add3A_196 = arith.addi %scan3A_176, %all_reduce_population_count3A : vector<16xi32>
        scf.yield %add3A_196 : vector<16xi32>
      }
      %scan3A_170 = arith.constant 6250 : i32
      %swap3A = arith.constant 0 : index
      %swap3A_171 = tpu.vector_load %arg11[%swap3A] {strides = array<i32>} : memref<16xi32, #tpu.memory_space<vmem>>, vector<16xi32>,
      tpu.vector_store %arg11[%swap3A], %scan3A_169 {strides = array<i32>} : memref<16xi32, #tpu.memory_space<vmem>>, vector<16xi32>,
      %broadcast_in_dim3A_172 = vector.broadcast %while3A_18#0 : i32 to vector<16xi32>
      %swap3A_173 = arith.constant 0 : index
      %swap3A_174 = tpu.vector_load %arg12[%swap3A_173] {strides = array<i32>} : memref<16xi32, #tpu.memory_space<vmem>>, vector<16xi32>,
      tpu.vector_store %arg12[%swap3A_173], %broadcast_in_dim3A_172 {strides = array<i32>} : memref<16xi32, #tpu.memory_space<vmem>>, vector<16xi32>,
    } else {
    }
    %cond3A_21 = arith.constant 1 : i32
    %add3A_22 = arith.constant 1 : i32
    %add3A_23 = arith.addi %mul3A_2, %add3A_22 : i32
    %dma_start3A = arith.constant 0 : i32
    %dma_start3A_24 = tpu.memref_slice %arg2[%add3A_23, %dma_start3A] : memref<1024x100000xf32, #tpu.memory_space<hbm>> -> memref<1x100000xf32, #tpu.memory_space<hbm>>
    %dma_start3A_25 = tpu.memref_squeeze %dma_start3A_24 : memref<1x100000xf32, #tpu.memory_space<hbm>> -> memref<100000xf32, #tpu.memory_space<hbm>>
    %dma_start3A_26 = arith.constant 0 : i32
    %dma_start3A_27 = tpu.memref_slice %arg2[%add3A_23, %dma_start3A_26] : memref<1024x100000xf32, #tpu.memory_space<hbm>> -> memref<1x100000xf32, #tpu.memory_space<hbm>>
    %dma_start3A_28 = tpu.memref_squeeze %dma_start3A_27 : memref<1x100000xf32, #tpu.memory_space<hbm>> -> memref<100000xf32, #tpu.memory_space<hbm>>
    tpu.enqueue_dma source(%dma_start3A_28 : memref<100000xf32, #tpu.memory_space<hbm>>) target(%arg6 : memref<100000xf32, #tpu.memory_space<vmem>>) target_semaphore(%arg13 : memref<!tpu.dma_semaphore, #tpu.memory_space<semaphore_mem>>)
    %get3A = arith.constant 0 : index
    %get3A_29 = tpu.vector_load %arg11[%get3A] {strides = array<i32>} : memref<16xi32, #tpu.memory_space<vmem>>, vector<16xi32>,
    %reduce_max3A = arith.constant true
    %reduce_max3A_30 = vector.broadcast %reduce_max3A : i1 to vector<16xi1>
    %reduce_max3A_31 = arith.constant -2147483648 : i32
    %reduce_max3A_32 = vector.broadcast %reduce_max3A_31 : i32 to vector<16xi32>
    %reduce_max3A_33 = arith.xori %get3A_29, %reduce_max3A_32 : vector<16xi32>
    %reduce_max3A_34 = tpu.scan <max>, %reduce_max3A_33 masked %reduce_max3A_30 : vector<16xi32>, vector<16xi1> -> vector<16xi32>
    %reduce_max3A_35 = arith.xori %reduce_max3A_34, %reduce_max3A_32 : vector<16xi32>
    %reduce_max3A_36 = vector.extract %reduce_max3A_35[15] : i32 from vector<16xi32>
    %get3A_37 = arith.constant 0 : index
    %get3A_38 = tpu.vector_load %arg12[%get3A_37] {strides = array<i32>} : memref<16xi32, #tpu.memory_space<vmem>>, vector<16xi32>,
    %reduce_max3A_39 = arith.constant true
    %reduce_max3A_40 = vector.broadcast %reduce_max3A_39 : i1 to vector<16xi1>
    %reduce_max3A_41 = arith.constant -2147483648 : i32
    %reduce_max3A_42 = vector.broadcast %reduce_max3A_41 : i32 to vector<16xi32>
    %reduce_max3A_43 = arith.xori %get3A_38, %reduce_max3A_42 : vector<16xi32>
    %reduce_max3A_44 = tpu.scan <max>, %reduce_max3A_43 masked %reduce_max3A_40 : vector<16xi32>, vector<16xi1> -> vector<16xi32>
    %reduce_max3A_45 = arith.xori %reduce_max3A_44, %reduce_max3A_42 : vector<16xi32>
    %reduce_max3A_46 = vector.extract %reduce_max3A_45[15] : i32 from vector<16xi32>
    %select_n3A = arith.select %while3A_18#4, %while3A_18#2, %while3A_18#0 : i32
    %add3A_47 = arith.constant 0 : i32
    %add3A_48 = arith.addi %reduce_max3A_36, %add3A_47 : i32
    %broadcast_in_dim3A_49 = vector.broadcast %add3A_48 : i32 to vector<16xi32>
    %add3A_50 = arith.addi %broadcast_in_dim3A_49, %iota3A : vector<16xi32>
    tpu.vector_store_idx %arg7[%add3A_50], %broadcast_in_dim3A_7 : memref<16464xf32, #tpu.memory_space<vmem>>[vector<16xi32>], vector<16xf32>,
    %add3A_51 = arith.constant 16 : i32
    %add3A_52 = arith.addi %reduce_max3A_36, %add3A_51 : i32
    %broadcast_in_dim3A_53 = vector.broadcast %add3A_52 : i32 to vector<16xi32>
    %add3A_54 = arith.addi %broadcast_in_dim3A_53, %iota3A : vector<16xi32>
    tpu.vector_store_idx %arg7[%add3A_54], %broadcast_in_dim3A_7 : memref<16464xf32, #tpu.memory_space<vmem>>[vector<16xi32>], vector<16xf32>,
    %add3A_55 = arith.constant 32 : i32
    %add3A_56 = arith.addi %reduce_max3A_36, %add3A_55 : i32
    %broadcast_in_dim3A_57 = vector.broadcast %add3A_56 : i32 to vector<16xi32>
    %add3A_58 = arith.addi %broadcast_in_dim3A_57, %iota3A : vector<16xi32>
    tpu.vector_store_idx %arg7[%add3A_58], %broadcast_in_dim3A_7 : memref<16464xf32, #tpu.memory_space<vmem>>[vector<16xi32>], vector<16xf32>,
    %add3A_59 = arith.constant 48 : i32
    %add3A_60 = arith.addi %reduce_max3A_36, %add3A_59 : i32
    %broadcast_in_dim3A_61 = vector.broadcast %add3A_60 : i32 to vector<16xi32>
    %add3A_62 = arith.addi %broadcast_in_dim3A_61, %iota3A : vector<16xi32>
    tpu.vector_store_idx %arg7[%add3A_62], %broadcast_in_dim3A_7 : memref<16464xf32, #tpu.memory_space<vmem>>[vector<16xi32>], vector<16xf32>,
    %add3A_63 = arith.constant 63 : i32
    %add3A_64 = arith.addi %reduce_max3A_36, %add3A_63 : i32
    %jit3A_65 = arith.constant 64 : i32
    %div3A = arith.divsi %add3A_64, %jit3A_65 : i32
    %sign3A = arith.constant 0 : i32
    %sign3A_66 = arith.cmpi sgt, %add3A_64, %sign3A : i32
    %sign3A_67 = arith.extui %sign3A_66 : i1 to i32
    %sign3A_68 = arith.constant 0 : i32
    %sign3A_69 = arith.cmpi slt, %add3A_64, %sign3A_68 : i32
    %sign3A_70 = arith.extui %sign3A_69 : i1 to i32
    %sign3A_71 = arith.subi %sign3A_67, %sign3A_70 : i32
    %sign3A_72 = arith.constant 0 : i32
    %sign3A_73 = arith.cmpi sgt, %jit3A_65, %sign3A_72 : i32
    %sign3A_74 = arith.extui %sign3A_73 : i1 to i32
    %sign3A_75 = arith.constant 0 : i32
    %sign3A_76 = arith.cmpi slt, %jit3A_65, %sign3A_75 : i32
    %sign3A_77 = arith.extui %sign3A_76 : i1 to i32
    %sign3A_78 = arith.subi %sign3A_74, %sign3A_77 : i32
    %ne3A = arith.cmpi ne, %sign3A_71, %sign3A_78 : i32
    %rem3A = arith.remsi %add3A_64, %jit3A_65 : i32
    %ne3A_79 = arith.constant 0 : i32
    %ne3A_80 = arith.cmpi ne, %rem3A, %ne3A_79 : i32
    %and3A = arith.andi %ne3A, %ne3A_80 : i1
    %sub3A = arith.constant 1 : i32
    %sub3A_81 = arith.subi %div3A, %sub3A : i32
    %select_n3A_82 = arith.select %and3A, %sub3A_81, %div3A : i32
    %add3A_83 = arith.constant 15 : i32
    %add3A_84 = arith.addi %reduce_max3A_36, %add3A_83 : i32
    %jit3A_85 = arith.constant 16 : i32
    %div3A_86 = arith.divsi %add3A_84, %jit3A_85 : i32
    %sign3A_87 = arith.constant 0 : i32
    %sign3A_88 = arith.cmpi sgt, %add3A_84, %sign3A_87 : i32
    %sign3A_89 = arith.extui %sign3A_88 : i1 to i32
    %sign3A_90 = arith.constant 0 : i32
    %sign3A_91 = arith.cmpi slt, %add3A_84, %sign3A_90 : i32
    %sign3A_92 = arith.extui %sign3A_91 : i1 to i32
    %sign3A_93 = arith.subi %sign3A_89, %sign3A_92 : i32
    %sign3A_94 = arith.constant 0 : i32
    %sign3A_95 = arith.cmpi sgt, %jit3A_85, %sign3A_94 : i32
    %sign3A_96 = arith.extui %sign3A_95 : i1 to i32
    %sign3A_97 = arith.constant 0 : i32
    %sign3A_98 = arith.cmpi slt, %jit3A_85, %sign3A_97 : i32
    %sign3A_99 = arith.extui %sign3A_98 : i1 to i32
    %sign3A_100 = arith.subi %sign3A_96, %sign3A_99 : i32
    %ne3A_101 = arith.cmpi ne, %sign3A_93, %sign3A_100 : i32
    %rem3A_102 = arith.remsi %add3A_84, %jit3A_85 : i32
    %ne3A_103 = arith.constant 0 : i32
    %ne3A_104 = arith.cmpi ne, %rem3A_102, %ne3A_103 : i32
    %and3A_105 = arith.andi %ne3A_101, %ne3A_104 : i1
    %sub3A_106 = arith.constant 1 : i32
    %sub3A_107 = arith.subi %div3A_86, %sub3A_106 : i32
    %select_n3A_108 = arith.select %and3A_105, %sub3A_107, %div3A_86 : i32
    %while3A_109:2 = scf.while (%while3A_156 = %select_n3A, %while3A_157 = %reduce_max3A_46) : (i32, i32) -> (i32, i32) {
      %lt3A = arith.cmpi slt, %while3A_156, %while3A_157 : i32
      scf.condition(%lt3A) %while3A_156, %while3A_157 : i32, i32
    } do {
    ^bb0(%while3A_156: i32, %while3A_157: i32):
      %shift_right_arithmetic3A = arith.constant 1 : i32
      %shift_right_arithmetic3A_158 = arith.shrsi %while3A_156, %shift_right_arithmetic3A : i32
      %shift_right_arithmetic3A_159 = arith.constant 1 : i32
      %shift_right_arithmetic3A_160 = arith.shrsi %while3A_157, %shift_right_arithmetic3A_159 : i32
      %add3A_161 = arith.addi %shift_right_arithmetic3A_158, %shift_right_arithmetic3A_160 : i32
      %and3A_162 = arith.andi %while3A_156, %while3A_157 : i32
      %and3A_163 = arith.constant 1 : i32
      %and3A_164 = arith.andi %and3A_162, %and3A_163 : i32
      %add3A_165 = arith.addi %add3A_161, %and3A_164 : i32
      %xor3A = arith.xori %while3A_156, %while3A_157 : i32
      %and3A_166 = arith.constant 1 : i32
      %and3A_167 = arith.andi %xor3A, %and3A_166 : i32
      %add3A_168 = arith.addi %add3A_165, %and3A_167 : i32
      %broadcast_in_dim3A_169 = vector.broadcast %add3A_168 : i32 to vector<16xi32>
      %ge3A_170 = arith.constant 0 : i32
      %ge3A_171 = vector.broadcast %ge3A_170 : i32 to vector<16xi32>
      %ge3A_172 = arith.cmpi sge, %broadcast_in_dim3A_169, %ge3A_171 : vector<16xi32>
      %sub3A_173 = arith.constant -2147483648 : i32
      %sub3A_174 = vector.broadcast %sub3A_173 : i32 to vector<16xi32>
      %sub3A_175 = arith.subi %sub3A_174, %broadcast_in_dim3A_169 : vector<16xi32>
      %select_n3A_176 = arith.select %ge3A_172, %broadcast_in_dim3A_169, %sub3A_175 : vector<16xi1>, vector<16xi32>
      %bitcast3A_177 = vector.bitcast %select_n3A_176 : vector<16xi32> to vector<16xf32>
      %while3A_178 = arith.constant 0 : i32
      %while3A_179 = arith.subi %select_n3A_82, %while3A_178 : i32
      %while3A_180 = arith.addi %while3A_178, %while3A_179 : i32
      %while3A_181 = arith.constant 1 : i32
      %while3A_182 = arith.divsi %while3A_179, %while3A_181 : i32
      %while3A_183 = arith.muli %while3A_182, %while3A_181 : i32
      %while3A_184 = arith.addi %while3A_178, %while3A_183 : i32
      %while3A_185 = arith.constant 1 : i32
      %while3A_186 = scf.for %while3A_205 = %while3A_178 to %while3A_184 step %while3A_185 iter_args(%while3A_206 = %broadcast_in_dim3A_5) -> (vector<16xi32>)  : i32 {
        %mul3A_207 = arith.constant 4 : i32
        %mul3A_208 = arith.muli %while3A_205, %mul3A_207 : i32
        %add3A_209 = arith.constant 0 : i32
        %add3A_210 = arith.addi %mul3A_208, %add3A_209 : i32
        %mul3A_211 = arith.constant 16 : i32
        %mul3A_212 = arith.muli %add3A_210, %mul3A_211 : i32
        %get3A_213 = arith.index_cast %mul3A_212 : i32 to index
        %get3A_214 = tpu.vector_load %arg7[%get3A_213] {strides = array<i32>} : memref<16464xf32, #tpu.memory_space<vmem>>, vector<16xf32>,
        %ge3A_215 = arith.cmpf oge, %get3A_214, %bitcast3A_177 : vector<16xf32>
        %all_reduce_population_count3A = tpu.all_reduce %ge3A_215 {dim = 0 : i64, kind = #tpu.reduction_kind<sum>} : vector<16xi1> -> vector<16xi32>
        %mul3A_216 = arith.constant 4 : i32
        %mul3A_217 = arith.muli %while3A_205, %mul3A_216 : i32
        %add3A_218 = arith.constant 1 : i32
        %add3A_219 = arith.addi %mul3A_217, %add3A_218 : i32
        %mul3A_220 = arith.constant 16 : i32
        %mul3A_221 = arith.muli %add3A_219, %mul3A_220 : i32
        %get3A_222 = arith.index_cast %mul3A_221 : i32 to index
        %get3A_223 = tpu.vector_load %arg7[%get3A_222] {strides = array<i32>} : memref<16464xf32, #tpu.memory_space<vmem>>, vector<16xf32>,
        %ge3A_224 = arith.cmpf oge, %get3A_223, %bitcast3A_177 : vector<16xf32>
        %all_reduce_population_count3A_225 = tpu.all_reduce %ge3A_224 {dim = 0 : i64, kind = #tpu.reduction_kind<sum>} : vector<16xi1> -> vector<16xi32>
        %mul3A_226 = arith.constant 4 : i32
        %mul3A_227 = arith.muli %while3A_205, %mul3A_226 : i32
        %add3A_228 = arith.constant 2 : i32
        %add3A_229 = arith.addi %mul3A_227, %add3A_228 : i32
        %mul3A_230 = arith.constant 16 : i32
        %mul3A_231 = arith.muli %add3A_229, %mul3A_230 : i32
        %get3A_232 = arith.index_cast %mul3A_231 : i32 to index
        %get3A_233 = tpu.vector_load %arg7[%get3A_232] {strides = array<i32>} : memref<16464xf32, #tpu.memory_space<vmem>>, vector<16xf32>,
        %ge3A_234 = arith.cmpf oge, %get3A_233, %bitcast3A_177 : vector<16xf32>
        %all_reduce_population_count3A_235 = tpu.all_reduce %ge3A_234 {dim = 0 : i64, kind = #tpu.reduction_kind<sum>} : vector<16xi1> -> vector<16xi32>
        %mul3A_236 = arith.constant 4 : i32
        %mul3A_237 = arith.muli %while3A_205, %mul3A_236 : i32
        %add3A_238 = arith.constant 3 : i32
        %add3A_239 = arith.addi %mul3A_237, %add3A_238 : i32
        %mul3A_240 = arith.constant 16 : i32
        %mul3A_241 = arith.muli %add3A_239, %mul3A_240 : i32
        %get3A_242 = arith.index_cast %mul3A_241 : i32 to index
        %get3A_243 = tpu.vector_load %arg7[%get3A_242] {strides = array<i32>} : memref<16464xf32, #tpu.memory_space<vmem>>, vector<16xf32>,
        %ge3A_244 = arith.cmpf oge, %get3A_243, %bitcast3A_177 : vector<16xf32>
        %all_reduce_population_count3A_245 = tpu.all_reduce %ge3A_244 {dim = 0 : i64, kind = #tpu.reduction_kind<sum>} : vector<16xi1> -> vector<16xi32>
        %add3A_246 = arith.addi %all_reduce_population_count3A, %all_reduce_population_count3A_225 : vector<16xi32>
        %add3A_247 = arith.addi %all_reduce_population_count3A_235, %all_reduce_population_count3A_245 : vector<16xi32>
        %add3A_248 = arith.addi %add3A_246, %add3A_247 : vector<16xi32>
        %add3A_249 = arith.addi %while3A_206, %add3A_248 : vector<16xi32>
        scf.yield %add3A_249 : vector<16xi32>
      }
      %while3A_187 = arith.constant 1 : i32
      %while3A_188 = scf.for %while3A_205 = %while3A_184 to %while3A_180 step %while3A_187 iter_args(%while3A_206 = %while3A_186) -> (vector<16xi32>)  : i32 {
        %mul3A_207 = arith.constant 4 : i32
        %mul3A_208 = arith.muli %while3A_205, %mul3A_207 : i32
        %add3A_209 = arith.constant 0 : i32
        %add3A_210 = arith.addi %mul3A_208, %add3A_209 : i32
        %mul3A_211 = arith.constant 16 : i32
        %mul3A_212 = arith.muli %add3A_210, %mul3A_211 : i32
        %get3A_213 = arith.index_cast %mul3A_212 : i32 to index
        %get3A_214 = tpu.vector_load %arg7[%get3A_213] {strides = array<i32>} : memref<16464xf32, #tpu.memory_space<vmem>>, vector<16xf32>,
        %ge3A_215 = arith.cmpf oge, %get3A_214, %bitcast3A_177 : vector<16xf32>
        %all_reduce_population_count3A = tpu.all_reduce %ge3A_215 {dim = 0 : i64, kind = #tpu.reduction_kind<sum>} : vector<16xi1> -> vector<16xi32>
        %mul3A_216 = arith.constant 4 : i32
        %mul3A_217 = arith.muli %while3A_205, %mul3A_216 : i32
        %add3A_218 = arith.constant 1 : i32
        %add3A_219 = arith.addi %mul3A_217, %add3A_218 : i32
        %mul3A_220 = arith.constant 16 : i32
        %mul3A_221 = arith.muli %add3A_219, %mul3A_220 : i32
        %get3A_222 = arith.index_cast %mul3A_221 : i32 to index
        %get3A_223 = tpu.vector_load %arg7[%get3A_222] {strides = array<i32>} : memref<16464xf32, #tpu.memory_space<vmem>>, vector<16xf32>,
        %ge3A_224 = arith.cmpf oge, %get3A_223, %bitcast3A_177 : vector<16xf32>
        %all_reduce_population_count3A_225 = tpu.all_reduce %ge3A_224 {dim = 0 : i64, kind = #tpu.reduction_kind<sum>} : vector<16xi1> -> vector<16xi32>
        %mul3A_226 = arith.constant 4 : i32
        %mul3A_227 = arith.muli %while3A_205, %mul3A_226 : i32
        %add3A_228 = arith.constant 2 : i32
        %add3A_229 = arith.addi %mul3A_227, %add3A_228 : i32
        %mul3A_230 = arith.constant 16 : i32
        %mul3A_231 = arith.muli %add3A_229, %mul3A_230 : i32
        %get3A_232 = arith.index_cast %mul3A_231 : i32 to index
        %get3A_233 = tpu.vector_load %arg7[%get3A_232] {strides = array<i32>} : memref<16464xf32, #tpu.memory_space<vmem>>, vector<16xf32>,
        %ge3A_234 = arith.cmpf oge, %get3A_233, %bitcast3A_177 : vector<16xf32>
        %all_reduce_population_count3A_235 = tpu.all_reduce %ge3A_234 {dim = 0 : i64, kind = #tpu.reduction_kind<sum>} : vector<16xi1> -> vector<16xi32>
        %mul3A_236 = arith.constant 4 : i32
        %mul3A_237 = arith.muli %while3A_205, %mul3A_236 : i32
        %add3A_238 = arith.constant 3 : i32
        %add3A_239 = arith.addi %mul3A_237, %add3A_238 : i32
        %mul3A_240 = arith.constant 16 : i32
        %mul3A_241 = arith.muli %add3A_239, %mul3A_240 : i32
        %get3A_242 = arith.index_cast %mul3A_241 : i32 to index
        %get3A_243 = tpu.vector_load %arg7[%get3A_242] {strides = array<i32>} : memref<16464xf32, #tpu.memory_space<vmem>>, vector<16xf32>,
        %ge3A_244 = arith.cmpf oge, %get3A_243, %bitcast3A_177 : vector<16xf32>
        %all_reduce_population_count3A_245 = tpu.all_reduce %ge3A_244 {dim = 0 : i64, kind = #tpu.reduction_kind<sum>} : vector<16xi1> -> vector<16xi32>
        %add3A_246 = arith.addi %all_reduce_population_count3A, %all_reduce_population_count3A_225 : vector<16xi32>
        %add3A_247 = arith.addi %all_reduce_population_count3A_235, %all_reduce_population_count3A_245 : vector<16xi32>
        %add3A_248 = arith.addi %add3A_246, %add3A_247 : vector<16xi32>
        %add3A_249 = arith.addi %while3A_206, %add3A_248 : vector<16xi32>
        scf.yield %add3A_249 : vector<16xi32>
      }
      %reduce_max3A_189 = arith.constant true
      %reduce_max3A_190 = vector.broadcast %reduce_max3A_189 : i1 to vector<16xi1>
      %reduce_max3A_191 = arith.constant -2147483648 : i32
      %reduce_max3A_192 = vector.broadcast %reduce_max3A_191 : i32 to vector<16xi32>
      %reduce_max3A_193 = arith.xori %while3A_188, %reduce_max3A_192 : vector<16xi32>
      %reduce_max3A_194 = tpu.scan <max>, %reduce_max3A_193 masked %reduce_max3A_190 : vector<16xi32>, vector<16xi1> -> vector<16xi32>
      %reduce_max3A_195 = arith.xori %reduce_max3A_194, %reduce_max3A_192 : vector<16xi32>
      %reduce_max3A_196 = vector.extract %reduce_max3A_195[15] : i32 from vector<16xi32>
      %ge3A_197 = arith.constant 512 : i32
      %ge3A_198 = arith.cmpi sge, %reduce_max3A_196, %ge3A_197 : i32
      %select_n3A_199 = arith.select %ge3A_198, %add3A_168, %while3A_156 : i32
      %ge3A_200 = arith.constant 512 : i32
      %ge3A_201 = arith.cmpi sge, %reduce_max3A_196, %ge3A_200 : i32
      %sub3A_202 = arith.constant 1 : i32
      %sub3A_203 = arith.subi %add3A_168, %sub3A_202 : i32
      %select_n3A_204 = arith.select %ge3A_201, %while3A_157, %sub3A_203 : i32
      scf.yield %select_n3A_199, %select_n3A_204 : i32, i32
    }
    %gt3A = arith.cmpi sgt, %mul3A_2, %mul3A_2 : i32
    %convert_element_type3A_110 = arith.extui %gt3A : i1 to i32
    %cond3A_111 = arith.constant 0 : i32
    %cond3A_112 = arith.cmpi ne, %convert_element_type3A_110, %cond3A_111 : i32
    scf.if %cond3A_112 {
      %dma_wait3A_156 = arith.constant 0 : i32
      %dma_wait3A_157 = tpu.memref_slice %arg4[%mul3A_2, %dma_wait3A_156] : memref<1024x512xf32, #tpu.memory_space<hbm>> -> memref<1x512xf32, #tpu.memory_space<hbm>>
      %dma_wait3A_158 = tpu.memref_squeeze %dma_wait3A_157 : memref<1x512xf32, #tpu.memory_space<hbm>> -> memref<512xf32, #tpu.memory_space<hbm>>
      %dma_wait3A_159 = arith.constant 0 : i32
      %dma_wait3A_160 = tpu.memref_slice %arg4[%mul3A_2, %dma_wait3A_159] : memref<1024x512xf32, #tpu.memory_space<hbm>> -> memref<1x512xf32, #tpu.memory_space<hbm>>
      %dma_wait3A_161 = tpu.memref_squeeze %dma_wait3A_160 : memref<1x512xf32, #tpu.memory_space<hbm>> -> memref<512xf32, #tpu.memory_space<hbm>>
      tpu.wait_dma2 semaphore(%arg14 : memref<!tpu.dma_semaphore, #tpu.memory_space<semaphore_mem>>) src(%arg8 : memref<512xf32, #tpu.memory_space<vmem>>) dst(%dma_wait3A_161 : memref<512xf32, #tpu.memory_space<hbm>>)
    } else {
    }
    %broadcast_in_dim3A_113 = vector.broadcast %while3A_109#0 : i32 to vector<16xi32>
    %ge3A = arith.constant 0 : i32
    %ge3A_114 = vector.broadcast %ge3A : i32 to vector<16xi32>
    %ge3A_115 = arith.cmpi sge, %broadcast_in_dim3A_113, %ge3A_114 : vector<16xi32>
    %sub3A_116 = arith.constant -2147483648 : i32
    %sub3A_117 = vector.broadcast %sub3A_116 : i32 to vector<16xi32>
    %sub3A_118 = arith.subi %sub3A_117, %broadcast_in_dim3A_113 : vector<16xi32>
    %select_n3A_119 = arith.select %ge3A_115, %broadcast_in_dim3A_113, %sub3A_118 : vector<16xi1>, vector<16xi32>
    %bitcast3A = vector.bitcast %select_n3A_119 : vector<16xi32> to vector<16xf32>
    %scan3A = arith.constant 0 : i32
    %scan3A_120 = arith.constant 0 : i32
    %scan3A_121 = arith.constant 32 : i32
    %scan3A_122 = arith.addi %scan3A_120, %scan3A_121 : i32
    %scan3A_123 = arith.constant 1 : i32
    %scan3A_124 = scf.for %scan3A_156 = %scan3A_120 to %scan3A_122 step %scan3A_123 iter_args(%scan3A_157 = %scan3A) -> (i32)  : i32 {
      %mul3A_158 = arith.constant 16 : i32
      %mul3A_159 = arith.muli %scan3A_156, %mul3A_158 : i32
      %swap3A = arith.index_cast %mul3A_159 : i32 to index
      %swap3A_160 = tpu.vector_load %arg8[%swap3A] {strides = array<i32>} : memref<512xf32, #tpu.memory_space<vmem>>, vector<16xf32>,
      tpu.vector_store %arg8[%swap3A], %bitcast3A {strides = array<i32>} : memref<512xf32, #tpu.memory_space<vmem>>, vector<16xf32>,
      %scan3A_161 = arith.constant 0 : i32
      scf.yield %scan3A_161 : i32
    }
    %scan3A_125 = arith.constant 32 : i32
    %while3A_126 = arith.constant 0 : i32
    %while3A_127 = arith.subi %select_n3A_108, %while3A_126 : i32
    %while3A_128 = arith.addi %while3A_126, %while3A_127 : i32
    %while3A_129 = arith.constant 1 : i32
    %while3A_130 = arith.divsi %while3A_127, %while3A_129 : i32
    %while3A_131 = arith.muli %while3A_130, %while3A_129 : i32
    %while3A_132 = arith.addi %while3A_126, %while3A_131 : i32
    %while3A_133 = arith.constant 1 : i32
    %while3A_134 = scf.for %while3A_156 = %while3A_126 to %while3A_132 step %while3A_133 iter_args(%while3A_157 = %broadcast_in_dim3A_5) -> (vector<16xi32>)  : i32 {
      %mul3A_158 = arith.constant 16 : i32
      %mul3A_159 = arith.muli %while3A_156, %mul3A_158 : i32
      %get3A_160 = arith.index_cast %mul3A_159 : i32 to index
      %get3A_161 = tpu.vector_load %arg7[%get3A_160] {strides = array<i32>} : memref<16464xf32, #tpu.memory_space<vmem>>, vector<16xf32>,
      %gt3A_162 = arith.cmpf ogt, %get3A_161, %bitcast3A : vector<16xf32>
      %jit3A_163 = arith.constant 1 : i32
      %jit3A_164 = arith.constant 0 : i32
      %broadcast_in_dim3A_165 = vector.broadcast %jit3A_163 : i32 to vector<16xi32>
      %broadcast_in_dim3A_166 = vector.broadcast %jit3A_164 : i32 to vector<16xi32>
      %select_n3A_167 = arith.select %gt3A_162, %broadcast_in_dim3A_165, %broadcast_in_dim3A_166 : vector<16xi1>, vector<16xi32>
      %broadcast_in_dim3A_168 = arith.constant true
      %broadcast_in_dim3A_169 = vector.broadcast %broadcast_in_dim3A_168 : i1 to vector<16xi1>
      %masked_cumsum3A = tpu.scan <sum>, %select_n3A_167 masked %broadcast_in_dim3A_169 : vector<16xi32>, vector<16xi1> -> vector<16xi32>
      %add3A_170 = arith.addi %while3A_157, %masked_cumsum3A : vector<16xi32>
      %sub3A_171 = arith.constant 1 : i32
      %sub3A_172 = vector.broadcast %sub3A_171 : i32 to vector<16xi32>
      %sub3A_173 = arith.subi %add3A_170, %sub3A_172 : vector<16xi32>
      %min3A_174 = arith.constant 511 : i32
      %min3A_175 = vector.broadcast %min3A_174 : i32 to vector<16xi32>
      %min3A_176 = arith.minsi %sub3A_173, %min3A_175 : vector<16xi32>
      tpu.vector_store_idx %arg8[%min3A_176], %get3A_161 masked %gt3A_162 : memref<512xf32, #tpu.memory_space<vmem>>[vector<16xi32>], vector<16xf32>, vector<16xi1>
      %all_reduce_population_count3A = tpu.all_reduce %gt3A_162 {dim = 0 : i64, kind = #tpu.reduction_kind<sum>} : vector<16xi1> -> vector<16xi32>
      %add3A_177 = arith.addi %while3A_157, %all_reduce_population_count3A : vector<16xi32>
      scf.yield %add3A_177 : vector<16xi32>
    }
    %while3A_135 = arith.constant 1 : i32
    %while3A_136 = scf.for %while3A_156 = %while3A_132 to %while3A_128 step %while3A_135 iter_args(%while3A_157 = %while3A_134) -> (vector<16xi32>)  : i32 {
      %mul3A_158 = arith.constant 16 : i32
      %mul3A_159 = arith.muli %while3A_156, %mul3A_158 : i32
      %get3A_160 = arith.index_cast %mul3A_159 : i32 to index
      %get3A_161 = tpu.vector_load %arg7[%get3A_160] {strides = array<i32>} : memref<16464xf32, #tpu.memory_space<vmem>>, vector<16xf32>,
      %gt3A_162 = arith.cmpf ogt, %get3A_161, %bitcast3A : vector<16xf32>
      %jit3A_163 = arith.constant 1 : i32
      %jit3A_164 = arith.constant 0 : i32
      %broadcast_in_dim3A_165 = vector.broadcast %jit3A_163 : i32 to vector<16xi32>
      %broadcast_in_dim3A_166 = vector.broadcast %jit3A_164 : i32 to vector<16xi32>
      %select_n3A_167 = arith.select %gt3A_162, %broadcast_in_dim3A_165, %broadcast_in_dim3A_166 : vector<16xi1>, vector<16xi32>
      %broadcast_in_dim3A_168 = arith.constant true
      %broadcast_in_dim3A_169 = vector.broadcast %broadcast_in_dim3A_168 : i1 to vector<16xi1>
      %masked_cumsum3A = tpu.scan <sum>, %select_n3A_167 masked %broadcast_in_dim3A_169 : vector<16xi32>, vector<16xi1> -> vector<16xi32>
      %add3A_170 = arith.addi %while3A_157, %masked_cumsum3A : vector<16xi32>
      %sub3A_171 = arith.constant 1 : i32
      %sub3A_172 = vector.broadcast %sub3A_171 : i32 to vector<16xi32>
      %sub3A_173 = arith.subi %add3A_170, %sub3A_172 : vector<16xi32>
      %min3A_174 = arith.constant 511 : i32
      %min3A_175 = vector.broadcast %min3A_174 : i32 to vector<16xi32>
      %min3A_176 = arith.minsi %sub3A_173, %min3A_175 : vector<16xi32>
      tpu.vector_store_idx %arg8[%min3A_176], %get3A_161 masked %gt3A_162 : memref<512xf32, #tpu.memory_space<vmem>>[vector<16xi32>], vector<16xf32>, vector<16xi1>
      %all_reduce_population_count3A = tpu.all_reduce %gt3A_162 {dim = 0 : i64, kind = #tpu.reduction_kind<sum>} : vector<16xi1> -> vector<16xi32>
      %add3A_177 = arith.addi %while3A_157, %all_reduce_population_count3A : vector<16xi32>
      scf.yield %add3A_177 : vector<16xi32>
    }
    %dma_start3A_137 = arith.constant 0 : i32
    %dma_start3A_138 = tpu.memref_slice %arg4[%mul3A_2, %dma_start3A_137] : memref<1024x512xf32, #tpu.memory_space<hbm>> -> memref<1x512xf32, #tpu.memory_space<hbm>>
    %dma_start3A_139 = tpu.memref_squeeze %dma_start3A_138 : memref<1x512xf32, #tpu.memory_space<hbm>> -> memref<512xf32, #tpu.memory_space<hbm>>
    %dma_start3A_140 = arith.constant 0 : i32
    %dma_start3A_141 = tpu.memref_slice %arg4[%mul3A_2, %dma_start3A_140] : memref<1024x512xf32, #tpu.memory_space<hbm>> -> memref<1x512xf32, #tpu.memory_space<hbm>>
    %dma_start3A_142 = tpu.memref_squeeze %dma_start3A_141 : memref<1x512xf32, #tpu.memory_space<hbm>> -> memref<512xf32, #tpu.memory_space<hbm>>
    tpu.enqueue_dma source(%arg8 : memref<512xf32, #tpu.memory_space<vmem>>) target(%dma_start3A_142 : memref<512xf32, #tpu.memory_space<hbm>>) target_semaphore(%arg14 : memref<!tpu.dma_semaphore, #tpu.memory_space<semaphore_mem>>)
    %sub3A_143 = arith.constant 524288 : i32
    %sub3A_144 = arith.subi %while3A_109#0, %sub3A_143 : i32
    %scan3A_145 = arith.constant 1 : i32
    %scan3A_146 = arith.constant 31 : i32
    %scan3A_147 = arith.addi %scan3A_145, %scan3A_146 : i32
    %scan3A_148 = arith.constant 1 : i32
    %scan3A_149 = scf.for %scan3A_156 = %scan3A_145 to %scan3A_147 step %scan3A_148 iter_args(%scan3A_157 = %sub3A_144) -> (i32)  : i32 {
      %add3A_158 = arith.addi %mul3A_2, %scan3A_156 : i32
      %dma_wait3A_159 = arith.constant 0 : i32
      %dma_wait3A_160 = tpu.memref_slice %arg2[%add3A_158, %dma_wait3A_159] : memref<1024x100000xf32, #tpu.memory_space<hbm>> -> memref<1x100000xf32, #tpu.memory_space<hbm>>
      %dma_wait3A_161 = tpu.memref_squeeze %dma_wait3A_160 : memref<1x100000xf32, #tpu.memory_space<hbm>> -> memref<100000xf32, #tpu.memory_space<hbm>>
      %dma_wait3A_162 = arith.constant 0 : i32
      %dma_wait3A_163 = tpu.memref_slice %arg2[%add3A_158, %dma_wait3A_162] : memref<1024x100000xf32, #tpu.memory_space<hbm>> -> memref<1x100000xf32, #tpu.memory_space<hbm>>
      %dma_wait3A_164 = tpu.memref_squeeze %dma_wait3A_163 : memref<1x100000xf32, #tpu.memory_space<hbm>> -> memref<100000xf32, #tpu.memory_space<hbm>>
      tpu.wait_dma2 semaphore(%arg13 : memref<!tpu.dma_semaphore, #tpu.memory_space<semaphore_mem>>) src(%dma_wait3A_164 : memref<100000xf32, #tpu.memory_space<hbm>>) dst(%arg6 : memref<100000xf32, #tpu.memory_space<vmem>>)
      %broadcast_in_dim3A_165 = vector.broadcast %scan3A_156 : i32 to vector<16xi32>
      %gather3A_166 = tpu.vector_load_idx %arg9[%broadcast_in_dim3A_165] : memref<32xi32, #tpu.memory_space<vmem>>[vector<16xi32>], vector<16xi32>,
      %gather3A_167 = tpu.vector_load_idx %arg6[%gather3A_166] : memref<100000xf32, #tpu.memory_space<vmem>>[vector<16xi32>], vector<16xf32>,
      tpu.vector_store_idx %arg10[%broadcast_in_dim3A_165], %gather3A_167 masked %eq3A_4 : memref<32xf32, #tpu.memory_space<vmem>>[vector<16xi32>], vector<16xf32>, vector<16xi1>
      tpu.vector_store_idx %arg6[%gather3A_166], %broadcast_in_dim3A_7 masked %eq3A_4 : memref<100000xf32, #tpu.memory_space<vmem>>[vector<16xi32>], vector<16xf32>, vector<16xi1>
      %lt3A = arith.constant 31 : i32
      %lt3A_168 = arith.cmpi slt, %scan3A_156, %lt3A : i32
      %jit3A_169 = arith.constant -2139095039 : i32
      %jit3A_170 = arith.constant 2139095039 : i32
      %max3A_171 = arith.maxsi %jit3A_169, %scan3A_157 : i32
      %min3A_172 = arith.minsi %jit3A_170, %max3A_171 : i32
      %while3A_173 = arith.constant -2139095040 : i32
      %while3A_174 = arith.constant 2139095039 : i32
      %while3A_175 = arith.constant 0 : i32
      %while3A_176 = arith.constant false
      %while3A_177:5 = scf.while (%while3A_315 = %while3A_173, %while3A_316 = %while3A_174, %while3A_317 = %min3A_172, %while3A_318 = %while3A_175, %while3A_319 = %while3A_176) : (i32, i32, i32, i32, i1) -> (i32, i32, i32, i32, i1) {
        %not3A_320 = arith.constant true
        %not3A_321 = arith.xori %while3A_319, %not3A_320 : i1
        %lt3A_322 = arith.cmpi slt, %while3A_315, %while3A_316 : i32
        %and3A_323 = arith.andi %not3A_321, %lt3A_322 : i1
        scf.condition(%and3A_323) %while3A_315, %while3A_316, %while3A_317, %while3A_318, %while3A_319 : i32, i32, i32, i32, i1
      } do {
      ^bb0(%while3A_315: i32, %while3A_316: i32, %while3A_317: i32, %while3A_318: i32, %while3A_319: i1):
        %broadcast_in_dim3A_320 = vector.broadcast %while3A_317 : i32 to vector<16xi32>
        %ge3A_321 = arith.constant 0 : i32
        %ge3A_322 = vector.broadcast %ge3A_321 : i32 to vector<16xi32>
        %ge3A_323 = arith.cmpi sge, %broadcast_in_dim3A_320, %ge3A_322 : vector<16xi32>
        %sub3A_324 = arith.constant -2147483648 : i32
        %sub3A_325 = vector.broadcast %sub3A_324 : i32 to vector<16xi32>
        %sub3A_326 = arith.subi %sub3A_325, %broadcast_in_dim3A_320 : vector<16xi32>
        %select_n3A_327 = arith.select %ge3A_323, %broadcast_in_dim3A_320, %sub3A_326 : vector<16xi1>, vector<16xi32>
        %bitcast3A_328 = vector.bitcast %select_n3A_327 : vector<16xi32> to vector<16xf32>
        %scan3A_329 = arith.constant 0 : i32
        %scan3A_330 = arith.constant 250 : i32
        %scan3A_331 = arith.addi %scan3A_329, %scan3A_330 : i32
        %scan3A_332 = arith.constant 1 : i32
        %scan3A_333 = scf.for %scan3A_383 = %scan3A_329 to %scan3A_331 step %scan3A_332 iter_args(%scan3A_384 = %broadcast_in_dim3A_5) -> (vector<16xi32>)  : i32 {
          %mul3A_385 = arith.constant 25 : i32
          %mul3A_386 = arith.muli %scan3A_383, %mul3A_385 : i32
          %add3A_387 = arith.constant 0 : i32
          %add3A_388 = arith.addi %add3A_387, %mul3A_386 : i32
          %add3A_389 = arith.constant 0 : i32
          %add3A_390 = arith.addi %add3A_388, %add3A_389 : i32
          %mul3A_391 = arith.constant 16 : i32
          %mul3A_392 = arith.muli %add3A_390, %mul3A_391 : i32
          %get3A_393 = arith.index_cast %mul3A_392 : i32 to index
          %get3A_394 = tpu.vector_load %arg6[%get3A_393] {strides = array<i32>} : memref<100000xf32, #tpu.memory_space<vmem>>, vector<16xf32>,
          %ge3A_395 = arith.cmpf oge, %get3A_394, %bitcast3A_328 : vector<16xf32>
          %all_reduce_population_count3A = tpu.all_reduce %ge3A_395 {dim = 0 : i64, kind = #tpu.reduction_kind<sum>} : vector<16xi1> -> vector<16xi32>
          %gt3A_396 = arith.constant 0 : i32
          %gt3A_397 = vector.broadcast %gt3A_396 : i32 to vector<16xi32>
          %gt3A_398 = arith.cmpi sgt, %all_reduce_population_count3A, %gt3A_397 : vector<16xi32>
          %jit3A_399 = arith.constant 16 : i32
          %jit3A_400 = arith.constant 0 : i32
          %broadcast_in_dim3A_401 = vector.broadcast %jit3A_399 : i32 to vector<16xi32>
          %broadcast_in_dim3A_402 = vector.broadcast %jit3A_400 : i32 to vector<16xi32>
          %select_n3A_403 = arith.select %gt3A_398, %broadcast_in_dim3A_401, %broadcast_in_dim3A_402 : vector<16xi1>, vector<16xi32>
          %mul3A_404 = arith.constant 25 : i32
          %mul3A_405 = arith.muli %scan3A_383, %mul3A_404 : i32
          %add3A_406 = arith.constant 0 : i32
          %add3A_407 = arith.addi %add3A_406, %mul3A_405 : i32
          %add3A_408 = arith.constant 1 : i32
          %add3A_409 = arith.addi %add3A_407, %add3A_408 : i32
          %mul3A_410 = arith.constant 16 : i32
          %mul3A_411 = arith.muli %add3A_409, %mul3A_410 : i32
          %get3A_412 = arith.index_cast %mul3A_411 : i32 to index
          %get3A_413 = tpu.vector_load %arg6[%get3A_412] {strides = array<i32>} : memref<100000xf32, #tpu.memory_space<vmem>>, vector<16xf32>,
          %ge3A_414 = arith.cmpf oge, %get3A_413, %bitcast3A_328 : vector<16xf32>
          %all_reduce_population_count3A_415 = tpu.all_reduce %ge3A_414 {dim = 0 : i64, kind = #tpu.reduction_kind<sum>} : vector<16xi1> -> vector<16xi32>
          %gt3A_416 = arith.constant 0 : i32
          %gt3A_417 = vector.broadcast %gt3A_416 : i32 to vector<16xi32>
          %gt3A_418 = arith.cmpi sgt, %all_reduce_population_count3A_415, %gt3A_417 : vector<16xi32>
          %jit3A_419 = arith.constant 16 : i32
          %jit3A_420 = arith.constant 0 : i32
          %broadcast_in_dim3A_421 = vector.broadcast %jit3A_419 : i32 to vector<16xi32>
          %broadcast_in_dim3A_422 = vector.broadcast %jit3A_420 : i32 to vector<16xi32>
          %select_n3A_423 = arith.select %gt3A_418, %broadcast_in_dim3A_421, %broadcast_in_dim3A_422 : vector<16xi1>, vector<16xi32>
          %mul3A_424 = arith.constant 25 : i32
          %mul3A_425 = arith.muli %scan3A_383, %mul3A_424 : i32
          %add3A_426 = arith.constant 0 : i32
          %add3A_427 = arith.addi %add3A_426, %mul3A_425 : i32
          %add3A_428 = arith.constant 2 : i32
          %add3A_429 = arith.addi %add3A_427, %add3A_428 : i32
          %mul3A_430 = arith.constant 16 : i32
          %mul3A_431 = arith.muli %add3A_429, %mul3A_430 : i32
          %get3A_432 = arith.index_cast %mul3A_431 : i32 to index
          %get3A_433 = tpu.vector_load %arg6[%get3A_432] {strides = array<i32>} : memref<100000xf32, #tpu.memory_space<vmem>>, vector<16xf32>,
          %ge3A_434 = arith.cmpf oge, %get3A_433, %bitcast3A_328 : vector<16xf32>
          %all_reduce_population_count3A_435 = tpu.all_reduce %ge3A_434 {dim = 0 : i64, kind = #tpu.reduction_kind<sum>} : vector<16xi1> -> vector<16xi32>
          %gt3A_436 = arith.constant 0 : i32
          %gt3A_437 = vector.broadcast %gt3A_436 : i32 to vector<16xi32>
          %gt3A_438 = arith.cmpi sgt, %all_reduce_population_count3A_435, %gt3A_437 : vector<16xi32>
          %jit3A_439 = arith.constant 16 : i32
          %jit3A_440 = arith.constant 0 : i32
          %broadcast_in_dim3A_441 = vector.broadcast %jit3A_439 : i32 to vector<16xi32>
          %broadcast_in_dim3A_442 = vector.broadcast %jit3A_440 : i32 to vector<16xi32>
          %select_n3A_443 = arith.select %gt3A_438, %broadcast_in_dim3A_441, %broadcast_in_dim3A_442 : vector<16xi1>, vector<16xi32>
          %mul3A_444 = arith.constant 25 : i32
          %mul3A_445 = arith.muli %scan3A_383, %mul3A_444 : i32
          %add3A_446 = arith.constant 0 : i32
          %add3A_447 = arith.addi %add3A_446, %mul3A_445 : i32
          %add3A_448 = arith.constant 3 : i32
          %add3A_449 = arith.addi %add3A_447, %add3A_448 : i32
          %mul3A_450 = arith.constant 16 : i32
          %mul3A_451 = arith.muli %add3A_449, %mul3A_450 : i32
          %get3A_452 = arith.index_cast %mul3A_451 : i32 to index
          %get3A_453 = tpu.vector_load %arg6[%get3A_452] {strides = array<i32>} : memref<100000xf32, #tpu.memory_space<vmem>>, vector<16xf32>,
          %ge3A_454 = arith.cmpf oge, %get3A_453, %bitcast3A_328 : vector<16xf32>
          %all_reduce_population_count3A_455 = tpu.all_reduce %ge3A_454 {dim = 0 : i64, kind = #tpu.reduction_kind<sum>} : vector<16xi1> -> vector<16xi32>
          %gt3A_456 = arith.constant 0 : i32
          %gt3A_457 = vector.broadcast %gt3A_456 : i32 to vector<16xi32>
          %gt3A_458 = arith.cmpi sgt, %all_reduce_population_count3A_455, %gt3A_457 : vector<16xi32>
          %jit3A_459 = arith.constant 16 : i32
          %jit3A_460 = arith.constant 0 : i32
          %broadcast_in_dim3A_461 = vector.broadcast %jit3A_459 : i32 to vector<16xi32>
          %broadcast_in_dim3A_462 = vector.broadcast %jit3A_460 : i32 to vector<16xi32>
          %select_n3A_463 = arith.select %gt3A_458, %broadcast_in_dim3A_461, %broadcast_in_dim3A_462 : vector<16xi1>, vector<16xi32>
          %mul3A_464 = arith.constant 25 : i32
          %mul3A_465 = arith.muli %scan3A_383, %mul3A_464 : i32
          %add3A_466 = arith.constant 0 : i32
          %add3A_467 = arith.addi %add3A_466, %mul3A_465 : i32
          %add3A_468 = arith.constant 4 : i32
          %add3A_469 = arith.addi %add3A_467, %add3A_468 : i32
          %mul3A_470 = arith.constant 16 : i32
          %mul3A_471 = arith.muli %add3A_469, %mul3A_470 : i32
          %get3A_472 = arith.index_cast %mul3A_471 : i32 to index
          %get3A_473 = tpu.vector_load %arg6[%get3A_472] {strides = array<i32>} : memref<100000xf32, #tpu.memory_space<vmem>>, vector<16xf32>,
          %ge3A_474 = arith.cmpf oge, %get3A_473, %bitcast3A_328 : vector<16xf32>
          %all_reduce_population_count3A_475 = tpu.all_reduce %ge3A_474 {dim = 0 : i64, kind = #tpu.reduction_kind<sum>} : vector<16xi1> -> vector<16xi32>
          %gt3A_476 = arith.constant 0 : i32
          %gt3A_477 = vector.broadcast %gt3A_476 : i32 to vector<16xi32>
          %gt3A_478 = arith.cmpi sgt, %all_reduce_population_count3A_475, %gt3A_477 : vector<16xi32>
          %jit3A_479 = arith.constant 16 : i32
          %jit3A_480 = arith.constant 0 : i32
          %broadcast_in_dim3A_481 = vector.broadcast %jit3A_479 : i32 to vector<16xi32>
          %broadcast_in_dim3A_482 = vector.broadcast %jit3A_480 : i32 to vector<16xi32>
          %select_n3A_483 = arith.select %gt3A_478, %broadcast_in_dim3A_481, %broadcast_in_dim3A_482 : vector<16xi1>, vector<16xi32>
          %mul3A_484 = arith.constant 25 : i32
          %mul3A_485 = arith.muli %scan3A_383, %mul3A_484 : i32
          %add3A_486 = arith.constant 0 : i32
          %add3A_487 = arith.addi %add3A_486, %mul3A_485 : i32
          %add3A_488 = arith.constant 5 : i32
          %add3A_489 = arith.addi %add3A_487, %add3A_488 : i32
          %mul3A_490 = arith.constant 16 : i32
          %mul3A_491 = arith.muli %add3A_489, %mul3A_490 : i32
          %get3A_492 = arith.index_cast %mul3A_491 : i32 to index
          %get3A_493 = tpu.vector_load %arg6[%get3A_492] {strides = array<i32>} : memref<100000xf32, #tpu.memory_space<vmem>>, vector<16xf32>,
          %ge3A_494 = arith.cmpf oge, %get3A_493, %bitcast3A_328 : vector<16xf32>
          %all_reduce_population_count3A_495 = tpu.all_reduce %ge3A_494 {dim = 0 : i64, kind = #tpu.reduction_kind<sum>} : vector<16xi1> -> vector<16xi32>
          %gt3A_496 = arith.constant 0 : i32
          %gt3A_497 = vector.broadcast %gt3A_496 : i32 to vector<16xi32>
          %gt3A_498 = arith.cmpi sgt, %all_reduce_population_count3A_495, %gt3A_497 : vector<16xi32>
          %jit3A_499 = arith.constant 16 : i32
          %jit3A_500 = arith.constant 0 : i32
          %broadcast_in_dim3A_501 = vector.broadcast %jit3A_499 : i32 to vector<16xi32>
          %broadcast_in_dim3A_502 = vector.broadcast %jit3A_500 : i32 to vector<16xi32>
          %select_n3A_503 = arith.select %gt3A_498, %broadcast_in_dim3A_501, %broadcast_in_dim3A_502 : vector<16xi1>, vector<16xi32>
          %mul3A_504 = arith.constant 25 : i32
          %mul3A_505 = arith.muli %scan3A_383, %mul3A_504 : i32
          %add3A_506 = arith.constant 0 : i32
          %add3A_507 = arith.addi %add3A_506, %mul3A_505 : i32
          %add3A_508 = arith.constant 6 : i32
          %add3A_509 = arith.addi %add3A_507, %add3A_508 : i32
          %mul3A_510 = arith.constant 16 : i32
          %mul3A_511 = arith.muli %add3A_509, %mul3A_510 : i32
          %get3A_512 = arith.index_cast %mul3A_511 : i32 to index
          %get3A_513 = tpu.vector_load %arg6[%get3A_512] {strides = array<i32>} : memref<100000xf32, #tpu.memory_space<vmem>>, vector<16xf32>,
          %ge3A_514 = arith.cmpf oge, %get3A_513, %bitcast3A_328 : vector<16xf32>
          %all_reduce_population_count3A_515 = tpu.all_reduce %ge3A_514 {dim = 0 : i64, kind = #tpu.reduction_kind<sum>} : vector<16xi1> -> vector<16xi32>
          %gt3A_516 = arith.constant 0 : i32
          %gt3A_517 = vector.broadcast %gt3A_516 : i32 to vector<16xi32>
          %gt3A_518 = arith.cmpi sgt, %all_reduce_population_count3A_515, %gt3A_517 : vector<16xi32>
          %jit3A_519 = arith.constant 16 : i32
          %jit3A_520 = arith.constant 0 : i32
          %broadcast_in_dim3A_521 = vector.broadcast %jit3A_519 : i32 to vector<16xi32>
          %broadcast_in_dim3A_522 = vector.broadcast %jit3A_520 : i32 to vector<16xi32>
          %select_n3A_523 = arith.select %gt3A_518, %broadcast_in_dim3A_521, %broadcast_in_dim3A_522 : vector<16xi1>, vector<16xi32>
          %mul3A_524 = arith.constant 25 : i32
          %mul3A_525 = arith.muli %scan3A_383, %mul3A_524 : i32
          %add3A_526 = arith.constant 0 : i32
          %add3A_527 = arith.addi %add3A_526, %mul3A_525 : i32
          %add3A_528 = arith.constant 7 : i32
          %add3A_529 = arith.addi %add3A_527, %add3A_528 : i32
          %mul3A_530 = arith.constant 16 : i32
          %mul3A_531 = arith.muli %add3A_529, %mul3A_530 : i32
          %get3A_532 = arith.index_cast %mul3A_531 : i32 to index
          %get3A_533 = tpu.vector_load %arg6[%get3A_532] {strides = array<i32>} : memref<100000xf32, #tpu.memory_space<vmem>>, vector<16xf32>,
          %ge3A_534 = arith.cmpf oge, %get3A_533, %bitcast3A_328 : vector<16xf32>
          %all_reduce_population_count3A_535 = tpu.all_reduce %ge3A_534 {dim = 0 : i64, kind = #tpu.reduction_kind<sum>} : vector<16xi1> -> vector<16xi32>
          %gt3A_536 = arith.constant 0 : i32
          %gt3A_537 = vector.broadcast %gt3A_536 : i32 to vector<16xi32>
          %gt3A_538 = arith.cmpi sgt, %all_reduce_population_count3A_535, %gt3A_537 : vector<16xi32>
          %jit3A_539 = arith.constant 16 : i32
          %jit3A_540 = arith.constant 0 : i32
          %broadcast_in_dim3A_541 = vector.broadcast %jit3A_539 : i32 to vector<16xi32>
          %broadcast_in_dim3A_542 = vector.broadcast %jit3A_540 : i32 to vector<16xi32>
          %select_n3A_543 = arith.select %gt3A_538, %broadcast_in_dim3A_541, %broadcast_in_dim3A_542 : vector<16xi1>, vector<16xi32>
          %mul3A_544 = arith.constant 25 : i32
          %mul3A_545 = arith.muli %scan3A_383, %mul3A_544 : i32
          %add3A_546 = arith.constant 0 : i32
          %add3A_547 = arith.addi %add3A_546, %mul3A_545 : i32
          %add3A_548 = arith.constant 8 : i32
          %add3A_549 = arith.addi %add3A_547, %add3A_548 : i32
          %mul3A_550 = arith.constant 16 : i32
          %mul3A_551 = arith.muli %add3A_549, %mul3A_550 : i32
          %get3A_552 = arith.index_cast %mul3A_551 : i32 to index
          %get3A_553 = tpu.vector_load %arg6[%get3A_552] {strides = array<i32>} : memref<100000xf32, #tpu.memory_space<vmem>>, vector<16xf32>,
          %ge3A_554 = arith.cmpf oge, %get3A_553, %bitcast3A_328 : vector<16xf32>
          %all_reduce_population_count3A_555 = tpu.all_reduce %ge3A_554 {dim = 0 : i64, kind = #tpu.reduction_kind<sum>} : vector<16xi1> -> vector<16xi32>
          %gt3A_556 = arith.constant 0 : i32
          %gt3A_557 = vector.broadcast %gt3A_556 : i32 to vector<16xi32>
          %gt3A_558 = arith.cmpi sgt, %all_reduce_population_count3A_555, %gt3A_557 : vector<16xi32>
          %jit3A_559 = arith.constant 16 : i32
          %jit3A_560 = arith.constant 0 : i32
          %broadcast_in_dim3A_561 = vector.broadcast %jit3A_559 : i32 to vector<16xi32>
          %broadcast_in_dim3A_562 = vector.broadcast %jit3A_560 : i32 to vector<16xi32>
          %select_n3A_563 = arith.select %gt3A_558, %broadcast_in_dim3A_561, %broadcast_in_dim3A_562 : vector<16xi1>, vector<16xi32>
          %mul3A_564 = arith.constant 25 : i32
          %mul3A_565 = arith.muli %scan3A_383, %mul3A_564 : i32
          %add3A_566 = arith.constant 0 : i32
          %add3A_567 = arith.addi %add3A_566, %mul3A_565 : i32
          %add3A_568 = arith.constant 9 : i32
          %add3A_569 = arith.addi %add3A_567, %add3A_568 : i32
          %mul3A_570 = arith.constant 16 : i32
          %mul3A_571 = arith.muli %add3A_569, %mul3A_570 : i32
          %get3A_572 = arith.index_cast %mul3A_571 : i32 to index
          %get3A_573 = tpu.vector_load %arg6[%get3A_572] {strides = array<i32>} : memref<100000xf32, #tpu.memory_space<vmem>>, vector<16xf32>,
          %ge3A_574 = arith.cmpf oge, %get3A_573, %bitcast3A_328 : vector<16xf32>
          %all_reduce_population_count3A_575 = tpu.all_reduce %ge3A_574 {dim = 0 : i64, kind = #tpu.reduction_kind<sum>} : vector<16xi1> -> vector<16xi32>
          %gt3A_576 = arith.constant 0 : i32
          %gt3A_577 = vector.broadcast %gt3A_576 : i32 to vector<16xi32>
          %gt3A_578 = arith.cmpi sgt, %all_reduce_population_count3A_575, %gt3A_577 : vector<16xi32>
          %jit3A_579 = arith.constant 16 : i32
          %jit3A_580 = arith.constant 0 : i32
          %broadcast_in_dim3A_581 = vector.broadcast %jit3A_579 : i32 to vector<16xi32>
          %broadcast_in_dim3A_582 = vector.broadcast %jit3A_580 : i32 to vector<16xi32>
          %select_n3A_583 = arith.select %gt3A_578, %broadcast_in_dim3A_581, %broadcast_in_dim3A_582 : vector<16xi1>, vector<16xi32>
          %mul3A_584 = arith.constant 25 : i32
          %mul3A_585 = arith.muli %scan3A_383, %mul3A_584 : i32
          %add3A_586 = arith.constant 0 : i32
          %add3A_587 = arith.addi %add3A_586, %mul3A_585 : i32
          %add3A_588 = arith.constant 10 : i32
          %add3A_589 = arith.addi %add3A_587, %add3A_588 : i32
          %mul3A_590 = arith.constant 16 : i32
          %mul3A_591 = arith.muli %add3A_589, %mul3A_590 : i32
          %get3A_592 = arith.index_cast %mul3A_591 : i32 to index
          %get3A_593 = tpu.vector_load %arg6[%get3A_592] {strides = array<i32>} : memref<100000xf32, #tpu.memory_space<vmem>>, vector<16xf32>,
          %ge3A_594 = arith.cmpf oge, %get3A_593, %bitcast3A_328 : vector<16xf32>
          %all_reduce_population_count3A_595 = tpu.all_reduce %ge3A_594 {dim = 0 : i64, kind = #tpu.reduction_kind<sum>} : vector<16xi1> -> vector<16xi32>
          %gt3A_596 = arith.constant 0 : i32
          %gt3A_597 = vector.broadcast %gt3A_596 : i32 to vector<16xi32>
          %gt3A_598 = arith.cmpi sgt, %all_reduce_population_count3A_595, %gt3A_597 : vector<16xi32>
          %jit3A_599 = arith.constant 16 : i32
          %jit3A_600 = arith.constant 0 : i32
          %broadcast_in_dim3A_601 = vector.broadcast %jit3A_599 : i32 to vector<16xi32>
          %broadcast_in_dim3A_602 = vector.broadcast %jit3A_600 : i32 to vector<16xi32>
          %select_n3A_603 = arith.select %gt3A_598, %broadcast_in_dim3A_601, %broadcast_in_dim3A_602 : vector<16xi1>, vector<16xi32>
          %mul3A_604 = arith.constant 25 : i32
          %mul3A_605 = arith.muli %scan3A_383, %mul3A_604 : i32
          %add3A_606 = arith.constant 0 : i32
          %add3A_607 = arith.addi %add3A_606, %mul3A_605 : i32
          %add3A_608 = arith.constant 11 : i32
          %add3A_609 = arith.addi %add3A_607, %add3A_608 : i32
          %mul3A_610 = arith.constant 16 : i32
          %mul3A_611 = arith.muli %add3A_609, %mul3A_610 : i32
          %get3A_612 = arith.index_cast %mul3A_611 : i32 to index
          %get3A_613 = tpu.vector_load %arg6[%get3A_612] {strides = array<i32>} : memref<100000xf32, #tpu.memory_space<vmem>>, vector<16xf32>,
          %ge3A_614 = arith.cmpf oge, %get3A_613, %bitcast3A_328 : vector<16xf32>
          %all_reduce_population_count3A_615 = tpu.all_reduce %ge3A_614 {dim = 0 : i64, kind = #tpu.reduction_kind<sum>} : vector<16xi1> -> vector<16xi32>
          %gt3A_616 = arith.constant 0 : i32
          %gt3A_617 = vector.broadcast %gt3A_616 : i32 to vector<16xi32>
          %gt3A_618 = arith.cmpi sgt, %all_reduce_population_count3A_615, %gt3A_617 : vector<16xi32>
          %jit3A_619 = arith.constant 16 : i32
          %jit3A_620 = arith.constant 0 : i32
          %broadcast_in_dim3A_621 = vector.broadcast %jit3A_619 : i32 to vector<16xi32>
          %broadcast_in_dim3A_622 = vector.broadcast %jit3A_620 : i32 to vector<16xi32>
          %select_n3A_623 = arith.select %gt3A_618, %broadcast_in_dim3A_621, %broadcast_in_dim3A_622 : vector<16xi1>, vector<16xi32>
          %mul3A_624 = arith.constant 25 : i32
          %mul3A_625 = arith.muli %scan3A_383, %mul3A_624 : i32
          %add3A_626 = arith.constant 0 : i32
          %add3A_627 = arith.addi %add3A_626, %mul3A_625 : i32
          %add3A_628 = arith.constant 12 : i32
          %add3A_629 = arith.addi %add3A_627, %add3A_628 : i32
          %mul3A_630 = arith.constant 16 : i32
          %mul3A_631 = arith.muli %add3A_629, %mul3A_630 : i32
          %get3A_632 = arith.index_cast %mul3A_631 : i32 to index
          %get3A_633 = tpu.vector_load %arg6[%get3A_632] {strides = array<i32>} : memref<100000xf32, #tpu.memory_space<vmem>>, vector<16xf32>,
          %ge3A_634 = arith.cmpf oge, %get3A_633, %bitcast3A_328 : vector<16xf32>
          %all_reduce_population_count3A_635 = tpu.all_reduce %ge3A_634 {dim = 0 : i64, kind = #tpu.reduction_kind<sum>} : vector<16xi1> -> vector<16xi32>
          %gt3A_636 = arith.constant 0 : i32
          %gt3A_637 = vector.broadcast %gt3A_636 : i32 to vector<16xi32>
          %gt3A_638 = arith.cmpi sgt, %all_reduce_population_count3A_635, %gt3A_637 : vector<16xi32>
          %jit3A_639 = arith.constant 16 : i32
          %jit3A_640 = arith.constant 0 : i32
          %broadcast_in_dim3A_641 = vector.broadcast %jit3A_639 : i32 to vector<16xi32>
          %broadcast_in_dim3A_642 = vector.broadcast %jit3A_640 : i32 to vector<16xi32>
          %select_n3A_643 = arith.select %gt3A_638, %broadcast_in_dim3A_641, %broadcast_in_dim3A_642 : vector<16xi1>, vector<16xi32>
          %mul3A_644 = arith.constant 25 : i32
          %mul3A_645 = arith.muli %scan3A_383, %mul3A_644 : i32
          %add3A_646 = arith.constant 0 : i32
          %add3A_647 = arith.addi %add3A_646, %mul3A_645 : i32
          %add3A_648 = arith.constant 13 : i32
          %add3A_649 = arith.addi %add3A_647, %add3A_648 : i32
          %mul3A_650 = arith.constant 16 : i32
          %mul3A_651 = arith.muli %add3A_649, %mul3A_650 : i32
          %get3A_652 = arith.index_cast %mul3A_651 : i32 to index
          %get3A_653 = tpu.vector_load %arg6[%get3A_652] {strides = array<i32>} : memref<100000xf32, #tpu.memory_space<vmem>>, vector<16xf32>,
          %ge3A_654 = arith.cmpf oge, %get3A_653, %bitcast3A_328 : vector<16xf32>
          %all_reduce_population_count3A_655 = tpu.all_reduce %ge3A_654 {dim = 0 : i64, kind = #tpu.reduction_kind<sum>} : vector<16xi1> -> vector<16xi32>
          %gt3A_656 = arith.constant 0 : i32
          %gt3A_657 = vector.broadcast %gt3A_656 : i32 to vector<16xi32>
          %gt3A_658 = arith.cmpi sgt, %all_reduce_population_count3A_655, %gt3A_657 : vector<16xi32>
          %jit3A_659 = arith.constant 16 : i32
          %jit3A_660 = arith.constant 0 : i32
          %broadcast_in_dim3A_661 = vector.broadcast %jit3A_659 : i32 to vector<16xi32>
          %broadcast_in_dim3A_662 = vector.broadcast %jit3A_660 : i32 to vector<16xi32>
          %select_n3A_663 = arith.select %gt3A_658, %broadcast_in_dim3A_661, %broadcast_in_dim3A_662 : vector<16xi1>, vector<16xi32>
          %mul3A_664 = arith.constant 25 : i32
          %mul3A_665 = arith.muli %scan3A_383, %mul3A_664 : i32
          %add3A_666 = arith.constant 0 : i32
          %add3A_667 = arith.addi %add3A_666, %mul3A_665 : i32
          %add3A_668 = arith.constant 14 : i32
          %add3A_669 = arith.addi %add3A_667, %add3A_668 : i32
          %mul3A_670 = arith.constant 16 : i32
          %mul3A_671 = arith.muli %add3A_669, %mul3A_670 : i32
          %get3A_672 = arith.index_cast %mul3A_671 : i32 to index
          %get3A_673 = tpu.vector_load %arg6[%get3A_672] {strides = array<i32>} : memref<100000xf32, #tpu.memory_space<vmem>>, vector<16xf32>,
          %ge3A_674 = arith.cmpf oge, %get3A_673, %bitcast3A_328 : vector<16xf32>
          %all_reduce_population_count3A_675 = tpu.all_reduce %ge3A_674 {dim = 0 : i64, kind = #tpu.reduction_kind<sum>} : vector<16xi1> -> vector<16xi32>
          %gt3A_676 = arith.constant 0 : i32
          %gt3A_677 = vector.broadcast %gt3A_676 : i32 to vector<16xi32>
          %gt3A_678 = arith.cmpi sgt, %all_reduce_population_count3A_675, %gt3A_677 : vector<16xi32>
          %jit3A_679 = arith.constant 16 : i32
          %jit3A_680 = arith.constant 0 : i32
          %broadcast_in_dim3A_681 = vector.broadcast %jit3A_679 : i32 to vector<16xi32>
          %broadcast_in_dim3A_682 = vector.broadcast %jit3A_680 : i32 to vector<16xi32>
          %select_n3A_683 = arith.select %gt3A_678, %broadcast_in_dim3A_681, %broadcast_in_dim3A_682 : vector<16xi1>, vector<16xi32>
          %mul3A_684 = arith.constant 25 : i32
          %mul3A_685 = arith.muli %scan3A_383, %mul3A_684 : i32
          %add3A_686 = arith.constant 0 : i32
          %add3A_687 = arith.addi %add3A_686, %mul3A_685 : i32
          %add3A_688 = arith.constant 15 : i32
          %add3A_689 = arith.addi %add3A_687, %add3A_688 : i32
          %mul3A_690 = arith.constant 16 : i32
          %mul3A_691 = arith.muli %add3A_689, %mul3A_690 : i32
          %get3A_692 = arith.index_cast %mul3A_691 : i32 to index
          %get3A_693 = tpu.vector_load %arg6[%get3A_692] {strides = array<i32>} : memref<100000xf32, #tpu.memory_space<vmem>>, vector<16xf32>,
          %ge3A_694 = arith.cmpf oge, %get3A_693, %bitcast3A_328 : vector<16xf32>
          %all_reduce_population_count3A_695 = tpu.all_reduce %ge3A_694 {dim = 0 : i64, kind = #tpu.reduction_kind<sum>} : vector<16xi1> -> vector<16xi32>
          %gt3A_696 = arith.constant 0 : i32
          %gt3A_697 = vector.broadcast %gt3A_696 : i32 to vector<16xi32>
          %gt3A_698 = arith.cmpi sgt, %all_reduce_population_count3A_695, %gt3A_697 : vector<16xi32>
          %jit3A_699 = arith.constant 16 : i32
          %jit3A_700 = arith.constant 0 : i32
          %broadcast_in_dim3A_701 = vector.broadcast %jit3A_699 : i32 to vector<16xi32>
          %broadcast_in_dim3A_702 = vector.broadcast %jit3A_700 : i32 to vector<16xi32>
          %select_n3A_703 = arith.select %gt3A_698, %broadcast_in_dim3A_701, %broadcast_in_dim3A_702 : vector<16xi1>, vector<16xi32>
          %mul3A_704 = arith.constant 25 : i32
          %mul3A_705 = arith.muli %scan3A_383, %mul3A_704 : i32
          %add3A_706 = arith.constant 0 : i32
          %add3A_707 = arith.addi %add3A_706, %mul3A_705 : i32
          %add3A_708 = arith.constant 16 : i32
          %add3A_709 = arith.addi %add3A_707, %add3A_708 : i32
          %mul3A_710 = arith.constant 16 : i32
          %mul3A_711 = arith.muli %add3A_709, %mul3A_710 : i32
          %get3A_712 = arith.index_cast %mul3A_711 : i32 to index
          %get3A_713 = tpu.vector_load %arg6[%get3A_712] {strides = array<i32>} : memref<100000xf32, #tpu.memory_space<vmem>>, vector<16xf32>,
          %ge3A_714 = arith.cmpf oge, %get3A_713, %bitcast3A_328 : vector<16xf32>
          %all_reduce_population_count3A_715 = tpu.all_reduce %ge3A_714 {dim = 0 : i64, kind = #tpu.reduction_kind<sum>} : vector<16xi1> -> vector<16xi32>
          %gt3A_716 = arith.constant 0 : i32
          %gt3A_717 = vector.broadcast %gt3A_716 : i32 to vector<16xi32>
          %gt3A_718 = arith.cmpi sgt, %all_reduce_population_count3A_715, %gt3A_717 : vector<16xi32>
          %jit3A_719 = arith.constant 16 : i32
          %jit3A_720 = arith.constant 0 : i32
          %broadcast_in_dim3A_721 = vector.broadcast %jit3A_719 : i32 to vector<16xi32>
          %broadcast_in_dim3A_722 = vector.broadcast %jit3A_720 : i32 to vector<16xi32>
          %select_n3A_723 = arith.select %gt3A_718, %broadcast_in_dim3A_721, %broadcast_in_dim3A_722 : vector<16xi1>, vector<16xi32>
          %mul3A_724 = arith.constant 25 : i32
          %mul3A_725 = arith.muli %scan3A_383, %mul3A_724 : i32
          %add3A_726 = arith.constant 0 : i32
          %add3A_727 = arith.addi %add3A_726, %mul3A_725 : i32
          %add3A_728 = arith.constant 17 : i32
          %add3A_729 = arith.addi %add3A_727, %add3A_728 : i32
          %mul3A_730 = arith.constant 16 : i32
          %mul3A_731 = arith.muli %add3A_729, %mul3A_730 : i32
          %get3A_732 = arith.index_cast %mul3A_731 : i32 to index
          %get3A_733 = tpu.vector_load %arg6[%get3A_732] {strides = array<i32>} : memref<100000xf32, #tpu.memory_space<vmem>>, vector<16xf32>,
          %ge3A_734 = arith.cmpf oge, %get3A_733, %bitcast3A_328 : vector<16xf32>
          %all_reduce_population_count3A_735 = tpu.all_reduce %ge3A_734 {dim = 0 : i64, kind = #tpu.reduction_kind<sum>} : vector<16xi1> -> vector<16xi32>
          %gt3A_736 = arith.constant 0 : i32
          %gt3A_737 = vector.broadcast %gt3A_736 : i32 to vector<16xi32>
          %gt3A_738 = arith.cmpi sgt, %all_reduce_population_count3A_735, %gt3A_737 : vector<16xi32>
          %jit3A_739 = arith.constant 16 : i32
          %jit3A_740 = arith.constant 0 : i32
          %broadcast_in_dim3A_741 = vector.broadcast %jit3A_739 : i32 to vector<16xi32>
          %broadcast_in_dim3A_742 = vector.broadcast %jit3A_740 : i32 to vector<16xi32>
          %select_n3A_743 = arith.select %gt3A_738, %broadcast_in_dim3A_741, %broadcast_in_dim3A_742 : vector<16xi1>, vector<16xi32>
          %mul3A_744 = arith.constant 25 : i32
          %mul3A_745 = arith.muli %scan3A_383, %mul3A_744 : i32
          %add3A_746 = arith.constant 0 : i32
          %add3A_747 = arith.addi %add3A_746, %mul3A_745 : i32
          %add3A_748 = arith.constant 18 : i32
          %add3A_749 = arith.addi %add3A_747, %add3A_748 : i32
          %mul3A_750 = arith.constant 16 : i32
          %mul3A_751 = arith.muli %add3A_749, %mul3A_750 : i32
          %get3A_752 = arith.index_cast %mul3A_751 : i32 to index
          %get3A_753 = tpu.vector_load %arg6[%get3A_752] {strides = array<i32>} : memref<100000xf32, #tpu.memory_space<vmem>>, vector<16xf32>,
          %ge3A_754 = arith.cmpf oge, %get3A_753, %bitcast3A_328 : vector<16xf32>
          %all_reduce_population_count3A_755 = tpu.all_reduce %ge3A_754 {dim = 0 : i64, kind = #tpu.reduction_kind<sum>} : vector<16xi1> -> vector<16xi32>
          %gt3A_756 = arith.constant 0 : i32
          %gt3A_757 = vector.broadcast %gt3A_756 : i32 to vector<16xi32>
          %gt3A_758 = arith.cmpi sgt, %all_reduce_population_count3A_755, %gt3A_757 : vector<16xi32>
          %jit3A_759 = arith.constant 16 : i32
          %jit3A_760 = arith.constant 0 : i32
          %broadcast_in_dim3A_761 = vector.broadcast %jit3A_759 : i32 to vector<16xi32>
          %broadcast_in_dim3A_762 = vector.broadcast %jit3A_760 : i32 to vector<16xi32>
          %select_n3A_763 = arith.select %gt3A_758, %broadcast_in_dim3A_761, %broadcast_in_dim3A_762 : vector<16xi1>, vector<16xi32>
          %mul3A_764 = arith.constant 25 : i32
          %mul3A_765 = arith.muli %scan3A_383, %mul3A_764 : i32
          %add3A_766 = arith.constant 0 : i32
          %add3A_767 = arith.addi %add3A_766, %mul3A_765 : i32
          %add3A_768 = arith.constant 19 : i32
          %add3A_769 = arith.addi %add3A_767, %add3A_768 : i32
          %mul3A_770 = arith.constant 16 : i32
          %mul3A_771 = arith.muli %add3A_769, %mul3A_770 : i32
          %get3A_772 = arith.index_cast %mul3A_771 : i32 to index
          %get3A_773 = tpu.vector_load %arg6[%get3A_772] {strides = array<i32>} : memref<100000xf32, #tpu.memory_space<vmem>>, vector<16xf32>,
          %ge3A_774 = arith.cmpf oge, %get3A_773, %bitcast3A_328 : vector<16xf32>
          %all_reduce_population_count3A_775 = tpu.all_reduce %ge3A_774 {dim = 0 : i64, kind = #tpu.reduction_kind<sum>} : vector<16xi1> -> vector<16xi32>
          %gt3A_776 = arith.constant 0 : i32
          %gt3A_777 = vector.broadcast %gt3A_776 : i32 to vector<16xi32>
          %gt3A_778 = arith.cmpi sgt, %all_reduce_population_count3A_775, %gt3A_777 : vector<16xi32>
          %jit3A_779 = arith.constant 16 : i32
          %jit3A_780 = arith.constant 0 : i32
          %broadcast_in_dim3A_781 = vector.broadcast %jit3A_779 : i32 to vector<16xi32>
          %broadcast_in_dim3A_782 = vector.broadcast %jit3A_780 : i32 to vector<16xi32>
          %select_n3A_783 = arith.select %gt3A_778, %broadcast_in_dim3A_781, %broadcast_in_dim3A_782 : vector<16xi1>, vector<16xi32>
          %mul3A_784 = arith.constant 25 : i32
          %mul3A_785 = arith.muli %scan3A_383, %mul3A_784 : i32
          %add3A_786 = arith.constant 0 : i32
          %add3A_787 = arith.addi %add3A_786, %mul3A_785 : i32
          %add3A_788 = arith.constant 20 : i32
          %add3A_789 = arith.addi %add3A_787, %add3A_788 : i32
          %mul3A_790 = arith.constant 16 : i32
          %mul3A_791 = arith.muli %add3A_789, %mul3A_790 : i32
          %get3A_792 = arith.index_cast %mul3A_791 : i32 to index
          %get3A_793 = tpu.vector_load %arg6[%get3A_792] {strides = array<i32>} : memref<100000xf32, #tpu.memory_space<vmem>>, vector<16xf32>,
          %ge3A_794 = arith.cmpf oge, %get3A_793, %bitcast3A_328 : vector<16xf32>
          %all_reduce_population_count3A_795 = tpu.all_reduce %ge3A_794 {dim = 0 : i64, kind = #tpu.reduction_kind<sum>} : vector<16xi1> -> vector<16xi32>
          %gt3A_796 = arith.constant 0 : i32
          %gt3A_797 = vector.broadcast %gt3A_796 : i32 to vector<16xi32>
          %gt3A_798 = arith.cmpi sgt, %all_reduce_population_count3A_795, %gt3A_797 : vector<16xi32>
          %jit3A_799 = arith.constant 16 : i32
          %jit3A_800 = arith.constant 0 : i32
          %broadcast_in_dim3A_801 = vector.broadcast %jit3A_799 : i32 to vector<16xi32>
          %broadcast_in_dim3A_802 = vector.broadcast %jit3A_800 : i32 to vector<16xi32>
          %select_n3A_803 = arith.select %gt3A_798, %broadcast_in_dim3A_801, %broadcast_in_dim3A_802 : vector<16xi1>, vector<16xi32>
          %mul3A_804 = arith.constant 25 : i32
          %mul3A_805 = arith.muli %scan3A_383, %mul3A_804 : i32
          %add3A_806 = arith.constant 0 : i32
          %add3A_807 = arith.addi %add3A_806, %mul3A_805 : i32
          %add3A_808 = arith.constant 21 : i32
          %add3A_809 = arith.addi %add3A_807, %add3A_808 : i32
          %mul3A_810 = arith.constant 16 : i32
          %mul3A_811 = arith.muli %add3A_809, %mul3A_810 : i32
          %get3A_812 = arith.index_cast %mul3A_811 : i32 to index
          %get3A_813 = tpu.vector_load %arg6[%get3A_812] {strides = array<i32>} : memref<100000xf32, #tpu.memory_space<vmem>>, vector<16xf32>,
          %ge3A_814 = arith.cmpf oge, %get3A_813, %bitcast3A_328 : vector<16xf32>
          %all_reduce_population_count3A_815 = tpu.all_reduce %ge3A_814 {dim = 0 : i64, kind = #tpu.reduction_kind<sum>} : vector<16xi1> -> vector<16xi32>
          %gt3A_816 = arith.constant 0 : i32
          %gt3A_817 = vector.broadcast %gt3A_816 : i32 to vector<16xi32>
          %gt3A_818 = arith.cmpi sgt, %all_reduce_population_count3A_815, %gt3A_817 : vector<16xi32>
          %jit3A_819 = arith.constant 16 : i32
          %jit3A_820 = arith.constant 0 : i32
          %broadcast_in_dim3A_821 = vector.broadcast %jit3A_819 : i32 to vector<16xi32>
          %broadcast_in_dim3A_822 = vector.broadcast %jit3A_820 : i32 to vector<16xi32>
          %select_n3A_823 = arith.select %gt3A_818, %broadcast_in_dim3A_821, %broadcast_in_dim3A_822 : vector<16xi1>, vector<16xi32>
          %mul3A_824 = arith.constant 25 : i32
          %mul3A_825 = arith.muli %scan3A_383, %mul3A_824 : i32
          %add3A_826 = arith.constant 0 : i32
          %add3A_827 = arith.addi %add3A_826, %mul3A_825 : i32
          %add3A_828 = arith.constant 22 : i32
          %add3A_829 = arith.addi %add3A_827, %add3A_828 : i32
          %mul3A_830 = arith.constant 16 : i32
          %mul3A_831 = arith.muli %add3A_829, %mul3A_830 : i32
          %get3A_832 = arith.index_cast %mul3A_831 : i32 to index
          %get3A_833 = tpu.vector_load %arg6[%get3A_832] {strides = array<i32>} : memref<100000xf32, #tpu.memory_space<vmem>>, vector<16xf32>,
          %ge3A_834 = arith.cmpf oge, %get3A_833, %bitcast3A_328 : vector<16xf32>
          %all_reduce_population_count3A_835 = tpu.all_reduce %ge3A_834 {dim = 0 : i64, kind = #tpu.reduction_kind<sum>} : vector<16xi1> -> vector<16xi32>
          %gt3A_836 = arith.constant 0 : i32
          %gt3A_837 = vector.broadcast %gt3A_836 : i32 to vector<16xi32>
          %gt3A_838 = arith.cmpi sgt, %all_reduce_population_count3A_835, %gt3A_837 : vector<16xi32>
          %jit3A_839 = arith.constant 16 : i32
          %jit3A_840 = arith.constant 0 : i32
          %broadcast_in_dim3A_841 = vector.broadcast %jit3A_839 : i32 to vector<16xi32>
          %broadcast_in_dim3A_842 = vector.broadcast %jit3A_840 : i32 to vector<16xi32>
          %select_n3A_843 = arith.select %gt3A_838, %broadcast_in_dim3A_841, %broadcast_in_dim3A_842 : vector<16xi1>, vector<16xi32>
          %mul3A_844 = arith.constant 25 : i32
          %mul3A_845 = arith.muli %scan3A_383, %mul3A_844 : i32
          %add3A_846 = arith.constant 0 : i32
          %add3A_847 = arith.addi %add3A_846, %mul3A_845 : i32
          %add3A_848 = arith.constant 23 : i32
          %add3A_849 = arith.addi %add3A_847, %add3A_848 : i32
          %mul3A_850 = arith.constant 16 : i32
          %mul3A_851 = arith.muli %add3A_849, %mul3A_850 : i32
          %get3A_852 = arith.index_cast %mul3A_851 : i32 to index
          %get3A_853 = tpu.vector_load %arg6[%get3A_852] {strides = array<i32>} : memref<100000xf32, #tpu.memory_space<vmem>>, vector<16xf32>,
          %ge3A_854 = arith.cmpf oge, %get3A_853, %bitcast3A_328 : vector<16xf32>
          %all_reduce_population_count3A_855 = tpu.all_reduce %ge3A_854 {dim = 0 : i64, kind = #tpu.reduction_kind<sum>} : vector<16xi1> -> vector<16xi32>
          %gt3A_856 = arith.constant 0 : i32
          %gt3A_857 = vector.broadcast %gt3A_856 : i32 to vector<16xi32>
          %gt3A_858 = arith.cmpi sgt, %all_reduce_population_count3A_855, %gt3A_857 : vector<16xi32>
          %jit3A_859 = arith.constant 16 : i32
          %jit3A_860 = arith.constant 0 : i32
          %broadcast_in_dim3A_861 = vector.broadcast %jit3A_859 : i32 to vector<16xi32>
          %broadcast_in_dim3A_862 = vector.broadcast %jit3A_860 : i32 to vector<16xi32>
          %select_n3A_863 = arith.select %gt3A_858, %broadcast_in_dim3A_861, %broadcast_in_dim3A_862 : vector<16xi1>, vector<16xi32>
          %mul3A_864 = arith.constant 25 : i32
          %mul3A_865 = arith.muli %scan3A_383, %mul3A_864 : i32
          %add3A_866 = arith.constant 0 : i32
          %add3A_867 = arith.addi %add3A_866, %mul3A_865 : i32
          %add3A_868 = arith.constant 24 : i32
          %add3A_869 = arith.addi %add3A_867, %add3A_868 : i32
          %mul3A_870 = arith.constant 16 : i32
          %mul3A_871 = arith.muli %add3A_869, %mul3A_870 : i32
          %get3A_872 = arith.index_cast %mul3A_871 : i32 to index
          %get3A_873 = tpu.vector_load %arg6[%get3A_872] {strides = array<i32>} : memref<100000xf32, #tpu.memory_space<vmem>>, vector<16xf32>,
          %ge3A_874 = arith.cmpf oge, %get3A_873, %bitcast3A_328 : vector<16xf32>
          %all_reduce_population_count3A_875 = tpu.all_reduce %ge3A_874 {dim = 0 : i64, kind = #tpu.reduction_kind<sum>} : vector<16xi1> -> vector<16xi32>
          %gt3A_876 = arith.constant 0 : i32
          %gt3A_877 = vector.broadcast %gt3A_876 : i32 to vector<16xi32>
          %gt3A_878 = arith.cmpi sgt, %all_reduce_population_count3A_875, %gt3A_877 : vector<16xi32>
          %jit3A_879 = arith.constant 16 : i32
          %jit3A_880 = arith.constant 0 : i32
          %broadcast_in_dim3A_881 = vector.broadcast %jit3A_879 : i32 to vector<16xi32>
          %broadcast_in_dim3A_882 = vector.broadcast %jit3A_880 : i32 to vector<16xi32>
          %select_n3A_883 = arith.select %gt3A_878, %broadcast_in_dim3A_881, %broadcast_in_dim3A_882 : vector<16xi1>, vector<16xi32>
          %and3A_884 = arith.constant 16383 : i32
          %and3A_885 = vector.broadcast %and3A_884 : i32 to vector<16xi32>
          %and3A_886 = arith.andi %scan3A_384, %and3A_885 : vector<16xi32>
          %add3A_887 = arith.addi %and3A_886, %iota3A : vector<16xi32>
          tpu.vector_store_idx %arg7[%add3A_887], %get3A_394 : memref<16464xf32, #tpu.memory_space<vmem>>[vector<16xi32>], vector<16xf32>,
          %add3A_888 = arith.addi %scan3A_384, %select_n3A_403 : vector<16xi32>
          %and3A_889 = arith.constant 16383 : i32
          %and3A_890 = vector.broadcast %and3A_889 : i32 to vector<16xi32>
          %and3A_891 = arith.andi %add3A_888, %and3A_890 : vector<16xi32>
          %add3A_892 = arith.addi %and3A_891, %iota3A : vector<16xi32>
          tpu.vector_store_idx %arg7[%add3A_892], %get3A_413 : memref<16464xf32, #tpu.memory_space<vmem>>[vector<16xi32>], vector<16xf32>,
          %add3A_893 = arith.addi %add3A_888, %select_n3A_423 : vector<16xi32>
          %and3A_894 = arith.constant 16383 : i32
          %and3A_895 = vector.broadcast %and3A_894 : i32 to vector<16xi32>
          %and3A_896 = arith.andi %add3A_893, %and3A_895 : vector<16xi32>
          %add3A_897 = arith.addi %and3A_896, %iota3A : vector<16xi32>
          tpu.vector_store_idx %arg7[%add3A_897], %get3A_433 : memref<16464xf32, #tpu.memory_space<vmem>>[vector<16xi32>], vector<16xf32>,
          %add3A_898 = arith.addi %add3A_893, %select_n3A_443 : vector<16xi32>
          %and3A_899 = arith.constant 16383 : i32
          %and3A_900 = vector.broadcast %and3A_899 : i32 to vector<16xi32>
          %and3A_901 = arith.andi %add3A_898, %and3A_900 : vector<16xi32>
          %add3A_902 = arith.addi %and3A_901, %iota3A : vector<16xi32>
          tpu.vector_store_idx %arg7[%add3A_902], %get3A_453 : memref<16464xf32, #tpu.memory_space<vmem>>[vector<16xi32>], vector<16xf32>,
          %add3A_903 = arith.addi %add3A_898, %select_n3A_463 : vector<16xi32>
          %and3A_904 = arith.constant 16383 : i32
          %and3A_905 = vector.broadcast %and3A_904 : i32 to vector<16xi32>
          %and3A_906 = arith.andi %add3A_903, %and3A_905 : vector<16xi32>
          %add3A_907 = arith.addi %and3A_906, %iota3A : vector<16xi32>
          tpu.vector_store_idx %arg7[%add3A_907], %get3A_473 : memref<16464xf32, #tpu.memory_space<vmem>>[vector<16xi32>], vector<16xf32>,
          %add3A_908 = arith.addi %add3A_903, %select_n3A_483 : vector<16xi32>
          %and3A_909 = arith.constant 16383 : i32
          %and3A_910 = vector.broadcast %and3A_909 : i32 to vector<16xi32>
          %and3A_911 = arith.andi %add3A_908, %and3A_910 : vector<16xi32>
          %add3A_912 = arith.addi %and3A_911, %iota3A : vector<16xi32>
          tpu.vector_store_idx %arg7[%add3A_912], %get3A_493 : memref<16464xf32, #tpu.memory_space<vmem>>[vector<16xi32>], vector<16xf32>,
          %add3A_913 = arith.addi %add3A_908, %select_n3A_503 : vector<16xi32>
          %and3A_914 = arith.constant 16383 : i32
          %and3A_915 = vector.broadcast %and3A_914 : i32 to vector<16xi32>
          %and3A_916 = arith.andi %add3A_913, %and3A_915 : vector<16xi32>
          %add3A_917 = arith.addi %and3A_916, %iota3A : vector<16xi32>
          tpu.vector_store_idx %arg7[%add3A_917], %get3A_513 : memref<16464xf32, #tpu.memory_space<vmem>>[vector<16xi32>], vector<16xf32>,
          %add3A_918 = arith.addi %add3A_913, %select_n3A_523 : vector<16xi32>
          %and3A_919 = arith.constant 16383 : i32
          %and3A_920 = vector.broadcast %and3A_919 : i32 to vector<16xi32>
          %and3A_921 = arith.andi %add3A_918, %and3A_920 : vector<16xi32>
          %add3A_922 = arith.addi %and3A_921, %iota3A : vector<16xi32>
          tpu.vector_store_idx %arg7[%add3A_922], %get3A_533 : memref<16464xf32, #tpu.memory_space<vmem>>[vector<16xi32>], vector<16xf32>,
          %add3A_923 = arith.addi %add3A_918, %select_n3A_543 : vector<16xi32>
          %and3A_924 = arith.constant 16383 : i32
          %and3A_925 = vector.broadcast %and3A_924 : i32 to vector<16xi32>
          %and3A_926 = arith.andi %add3A_923, %and3A_925 : vector<16xi32>
          %add3A_927 = arith.addi %and3A_926, %iota3A : vector<16xi32>
          tpu.vector_store_idx %arg7[%add3A_927], %get3A_553 : memref<16464xf32, #tpu.memory_space<vmem>>[vector<16xi32>], vector<16xf32>,
          %add3A_928 = arith.addi %add3A_923, %select_n3A_563 : vector<16xi32>
          %and3A_929 = arith.constant 16383 : i32
          %and3A_930 = vector.broadcast %and3A_929 : i32 to vector<16xi32>
          %and3A_931 = arith.andi %add3A_928, %and3A_930 : vector<16xi32>
          %add3A_932 = arith.addi %and3A_931, %iota3A : vector<16xi32>
          tpu.vector_store_idx %arg7[%add3A_932], %get3A_573 : memref<16464xf32, #tpu.memory_space<vmem>>[vector<16xi32>], vector<16xf32>,
          %add3A_933 = arith.addi %add3A_928, %select_n3A_583 : vector<16xi32>
          %and3A_934 = arith.constant 16383 : i32
          %and3A_935 = vector.broadcast %and3A_934 : i32 to vector<16xi32>
          %and3A_936 = arith.andi %add3A_933, %and3A_935 : vector<16xi32>
          %add3A_937 = arith.addi %and3A_936, %iota3A : vector<16xi32>
          tpu.vector_store_idx %arg7[%add3A_937], %get3A_593 : memref<16464xf32, #tpu.memory_space<vmem>>[vector<16xi32>], vector<16xf32>,
          %add3A_938 = arith.addi %add3A_933, %select_n3A_603 : vector<16xi32>
          %and3A_939 = arith.constant 16383 : i32
          %and3A_940 = vector.broadcast %and3A_939 : i32 to vector<16xi32>
          %and3A_941 = arith.andi %add3A_938, %and3A_940 : vector<16xi32>
          %add3A_942 = arith.addi %and3A_941, %iota3A : vector<16xi32>
          tpu.vector_store_idx %arg7[%add3A_942], %get3A_613 : memref<16464xf32, #tpu.memory_space<vmem>>[vector<16xi32>], vector<16xf32>,
          %add3A_943 = arith.addi %add3A_938, %select_n3A_623 : vector<16xi32>
          %and3A_944 = arith.constant 16383 : i32
          %and3A_945 = vector.broadcast %and3A_944 : i32 to vector<16xi32>
          %and3A_946 = arith.andi %add3A_943, %and3A_945 : vector<16xi32>
          %add3A_947 = arith.addi %and3A_946, %iota3A : vector<16xi32>
          tpu.vector_store_idx %arg7[%add3A_947], %get3A_633 : memref<16464xf32, #tpu.memory_space<vmem>>[vector<16xi32>], vector<16xf32>,
          %add3A_948 = arith.addi %add3A_943, %select_n3A_643 : vector<16xi32>
          %and3A_949 = arith.constant 16383 : i32
          %and3A_950 = vector.broadcast %and3A_949 : i32 to vector<16xi32>
          %and3A_951 = arith.andi %add3A_948, %and3A_950 : vector<16xi32>
          %add3A_952 = arith.addi %and3A_951, %iota3A : vector<16xi32>
          tpu.vector_store_idx %arg7[%add3A_952], %get3A_653 : memref<16464xf32, #tpu.memory_space<vmem>>[vector<16xi32>], vector<16xf32>,
          %add3A_953 = arith.addi %add3A_948, %select_n3A_663 : vector<16xi32>
          %and3A_954 = arith.constant 16383 : i32
          %and3A_955 = vector.broadcast %and3A_954 : i32 to vector<16xi32>
          %and3A_956 = arith.andi %add3A_953, %and3A_955 : vector<16xi32>
          %add3A_957 = arith.addi %and3A_956, %iota3A : vector<16xi32>
          tpu.vector_store_idx %arg7[%add3A_957], %get3A_673 : memref<16464xf32, #tpu.memory_space<vmem>>[vector<16xi32>], vector<16xf32>,
          %add3A_958 = arith.addi %add3A_953, %select_n3A_683 : vector<16xi32>
          %and3A_959 = arith.constant 16383 : i32
          %and3A_960 = vector.broadcast %and3A_959 : i32 to vector<16xi32>
          %and3A_961 = arith.andi %add3A_958, %and3A_960 : vector<16xi32>
          %add3A_962 = arith.addi %and3A_961, %iota3A : vector<16xi32>
          tpu.vector_store_idx %arg7[%add3A_962], %get3A_693 : memref<16464xf32, #tpu.memory_space<vmem>>[vector<16xi32>], vector<16xf32>,
          %add3A_963 = arith.addi %add3A_958, %select_n3A_703 : vector<16xi32>
          %and3A_964 = arith.constant 16383 : i32
          %and3A_965 = vector.broadcast %and3A_964 : i32 to vector<16xi32>
          %and3A_966 = arith.andi %add3A_963, %and3A_965 : vector<16xi32>
          %add3A_967 = arith.addi %and3A_966, %iota3A : vector<16xi32>
          tpu.vector_store_idx %arg7[%add3A_967], %get3A_713 : memref<16464xf32, #tpu.memory_space<vmem>>[vector<16xi32>], vector<16xf32>,
          %add3A_968 = arith.addi %add3A_963, %select_n3A_723 : vector<16xi32>
          %and3A_969 = arith.constant 16383 : i32
          %and3A_970 = vector.broadcast %and3A_969 : i32 to vector<16xi32>
          %and3A_971 = arith.andi %add3A_968, %and3A_970 : vector<16xi32>
          %add3A_972 = arith.addi %and3A_971, %iota3A : vector<16xi32>
          tpu.vector_store_idx %arg7[%add3A_972], %get3A_733 : memref<16464xf32, #tpu.memory_space<vmem>>[vector<16xi32>], vector<16xf32>,
          %add3A_973 = arith.addi %add3A_968, %select_n3A_743 : vector<16xi32>
          %and3A_974 = arith.constant 16383 : i32
          %and3A_975 = vector.broadcast %and3A_974 : i32 to vector<16xi32>
          %and3A_976 = arith.andi %add3A_973, %and3A_975 : vector<16xi32>
          %add3A_977 = arith.addi %and3A_976, %iota3A : vector<16xi32>
          tpu.vector_store_idx %arg7[%add3A_977], %get3A_753 : memref<16464xf32, #tpu.memory_space<vmem>>[vector<16xi32>], vector<16xf32>,
          %add3A_978 = arith.addi %add3A_973, %select_n3A_763 : vector<16xi32>
          %and3A_979 = arith.constant 16383 : i32
          %and3A_980 = vector.broadcast %and3A_979 : i32 to vector<16xi32>
          %and3A_981 = arith.andi %add3A_978, %and3A_980 : vector<16xi32>
          %add3A_982 = arith.addi %and3A_981, %iota3A : vector<16xi32>
          tpu.vector_store_idx %arg7[%add3A_982], %get3A_773 : memref<16464xf32, #tpu.memory_space<vmem>>[vector<16xi32>], vector<16xf32>,
          %add3A_983 = arith.addi %add3A_978, %select_n3A_783 : vector<16xi32>
          %and3A_984 = arith.constant 16383 : i32
          %and3A_985 = vector.broadcast %and3A_984 : i32 to vector<16xi32>
          %and3A_986 = arith.andi %add3A_983, %and3A_985 : vector<16xi32>
          %add3A_987 = arith.addi %and3A_986, %iota3A : vector<16xi32>
          tpu.vector_store_idx %arg7[%add3A_987], %get3A_793 : memref<16464xf32, #tpu.memory_space<vmem>>[vector<16xi32>], vector<16xf32>,
          %add3A_988 = arith.addi %add3A_983, %select_n3A_803 : vector<16xi32>
          %and3A_989 = arith.constant 16383 : i32
          %and3A_990 = vector.broadcast %and3A_989 : i32 to vector<16xi32>
          %and3A_991 = arith.andi %add3A_988, %and3A_990 : vector<16xi32>
          %add3A_992 = arith.addi %and3A_991, %iota3A : vector<16xi32>
          tpu.vector_store_idx %arg7[%add3A_992], %get3A_813 : memref<16464xf32, #tpu.memory_space<vmem>>[vector<16xi32>], vector<16xf32>,
          %add3A_993 = arith.addi %add3A_988, %select_n3A_823 : vector<16xi32>
          %and3A_994 = arith.constant 16383 : i32
          %and3A_995 = vector.broadcast %and3A_994 : i32 to vector<16xi32>
          %and3A_996 = arith.andi %add3A_993, %and3A_995 : vector<16xi32>
          %add3A_997 = arith.addi %and3A_996, %iota3A : vector<16xi32>
          tpu.vector_store_idx %arg7[%add3A_997], %get3A_833 : memref<16464xf32, #tpu.memory_space<vmem>>[vector<16xi32>], vector<16xf32>,
          %add3A_998 = arith.addi %add3A_993, %select_n3A_843 : vector<16xi32>
          %and3A_999 = arith.constant 16383 : i32
          %and3A_1000 = vector.broadcast %and3A_999 : i32 to vector<16xi32>
          %and3A_1001 = arith.andi %add3A_998, %and3A_1000 : vector<16xi32>
          %add3A_1002 = arith.addi %and3A_1001, %iota3A : vector<16xi32>
          tpu.vector_store_idx %arg7[%add3A_1002], %get3A_853 : memref<16464xf32, #tpu.memory_space<vmem>>[vector<16xi32>], vector<16xf32>,
          %add3A_1003 = arith.addi %add3A_998, %select_n3A_863 : vector<16xi32>
          %and3A_1004 = arith.constant 16383 : i32
          %and3A_1005 = vector.broadcast %and3A_1004 : i32 to vector<16xi32>
          %and3A_1006 = arith.andi %add3A_1003, %and3A_1005 : vector<16xi32>
          %add3A_1007 = arith.addi %and3A_1006, %iota3A : vector<16xi32>
          tpu.vector_store_idx %arg7[%add3A_1007], %get3A_873 : memref<16464xf32, #tpu.memory_space<vmem>>[vector<16xi32>], vector<16xf32>,
          %add3A_1008 = arith.addi %add3A_1003, %select_n3A_883 : vector<16xi32>
          scf.yield %add3A_1008 : vector<16xi32>
        }
        %scan3A_334 = arith.constant 250 : i32
        %reduce_max3A_335 = arith.constant true
        %reduce_max3A_336 = vector.broadcast %reduce_max3A_335 : i1 to vector<16xi1>
        %reduce_max3A_337 = arith.constant -2147483648 : i32
        %reduce_max3A_338 = vector.broadcast %reduce_max3A_337 : i32 to vector<16xi32>
        %reduce_max3A_339 = arith.xori %scan3A_333, %reduce_max3A_338 : vector<16xi32>
        %reduce_max3A_340 = tpu.scan <max>, %reduce_max3A_339 masked %reduce_max3A_336 : vector<16xi32>, vector<16xi1> -> vector<16xi32>
        %reduce_max3A_341 = arith.xori %reduce_max3A_340, %reduce_max3A_338 : vector<16xi32>
        %reduce_max3A_342 = vector.extract %reduce_max3A_341[15] : i32 from vector<16xi32>
        %le3A = arith.constant 16384 : i32
        %le3A_343 = arith.cmpi sle, %reduce_max3A_342, %le3A : i32
        %swap3A = arith.constant 0 : index
        %swap3A_344 = tpu.vector_load %arg11[%swap3A] {strides = array<i32>} : memref<16xi32, #tpu.memory_space<vmem>>, vector<16xi32>,
        tpu.vector_store %arg11[%swap3A], %broadcast_in_dim3A_5 {strides = array<i32>} : memref<16xi32, #tpu.memory_space<vmem>>, vector<16xi32>,
        %convert_element_type3A_345 = arith.extui %le3A_343 : i1 to i32
        %cond3A_346 = arith.constant 0 : i32
        %cond3A_347 = arith.cmpi ne, %convert_element_type3A_345, %cond3A_346 : i32
        scf.if %cond3A_347 {
          %add3A_383 = arith.constant 0 : i32
          %add3A_384 = arith.addi %reduce_max3A_342, %add3A_383 : i32
          %broadcast_in_dim3A_385 = vector.broadcast %add3A_384 : i32 to vector<16xi32>
          %add3A_386 = arith.addi %broadcast_in_dim3A_385, %iota3A : vector<16xi32>
          tpu.vector_store_idx %arg7[%add3A_386], %broadcast_in_dim3A_7 : memref<16464xf32, #tpu.memory_space<vmem>>[vector<16xi32>], vector<16xf32>,
          %add3A_387 = arith.constant 16 : i32
          %add3A_388 = arith.addi %reduce_max3A_342, %add3A_387 : i32
          %broadcast_in_dim3A_389 = vector.broadcast %add3A_388 : i32 to vector<16xi32>
          %add3A_390 = arith.addi %broadcast_in_dim3A_389, %iota3A : vector<16xi32>
          tpu.vector_store_idx %arg7[%add3A_390], %broadcast_in_dim3A_7 : memref<16464xf32, #tpu.memory_space<vmem>>[vector<16xi32>], vector<16xf32>,
          %add3A_391 = arith.constant 32 : i32
          %add3A_392 = arith.addi %reduce_max3A_342, %add3A_391 : i32
          %broadcast_in_dim3A_393 = vector.broadcast %add3A_392 : i32 to vector<16xi32>
          %add3A_394 = arith.addi %broadcast_in_dim3A_393, %iota3A : vector<16xi32>
          tpu.vector_store_idx %arg7[%add3A_394], %broadcast_in_dim3A_7 : memref<16464xf32, #tpu.memory_space<vmem>>[vector<16xi32>], vector<16xf32>,
          %add3A_395 = arith.constant 48 : i32
          %add3A_396 = arith.addi %reduce_max3A_342, %add3A_395 : i32
          %broadcast_in_dim3A_397 = vector.broadcast %add3A_396 : i32 to vector<16xi32>
          %add3A_398 = arith.addi %broadcast_in_dim3A_397, %iota3A : vector<16xi32>
          tpu.vector_store_idx %arg7[%add3A_398], %broadcast_in_dim3A_7 : memref<16464xf32, #tpu.memory_space<vmem>>[vector<16xi32>], vector<16xf32>,
          %jit3A_399 = arith.constant 16 : i32
          %div3A_400 = arith.divsi %reduce_max3A_342, %jit3A_399 : i32
          %sign3A_401 = arith.constant 0 : i32
          %sign3A_402 = arith.cmpi sgt, %reduce_max3A_342, %sign3A_401 : i32
          %sign3A_403 = arith.extui %sign3A_402 : i1 to i32
          %sign3A_404 = arith.constant 0 : i32
          %sign3A_405 = arith.cmpi slt, %reduce_max3A_342, %sign3A_404 : i32
          %sign3A_406 = arith.extui %sign3A_405 : i1 to i32
          %sign3A_407 = arith.subi %sign3A_403, %sign3A_406 : i32
          %sign3A_408 = arith.constant 0 : i32
          %sign3A_409 = arith.cmpi sgt, %jit3A_399, %sign3A_408 : i32
          %sign3A_410 = arith.extui %sign3A_409 : i1 to i32
          %sign3A_411 = arith.constant 0 : i32
          %sign3A_412 = arith.cmpi slt, %jit3A_399, %sign3A_411 : i32
          %sign3A_413 = arith.extui %sign3A_412 : i1 to i32
          %sign3A_414 = arith.subi %sign3A_410, %sign3A_413 : i32
          %ne3A_415 = arith.cmpi ne, %sign3A_407, %sign3A_414 : i32
          %rem3A_416 = arith.remsi %reduce_max3A_342, %jit3A_399 : i32
          %ne3A_417 = arith.constant 0 : i32
          %ne3A_418 = arith.cmpi ne, %rem3A_416, %ne3A_417 : i32
          %and3A_419 = arith.andi %ne3A_415, %ne3A_418 : i1
          %sub3A_420 = arith.constant 1 : i32
          %sub3A_421 = arith.subi %div3A_400, %sub3A_420 : i32
          %select_n3A_422 = arith.select %and3A_419, %sub3A_421, %div3A_400 : i32
          %add3A_423 = arith.constant 3 : i32
          %add3A_424 = arith.addi %select_n3A_422, %add3A_423 : i32
          %jit3A_425 = arith.constant 4 : i32
          %div3A_426 = arith.divsi %add3A_424, %jit3A_425 : i32
          %sign3A_427 = arith.constant 0 : i32
          %sign3A_428 = arith.cmpi sgt, %add3A_424, %sign3A_427 : i32
          %sign3A_429 = arith.extui %sign3A_428 : i1 to i32
          %sign3A_430 = arith.constant 0 : i32
          %sign3A_431 = arith.cmpi slt, %add3A_424, %sign3A_430 : i32
          %sign3A_432 = arith.extui %sign3A_431 : i1 to i32
          %sign3A_433 = arith.subi %sign3A_429, %sign3A_432 : i32
          %sign3A_434 = arith.constant 0 : i32
          %sign3A_435 = arith.cmpi sgt, %jit3A_425, %sign3A_434 : i32
          %sign3A_436 = arith.extui %sign3A_435 : i1 to i32
          %sign3A_437 = arith.constant 0 : i32
          %sign3A_438 = arith.cmpi slt, %jit3A_425, %sign3A_437 : i32
          %sign3A_439 = arith.extui %sign3A_438 : i1 to i32
          %sign3A_440 = arith.subi %sign3A_436, %sign3A_439 : i32
          %ne3A_441 = arith.cmpi ne, %sign3A_433, %sign3A_440 : i32
          %rem3A_442 = arith.remsi %add3A_424, %jit3A_425 : i32
          %ne3A_443 = arith.constant 0 : i32
          %ne3A_444 = arith.cmpi ne, %rem3A_442, %ne3A_443 : i32
          %and3A_445 = arith.andi %ne3A_441, %ne3A_444 : i1
          %sub3A_446 = arith.constant 1 : i32
          %sub3A_447 = arith.subi %div3A_426, %sub3A_446 : i32
          %select_n3A_448 = arith.select %and3A_445, %sub3A_447, %div3A_426 : i32
          %while3A_449 = arith.constant 0 : i32
          %while3A_450 = arith.subi %select_n3A_448, %while3A_449 : i32
          %while3A_451 = arith.addi %while3A_449, %while3A_450 : i32
          %while3A_452 = arith.constant 1 : i32
          %while3A_453 = arith.divsi %while3A_450, %while3A_452 : i32
          %while3A_454 = arith.muli %while3A_453, %while3A_452 : i32
          %while3A_455 = arith.addi %while3A_449, %while3A_454 : i32
          %while3A_456 = arith.constant 1 : i32
          %while3A_457:2 = scf.for %while3A_474 = %while3A_449 to %while3A_455 step %while3A_456 iter_args(%while3A_475 = %broadcast_in_dim3A_5, %while3A_476 = %broadcast_in_dim3A_7) -> (vector<16xi32>, vector<16xf32>)  : i32 {
            %mul3A_477 = arith.constant 4 : i32
            %mul3A_478 = arith.muli %while3A_474, %mul3A_477 : i32
            %add3A_479 = arith.constant 0 : i32
            %add3A_480 = arith.addi %mul3A_478, %add3A_479 : i32
            %mul3A_481 = arith.constant 16 : i32
            %mul3A_482 = arith.muli %add3A_480, %mul3A_481 : i32
            %get3A_483 = arith.index_cast %mul3A_482 : i32 to index
            %get3A_484 = tpu.vector_load %arg7[%get3A_483] {strides = array<i32>} : memref<16464xf32, #tpu.memory_space<vmem>>, vector<16xf32>,
            %ge3A_485 = arith.cmpf oge, %get3A_484, %bitcast3A_328 : vector<16xf32>
            %jit3A_486 = arith.constant 1 : i32
            %jit3A_487 = arith.constant 0 : i32
            %broadcast_in_dim3A_488 = vector.broadcast %jit3A_486 : i32 to vector<16xi32>
            %broadcast_in_dim3A_489 = vector.broadcast %jit3A_487 : i32 to vector<16xi32>
            %select_n3A_490 = arith.select %ge3A_485, %broadcast_in_dim3A_488, %broadcast_in_dim3A_489 : vector<16xi1>, vector<16xi32>
            %broadcast_in_dim3A_491 = arith.constant true
            %broadcast_in_dim3A_492 = vector.broadcast %broadcast_in_dim3A_491 : i1 to vector<16xi1>
            %masked_cumsum3A = tpu.scan <sum>, %select_n3A_490 masked %broadcast_in_dim3A_492 : vector<16xi32>, vector<16xi1> -> vector<16xi32>
            %all_reduce_population_count3A = tpu.all_reduce %ge3A_485 {dim = 0 : i64, kind = #tpu.reduction_kind<sum>} : vector<16xi1> -> vector<16xi32>
            %select_n3A_493 = arith.select %ge3A_485, %get3A_484, %broadcast_in_dim3A_7 : vector<16xi1>, vector<16xf32>
            %max3A_494 = arith.maximumf %while3A_476, %select_n3A_493 : vector<16xf32>
            %mul3A_495 = arith.constant 4 : i32
            %mul3A_496 = arith.muli %while3A_474, %mul3A_495 : i32
            %add3A_497 = arith.constant 1 : i32
            %add3A_498 = arith.addi %mul3A_496, %add3A_497 : i32
            %mul3A_499 = arith.constant 16 : i32
            %mul3A_500 = arith.muli %add3A_498, %mul3A_499 : i32
            %get3A_501 = arith.index_cast %mul3A_500 : i32 to index
            %get3A_502 = tpu.vector_load %arg7[%get3A_501] {strides = array<i32>} : memref<16464xf32, #tpu.memory_space<vmem>>, vector<16xf32>,
            %ge3A_503 = arith.cmpf oge, %get3A_502, %bitcast3A_328 : vector<16xf32>
            %jit3A_504 = arith.constant 1 : i32
            %jit3A_505 = arith.constant 0 : i32
            %broadcast_in_dim3A_506 = vector.broadcast %jit3A_504 : i32 to vector<16xi32>
            %broadcast_in_dim3A_507 = vector.broadcast %jit3A_505 : i32 to vector<16xi32>
            %select_n3A_508 = arith.select %ge3A_503, %broadcast_in_dim3A_506, %broadcast_in_dim3A_507 : vector<16xi1>, vector<16xi32>
            %broadcast_in_dim3A_509 = arith.constant true
            %broadcast_in_dim3A_510 = vector.broadcast %broadcast_in_dim3A_509 : i1 to vector<16xi1>
            %masked_cumsum3A_511 = tpu.scan <sum>, %select_n3A_508 masked %broadcast_in_dim3A_510 : vector<16xi32>, vector<16xi1> -> vector<16xi32>
            %all_reduce_population_count3A_512 = tpu.all_reduce %ge3A_503 {dim = 0 : i64, kind = #tpu.reduction_kind<sum>} : vector<16xi1> -> vector<16xi32>
            %select_n3A_513 = arith.select %ge3A_503, %get3A_502, %broadcast_in_dim3A_7 : vector<16xi1>, vector<16xf32>
            %max3A_514 = arith.maximumf %max3A_494, %select_n3A_513 : vector<16xf32>
            %mul3A_515 = arith.constant 4 : i32
            %mul3A_516 = arith.muli %while3A_474, %mul3A_515 : i32
            %add3A_517 = arith.constant 2 : i32
            %add3A_518 = arith.addi %mul3A_516, %add3A_517 : i32
            %mul3A_519 = arith.constant 16 : i32
            %mul3A_520 = arith.muli %add3A_518, %mul3A_519 : i32
            %get3A_521 = arith.index_cast %mul3A_520 : i32 to index
            %get3A_522 = tpu.vector_load %arg7[%get3A_521] {strides = array<i32>} : memref<16464xf32, #tpu.memory_space<vmem>>, vector<16xf32>,
            %ge3A_523 = arith.cmpf oge, %get3A_522, %bitcast3A_328 : vector<16xf32>
            %jit3A_524 = arith.constant 1 : i32
            %jit3A_525 = arith.constant 0 : i32
            %broadcast_in_dim3A_526 = vector.broadcast %jit3A_524 : i32 to vector<16xi32>
            %broadcast_in_dim3A_527 = vector.broadcast %jit3A_525 : i32 to vector<16xi32>
            %select_n3A_528 = arith.select %ge3A_523, %broadcast_in_dim3A_526, %broadcast_in_dim3A_527 : vector<16xi1>, vector<16xi32>
            %broadcast_in_dim3A_529 = arith.constant true
            %broadcast_in_dim3A_530 = vector.broadcast %broadcast_in_dim3A_529 : i1 to vector<16xi1>
            %masked_cumsum3A_531 = tpu.scan <sum>, %select_n3A_528 masked %broadcast_in_dim3A_530 : vector<16xi32>, vector<16xi1> -> vector<16xi32>
            %all_reduce_population_count3A_532 = tpu.all_reduce %ge3A_523 {dim = 0 : i64, kind = #tpu.reduction_kind<sum>} : vector<16xi1> -> vector<16xi32>
            %select_n3A_533 = arith.select %ge3A_523, %get3A_522, %broadcast_in_dim3A_7 : vector<16xi1>, vector<16xf32>
            %max3A_534 = arith.maximumf %max3A_514, %select_n3A_533 : vector<16xf32>
            %mul3A_535 = arith.constant 4 : i32
            %mul3A_536 = arith.muli %while3A_474, %mul3A_535 : i32
            %add3A_537 = arith.constant 3 : i32
            %add3A_538 = arith.addi %mul3A_536, %add3A_537 : i32
            %mul3A_539 = arith.constant 16 : i32
            %mul3A_540 = arith.muli %add3A_538, %mul3A_539 : i32
            %get3A_541 = arith.index_cast %mul3A_540 : i32 to index
            %get3A_542 = tpu.vector_load %arg7[%get3A_541] {strides = array<i32>} : memref<16464xf32, #tpu.memory_space<vmem>>, vector<16xf32>,
            %ge3A_543 = arith.cmpf oge, %get3A_542, %bitcast3A_328 : vector<16xf32>
            %jit3A_544 = arith.constant 1 : i32
            %jit3A_545 = arith.constant 0 : i32
            %broadcast_in_dim3A_546 = vector.broadcast %jit3A_544 : i32 to vector<16xi32>
            %broadcast_in_dim3A_547 = vector.broadcast %jit3A_545 : i32 to vector<16xi32>
            %select_n3A_548 = arith.select %ge3A_543, %broadcast_in_dim3A_546, %broadcast_in_dim3A_547 : vector<16xi1>, vector<16xi32>
            %broadcast_in_dim3A_549 = arith.constant true
            %broadcast_in_dim3A_550 = vector.broadcast %broadcast_in_dim3A_549 : i1 to vector<16xi1>
            %masked_cumsum3A_551 = tpu.scan <sum>, %select_n3A_548 masked %broadcast_in_dim3A_550 : vector<16xi32>, vector<16xi1> -> vector<16xi32>
            %all_reduce_population_count3A_552 = tpu.all_reduce %ge3A_543 {dim = 0 : i64, kind = #tpu.reduction_kind<sum>} : vector<16xi1> -> vector<16xi32>
            %select_n3A_553 = arith.select %ge3A_543, %get3A_542, %broadcast_in_dim3A_7 : vector<16xi1>, vector<16xf32>
            %max3A_554 = arith.maximumf %max3A_534, %select_n3A_553 : vector<16xf32>
            %add3A_555 = arith.addi %while3A_475, %masked_cumsum3A : vector<16xi32>
            %sub3A_556 = arith.constant 1 : i32
            %sub3A_557 = vector.broadcast %sub3A_556 : i32 to vector<16xi32>
            %sub3A_558 = arith.subi %add3A_555, %sub3A_557 : vector<16xi32>
            tpu.vector_store_idx %arg7[%sub3A_558], %get3A_484 masked %ge3A_485 : memref<16464xf32, #tpu.memory_space<vmem>>[vector<16xi32>], vector<16xf32>, vector<16xi1>
            %add3A_559 = arith.addi %while3A_475, %all_reduce_population_count3A : vector<16xi32>
            %add3A_560 = arith.addi %add3A_559, %masked_cumsum3A_511 : vector<16xi32>
            %sub3A_561 = arith.constant 1 : i32
            %sub3A_562 = vector.broadcast %sub3A_561 : i32 to vector<16xi32>
            %sub3A_563 = arith.subi %add3A_560, %sub3A_562 : vector<16xi32>
            tpu.vector_store_idx %arg7[%sub3A_563], %get3A_502 masked %ge3A_503 : memref<16464xf32, #tpu.memory_space<vmem>>[vector<16xi32>], vector<16xf32>, vector<16xi1>
            %add3A_564 = arith.addi %add3A_559, %all_reduce_population_count3A_512 : vector<16xi32>
            %add3A_565 = arith.addi %add3A_564, %masked_cumsum3A_531 : vector<16xi32>
            %sub3A_566 = arith.constant 1 : i32
            %sub3A_567 = vector.broadcast %sub3A_566 : i32 to vector<16xi32>
            %sub3A_568 = arith.subi %add3A_565, %sub3A_567 : vector<16xi32>
            tpu.vector_store_idx %arg7[%sub3A_568], %get3A_522 masked %ge3A_523 : memref<16464xf32, #tpu.memory_space<vmem>>[vector<16xi32>], vector<16xf32>, vector<16xi1>
            %add3A_569 = arith.addi %add3A_564, %all_reduce_population_count3A_532 : vector<16xi32>
            %add3A_570 = arith.addi %add3A_569, %masked_cumsum3A_551 : vector<16xi32>
            %sub3A_571 = arith.constant 1 : i32
            %sub3A_572 = vector.broadcast %sub3A_571 : i32 to vector<16xi32>
            %sub3A_573 = arith.subi %add3A_570, %sub3A_572 : vector<16xi32>
            tpu.vector_store_idx %arg7[%sub3A_573], %get3A_542 masked %ge3A_543 : memref<16464xf32, #tpu.memory_space<vmem>>[vector<16xi32>], vector<16xf32>, vector<16xi1>
            %add3A_574 = arith.addi %add3A_569, %all_reduce_population_count3A_552 : vector<16xi32>
            scf.yield %add3A_574, %max3A_554 : vector<16xi32>, vector<16xf32>
          }
          %while3A_458 = arith.constant 1 : i32
          %while3A_459:2 = scf.for %while3A_474 = %while3A_455 to %while3A_451 step %while3A_458 iter_args(%while3A_475 = %while3A_457#0, %while3A_476 = %while3A_457#1) -> (vector<16xi32>, vector<16xf32>)  : i32 {
            %mul3A_477 = arith.constant 4 : i32
            %mul3A_478 = arith.muli %while3A_474, %mul3A_477 : i32
            %add3A_479 = arith.constant 0 : i32
            %add3A_480 = arith.addi %mul3A_478, %add3A_479 : i32
            %mul3A_481 = arith.constant 16 : i32
            %mul3A_482 = arith.muli %add3A_480, %mul3A_481 : i32
            %get3A_483 = arith.index_cast %mul3A_482 : i32 to index
            %get3A_484 = tpu.vector_load %arg7[%get3A_483] {strides = array<i32>} : memref<16464xf32, #tpu.memory_space<vmem>>, vector<16xf32>,
            %ge3A_485 = arith.cmpf oge, %get3A_484, %bitcast3A_328 : vector<16xf32>
            %jit3A_486 = arith.constant 1 : i32
            %jit3A_487 = arith.constant 0 : i32
            %broadcast_in_dim3A_488 = vector.broadcast %jit3A_486 : i32 to vector<16xi32>
            %broadcast_in_dim3A_489 = vector.broadcast %jit3A_487 : i32 to vector<16xi32>
            %select_n3A_490 = arith.select %ge3A_485, %broadcast_in_dim3A_488, %broadcast_in_dim3A_489 : vector<16xi1>, vector<16xi32>
            %broadcast_in_dim3A_491 = arith.constant true
            %broadcast_in_dim3A_492 = vector.broadcast %broadcast_in_dim3A_491 : i1 to vector<16xi1>
            %masked_cumsum3A = tpu.scan <sum>, %select_n3A_490 masked %broadcast_in_dim3A_492 : vector<16xi32>, vector<16xi1> -> vector<16xi32>
            %all_reduce_population_count3A = tpu.all_reduce %ge3A_485 {dim = 0 : i64, kind = #tpu.reduction_kind<sum>} : vector<16xi1> -> vector<16xi32>
            %select_n3A_493 = arith.select %ge3A_485, %get3A_484, %broadcast_in_dim3A_7 : vector<16xi1>, vector<16xf32>
            %max3A_494 = arith.maximumf %while3A_476, %select_n3A_493 : vector<16xf32>
            %mul3A_495 = arith.constant 4 : i32
            %mul3A_496 = arith.muli %while3A_474, %mul3A_495 : i32
            %add3A_497 = arith.constant 1 : i32
            %add3A_498 = arith.addi %mul3A_496, %add3A_497 : i32
            %mul3A_499 = arith.constant 16 : i32
            %mul3A_500 = arith.muli %add3A_498, %mul3A_499 : i32
            %get3A_501 = arith.index_cast %mul3A_500 : i32 to index
            %get3A_502 = tpu.vector_load %arg7[%get3A_501] {strides = array<i32>} : memref<16464xf32, #tpu.memory_space<vmem>>, vector<16xf32>,
            %ge3A_503 = arith.cmpf oge, %get3A_502, %bitcast3A_328 : vector<16xf32>
            %jit3A_504 = arith.constant 1 : i32
            %jit3A_505 = arith.constant 0 : i32
            %broadcast_in_dim3A_506 = vector.broadcast %jit3A_504 : i32 to vector<16xi32>
            %broadcast_in_dim3A_507 = vector.broadcast %jit3A_505 : i32 to vector<16xi32>
            %select_n3A_508 = arith.select %ge3A_503, %broadcast_in_dim3A_506, %broadcast_in_dim3A_507 : vector<16xi1>, vector<16xi32>
            %broadcast_in_dim3A_509 = arith.constant true
            %broadcast_in_dim3A_510 = vector.broadcast %broadcast_in_dim3A_509 : i1 to vector<16xi1>
            %masked_cumsum3A_511 = tpu.scan <sum>, %select_n3A_508 masked %broadcast_in_dim3A_510 : vector<16xi32>, vector<16xi1> -> vector<16xi32>
            %all_reduce_population_count3A_512 = tpu.all_reduce %ge3A_503 {dim = 0 : i64, kind = #tpu.reduction_kind<sum>} : vector<16xi1> -> vector<16xi32>
            %select_n3A_513 = arith.select %ge3A_503, %get3A_502, %broadcast_in_dim3A_7 : vector<16xi1>, vector<16xf32>
            %max3A_514 = arith.maximumf %max3A_494, %select_n3A_513 : vector<16xf32>
            %mul3A_515 = arith.constant 4 : i32
            %mul3A_516 = arith.muli %while3A_474, %mul3A_515 : i32
            %add3A_517 = arith.constant 2 : i32
            %add3A_518 = arith.addi %mul3A_516, %add3A_517 : i32
            %mul3A_519 = arith.constant 16 : i32
            %mul3A_520 = arith.muli %add3A_518, %mul3A_519 : i32
            %get3A_521 = arith.index_cast %mul3A_520 : i32 to index
            %get3A_522 = tpu.vector_load %arg7[%get3A_521] {strides = array<i32>} : memref<16464xf32, #tpu.memory_space<vmem>>, vector<16xf32>,
            %ge3A_523 = arith.cmpf oge, %get3A_522, %bitcast3A_328 : vector<16xf32>
            %jit3A_524 = arith.constant 1 : i32
            %jit3A_525 = arith.constant 0 : i32
            %broadcast_in_dim3A_526 = vector.broadcast %jit3A_524 : i32 to vector<16xi32>
            %broadcast_in_dim3A_527 = vector.broadcast %jit3A_525 : i32 to vector<16xi32>
            %select_n3A_528 = arith.select %ge3A_523, %broadcast_in_dim3A_526, %broadcast_in_dim3A_527 : vector<16xi1>, vector<16xi32>
            %broadcast_in_dim3A_529 = arith.constant true
            %broadcast_in_dim3A_530 = vector.broadcast %broadcast_in_dim3A_529 : i1 to vector<16xi1>
            %masked_cumsum3A_531 = tpu.scan <sum>, %select_n3A_528 masked %broadcast_in_dim3A_530 : vector<16xi32>, vector<16xi1> -> vector<16xi32>
            %all_reduce_population_count3A_532 = tpu.all_reduce %ge3A_523 {dim = 0 : i64, kind = #tpu.reduction_kind<sum>} : vector<16xi1> -> vector<16xi32>
            %select_n3A_533 = arith.select %ge3A_523, %get3A_522, %broadcast_in_dim3A_7 : vector<16xi1>, vector<16xf32>
            %max3A_534 = arith.maximumf %max3A_514, %select_n3A_533 : vector<16xf32>
            %mul3A_535 = arith.constant 4 : i32
            %mul3A_536 = arith.muli %while3A_474, %mul3A_535 : i32
            %add3A_537 = arith.constant 3 : i32
            %add3A_538 = arith.addi %mul3A_536, %add3A_537 : i32
            %mul3A_539 = arith.constant 16 : i32
            %mul3A_540 = arith.muli %add3A_538, %mul3A_539 : i32
            %get3A_541 = arith.index_cast %mul3A_540 : i32 to index
            %get3A_542 = tpu.vector_load %arg7[%get3A_541] {strides = array<i32>} : memref<16464xf32, #tpu.memory_space<vmem>>, vector<16xf32>,
            %ge3A_543 = arith.cmpf oge, %get3A_542, %bitcast3A_328 : vector<16xf32>
            %jit3A_544 = arith.constant 1 : i32
            %jit3A_545 = arith.constant 0 : i32
            %broadcast_in_dim3A_546 = vector.broadcast %jit3A_544 : i32 to vector<16xi32>
            %broadcast_in_dim3A_547 = vector.broadcast %jit3A_545 : i32 to vector<16xi32>
            %select_n3A_548 = arith.select %ge3A_543, %broadcast_in_dim3A_546, %broadcast_in_dim3A_547 : vector<16xi1>, vector<16xi32>
            %broadcast_in_dim3A_549 = arith.constant true
            %broadcast_in_dim3A_550 = vector.broadcast %broadcast_in_dim3A_549 : i1 to vector<16xi1>
            %masked_cumsum3A_551 = tpu.scan <sum>, %select_n3A_548 masked %broadcast_in_dim3A_550 : vector<16xi32>, vector<16xi1> -> vector<16xi32>
            %all_reduce_population_count3A_552 = tpu.all_reduce %ge3A_543 {dim = 0 : i64, kind = #tpu.reduction_kind<sum>} : vector<16xi1> -> vector<16xi32>
            %select_n3A_553 = arith.select %ge3A_543, %get3A_542, %broadcast_in_dim3A_7 : vector<16xi1>, vector<16xf32>
            %max3A_554 = arith.maximumf %max3A_534, %select_n3A_553 : vector<16xf32>
            %add3A_555 = arith.addi %while3A_475, %masked_cumsum3A : vector<16xi32>
            %sub3A_556 = arith.constant 1 : i32
            %sub3A_557 = vector.broadcast %sub3A_556 : i32 to vector<16xi32>
            %sub3A_558 = arith.subi %add3A_555, %sub3A_557 : vector<16xi32>
            tpu.vector_store_idx %arg7[%sub3A_558], %get3A_484 masked %ge3A_485 : memref<16464xf32, #tpu.memory_space<vmem>>[vector<16xi32>], vector<16xf32>, vector<16xi1>
            %add3A_559 = arith.addi %while3A_475, %all_reduce_population_count3A : vector<16xi32>
            %add3A_560 = arith.addi %add3A_559, %masked_cumsum3A_511 : vector<16xi32>
            %sub3A_561 = arith.constant 1 : i32
            %sub3A_562 = vector.broadcast %sub3A_561 : i32 to vector<16xi32>
            %sub3A_563 = arith.subi %add3A_560, %sub3A_562 : vector<16xi32>
            tpu.vector_store_idx %arg7[%sub3A_563], %get3A_502 masked %ge3A_503 : memref<16464xf32, #tpu.memory_space<vmem>>[vector<16xi32>], vector<16xf32>, vector<16xi1>
            %add3A_564 = arith.addi %add3A_559, %all_reduce_population_count3A_512 : vector<16xi32>
            %add3A_565 = arith.addi %add3A_564, %masked_cumsum3A_531 : vector<16xi32>
            %sub3A_566 = arith.constant 1 : i32
            %sub3A_567 = vector.broadcast %sub3A_566 : i32 to vector<16xi32>
            %sub3A_568 = arith.subi %add3A_565, %sub3A_567 : vector<16xi32>
            tpu.vector_store_idx %arg7[%sub3A_568], %get3A_522 masked %ge3A_523 : memref<16464xf32, #tpu.memory_space<vmem>>[vector<16xi32>], vector<16xf32>, vector<16xi1>
            %add3A_569 = arith.addi %add3A_564, %all_reduce_population_count3A_532 : vector<16xi32>
            %add3A_570 = arith.addi %add3A_569, %masked_cumsum3A_551 : vector<16xi32>
            %sub3A_571 = arith.constant 1 : i32
            %sub3A_572 = vector.broadcast %sub3A_571 : i32 to vector<16xi32>
            %sub3A_573 = arith.subi %add3A_570, %sub3A_572 : vector<16xi32>
            tpu.vector_store_idx %arg7[%sub3A_573], %get3A_542 masked %ge3A_543 : memref<16464xf32, #tpu.memory_space<vmem>>[vector<16xi32>], vector<16xf32>, vector<16xi1>
            %add3A_574 = arith.addi %add3A_569, %all_reduce_population_count3A_552 : vector<16xi32>
            scf.yield %add3A_574, %max3A_554 : vector<16xi32>, vector<16xf32>
          }
          %swap3A_460 = arith.constant 0 : index
          %swap3A_461 = tpu.vector_load %arg11[%swap3A_460] {strides = array<i32>} : memref<16xi32, #tpu.memory_space<vmem>>, vector<16xi32>,
          tpu.vector_store %arg11[%swap3A_460], %while3A_459#0 {strides = array<i32>} : memref<16xi32, #tpu.memory_space<vmem>>, vector<16xi32>,
          %bitcast3A_462 = vector.bitcast %while3A_459#1 : vector<16xf32> to vector<16xi32>
          %ge3A_463 = arith.constant 0 : i32
          %ge3A_464 = vector.broadcast %ge3A_463 : i32 to vector<16xi32>
          %ge3A_465 = arith.cmpi sge, %bitcast3A_462, %ge3A_464 : vector<16xi32>
          %sub3A_466 = arith.constant -2147483648 : i32
          %sub3A_467 = vector.broadcast %sub3A_466 : i32 to vector<16xi32>
          %sub3A_468 = arith.subi %sub3A_467, %bitcast3A_462 : vector<16xi32>
          %select_n3A_469 = arith.select %ge3A_465, %bitcast3A_462, %sub3A_468 : vector<16xi1>, vector<16xi32>
          %broadcast_in_dim3A_470 = vector.broadcast %while3A_316 : i32 to vector<16xi32>
          %min3A_471 = arith.minsi %broadcast_in_dim3A_470, %select_n3A_469 : vector<16xi32>
          %swap3A_472 = arith.constant 0 : index
          %swap3A_473 = tpu.vector_load %arg12[%swap3A_472] {strides = array<i32>} : memref<16xi32, #tpu.memory_space<vmem>>, vector<16xi32>,
          tpu.vector_store %arg12[%swap3A_472], %min3A_471 {strides = array<i32>} : memref<16xi32, #tpu.memory_space<vmem>>, vector<16xi32>,
        } else {
        }
        %get3A_348 = arith.constant 0 : index
        %get3A_349 = tpu.vector_load %arg11[%get3A_348] {strides = array<i32>} : memref<16xi32, #tpu.memory_space<vmem>>, vector<16xi32>,
        %reduce_max3A_350 = arith.constant true
        %reduce_max3A_351 = vector.broadcast %reduce_max3A_350 : i1 to vector<16xi1>
        %reduce_max3A_352 = arith.constant -2147483648 : i32
        %reduce_max3A_353 = vector.broadcast %reduce_max3A_352 : i32 to vector<16xi32>
        %reduce_max3A_354 = arith.xori %get3A_349, %reduce_max3A_353 : vector<16xi32>
        %reduce_max3A_355 = tpu.scan <max>, %reduce_max3A_354 masked %reduce_max3A_351 : vector<16xi32>, vector<16xi1> -> vector<16xi32>
        %reduce_max3A_356 = arith.xori %reduce_max3A_355, %reduce_max3A_353 : vector<16xi32>
        %reduce_max3A_357 = vector.extract %reduce_max3A_356[15] : i32 from vector<16xi32>
        %not3A_358 = arith.constant true
        %not3A_359 = arith.xori %le3A_343, %not3A_358 : i1
        %ge3A_360 = arith.constant 512 : i32
        %ge3A_361 = arith.cmpi sge, %reduce_max3A_357, %ge3A_360 : i32
        %or3A = arith.ori %not3A_359, %ge3A_361 : i1
        %ge3A_362 = arith.constant 512 : i32
        %ge3A_363 = arith.cmpi sge, %reduce_max3A_357, %ge3A_362 : i32
        %and3A_364 = arith.andi %le3A_343, %ge3A_363 : i1
        %select_n3A_365 = arith.select %or3A, %while3A_317, %while3A_315 : i32
        %sub3A_366 = arith.constant 1 : i32
        %sub3A_367 = arith.subi %while3A_317, %sub3A_366 : i32
        %select_n3A_368 = arith.select %or3A, %while3A_316, %sub3A_367 : i32
        %shift_right_arithmetic3A = arith.constant 1 : i32
        %shift_right_arithmetic3A_369 = arith.shrsi %select_n3A_365, %shift_right_arithmetic3A : i32
        %shift_right_arithmetic3A_370 = arith.constant 1 : i32
        %shift_right_arithmetic3A_371 = arith.shrsi %select_n3A_368, %shift_right_arithmetic3A_370 : i32
        %add3A_372 = arith.addi %shift_right_arithmetic3A_369, %shift_right_arithmetic3A_371 : i32
        %and3A_373 = arith.andi %select_n3A_365, %select_n3A_368 : i32
        %and3A_374 = arith.constant 1 : i32
        %and3A_375 = arith.andi %and3A_373, %and3A_374 : i32
        %add3A_376 = arith.addi %add3A_372, %and3A_375 : i32
        %xor3A = arith.xori %select_n3A_365, %select_n3A_368 : i32
        %and3A_377 = arith.constant 1 : i32
        %and3A_378 = arith.andi %xor3A, %and3A_377 : i32
        %add3A_379 = arith.addi %add3A_376, %and3A_378 : i32
        %select_n3A_380 = arith.select %and3A_364, %while3A_317, %add3A_379 : i32
        %add3A_381 = arith.constant 1 : i32
        %add3A_382 = arith.addi %while3A_318, %add3A_381 : i32
        scf.yield %select_n3A_365, %select_n3A_368, %select_n3A_380, %add3A_382, %and3A_364 : i32, i32, i32, i32, i1
      }
      %not3A_178 = arith.constant true
      %not3A_179 = arith.xori %while3A_177#4, %not3A_178 : i1
      %convert_element_type3A_180 = arith.extui %not3A_179 : i1 to i32
      %cond3A_181 = arith.constant 0 : i32
      %cond3A_182 = arith.cmpi ne, %convert_element_type3A_180, %cond3A_181 : i32
      scf.if %cond3A_182 {
        %broadcast_in_dim3A_315 = vector.broadcast %while3A_177#0 : i32 to vector<16xi32>
        %ge3A_316 = arith.constant 0 : i32
        %ge3A_317 = vector.broadcast %ge3A_316 : i32 to vector<16xi32>
        %ge3A_318 = arith.cmpi sge, %broadcast_in_dim3A_315, %ge3A_317 : vector<16xi32>
        %sub3A_319 = arith.constant -2147483648 : i32
        %sub3A_320 = vector.broadcast %sub3A_319 : i32 to vector<16xi32>
        %sub3A_321 = arith.subi %sub3A_320, %broadcast_in_dim3A_315 : vector<16xi32>
        %select_n3A_322 = arith.select %ge3A_318, %broadcast_in_dim3A_315, %sub3A_321 : vector<16xi1>, vector<16xi32>
        %bitcast3A_323 = vector.bitcast %select_n3A_322 : vector<16xi32> to vector<16xf32>
        %scan3A_324 = arith.constant 0 : i32
        %scan3A_325 = arith.constant 6250 : i32
        %scan3A_326 = arith.addi %scan3A_324, %scan3A_325 : i32
        %scan3A_327 = arith.constant 1 : i32
        %scan3A_328 = scf.for %scan3A_334 = %scan3A_324 to %scan3A_326 step %scan3A_327 iter_args(%scan3A_335 = %broadcast_in_dim3A_5) -> (vector<16xi32>)  : i32 {
          %mul3A_336 = arith.constant 16 : i32
          %mul3A_337 = arith.muli %scan3A_334, %mul3A_336 : i32
          %get3A_338 = arith.index_cast %mul3A_337 : i32 to index
          %get3A_339 = tpu.vector_load %arg6[%get3A_338] {strides = array<i32>} : memref<100000xf32, #tpu.memory_space<vmem>>, vector<16xf32>,
          %gt3A_340 = arith.cmpf ogt, %get3A_339, %bitcast3A_323 : vector<16xf32>
          %jit3A_341 = arith.constant 1 : i32
          %jit3A_342 = arith.constant 0 : i32
          %broadcast_in_dim3A_343 = vector.broadcast %jit3A_341 : i32 to vector<16xi32>
          %broadcast_in_dim3A_344 = vector.broadcast %jit3A_342 : i32 to vector<16xi32>
          %select_n3A_345 = arith.select %gt3A_340, %broadcast_in_dim3A_343, %broadcast_in_dim3A_344 : vector<16xi1>, vector<16xi32>
          %broadcast_in_dim3A_346 = arith.constant true
          %broadcast_in_dim3A_347 = vector.broadcast %broadcast_in_dim3A_346 : i1 to vector<16xi1>
          %masked_cumsum3A = tpu.scan <sum>, %select_n3A_345 masked %broadcast_in_dim3A_347 : vector<16xi32>, vector<16xi1> -> vector<16xi32>
          %add3A_348 = arith.addi %scan3A_335, %masked_cumsum3A : vector<16xi32>
          %sub3A_349 = arith.constant 1 : i32
          %sub3A_350 = vector.broadcast %sub3A_349 : i32 to vector<16xi32>
          %sub3A_351 = arith.subi %add3A_348, %sub3A_350 : vector<16xi32>
          %min3A_352 = arith.constant 16399 : i32
          %min3A_353 = vector.broadcast %min3A_352 : i32 to vector<16xi32>
          %min3A_354 = arith.minsi %sub3A_351, %min3A_353 : vector<16xi32>
          tpu.vector_store_idx %arg7[%min3A_354], %get3A_339 masked %gt3A_340 : memref<16464xf32, #tpu.memory_space<vmem>>[vector<16xi32>], vector<16xf32>, vector<16xi1>
          %all_reduce_population_count3A = tpu.all_reduce %gt3A_340 {dim = 0 : i64, kind = #tpu.reduction_kind<sum>} : vector<16xi1> -> vector<16xi32>
          %add3A_355 = arith.addi %scan3A_335, %all_reduce_population_count3A : vector<16xi32>
          scf.yield %add3A_355 : vector<16xi32>
        }
        %scan3A_329 = arith.constant 6250 : i32
        %swap3A = arith.constant 0 : index
        %swap3A_330 = tpu.vector_load %arg11[%swap3A] {strides = array<i32>} : memref<16xi32, #tpu.memory_space<vmem>>, vector<16xi32>,
        tpu.vector_store %arg11[%swap3A], %scan3A_328 {strides = array<i32>} : memref<16xi32, #tpu.memory_space<vmem>>, vector<16xi32>,
        %broadcast_in_dim3A_331 = vector.broadcast %while3A_177#0 : i32 to vector<16xi32>
        %swap3A_332 = arith.constant 0 : index
        %swap3A_333 = tpu.vector_load %arg12[%swap3A_332] {strides = array<i32>} : memref<16xi32, #tpu.memory_space<vmem>>, vector<16xi32>,
        tpu.vector_store %arg12[%swap3A_332], %broadcast_in_dim3A_331 {strides = array<i32>} : memref<16xi32, #tpu.memory_space<vmem>>, vector<16xi32>,
      } else {
      }
      %convert_element_type3A_183 = arith.extui %lt3A_168 : i1 to i32
      %cond3A_184 = arith.constant 0 : i32
      %cond3A_185 = arith.cmpi ne, %convert_element_type3A_183, %cond3A_184 : i32
      scf.if %cond3A_185 {
        %add3A_315 = arith.constant 1 : i32
        %add3A_316 = arith.addi %add3A_158, %add3A_315 : i32
        %dma_start3A_317 = arith.constant 0 : i32
        %dma_start3A_318 = tpu.memref_slice %arg2[%add3A_316, %dma_start3A_317] : memref<1024x100000xf32, #tpu.memory_space<hbm>> -> memref<1x100000xf32, #tpu.memory_space<hbm>>
        %dma_start3A_319 = tpu.memref_squeeze %dma_start3A_318 : memref<1x100000xf32, #tpu.memory_space<hbm>> -> memref<100000xf32, #tpu.memory_space<hbm>>
        %dma_start3A_320 = arith.constant 0 : i32
        %dma_start3A_321 = tpu.memref_slice %arg2[%add3A_316, %dma_start3A_320] : memref<1024x100000xf32, #tpu.memory_space<hbm>> -> memref<1x100000xf32, #tpu.memory_space<hbm>>
        %dma_start3A_322 = tpu.memref_squeeze %dma_start3A_321 : memref<1x100000xf32, #tpu.memory_space<hbm>> -> memref<100000xf32, #tpu.memory_space<hbm>>
        tpu.enqueue_dma source(%dma_start3A_322 : memref<100000xf32, #tpu.memory_space<hbm>>) target(%arg6 : memref<100000xf32, #tpu.memory_space<vmem>>) target_semaphore(%arg13 : memref<!tpu.dma_semaphore, #tpu.memory_space<semaphore_mem>>)
      } else {
      }
      %get3A_186 = arith.constant 0 : index
      %get3A_187 = tpu.vector_load %arg11[%get3A_186] {strides = array<i32>} : memref<16xi32, #tpu.memory_space<vmem>>, vector<16xi32>,
      %reduce_max3A_188 = arith.constant true
      %reduce_max3A_189 = vector.broadcast %reduce_max3A_188 : i1 to vector<16xi1>
      %reduce_max3A_190 = arith.constant -2147483648 : i32
      %reduce_max3A_191 = vector.broadcast %reduce_max3A_190 : i32 to vector<16xi32>
      %reduce_max3A_192 = arith.xori %get3A_187, %reduce_max3A_191 : vector<16xi32>
      %reduce_max3A_193 = tpu.scan <max>, %reduce_max3A_192 masked %reduce_max3A_189 : vector<16xi32>, vector<16xi1> -> vector<16xi32>
      %reduce_max3A_194 = arith.xori %reduce_max3A_193, %reduce_max3A_191 : vector<16xi32>
      %reduce_max3A_195 = vector.extract %reduce_max3A_194[15] : i32 from vector<16xi32>
      %get3A_196 = arith.constant 0 : index
      %get3A_197 = tpu.vector_load %arg12[%get3A_196] {strides = array<i32>} : memref<16xi32, #tpu.memory_space<vmem>>, vector<16xi32>,
      %reduce_max3A_198 = arith.constant true
      %reduce_max3A_199 = vector.broadcast %reduce_max3A_198 : i1 to vector<16xi1>
      %reduce_max3A_200 = arith.constant -2147483648 : i32
      %reduce_max3A_201 = vector.broadcast %reduce_max3A_200 : i32 to vector<16xi32>
      %reduce_max3A_202 = arith.xori %get3A_197, %reduce_max3A_201 : vector<16xi32>
      %reduce_max3A_203 = tpu.scan <max>, %reduce_max3A_202 masked %reduce_max3A_199 : vector<16xi32>, vector<16xi1> -> vector<16xi32>
      %reduce_max3A_204 = arith.xori %reduce_max3A_203, %reduce_max3A_201 : vector<16xi32>
      %reduce_max3A_205 = vector.extract %reduce_max3A_204[15] : i32 from vector<16xi32>
      %select_n3A_206 = arith.select %while3A_177#4, %while3A_177#2, %while3A_177#0 : i32
      %add3A_207 = arith.constant 0 : i32
      %add3A_208 = arith.addi %reduce_max3A_195, %add3A_207 : i32
      %broadcast_in_dim3A_209 = vector.broadcast %add3A_208 : i32 to vector<16xi32>
      %add3A_210 = arith.addi %broadcast_in_dim3A_209, %iota3A : vector<16xi32>
      tpu.vector_store_idx %arg7[%add3A_210], %broadcast_in_dim3A_7 : memref<16464xf32, #tpu.memory_space<vmem>>[vector<16xi32>], vector<16xf32>,
      %add3A_211 = arith.constant 16 : i32
      %add3A_212 = arith.addi %reduce_max3A_195, %add3A_211 : i32
      %broadcast_in_dim3A_213 = vector.broadcast %add3A_212 : i32 to vector<16xi32>
      %add3A_214 = arith.addi %broadcast_in_dim3A_213, %iota3A : vector<16xi32>
      tpu.vector_store_idx %arg7[%add3A_214], %broadcast_in_dim3A_7 : memref<16464xf32, #tpu.memory_space<vmem>>[vector<16xi32>], vector<16xf32>,
      %add3A_215 = arith.constant 32 : i32
      %add3A_216 = arith.addi %reduce_max3A_195, %add3A_215 : i32
      %broadcast_in_dim3A_217 = vector.broadcast %add3A_216 : i32 to vector<16xi32>
      %add3A_218 = arith.addi %broadcast_in_dim3A_217, %iota3A : vector<16xi32>
      tpu.vector_store_idx %arg7[%add3A_218], %broadcast_in_dim3A_7 : memref<16464xf32, #tpu.memory_space<vmem>>[vector<16xi32>], vector<16xf32>,
      %add3A_219 = arith.constant 48 : i32
      %add3A_220 = arith.addi %reduce_max3A_195, %add3A_219 : i32
      %broadcast_in_dim3A_221 = vector.broadcast %add3A_220 : i32 to vector<16xi32>
      %add3A_222 = arith.addi %broadcast_in_dim3A_221, %iota3A : vector<16xi32>
      tpu.vector_store_idx %arg7[%add3A_222], %broadcast_in_dim3A_7 : memref<16464xf32, #tpu.memory_space<vmem>>[vector<16xi32>], vector<16xf32>,
      %add3A_223 = arith.constant 63 : i32
      %add3A_224 = arith.addi %reduce_max3A_195, %add3A_223 : i32
      %jit3A_225 = arith.constant 64 : i32
      %div3A_226 = arith.divsi %add3A_224, %jit3A_225 : i32
      %sign3A_227 = arith.constant 0 : i32
      %sign3A_228 = arith.cmpi sgt, %add3A_224, %sign3A_227 : i32
      %sign3A_229 = arith.extui %sign3A_228 : i1 to i32
      %sign3A_230 = arith.constant 0 : i32
      %sign3A_231 = arith.cmpi slt, %add3A_224, %sign3A_230 : i32
      %sign3A_232 = arith.extui %sign3A_231 : i1 to i32
      %sign3A_233 = arith.subi %sign3A_229, %sign3A_232 : i32
      %sign3A_234 = arith.constant 0 : i32
      %sign3A_235 = arith.cmpi sgt, %jit3A_225, %sign3A_234 : i32
      %sign3A_236 = arith.extui %sign3A_235 : i1 to i32
      %sign3A_237 = arith.constant 0 : i32
      %sign3A_238 = arith.cmpi slt, %jit3A_225, %sign3A_237 : i32
      %sign3A_239 = arith.extui %sign3A_238 : i1 to i32
      %sign3A_240 = arith.subi %sign3A_236, %sign3A_239 : i32
      %ne3A_241 = arith.cmpi ne, %sign3A_233, %sign3A_240 : i32
      %rem3A_242 = arith.remsi %add3A_224, %jit3A_225 : i32
      %ne3A_243 = arith.constant 0 : i32
      %ne3A_244 = arith.cmpi ne, %rem3A_242, %ne3A_243 : i32
      %and3A_245 = arith.andi %ne3A_241, %ne3A_244 : i1
      %sub3A_246 = arith.constant 1 : i32
      %sub3A_247 = arith.subi %div3A_226, %sub3A_246 : i32
      %select_n3A_248 = arith.select %and3A_245, %sub3A_247, %div3A_226 : i32
      %add3A_249 = arith.constant 15 : i32
      %add3A_250 = arith.addi %reduce_max3A_195, %add3A_249 : i32
      %jit3A_251 = arith.constant 16 : i32
      %div3A_252 = arith.divsi %add3A_250, %jit3A_251 : i32
      %sign3A_253 = arith.constant 0 : i32
      %sign3A_254 = arith.cmpi sgt, %add3A_250, %sign3A_253 : i32
      %sign3A_255 = arith.extui %sign3A_254 : i1 to i32
      %sign3A_256 = arith.constant 0 : i32
      %sign3A_257 = arith.cmpi slt, %add3A_250, %sign3A_256 : i32
      %sign3A_258 = arith.extui %sign3A_257 : i1 to i32
      %sign3A_259 = arith.subi %sign3A_255, %sign3A_258 : i32
      %sign3A_260 = arith.constant 0 : i32
      %sign3A_261 = arith.cmpi sgt, %jit3A_251, %sign3A_260 : i32
      %sign3A_262 = arith.extui %sign3A_261 : i1 to i32
      %sign3A_263 = arith.constant 0 : i32
      %sign3A_264 = arith.cmpi slt, %jit3A_251, %sign3A_263 : i32
      %sign3A_265 = arith.extui %sign3A_264 : i1 to i32
      %sign3A_266 = arith.subi %sign3A_262, %sign3A_265 : i32
      %ne3A_267 = arith.cmpi ne, %sign3A_259, %sign3A_266 : i32
      %rem3A_268 = arith.remsi %add3A_250, %jit3A_251 : i32
      %ne3A_269 = arith.constant 0 : i32
      %ne3A_270 = arith.cmpi ne, %rem3A_268, %ne3A_269 : i32
      %and3A_271 = arith.andi %ne3A_267, %ne3A_270 : i1
      %sub3A_272 = arith.constant 1 : i32
      %sub3A_273 = arith.subi %div3A_252, %sub3A_272 : i32
      %select_n3A_274 = arith.select %and3A_271, %sub3A_273, %div3A_252 : i32
      %while3A_275:2 = scf.while (%while3A_315 = %select_n3A_206, %while3A_316 = %reduce_max3A_205) : (i32, i32) -> (i32, i32) {
        %lt3A_317 = arith.cmpi slt, %while3A_315, %while3A_316 : i32
        scf.condition(%lt3A_317) %while3A_315, %while3A_316 : i32, i32
      } do {
      ^bb0(%while3A_315: i32, %while3A_316: i32):
        %shift_right_arithmetic3A = arith.constant 1 : i32
        %shift_right_arithmetic3A_317 = arith.shrsi %while3A_315, %shift_right_arithmetic3A : i32
        %shift_right_arithmetic3A_318 = arith.constant 1 : i32
        %shift_right_arithmetic3A_319 = arith.shrsi %while3A_316, %shift_right_arithmetic3A_318 : i32
        %add3A_320 = arith.addi %shift_right_arithmetic3A_317, %shift_right_arithmetic3A_319 : i32
        %and3A_321 = arith.andi %while3A_315, %while3A_316 : i32
        %and3A_322 = arith.constant 1 : i32
        %and3A_323 = arith.andi %and3A_321, %and3A_322 : i32
        %add3A_324 = arith.addi %add3A_320, %and3A_323 : i32
        %xor3A = arith.xori %while3A_315, %while3A_316 : i32
        %and3A_325 = arith.constant 1 : i32
        %and3A_326 = arith.andi %xor3A, %and3A_325 : i32
        %add3A_327 = arith.addi %add3A_324, %and3A_326 : i32
        %broadcast_in_dim3A_328 = vector.broadcast %add3A_327 : i32 to vector<16xi32>
        %ge3A_329 = arith.constant 0 : i32
        %ge3A_330 = vector.broadcast %ge3A_329 : i32 to vector<16xi32>
        %ge3A_331 = arith.cmpi sge, %broadcast_in_dim3A_328, %ge3A_330 : vector<16xi32>
        %sub3A_332 = arith.constant -2147483648 : i32
        %sub3A_333 = vector.broadcast %sub3A_332 : i32 to vector<16xi32>
        %sub3A_334 = arith.subi %sub3A_333, %broadcast_in_dim3A_328 : vector<16xi32>
        %select_n3A_335 = arith.select %ge3A_331, %broadcast_in_dim3A_328, %sub3A_334 : vector<16xi1>, vector<16xi32>
        %bitcast3A_336 = vector.bitcast %select_n3A_335 : vector<16xi32> to vector<16xf32>
        %while3A_337 = arith.constant 0 : i32
        %while3A_338 = arith.subi %select_n3A_248, %while3A_337 : i32
        %while3A_339 = arith.addi %while3A_337, %while3A_338 : i32
        %while3A_340 = arith.constant 1 : i32
        %while3A_341 = arith.divsi %while3A_338, %while3A_340 : i32
        %while3A_342 = arith.muli %while3A_341, %while3A_340 : i32
        %while3A_343 = arith.addi %while3A_337, %while3A_342 : i32
        %while3A_344 = arith.constant 1 : i32
        %while3A_345 = scf.for %while3A_364 = %while3A_337 to %while3A_343 step %while3A_344 iter_args(%while3A_365 = %broadcast_in_dim3A_5) -> (vector<16xi32>)  : i32 {
          %mul3A_366 = arith.constant 4 : i32
          %mul3A_367 = arith.muli %while3A_364, %mul3A_366 : i32
          %add3A_368 = arith.constant 0 : i32
          %add3A_369 = arith.addi %mul3A_367, %add3A_368 : i32
          %mul3A_370 = arith.constant 16 : i32
          %mul3A_371 = arith.muli %add3A_369, %mul3A_370 : i32
          %get3A_372 = arith.index_cast %mul3A_371 : i32 to index
          %get3A_373 = tpu.vector_load %arg7[%get3A_372] {strides = array<i32>} : memref<16464xf32, #tpu.memory_space<vmem>>, vector<16xf32>,
          %ge3A_374 = arith.cmpf oge, %get3A_373, %bitcast3A_336 : vector<16xf32>
          %all_reduce_population_count3A = tpu.all_reduce %ge3A_374 {dim = 0 : i64, kind = #tpu.reduction_kind<sum>} : vector<16xi1> -> vector<16xi32>
          %mul3A_375 = arith.constant 4 : i32
          %mul3A_376 = arith.muli %while3A_364, %mul3A_375 : i32
          %add3A_377 = arith.constant 1 : i32
          %add3A_378 = arith.addi %mul3A_376, %add3A_377 : i32
          %mul3A_379 = arith.constant 16 : i32
          %mul3A_380 = arith.muli %add3A_378, %mul3A_379 : i32
          %get3A_381 = arith.index_cast %mul3A_380 : i32 to index
          %get3A_382 = tpu.vector_load %arg7[%get3A_381] {strides = array<i32>} : memref<16464xf32, #tpu.memory_space<vmem>>, vector<16xf32>,
          %ge3A_383 = arith.cmpf oge, %get3A_382, %bitcast3A_336 : vector<16xf32>
          %all_reduce_population_count3A_384 = tpu.all_reduce %ge3A_383 {dim = 0 : i64, kind = #tpu.reduction_kind<sum>} : vector<16xi1> -> vector<16xi32>
          %mul3A_385 = arith.constant 4 : i32
          %mul3A_386 = arith.muli %while3A_364, %mul3A_385 : i32
          %add3A_387 = arith.constant 2 : i32
          %add3A_388 = arith.addi %mul3A_386, %add3A_387 : i32
          %mul3A_389 = arith.constant 16 : i32
          %mul3A_390 = arith.muli %add3A_388, %mul3A_389 : i32
          %get3A_391 = arith.index_cast %mul3A_390 : i32 to index
          %get3A_392 = tpu.vector_load %arg7[%get3A_391] {strides = array<i32>} : memref<16464xf32, #tpu.memory_space<vmem>>, vector<16xf32>,
          %ge3A_393 = arith.cmpf oge, %get3A_392, %bitcast3A_336 : vector<16xf32>
          %all_reduce_population_count3A_394 = tpu.all_reduce %ge3A_393 {dim = 0 : i64, kind = #tpu.reduction_kind<sum>} : vector<16xi1> -> vector<16xi32>
          %mul3A_395 = arith.constant 4 : i32
          %mul3A_396 = arith.muli %while3A_364, %mul3A_395 : i32
          %add3A_397 = arith.constant 3 : i32
          %add3A_398 = arith.addi %mul3A_396, %add3A_397 : i32
          %mul3A_399 = arith.constant 16 : i32
          %mul3A_400 = arith.muli %add3A_398, %mul3A_399 : i32
          %get3A_401 = arith.index_cast %mul3A_400 : i32 to index
          %get3A_402 = tpu.vector_load %arg7[%get3A_401] {strides = array<i32>} : memref<16464xf32, #tpu.memory_space<vmem>>, vector<16xf32>,
          %ge3A_403 = arith.cmpf oge, %get3A_402, %bitcast3A_336 : vector<16xf32>
          %all_reduce_population_count3A_404 = tpu.all_reduce %ge3A_403 {dim = 0 : i64, kind = #tpu.reduction_kind<sum>} : vector<16xi1> -> vector<16xi32>
          %add3A_405 = arith.addi %all_reduce_population_count3A, %all_reduce_population_count3A_384 : vector<16xi32>
          %add3A_406 = arith.addi %all_reduce_population_count3A_394, %all_reduce_population_count3A_404 : vector<16xi32>
          %add3A_407 = arith.addi %add3A_405, %add3A_406 : vector<16xi32>
          %add3A_408 = arith.addi %while3A_365, %add3A_407 : vector<16xi32>
          scf.yield %add3A_408 : vector<16xi32>
        }
        %while3A_346 = arith.constant 1 : i32
        %while3A_347 = scf.for %while3A_364 = %while3A_343 to %while3A_339 step %while3A_346 iter_args(%while3A_365 = %while3A_345) -> (vector<16xi32>)  : i32 {
          %mul3A_366 = arith.constant 4 : i32
          %mul3A_367 = arith.muli %while3A_364, %mul3A_366 : i32
          %add3A_368 = arith.constant 0 : i32
          %add3A_369 = arith.addi %mul3A_367, %add3A_368 : i32
          %mul3A_370 = arith.constant 16 : i32
          %mul3A_371 = arith.muli %add3A_369, %mul3A_370 : i32
          %get3A_372 = arith.index_cast %mul3A_371 : i32 to index
          %get3A_373 = tpu.vector_load %arg7[%get3A_372] {strides = array<i32>} : memref<16464xf32, #tpu.memory_space<vmem>>, vector<16xf32>,
          %ge3A_374 = arith.cmpf oge, %get3A_373, %bitcast3A_336 : vector<16xf32>
          %all_reduce_population_count3A = tpu.all_reduce %ge3A_374 {dim = 0 : i64, kind = #tpu.reduction_kind<sum>} : vector<16xi1> -> vector<16xi32>
          %mul3A_375 = arith.constant 4 : i32
          %mul3A_376 = arith.muli %while3A_364, %mul3A_375 : i32
          %add3A_377 = arith.constant 1 : i32
          %add3A_378 = arith.addi %mul3A_376, %add3A_377 : i32
          %mul3A_379 = arith.constant 16 : i32
          %mul3A_380 = arith.muli %add3A_378, %mul3A_379 : i32
          %get3A_381 = arith.index_cast %mul3A_380 : i32 to index
          %get3A_382 = tpu.vector_load %arg7[%get3A_381] {strides = array<i32>} : memref<16464xf32, #tpu.memory_space<vmem>>, vector<16xf32>,
          %ge3A_383 = arith.cmpf oge, %get3A_382, %bitcast3A_336 : vector<16xf32>
          %all_reduce_population_count3A_384 = tpu.all_reduce %ge3A_383 {dim = 0 : i64, kind = #tpu.reduction_kind<sum>} : vector<16xi1> -> vector<16xi32>
          %mul3A_385 = arith.constant 4 : i32
          %mul3A_386 = arith.muli %while3A_364, %mul3A_385 : i32
          %add3A_387 = arith.constant 2 : i32
          %add3A_388 = arith.addi %mul3A_386, %add3A_387 : i32
          %mul3A_389 = arith.constant 16 : i32
          %mul3A_390 = arith.muli %add3A_388, %mul3A_389 : i32
          %get3A_391 = arith.index_cast %mul3A_390 : i32 to index
          %get3A_392 = tpu.vector_load %arg7[%get3A_391] {strides = array<i32>} : memref<16464xf32, #tpu.memory_space<vmem>>, vector<16xf32>,
          %ge3A_393 = arith.cmpf oge, %get3A_392, %bitcast3A_336 : vector<16xf32>
          %all_reduce_population_count3A_394 = tpu.all_reduce %ge3A_393 {dim = 0 : i64, kind = #tpu.reduction_kind<sum>} : vector<16xi1> -> vector<16xi32>
          %mul3A_395 = arith.constant 4 : i32
          %mul3A_396 = arith.muli %while3A_364, %mul3A_395 : i32
          %add3A_397 = arith.constant 3 : i32
          %add3A_398 = arith.addi %mul3A_396, %add3A_397 : i32
          %mul3A_399 = arith.constant 16 : i32
          %mul3A_400 = arith.muli %add3A_398, %mul3A_399 : i32
          %get3A_401 = arith.index_cast %mul3A_400 : i32 to index
          %get3A_402 = tpu.vector_load %arg7[%get3A_401] {strides = array<i32>} : memref<16464xf32, #tpu.memory_space<vmem>>, vector<16xf32>,
          %ge3A_403 = arith.cmpf oge, %get3A_402, %bitcast3A_336 : vector<16xf32>
          %all_reduce_population_count3A_404 = tpu.all_reduce %ge3A_403 {dim = 0 : i64, kind = #tpu.reduction_kind<sum>} : vector<16xi1> -> vector<16xi32>
          %add3A_405 = arith.addi %all_reduce_population_count3A, %all_reduce_population_count3A_384 : vector<16xi32>
          %add3A_406 = arith.addi %all_reduce_population_count3A_394, %all_reduce_population_count3A_404 : vector<16xi32>
          %add3A_407 = arith.addi %add3A_405, %add3A_406 : vector<16xi32>
          %add3A_408 = arith.addi %while3A_365, %add3A_407 : vector<16xi32>
          scf.yield %add3A_408 : vector<16xi32>
        }
        %reduce_max3A_348 = arith.constant true
        %reduce_max3A_349 = vector.broadcast %reduce_max3A_348 : i1 to vector<16xi1>
        %reduce_max3A_350 = arith.constant -2147483648 : i32
        %reduce_max3A_351 = vector.broadcast %reduce_max3A_350 : i32 to vector<16xi32>
        %reduce_max3A_352 = arith.xori %while3A_347, %reduce_max3A_351 : vector<16xi32>
        %reduce_max3A_353 = tpu.scan <max>, %reduce_max3A_352 masked %reduce_max3A_349 : vector<16xi32>, vector<16xi1> -> vector<16xi32>
        %reduce_max3A_354 = arith.xori %reduce_max3A_353, %reduce_max3A_351 : vector<16xi32>
        %reduce_max3A_355 = vector.extract %reduce_max3A_354[15] : i32 from vector<16xi32>
        %ge3A_356 = arith.constant 512 : i32
        %ge3A_357 = arith.cmpi sge, %reduce_max3A_355, %ge3A_356 : i32
        %select_n3A_358 = arith.select %ge3A_357, %add3A_327, %while3A_315 : i32
        %ge3A_359 = arith.constant 512 : i32
        %ge3A_360 = arith.cmpi sge, %reduce_max3A_355, %ge3A_359 : i32
        %sub3A_361 = arith.constant 1 : i32
        %sub3A_362 = arith.subi %add3A_327, %sub3A_361 : i32
        %select_n3A_363 = arith.select %ge3A_360, %while3A_316, %sub3A_362 : i32
        scf.yield %select_n3A_358, %select_n3A_363 : i32, i32
      }
      %gt3A_276 = arith.cmpi sgt, %add3A_158, %mul3A_2 : i32
      %convert_element_type3A_277 = arith.extui %gt3A_276 : i1 to i32
      %cond3A_278 = arith.constant 0 : i32
      %cond3A_279 = arith.cmpi ne, %convert_element_type3A_277, %cond3A_278 : i32
      scf.if %cond3A_279 {
        %dma_wait3A_315 = arith.constant 0 : i32
        %dma_wait3A_316 = tpu.memref_slice %arg4[%add3A_158, %dma_wait3A_315] : memref<1024x512xf32, #tpu.memory_space<hbm>> -> memref<1x512xf32, #tpu.memory_space<hbm>>
        %dma_wait3A_317 = tpu.memref_squeeze %dma_wait3A_316 : memref<1x512xf32, #tpu.memory_space<hbm>> -> memref<512xf32, #tpu.memory_space<hbm>>
        %dma_wait3A_318 = arith.constant 0 : i32
        %dma_wait3A_319 = tpu.memref_slice %arg4[%add3A_158, %dma_wait3A_318] : memref<1024x512xf32, #tpu.memory_space<hbm>> -> memref<1x512xf32, #tpu.memory_space<hbm>>
        %dma_wait3A_320 = tpu.memref_squeeze %dma_wait3A_319 : memref<1x512xf32, #tpu.memory_space<hbm>> -> memref<512xf32, #tpu.memory_space<hbm>>
        tpu.wait_dma2 semaphore(%arg14 : memref<!tpu.dma_semaphore, #tpu.memory_space<semaphore_mem>>) src(%arg8 : memref<512xf32, #tpu.memory_space<vmem>>) dst(%dma_wait3A_320 : memref<512xf32, #tpu.memory_space<hbm>>)
      } else {
      }
      %broadcast_in_dim3A_280 = vector.broadcast %while3A_275#0 : i32 to vector<16xi32>
      %ge3A_281 = arith.constant 0 : i32
      %ge3A_282 = vector.broadcast %ge3A_281 : i32 to vector<16xi32>
      %ge3A_283 = arith.cmpi sge, %broadcast_in_dim3A_280, %ge3A_282 : vector<16xi32>
      %sub3A_284 = arith.constant -2147483648 : i32
      %sub3A_285 = vector.broadcast %sub3A_284 : i32 to vector<16xi32>
      %sub3A_286 = arith.subi %sub3A_285, %broadcast_in_dim3A_280 : vector<16xi32>
      %select_n3A_287 = arith.select %ge3A_283, %broadcast_in_dim3A_280, %sub3A_286 : vector<16xi1>, vector<16xi32>
      %bitcast3A_288 = vector.bitcast %select_n3A_287 : vector<16xi32> to vector<16xf32>
      %scan3A_289 = arith.constant 0 : i32
      %scan3A_290 = arith.constant 0 : i32
      %scan3A_291 = arith.constant 32 : i32
      %scan3A_292 = arith.addi %scan3A_290, %scan3A_291 : i32
      %scan3A_293 = arith.constant 1 : i32
      %scan3A_294 = scf.for %scan3A_315 = %scan3A_290 to %scan3A_292 step %scan3A_293 iter_args(%scan3A_316 = %scan3A_289) -> (i32)  : i32 {
        %mul3A_317 = arith.constant 16 : i32
        %mul3A_318 = arith.muli %scan3A_315, %mul3A_317 : i32
        %swap3A = arith.index_cast %mul3A_318 : i32 to index
        %swap3A_319 = tpu.vector_load %arg8[%swap3A] {strides = array<i32>} : memref<512xf32, #tpu.memory_space<vmem>>, vector<16xf32>,
        tpu.vector_store %arg8[%swap3A], %bitcast3A_288 {strides = array<i32>} : memref<512xf32, #tpu.memory_space<vmem>>, vector<16xf32>,
        %scan3A_320 = arith.constant 0 : i32
        scf.yield %scan3A_320 : i32
      }
      %scan3A_295 = arith.constant 32 : i32
      %while3A_296 = arith.constant 0 : i32
      %while3A_297 = arith.subi %select_n3A_274, %while3A_296 : i32
      %while3A_298 = arith.addi %while3A_296, %while3A_297 : i32
      %while3A_299 = arith.constant 1 : i32
      %while3A_300 = arith.divsi %while3A_297, %while3A_299 : i32
      %while3A_301 = arith.muli %while3A_300, %while3A_299 : i32
      %while3A_302 = arith.addi %while3A_296, %while3A_301 : i32
      %while3A_303 = arith.constant 1 : i32
      %while3A_304 = scf.for %while3A_315 = %while3A_296 to %while3A_302 step %while3A_303 iter_args(%while3A_316 = %broadcast_in_dim3A_5) -> (vector<16xi32>)  : i32 {
        %mul3A_317 = arith.constant 16 : i32
        %mul3A_318 = arith.muli %while3A_315, %mul3A_317 : i32
        %get3A_319 = arith.index_cast %mul3A_318 : i32 to index
        %get3A_320 = tpu.vector_load %arg7[%get3A_319] {strides = array<i32>} : memref<16464xf32, #tpu.memory_space<vmem>>, vector<16xf32>,
        %gt3A_321 = arith.cmpf ogt, %get3A_320, %bitcast3A_288 : vector<16xf32>
        %jit3A_322 = arith.constant 1 : i32
        %jit3A_323 = arith.constant 0 : i32
        %broadcast_in_dim3A_324 = vector.broadcast %jit3A_322 : i32 to vector<16xi32>
        %broadcast_in_dim3A_325 = vector.broadcast %jit3A_323 : i32 to vector<16xi32>
        %select_n3A_326 = arith.select %gt3A_321, %broadcast_in_dim3A_324, %broadcast_in_dim3A_325 : vector<16xi1>, vector<16xi32>
        %broadcast_in_dim3A_327 = arith.constant true
        %broadcast_in_dim3A_328 = vector.broadcast %broadcast_in_dim3A_327 : i1 to vector<16xi1>
        %masked_cumsum3A = tpu.scan <sum>, %select_n3A_326 masked %broadcast_in_dim3A_328 : vector<16xi32>, vector<16xi1> -> vector<16xi32>
        %add3A_329 = arith.addi %while3A_316, %masked_cumsum3A : vector<16xi32>
        %sub3A_330 = arith.constant 1 : i32
        %sub3A_331 = vector.broadcast %sub3A_330 : i32 to vector<16xi32>
        %sub3A_332 = arith.subi %add3A_329, %sub3A_331 : vector<16xi32>
        %min3A_333 = arith.constant 511 : i32
        %min3A_334 = vector.broadcast %min3A_333 : i32 to vector<16xi32>
        %min3A_335 = arith.minsi %sub3A_332, %min3A_334 : vector<16xi32>
        tpu.vector_store_idx %arg8[%min3A_335], %get3A_320 masked %gt3A_321 : memref<512xf32, #tpu.memory_space<vmem>>[vector<16xi32>], vector<16xf32>, vector<16xi1>
        %all_reduce_population_count3A = tpu.all_reduce %gt3A_321 {dim = 0 : i64, kind = #tpu.reduction_kind<sum>} : vector<16xi1> -> vector<16xi32>
        %add3A_336 = arith.addi %while3A_316, %all_reduce_population_count3A : vector<16xi32>
        scf.yield %add3A_336 : vector<16xi32>
      }
      %while3A_305 = arith.constant 1 : i32
      %while3A_306 = scf.for %while3A_315 = %while3A_302 to %while3A_298 step %while3A_305 iter_args(%while3A_316 = %while3A_304) -> (vector<16xi32>)  : i32 {
        %mul3A_317 = arith.constant 16 : i32
        %mul3A_318 = arith.muli %while3A_315, %mul3A_317 : i32
        %get3A_319 = arith.index_cast %mul3A_318 : i32 to index
        %get3A_320 = tpu.vector_load %arg7[%get3A_319] {strides = array<i32>} : memref<16464xf32, #tpu.memory_space<vmem>>, vector<16xf32>,
        %gt3A_321 = arith.cmpf ogt, %get3A_320, %bitcast3A_288 : vector<16xf32>
        %jit3A_322 = arith.constant 1 : i32
        %jit3A_323 = arith.constant 0 : i32
        %broadcast_in_dim3A_324 = vector.broadcast %jit3A_322 : i32 to vector<16xi32>
        %broadcast_in_dim3A_325 = vector.broadcast %jit3A_323 : i32 to vector<16xi32>
        %select_n3A_326 = arith.select %gt3A_321, %broadcast_in_dim3A_324, %broadcast_in_dim3A_325 : vector<16xi1>, vector<16xi32>
        %broadcast_in_dim3A_327 = arith.constant true
        %broadcast_in_dim3A_328 = vector.broadcast %broadcast_in_dim3A_327 : i1 to vector<16xi1>
        %masked_cumsum3A = tpu.scan <sum>, %select_n3A_326 masked %broadcast_in_dim3A_328 : vector<16xi32>, vector<16xi1> -> vector<16xi32>
        %add3A_329 = arith.addi %while3A_316, %masked_cumsum3A : vector<16xi32>
        %sub3A_330 = arith.constant 1 : i32
        %sub3A_331 = vector.broadcast %sub3A_330 : i32 to vector<16xi32>
        %sub3A_332 = arith.subi %add3A_329, %sub3A_331 : vector<16xi32>
        %min3A_333 = arith.constant 511 : i32
        %min3A_334 = vector.broadcast %min3A_333 : i32 to vector<16xi32>
        %min3A_335 = arith.minsi %sub3A_332, %min3A_334 : vector<16xi32>
        tpu.vector_store_idx %arg8[%min3A_335], %get3A_320 masked %gt3A_321 : memref<512xf32, #tpu.memory_space<vmem>>[vector<16xi32>], vector<16xf32>, vector<16xi1>
        %all_reduce_population_count3A = tpu.all_reduce %gt3A_321 {dim = 0 : i64, kind = #tpu.reduction_kind<sum>} : vector<16xi1> -> vector<16xi32>
        %add3A_336 = arith.addi %while3A_316, %all_reduce_population_count3A : vector<16xi32>
        scf.yield %add3A_336 : vector<16xi32>
      }
      %dma_start3A_307 = arith.constant 0 : i32
      %dma_start3A_308 = tpu.memref_slice %arg4[%add3A_158, %dma_start3A_307] : memref<1024x512xf32, #tpu.memory_space<hbm>> -> memref<1x512xf32, #tpu.memory_space<hbm>>
      %dma_start3A_309 = tpu.memref_squeeze %dma_start3A_308 : memref<1x512xf32, #tpu.memory_space<hbm>> -> memref<512xf32, #tpu.memory_space<hbm>>
      %dma_start3A_310 = arith.constant 0 : i32
      %dma_start3A_311 = tpu.memref_slice %arg4[%add3A_158, %dma_start3A_310] : memref<1024x512xf32, #tpu.memory_space<hbm>> -> memref<1x512xf32, #tpu.memory_space<hbm>>
      %dma_start3A_312 = tpu.memref_squeeze %dma_start3A_311 : memref<1x512xf32, #tpu.memory_space<hbm>> -> memref<512xf32, #tpu.memory_space<hbm>>
      tpu.enqueue_dma source(%arg8 : memref<512xf32, #tpu.memory_space<vmem>>) target(%dma_start3A_312 : memref<512xf32, #tpu.memory_space<hbm>>) target_semaphore(%arg14 : memref<!tpu.dma_semaphore, #tpu.memory_space<semaphore_mem>>)
      %sub3A_313 = arith.constant 524288 : i32
      %sub3A_314 = arith.subi %while3A_275#0, %sub3A_313 : i32
      scf.yield %sub3A_314 : i32
    }
    %scan3A_150 = arith.constant 31 : i32
    %dma_wait3A = arith.constant 0 : i32
    %dma_wait3A_151 = tpu.memref_slice %arg4[%mul3A_2, %dma_wait3A] : memref<1024x512xf32, #tpu.memory_space<hbm>> -> memref<1x512xf32, #tpu.memory_space<hbm>>
    %dma_wait3A_152 = tpu.memref_squeeze %dma_wait3A_151 : memref<1x512xf32, #tpu.memory_space<hbm>> -> memref<512xf32, #tpu.memory_space<hbm>>
    %dma_wait3A_153 = arith.constant 0 : i32
    %dma_wait3A_154 = tpu.memref_slice %arg4[%mul3A_2, %dma_wait3A_153] : memref<1024x512xf32, #tpu.memory_space<hbm>> -> memref<1x512xf32, #tpu.memory_space<hbm>>
    %dma_wait3A_155 = tpu.memref_squeeze %dma_wait3A_154 : memref<1x512xf32, #tpu.memory_space<hbm>> -> memref<512xf32, #tpu.memory_space<hbm>>
    tpu.wait_dma2 semaphore(%arg14 : memref<!tpu.dma_semaphore, #tpu.memory_space<semaphore_mem>>) src(%arg8 : memref<512xf32, #tpu.memory_space<vmem>>) dst(%dma_wait3A_155 : memref<512xf32, #tpu.memory_space<hbm>>)
    "tpu.region"() ({
      %run_scoped3A = tpu.sem_alloc : memref<!tpu.dma_semaphore, #tpu.memory_space<semaphore_mem>>
      %dma_start3A_156 = tpu.memref_slice %arg5[%mul3A_2] : memref<1024xf32, #tpu.memory_space<hbm>> -> memref<32xf32, #tpu.memory_space<hbm>>
      %dma_start3A_157 = tpu.memref_slice %arg5[%mul3A_2] : memref<1024xf32, #tpu.memory_space<hbm>> -> memref<32xf32, #tpu.memory_space<hbm>>
      tpu.enqueue_dma source(%arg10 : memref<32xf32, #tpu.memory_space<vmem>>) target(%dma_start3A_157 : memref<32xf32, #tpu.memory_space<hbm>>) target_semaphore(%run_scoped3A : memref<!tpu.dma_semaphore, #tpu.memory_space<semaphore_mem>>)
      %dma_wait3A_158 = tpu.memref_slice %arg5[%mul3A_2] : memref<1024xf32, #tpu.memory_space<hbm>> -> memref<32xf32, #tpu.memory_space<hbm>>
      %dma_wait3A_159 = tpu.memref_slice %arg5[%mul3A_2] : memref<1024xf32, #tpu.memory_space<hbm>> -> memref<32xf32, #tpu.memory_space<hbm>>
      tpu.wait_dma2 semaphore(%run_scoped3A : memref<!tpu.dma_semaphore, #tpu.memory_space<semaphore_mem>>) src(%arg10 : memref<32xf32, #tpu.memory_space<vmem>>) dst(%dma_wait3A_159 : memref<32xf32, #tpu.memory_space<hbm>>)
      tpu.yield
    }) : () -> ()
    return
  }
}

module attributes {stable_mosaic.version = 14 : i64} {
  func.func @_tc_reduce_body(%arg0: memref<1024x512xf32, #tpu.memory_space<vmem>>, %arg1: memref<8x128xf32, #tpu.memory_space<vmem>>, %arg2: memref<1x1xf32, #tpu.memory_space<vmem>>) attributes {dimension_semantics = [], scalar_prefetch = 0 : i64, scratch_operands = 0 : i64, tpu.core_type = #tpu.core_type<tc>} {
    %get3A = arith.constant 0 : index
    %get3A_0 = arith.constant 0 : index
    %get3A_1 = vector.load %arg0[%get3A, %get3A_0] : memref<1024x512xf32, #tpu.memory_space<vmem>>, vector<1024x512xf32>
    %neg3A = arith.constant 0.000000e+00 : f32
    %neg3A_2 = vector.broadcast %neg3A : f32 to vector<1024x512xf32>
    %neg3A_3 = arith.subf %neg3A_2, %get3A_1 : vector<1024x512xf32>
    %exp3A = math.exp %neg3A_3 : vector<1024x512xf32>
    %add3A = arith.constant 1.000000e+00 : f32
    %add3A_4 = vector.broadcast %add3A : f32 to vector<1024x512xf32>
    %add3A_5 = arith.addf %add3A_4, %exp3A : vector<1024x512xf32>
    %div3A = arith.constant 1.000000e+00 : f32
    %div3A_6 = vector.broadcast %div3A : f32 to vector<1024x512xf32>
    %div3A_7 = arith.divf %div3A_6, %add3A_5 : vector<1024x512xf32>
    %min3A = arith.constant 9.990000e-01 : f32
    %min3A_8 = vector.broadcast %min3A : f32 to vector<1024x512xf32>
    %min3A_9 = arith.minimumf %div3A_7, %min3A_8 : vector<1024x512xf32>
    %sub3A = arith.constant 1.000000e+00 : f32
    %sub3A_10 = vector.broadcast %sub3A : f32 to vector<1024x512xf32>
    %sub3A_11 = arith.subf %sub3A_10, %min3A_9 : vector<1024x512xf32>
    %log3A = math.log %sub3A_11 : vector<1024x512xf32>
    %reduce_sum3A = vector.shape_cast %log3A : vector<1024x512xf32> to vector<1x1024x512xf32>
    %reduce_sum3A_12 = arith.constant dense<0.000000e+00> : vector<1xf32>
    %reduce_sum3A_13 = vector.multi_reduction <add>, %reduce_sum3A, %reduce_sum3A_12 [1, 2] : vector<1x1024x512xf32> to vector<1xf32>
    %reduce_sum3A_14 = vector.shape_cast %reduce_sum3A_13 : vector<1xf32> to vector<1x1x1xf32>
    %reduce_sum3A_15 = vector.extract %reduce_sum3A_14[0, 0, 0] : f32 from vector<1x1x1xf32>
    %broadcast_in_dim3A = vector.broadcast %reduce_sum3A_15 : f32 to vector<1x1xf32>
    %get3A_16 = arith.constant 0 : index
    %get3A_17 = arith.constant 0 : index
    %get3A_18 = vector.load %arg1[%get3A_16, %get3A_17] : memref<8x128xf32, #tpu.memory_space<vmem>>, vector<8x128xf32>
    %neg3A_19 = arith.constant 0.000000e+00 : f32
    %neg3A_20 = vector.broadcast %neg3A_19 : f32 to vector<8x128xf32>
    %neg3A_21 = arith.subf %neg3A_20, %get3A_18 : vector<8x128xf32>
    %exp3A_22 = math.exp %neg3A_21 : vector<8x128xf32>
    %add3A_23 = arith.constant 1.000000e+00 : f32
    %add3A_24 = vector.broadcast %add3A_23 : f32 to vector<8x128xf32>
    %add3A_25 = arith.addf %add3A_24, %exp3A_22 : vector<8x128xf32>
    %div3A_26 = arith.constant 1.000000e+00 : f32
    %div3A_27 = vector.broadcast %div3A_26 : f32 to vector<8x128xf32>
    %div3A_28 = arith.divf %div3A_27, %add3A_25 : vector<8x128xf32>
    %max3A = arith.constant 1.000000e-03 : f32
    %max3A_29 = vector.broadcast %max3A : f32 to vector<8x128xf32>
    %max3A_30 = arith.maximumf %div3A_28, %max3A_29 : vector<8x128xf32>
    %log3A_31 = math.log %max3A_30 : vector<8x128xf32>
    %reduce_sum3A_32 = vector.shape_cast %log3A_31 : vector<8x128xf32> to vector<1x8x128xf32>
    %reduce_sum3A_33 = arith.constant dense<0.000000e+00> : vector<1xf32>
    %reduce_sum3A_34 = vector.multi_reduction <add>, %reduce_sum3A_32, %reduce_sum3A_33 [1, 2] : vector<1x8x128xf32> to vector<1xf32>
    %reduce_sum3A_35 = vector.shape_cast %reduce_sum3A_34 : vector<1xf32> to vector<1x1x1xf32>
    %reduce_sum3A_36 = vector.extract %reduce_sum3A_35[0, 0, 0] : f32 from vector<1x1x1xf32>
    %broadcast_in_dim3A_37 = vector.broadcast %reduce_sum3A_36 : f32 to vector<1x1xf32>
    %neg3A_38 = arith.constant 0.000000e+00 : f32
    %neg3A_39 = vector.broadcast %neg3A_38 : f32 to vector<1x1xf32>
    %neg3A_40 = arith.subf %neg3A_39, %broadcast_in_dim3A_37 : vector<1x1xf32>
    %div3A_41 = arith.constant 1.024000e+03 : f32
    %div3A_42 = vector.broadcast %div3A_41 : f32 to vector<1x1xf32>
    %div3A_43 = arith.divf %neg3A_40, %div3A_42 : vector<1x1xf32>
    %mul3A = arith.constant 5.000000e-01 : f32
    %mul3A_44 = vector.broadcast %mul3A : f32 to vector<1x1xf32>
    %mul3A_45 = arith.mulf %mul3A_44, %div3A_43 : vector<1x1xf32>
    %neg3A_46 = arith.constant 0.000000e+00 : f32
    %neg3A_47 = vector.broadcast %neg3A_46 : f32 to vector<1x1xf32>
    %neg3A_48 = arith.subf %neg3A_47, %broadcast_in_dim3A : vector<1x1xf32>
    %div3A_49 = arith.constant 5.242880e+05 : f32
    %div3A_50 = vector.broadcast %div3A_49 : f32 to vector<1x1xf32>
    %div3A_51 = arith.divf %neg3A_48, %div3A_50 : vector<1x1xf32>
    %mul3A_52 = arith.constant 5.000000e-01 : f32
    %mul3A_53 = vector.broadcast %mul3A_52 : f32 to vector<1x1xf32>
    %mul3A_54 = arith.mulf %mul3A_53, %div3A_51 : vector<1x1xf32>
    %add3A_55 = arith.addf %mul3A_45, %mul3A_54 : vector<1x1xf32>
    %swap3A = arith.constant 0 : index
    %swap3A_56 = arith.constant 0 : index
    %swap3A_57 = vector.load %arg2[%swap3A, %swap3A_56] : memref<1x1xf32, #tpu.memory_space<vmem>>, vector<1x1xf32>
    tpu.vector_store %arg2[%swap3A, %swap3A_56], %add3A_55 {strides = array<i32>} : memref<1x1xf32, #tpu.memory_space<vmem>>, vector<1x1xf32>,
    return
  }
}

</mosaic_0001>

<sc_bundles>
// kernel: kernel.4.cloned.1.call-start
scs
__scs_entry_jumppad:
0x0: {  	(pc) =	sbr.rel $0x88, $3  }
0x1: {  	(tag) =	ssettag $0x0;
	lr =	simm.s32 $0x1  }
0x2: {  	[smem:$0x3F9F] =	sst lr;
	_ =	strace $0xD0000000  }
0x3: {  	_ = 	snop  }
0x4: {  	_ = 	snop  }
0x5: {  	_ = 	snop  }
0x6: {  	_ = 	snop  }
0x7: {  	_ = 	snop  }
__scs_overlays_trampoline_lowered:
0x8: {  	[smem:$0x3FAE] =	sst s0  }
0x9: {  	[smem:$0x3FAF] =	sst s1  }
0xa: {  	[smem:$0x3FB0] =	sst s2  }
0xb: {  	[smem:$0x3FB1] =	sst s3  }
0xc: {  	[smem:$0x3FB2] =	sst s4  }
0xd: {  	[smem:$0x3FB3] =	sst s5  }
0xe: {  	[smem:$0x3FB4] =	sst s6  }
0xf: {  	[smem:$0x3FB5] =	sst s7  }
0x10: {  	[smem:$0x3FB6] =	sst s8  }
0x11: {  	[smem:$0x3FB7] =	sst s9;
	s0 =	simm.s32 @!p0 $0x0  }
0x12: {  	s1 =	sld [smem:$0x3F9D];
	s0 =	simm.s32 @p0 $0x1  }
0x13: {  	[smem:$0x3FB8] =	sst s0;
	s0 =	simm.s32 @!p1 $0x0  }
0x14: {  	s2 =	sld [smem:$0x3F9C];
	s0 =	simm.s32 @p1 $0x1  }
0x15: {  	[smem:$0x3FB9] =	sst s0;
	s0 =	simm.s32 @!p2 $0x0  }
0x16: {  	s3 =	sld [smem:$0x3FDB];
	s0 =	simm.s32 @p2 $0x1  }
0x17: {  	s4 =	simm.s32 $0x1BF5;
	[smem:$0x3FBB] =	sst s0  }
0x18: {  	s0 =	sld [smem:$0x3F9E];
	_ =	swait.ge [sflag:s4], $0x0  }
0x19: {  	s7 =	sld [smem:$0x3F9F]  }
0x1a: {  	s8 =	sadd.s32 $0xFFFFE003, lr  }
0x1b: {  	s9 =	sadd.s32 $0xFFFFFEF7, lr;
	s5 =	simm.s32 $0xFFFFFFFF;
	p2 =	slt.u32 s8, $0xFFFFF086  }
0x1c: {  	p1 =	slt.u32 s9, $0xF7A;
	s5 =	simm.s32 @!p2 $0x0  }
0x1d: {  	s5 =	simm.s32 @p1 $0x1;
	p0 =	seq.s32 s7, s2  }
0x1e: {  	s7 =	smul.u32 @!p0 $0xF7A, s2;
	p2 =	seq.s32 @!p0 s5, $0x0  }
0x1f: {  	s9 =	smul.u32 $0xF7A, s1;
	s8 =	simm.s32 @!p0 $0x1BF5;
	p2 =	por !p2, p0  }
0x20: {  	[sflag:s8] =	ssyncset.s32 @!p0 $0xFFFFF086;
	s6 =	sadd.s32 @!p0 s3, s7;
	s7 =	simm.s32 @!p0 $0x108  }
0x21: {  	s3 =	sadd.s32 s3, s9;
	s6 =	sadd.s32 @!p0 $0x88, s6;
	s7 =	simm.s32 @p2 $0x1082  }
0x22: {  	[simem:s7], [sflag:s8] =	dma.local @!p0 [hbm:s6], $0xF7A  }
0x23: {  	s9 =	sor.u32 $0xD0000000, s2;
	s6 =	simm.s32 $0x108;
	_ =	swait.ge @!p0 [sflag:s8], $0x0  }
0x24: {  	s3 =	sadd.s32 $0x88, s3;
	s6 =	simm.s32 @!p1 $0x1082;
	[sflag:s4] =	ssyncset.s32 $0xFFFFF086  }
0x25: {  	[simem:s6], [sflag:s4] =	dma.local [hbm:s3], $0xF7A  }
0x26: {  	[smem:$0x3F9F] =	sst s1;
	(tag) =	ssettag s2;
	_ =	strace s9  }
0x27: {  	s1 =	sld [smem:$0x3FAF]  }
0x28: {  	s2 =	sld [smem:$0x3FB0]  }
0x29: {  	s4 =	sld [smem:$0x3FB2]  }
0x2a: {  	p0 =	seq.s32 s5, $0x0;
	s5 =	sld [smem:$0x3FB3]  }
0x2b: {  	s6 =	sld [smem:$0x3FB4]  }
0x2c: {  	s7 =	sld [smem:$0x3FB5]  }
0x2d: {  	s3 =	simm.s32 $0x108;
	s8 =	sld [smem:$0x3FB6]  }
0x2e: {  	s3 =	simm.s32 @!p0 $0x1082;
	s9 =	sld [smem:$0x3FB7]  }
0x2f: {  	lr =	sadd.s32 s0, s3;
	s0 =	sld [smem:$0x3FAE]  }
0x30: {  	s3 =	sld [smem:$0x3FB1]  }
0x31: {  	[smem:$0x3FBA] =	sst s10  }
0x32: {  	s10 =	sld [smem:$0x3FB8];
	_ =	sdelay $0x3  }
0x33: {  	p0 =	seq.s32 s10, $0x1;
	s10 =	sld [smem:$0x3FBA];
	_ =	sdelay $0x3  }
0x34: {  	[smem:$0x3FBA] =	sst s10  }
0x35: {  	s10 =	sld [smem:$0x3FB9];
	_ =	sdelay $0x3  }
0x36: {  	p1 =	seq.s32 s10, $0x1;
	s10 =	sld [smem:$0x3FBA];
	_ =	sdelay $0x3  }
0x37: {  	[smem:$0x3FBA] =	sst s10  }
0x38: {  	s10 =	sld [smem:$0x3FBB]  }
0x39: {  	_ = 	snop;
	(pc) =	sbr.ind lr, $3  }
0x3a: {  	_ = 	snop  }
0x3b: {  	_ = 	snop  }
0x3c: {  	p2 =	seq.s32 s10, $0x1;
	s10 =	sld [smem:$0x3FBA]  }
0x3d: {  	_ =	shalt  }
0x3e: {  	_ =	shalt  }
0x3f: {  	_ =	shalt  }
0x40: {  	_ =	shalt  }
0x41: {  	_ =	shalt  }
0x42: {  	_ =	shalt  }
0x43: {  	_ =	shalt  }
0x44: {  	_ =	shalt  }
0x45: {  	_ =	shalt  }
0x46: {  	_ =	shalt  }
0x47: {  	_ =	shalt  }
0x48: {  	_ =	shalt  }
0x49: {  	_ =	shalt  }
0x4a: {  	_ =	shalt  }
0x4b: {  	_ =	shalt  }
0x4c: {  	_ =	shalt  }
0x4d: {  	_ =	shalt  }
0x4e: {  	_ =	shalt  }
0x4f: {  	_ =	shalt  }
0x50: {  	_ =	shalt  }
0x51: {  	_ =	shalt  }
0x52: {  	_ =	shalt  }
0x53: {  	_ =	shalt  }
0x54: {  	_ =	shalt  }
0x55: {  	_ =	shalt  }
0x56: {  	_ =	shalt  }
0x57: {  	_ =	shalt  }
0x58: {  	_ =	shalt  }
0x59: {  	_ =	shalt  }
0x5a: {  	_ =	shalt  }
0x5b: {  	_ =	shalt  }
0x5c: {  	_ =	shalt  }
0x5d: {  	_ =	shalt  }
0x5e: {  	_ =	shalt  }
0x5f: {  	_ =	shalt  }
0x60: {  	_ =	shalt  }
0x61: {  	_ =	shalt  }
0x62: {  	_ =	shalt  }
0x63: {  	_ =	shalt  }
0x64: {  	_ =	shalt  }
0x65: {  	_ =	shalt  }
0x66: {  	_ =	shalt  }
0x67: {  	_ =	shalt  }
0x68: {  	_ =	shalt  }
0x69: {  	_ =	shalt  }
0x6a: {  	_ =	shalt  }
0x6b: {  	_ =	shalt  }
0x6c: {  	_ =	shalt  }
0x6d: {  	_ =	shalt  }
0x6e: {  	_ =	shalt  }
0x6f: {  	_ =	shalt  }
0x70: {  	_ =	shalt  }
0x71: {  	_ =	shalt  }
0x72: {  	_ =	shalt  }
0x73: {  	_ =	shalt  }
0x74: {  	_ =	shalt  }
0x75: {  	_ =	shalt  }
0x76: {  	_ =	shalt  }
0x77: {  	_ =	shalt  }
0x78: {  	_ =	shalt  }
0x79: {  	_ =	shalt  }
0x7a: {  	_ =	shalt  }
0x7b: {  	_ =	shalt  }
0x7c: {  	_ =	shalt  }
0x7d: {  	_ =	shalt  }
0x7e: {  	_ =	shalt  }
0x7f: {  	_ =	shalt  }
0x80: {  	_ =	shalt  }
0x81: {  	_ =	shalt  }
0x82: {  	_ =	shalt  }
0x83: {  	_ =	shalt  }
0x84: {  	_ =	shalt  }
0x85: {  	_ =	shalt  }
0x86: {  	_ =	shalt  }
0x87: {  	_ =	shalt  }
.Lfunc_end0:
.L_simem_size_0:
called_computation_lowered:
.L_overlay_start_0:
0x88: {  	s2 =	sld [smem:$0x3FD9]  }
0x89: {  	s3 =	sld [smem:$0x3FFE];
	_ =	sdelay $0x1  }
0x8a: {  	s1 =	srdreg.scid  }
0x8b: {  	s0 =	sand.u32 $0x1, s1  }
0x8c: {  	s17 =	sshll.u32 s0, $0xA;
	s2 =	sadd.s32 s3, s2  }
0x8d: {  	s2 =	sadd.s32 s2, s17  }
0x8e: {  	[smem:$0x3FC6] =	sst s2  }
0x8f: {  	_ = 	snop  }
0x90: {  	s2 =	sld [smem:$0x3FC8];
	(tm) =	ssettm $0x1  }
0x91: {  	s18 =	sld [smem:$0x3FFB];
	_ =	sdelay $0x3  }
0x92: {  	_ =	strace s18  }
0x93: {  	s3 =	sld [smem:$0x3FFC];
	_ =	sdelay $0x3  }
0x94: {  	_ =	strace s3  }
0x95: {  	s3 =	sld [smem:$0x3FFD];
	_ =	sdelay $0x3  }
0x96: {  	_ =	strace s3  }
0x97: {  	_ =	strace $0x8FFFFFFF  }
0x98: {  	s19 =	sld [smem:$0x3FDB];
	_ =	sdelay $0x1  }
0x99: {  	s4 =	simm.s32 $_scs_section_size  }
0x9a: {  	s5 =	simm.s32 $_size__tile_overlayer_lowered;
	s6 =	simm.s32 $_tile_overlayer_lowered  }
0x9b: {  	s22 =	simm.s32 $0x1BFF;
	s21 =	sshll.u32 s6, $0x1;
	s3 =	sadd.s32 s4, s19  }
0x9c: {  	s7 =	simm.s32 $0x0;
	s20 =	sshll.u32 s5, $0x1;
	s5 =	sadd.s32 s21, s3  }
0x9d: {  	[timem:s7], [sflag:s22] =	dma.local [hbm:s5], s20  }
0x9e: {  	_ =	swait.ge [sflag:s22], s20  }
0x9f: {  	s4 =	ssub.s32 $0x0, s20;
	[sflag:s22] =	ssyncset.done $0x0  }
0xa0: {  	[sflag:s22] =	ssyncadd.s32 s4;
	_ =	sdelay $0x1  }
0xa1: {  	s23 =	simm.s32 $0x1B8B  }
0xa2: {  	_ =	swait.ge [sflag:s23], $0x1  }
0xa3: {  	[sflag:s23] =	ssyncset.done $0x0  }
0xa4: {  	s25 =	simm.s32 $0x1B8E;
	s24 =	sld [smem:$0x3FFE];
	[sflag:s23] =	ssyncadd.s32 $0xFFFFFFFF  }
0xa5: {  	s26 =	simm.s32 $execute0_lowered;
	[smem:$0x3FD2] =	sst s25  }
0xa6: {  	s5 =	sshll.u32 s26, $0x1;
	_ =	strace $0x80000046;
	[dreg:$0x1] =	wrdreg $0xFFFFFFFF  }
0xa7: {  	s28 =	simm.s32 $_size_execute0_lowered;
	s3 =	sadd.s32 s3, s5;
	[dreg:$0x0] =	wrdreg $0x0  }
0xa8: {  	s5 =	sshll.u32 s28, $0x1;
	[dreg:$0x2] =	wrdreg s3  }
0xa9: {  	[dreg:$0x3] =	wrdreg s5  }
0xaa: {  	[dreg:$0x4] =	wrdreg $0xC0  }
0xab: {  	_ =	task [dreg:s7], $0x5FFFF  }
0xac: {  	[dreg:$0x1] =	wrdreg $0xFFFFFFFF  }
0xad: {  	[dreg:$0x0] =	wrdreg $0x60  }
0xae: {  	[dreg:$0x2] =	wrdreg s24  }
0xaf: {  	[dreg:$0x3] =	wrdreg s2  }
0xb0: {  	[dreg:$0x4] =	wrdreg $0x9  }
0xb1: {  	_ =	task.clear_ibuf [dreg:s7], $0x5FFFF;
	_ =	strace $0x90000046  }
0xb2: {  	s29 =	simm.s32 $0x9;
	_ =	strace $0x80000048  }
0xb3: {  	_ =	swait.ge [sflag:s29], $0x1  }
0xb4: {  	[sflag:s29] =	ssyncadd.s32 $0xFFFFFFFF  }
0xb5: {  	_ =	strace $0x90000048  }
0xb6: {  	_ =	sfence  }
0xb7: {  	s30 =	sld [smem:$0x0];
	_ =	sdelay $0x2  }
0xb8: {  	s31 =	sshll.u32 s1, $0xD;
	s1 =	sshrl.u32 s1, $0x2  }
0xb9: {  	s3 =	sand.u32 $0x4000, s31;
	s1 =	sadd.s32 s1, s30  }
0xba: {  	s0 =	sor.u32 s3, s0;
	s1 =	sshll.u32 s1, $0x11  }
0xbb: {  	s0 =	sor.u32 s1, s0  }
0xbc: {  	s0 =	sadd.s32 $0x8F2B, s0  }
0xbd: {  	[sflag:s0] =	ssyncadd.remote.s32 $0x1  }
0xbe: {  	_ =	sfence.sel $0xFFFF  }
0xbf: {  	[dreg:$0x0] =	wrdreg $0xFFFFFFFF;
	(pc) =	sbr.abs _section_cstart, $3  }
0xc0: {  	[dreg:$0x1] =	wrdreg $0xFFFFFFFF  }
0xc1: {  	_ =	task.clear_ibuf [dreg:s7], $0x2FFFF;
	_ =	strace $0x9FFFFFFF  }
0xc2: {  	(tm) =	ssettm $0x7FFFFFFF  }
0xc3: {  	_ =	shalt  }
tec
execute0_lowered:
.L_overlay_start_1:
0x0: {  	(tag) =	ssettag $0x1  }
0x1: {  	s6 =	rddreg [dreg:$0x0]  }
0x2: {  	s7 =	rddreg [dreg:$0x1]  }
0x3: {  	s2 =	srdreg.scid;
	s1 =	stileid.u32  }
0x4: {  	s13 =	simm.s32 $0x3;
	s14 =	simm.s32 $0x80;
	s15 =	simm.s32 $0x400  }
0x5: {  	s16 =	simm.s32 $0x1CA00;
	s17 =	simm.s32 $0x18700;
	s18 =	simm.s32 $0x1  }
0x6: {  	s19 =	simm.s32 $0x1C780;
	s20 =	simm.s32 $0x2;
	s21 =	simm.s32 $0x0  }
0x7: {  	s5 =	sand.u32 $0x1, s2;
	s2 =	simm.s32 $0x0;
	s3 =	sshll.u32 s1, $0x6  }
0x8: {  	s4 =	sshll.u32 s5, $0x5;
	[smem:$0x7FF] =	sst s2;
	s9 =	ssub.s32 $0x2, s5  }
0x9: {  	s5 =	sadd.s32 $0xC38C00, s6;
	s3 =	sor.u32 s4, s3;
	_ =	strace $0x80000047  }
.Ltmp0:
0xa: {  	s30 =	sshrl.u32 s9, $0x1;
	s8 =	sshrl.u32 s3, $0x3;
	(pc) =	sbr.rel .LBB2_1-.Ltmp0, $4  }
0xb: {  	s4 =	sadd.s32 $0xC00, s6;
	s12 =	ssub.s32 s9, s30;
	s10 =	smul.u32 $0x18700, s8  }
0xc: {  	s31 =	sshll.u32 s3, $0x6;
	s11 =	sadd.s32 s8, s6;
	s7 =	sadd.s32 s7, s8  }
0xd: {  	s9 =	sadd.s32 s5, s31;
	s6 =	sadd.s32 s4, s10;
	s10 =	sadd.s32 $0xC48C00, s11  }
0xe: {  	v0 =	vimm.s32 $0x0;
	v1 =	vimm.f32 $-3.000000010e+38;
	v2 =	vlaneseq.u32;
	s11 =	smax.u32 s12, $0x1;
	s12 =	simm.s32 $0x1C980;
	s8 =	sadd.s32 $0x10, s6  }
.LBB2_61:
0xf: {  	_ =	swait.ge [sflag:s20], $0x200;
	s21 =	sadd.s32 $0x1, s21  }
0x10: {  	[sflag:s20] =	ssyncset.done $0x0;
	p0 =	sne.s32 s21, s11  }
.Ltmp1:
0x11: {  	[sflag:s20] =	ssyncadd.s32 $0xFFFFFE00;
	(pc) =	sbr.rel @!p0 .LBB2_62-.Ltmp1, $4  }
0x12: {  	[hbm4b:s10+s2] =	stream.linear.scatter [tilespmem:s16], [sflag:$0x3], $0x20, $0x38;
	[tilespmem:$0x1CB80] =	vst v63  }
0x13: {  	_ =	swait.ge [sflag:s13], $0x20  }
0x14: {  	[sflag:s13] =	ssyncset.done $0x0  }
0x15: {  	[sflag:s13] =	ssyncadd.s32 $0xFFFFFFE0  }
.LBB2_1:
0x16: {  	[tilespmem:s12], [sflag:$0x3] =	stream.linear.gather [hbm4b:s7+s2], $0x20, $0x38;
	[tilespmem:$0x1CB80] =	vst v63  }
0x17: {  	_ =	swait.ge [sflag:s13], $0x20  }
0x18: {  	[sflag:s13] =	ssyncset.done $0x0  }
0x19: {  	[sflag:s13] =	ssyncadd.s32 $0xFFFFFFE0  }
0x1a: {  	[tilespmem:s2], [sflag:$0x3] =	stream.strided.gather [hbm4b:s6+s14], $0x18700, s15, s14, $0x38;
	[tilespmem:$0x1CB80] =	vst v63  }
0x1b: {  	_ =	swait.ge [sflag:s13], $0x18700  }
0x1c: {  	[sflag:s13] =	ssyncset.done $0x0  }
0x1d: {  	[sflag:s13] =	ssyncadd.s32 $0xFFFE7900  }
0x1e: {  	v3 =	vld.msk [tilespmem:s12+$0x0], $0xffff;
	_ =	sdelay $0x7  }
0x1f: {  	v4 =	vld.idx.msk [tilespmem:v3+s2+$0x0], $0xffff;
	_ =	sdelay $0x4  }
0x20: {  	[tilespmem:v0+s16+$0x0] =	vst.idx.msk $0x1, v4  }
0x21: {  	s26 =	simm.s32 $0x80800000;
	s22 =	simm.s32 $0x7F7FFFFF;
	[tilespmem:v3+s2+$0x0] =	vst.idx.msk $0x1, v1  }
.LBB2_2:
0x22: {  	s23 =	sxor.u32 s26, s22  }
0x23: {  	s24 =	sand.u32 s22, s26;
	s25 =	sshra.s32 s23, $0x1  }
0x24: {  	s28 =	simm.s32 $0x0;
	s23 =	sand.u32 $0x1, s23;
	s24 =	sadd.s32 s25, s24  }
0x25: {  	v4 =	vld [tilespmem:s28+$0x0];
	s23 =	sadd.s32 s23, s24  }
0x26: {  	v5 =	vld [tilespmem:s28+$0x10];
	v3 =	vmov s23  }
0x27: {  	v6 =	vld [tilespmem:s28+$0x20];
	v7 =	vsub.s32 $0x80000000, v3;
	vm0 =	vlt.s32 v3, $0x0  }
0x28: {  	v3 =	vnsel vm0, s23, v7;
	v7 =	vld [tilespmem:s28+$0x30];
	_ =	sdelay $0x1  }
0x29: {  	s31 =	simm.s32 $0x40;
	vm0 =	vge.f32 v4, v3  }
0x2a: {  	vm13 =	vge.f32 v5, v3;
	v4 =	vld [tilespmem:s31+$0x0];
	v8 =	vmpcnt.ones.xlane vm0  }
0x2b: {  	v9 =	vimm.s32 $0x0;
	vm14 =	vge.f32 v6, v3;
	v5 =	vld [tilespmem:s31+$0x10];
	v10 =	vmpcnt.ones.xlane vm13  }
0x2c: {  	v6 =	vld [tilespmem:s31+$0x20];
	v11 =	vmpcnt.ones.xlane vm14;
	v8 =	vadd.s32 v9, v8;
	vm15 =	vge.f32 v7, v3  }
0x2d: {  	v9 =	vadd.s32 v10, v8;
	v7 =	vld [tilespmem:s31+$0x30];
	v8 =	vmpcnt.ones.xlane vm15  }
0x2e: {  	s24 =	simm.s32 $0x200;
	v9 =	vadd.s32 v11, v9  }
.LBB2_3:
0x2f: {  	s25 =	sshra.s32 s24, $0x2;
	p0 =	sne.s32 s24, $0x3F00;
	s24 =	sadd.s32 $0x100, s24;
	vm0 =	vge.f32 v4, v3;
	v8 =	vadd.s32 v8, v9  }
.Ltmp2:
0x30: {  	v4 =	vld [tilespmem:s25+$0x0];
	v9 =	vmpcnt.ones.xlane vm0;
	vm0 =	vge.f32 v5, v3;
	(pc) =	sbr.rel @p0 .LBB2_3-.Ltmp2, $4  }
0x31: {  	v5 =	vld [tilespmem:s25+$0x10];
	v10 =	vmpcnt.ones.xlane vm0;
	vm0 =	vge.f32 v6, v3  }
0x32: {  	v6 =	vld [tilespmem:s25+$0x20];
	v11 =	vmpcnt.ones.xlane vm0;
	vm0 =	vge.f32 v7, v3;
	v9 =	vadd.s32 v8, v9  }
0x33: {  	v7 =	vld [tilespmem:s25+$0x30];
	v8 =	vmpcnt.ones.xlane vm0;
	v9 =	vadd.s32 v10, v9  }
0x34: {  	v9 =	vadd.s32 v11, v9  }
0x35: {  	vm0 =	vge.f32 v4, v3  }
0x36: {  	v4 =	vmpcnt.ones.xlane vm0;
	vm13 =	vge.f32 v5, v3  }
0x37: {  	v61 =	vadd.s32 v8, v9;
	v62 =	vmpcnt.ones.xlane vm13;
	vm14 =	vge.f32 v6, v3  }
0x38: {  	v6 =	vmpcnt.ones.xlane vm14;
	vm15 =	vge.f32 v7, v3;
	v3 =	vadd.s32 v61, v4  }
0x39: {  	v63 =	vmpcnt.ones.xlane vm15;
	v3 =	vadd.s32 v62, v3  }
0x3a: {  	v3 =	vadd.s32 v6, v3  }
0x3b: {  	v3 =	vadd.s32 v63, v3  }
0x3c: {  	v3 =	vxor.u32 $0x80000000, v3  }
0x3d: {  	(xrf0) =	vmax.scan.msk.u32 $0xffff, v3;
	_ =	sdelay $0x5  }
0x3e: {  	v3, _, _ =	vpop (xrf0)  }
0x3f: {  	(v2sf) =	vpush v3, $0xF;
	_ =	sdelay $0xe  }
0x40: {  	s24 =	spop (v2sf)  }
0x41: {  	p0 =	sgt.u32 s24, $0x8000002F;
	s24 =	sadd.s32 $0xFFFFFFFF, s23  }
0x42: {  	s26 =	smov.u32 @p0 s23;
	s24 =	smov.u32 @p0 s22  }
0x43: {  	p0 =	slt.s32 s26, s24  }
.Ltmp3:
0x44: {  	_ = 	snop;
	(pc) =	sbr.rel @p0 .LBB2_2-.Ltmp3, $2  }
0x45: {  	_ =	sdelay $0x2  }
0x46: {  	s22 =	smov.u32 s24  }
.Ltmp4:
0x47: {  	(pc) =	sbr.rel .LBB2_6-.Ltmp4, $4  }
0x48: {  	p0 =	sgt.s32 s26, $0x80800001  }
0x49: {  	s26 =	simm.s32 @!p0 $0x80800001  }
0x4a: {  	p0 =	slt.s32 s26, $0x7F7FFFFF  }
0x4b: {  	s23 =	simm.s32 $0x80800000;
	s24 =	simm.s32 $0x7F7FFFFF;
	s26 =	simm.s32 @!p0 $0x7F7FFFFF  }
.LBB2_10:
0x4c: {  	v6 =	vimm.s32 $0xFF61B1E6  }
.LBB2_14:
0x4d: {  	v3 =	vsub.s32 $0x80000000, v6;
	vm0 =	vlt.s32 v6, $0x0  }
0x4e: {  	v4 =	vmov s24;
	v3 =	vsel vm0, v3, v6  }
0x4f: {  	vm0 =	vlt.s32 v4, v3  }
0x50: {  	[tilespmem:$0x1CA80] =	vst v5;
	v3 =	vsel vm0, s24, v3  }
0x51: {  	[tilespmem:$0x1CB00] =	vst v3  }
.LBB2_15:
0x52: {  	v3 =	vld [tilespmem:$0x1CA80];
	_ =	sdelay $0x4  }
0x53: {  	v3 =	vxor.u32 $0x80000000, v3  }
0x54: {  	(xrf0) =	vmax.scan.msk.u32 $0xffff, v3;
	_ =	sdelay $0x5  }
0x55: {  	v3, _, _ =	vpop (xrf0)  }
0x56: {  	(v2sf) =	vpush v3, $0xF;
	_ =	sdelay $0xe  }
0x57: {  	s26 =	spop (v2sf)  }
0x58: {  	p1 =	sgt.u32 s26, $0x800001FF  }
0x59: {  	s28 =	sadd.s32 $0xFFFFFFFF, s22;
	p2 =	slt.s32 s25, $0x4001;
	p0 =	por p0, p1  }
0x5a: {  	p5 =	por !p2, !p1;
	s23 =	smov.u32 @p0 s22;
	s28 =	smov.u32 @p0 s24  }
0x5b: {  	p0 =	por !p5, !p5;
	p6 =	sge.s32 s23, s28  }
0x5c: {  	p1 =	por p6, p0  }
.Ltmp5:
0x5d: {  	s24 =	sxor.u32 s28, s23;
	(pc) =	sbr.rel @p1 .LBB2_16-.Ltmp5, $4  }
0x5e: {  	s30 =	sand.u32 s23, s28;
	s31 =	sshra.s32 s24, $0x1  }
0x5f: {  	s24 =	sand.u32 $0x1, s24;
	s25 =	sadd.s32 s31, s30  }
0x60: {  	s26 =	sadd.s32 s24, s25  }
0x61: {  	s24 =	smov.u32 s28;
	s26 =	smov.u32 @p0 s22  }
.LBB2_6:
0x62: {  	s25 =	simm.s32 $0xC0  }
0x63: {  	v4 =	vld [tilespmem:s25+$0xB0]  }
0x64: {  	v6 =	vld [tilespmem:s25+$0xA0]  }
0x65: {  	v7 =	vld [tilespmem:s25+$0x90]  }
0x66: {  	v8 =	vld [tilespmem:s25+$0x80]  }
0x67: {  	v11 =	vld [tilespmem:s25+$0x50]  }
0x68: {  	v24 =	vld [tilespmem:s25+$0xFFFFFF40]  }
0x69: {  	s22 =	simm.s32 $0x0;
	v35 =	vld [tilespmem:s25+$0xFFFFFF90]  }
0x6a: {  	v3 =	vmov s26;
	s28 =	sand.u32 $0x1FFF0, s22;
	v36 =	vld [tilespmem:s25+$0xFFFFFFA0]  }
0x6b: {  	v9 =	vsub.s32 $0x80000000, v3;
	vm0 =	vlt.s32 v3, $0x0;
	v5 =	vld [tilespmem:s28+$0x180]  }
0x6c: {  	v17 =	vimm.s32 $0x0;
	v10 =	vld [tilespmem:s25+$0x60];
	v3 =	vnsel vm0, s26, v9  }
0x6d: {  	v9 =	vld [tilespmem:s25+$0x70];
	vm0 =	vge.f32 v4, v3;
	vm1 =	vge.f32 v6, v3;
	vm2 =	vge.f32 v8, v3  }
0x6e: {  	vm3 =	vge.f32 v11, v3;
	vm6 =	vge.f32 v24, v3;
	vm12 =	vge.f32 v35, v3  }
0x6f: {  	v12 =	vld [tilespmem:s28+$0x100];
	vm13 =	vge.f32 v36, v3;
	v13 =	vmpcnt.ones.xlane vm0;
	v14 =	vmpcnt.ones.xlane vm1  }
0x70: {  	v25 =	vld [tilespmem:s25+$0xFFFFFF50];
	vm0 =	vge.f32 v5, v3;
	vm1 =	vge.f32 v7, v3;
	v18 =	vmpcnt.ones.xlane vm2  }
0x71: {  	v23 =	vld [tilespmem:s28+$0x80];
	vm2 =	vge.f32 v10, v3;
	v26 =	vmpcnt.ones.xlane vm3;
	v34 =	vmpcnt.ones.xlane vm12  }
0x72: {  	v51 =	vmpcnt.ones.xlane vm13;
	v15 =	vmpcnt.ones.xlane vm1;
	vm1 =	vge.f32 v9, v3  }
0x73: {  	vm4 =	vgt.s32 v13, $0x0;
	v13 =	vmpcnt.ones.xlane vm0;
	vm0 =	vgt.s32 v14, $0x0  }
0x74: {  	v27 =	vld [tilespmem:s25+$0xFFFFFF60];
	v14 =	vmpcnt.ones.xlane vm2;
	vm2 =	vge.f32 v12, v3;
	vm9 =	vgt.s32 v34, $0x0  }
0x75: {  	vm10 =	vgt.s32 v51, $0x0;
	v19 =	vmpcnt.ones.xlane vm2;
	vm2 =	vge.f32 v25, v3  }
0x76: {  	v38 =	vsel vm9, $0x10, v0;
	v34 =	vsel vm10, $0x10, v0;
	vm10 =	vge.f32 v23, v3  }
0x77: {  	vm5 =	vgt.s32 v13, $0x0;
	v13 =	vmpcnt.ones.xlane vm1;
	vm1 =	vgt.s32 v15, $0x0  }
0x78: {  	v15 =	vand.u32 $0x3FFF, v17;
	vm11 =	vgt.s32 v14, $0x0;
	v20 =	vmpcnt.ones.xlane vm2  }
0x79: {  	v30 =	vld [tilespmem:s25+$0xFFFFFF70];
	vm2 =	vge.f32 v27, v3;
	v42 =	vmpcnt.ones.xlane vm10;
	v16 =	vsel vm11, $0x10, v0  }
0x7a: {  	v31 =	vld [tilespmem:s25+$0xFFFFFF80];
	v22 =	vmpcnt.ones.xlane vm2;
	vm3 =	vgt.s32 v13, $0x0;
	v13 =	vmpcnt.ones.xlane vm6  }
0x7b: {  	v28 =	vadd.s32 v2, v15;
	vm2 =	vgt.s32 v20, $0x0;
	vm13 =	vgt.s32 v42, $0x0  }
0x7c: {  	v14 =	vsel vm3, $0x10, v0;
	vm8 =	vgt.s32 v22, $0x0;
	v22 =	vld [tilespmem:s25+$0xFFFFFFD0];
	vm3 =	vgt.s32 v13, $0x0  }
0x7d: {  	v21 =	vsel vm2, $0x10, v0;
	vm2 =	vgt.s32 v19, $0x0;
	v13 =	vld [tilespmem:s25+$0x20];
	v20 =	vsel vm3, $0x10, v0  }
0x7e: {  	v15 =	vld [tilespmem:s25+$0x0];
	v44 =	vsel vm13, $0x10, v0;
	vm3 =	vge.f32 v30, v3;
	v17 =	vadd.s32 v17, v20  }
0x7f: {  	v19 =	vmpcnt.ones.xlane vm3;
	vm3 =	vge.f32 v31, v3;
	v20 =	vand.u32 $0x3FFF, v17  }
0x80: {  	v17 =	vadd.s32 v17, v21;
	v37 =	vmpcnt.ones.xlane vm3;
	vm3 =	vgt.s32 v18, $0x0  }
0x81: {  	v29 =	vadd.s32 v2, v20;
	v20 =	vand.u32 $0x3FFF, v17;
	vm7 =	vgt.s32 v19, $0x0  }
0x82: {  	v21 =	vld [tilespmem:s25+$0xFFFFFFB0];
	vm11 =	vge.f32 v22, v3;
	vm6 =	vge.f32 v13, v3;
	v32 =	vadd.s32 v2, v20  }
0x83: {  	v33 =	vsel vm7, $0x10, v0;
	v20 =	vsel vm8, $0x10, v0;
	vm7 =	vge.f32 v15, v3  }
0x84: {  	v19 =	vld [tilespmem:s25+$0xFFFFFFE0];
	vm12 =	vgt.s32 v37, $0x0;
	v40 =	vmpcnt.ones.xlane vm11;
	v17 =	vadd.s32 v17, v20  }
0x85: {  	v41 =	vsel vm12, $0x10, v0;
	v58 =	vmpcnt.ones.xlane vm7;
	vm7 =	vgt.s32 v26, $0x0  }
0x86: {  	v61 =	vmpcnt.ones.xlane vm6;
	v18 =	vand.u32 $0x3FFF, v17;
	v17 =	vadd.s32 v17, v33  }
0x87: {  	v20 =	vld [tilespmem:s25+$0xFFFFFFF0];
	vm12 =	vgt.s32 v40, $0x0;
	vm8 =	vge.f32 v21, v3;
	v52 =	vadd.s32 v2, v18  }
0x88: {  	v18 =	vand.u32 $0x3FFF, v17;
	v17 =	vadd.s32 v17, v41;
	v59 =	vsel vm12, $0x10, v0  }
0x89: {  	vm12 =	vgt.s32 v58, $0x0;
	vm9 =	vge.f32 v19, v3;
	v53 =	vmpcnt.ones.xlane vm8  }
0x8a: {  	v39 =	vadd.s32 v2, v18;
	v18 =	vld [tilespmem:s25+$0x10];
	v38 =	vadd.s32 v17, v38;
	v56 =	vand.u32 $0x3FFF, v17  }
0x8b: {  	v17 =	vld [tilespmem:s25+$0x30];
	[tilespmem:v28+s17+$0x0] =	vst.idx.msk $0xffff, v24;
	v28 =	vsel vm12, $0x10, v0;
	v57 =	vmpcnt.ones.xlane vm9;
	v43 =	vand.u32 $0x3FFF, v38  }
0x8c: {  	v34 =	vadd.s32 v38, v34;
	v37 =	vadd.s32 v2, v56;
	vm14 =	vge.f32 v20, v3  }
0x8d: {  	[tilespmem:v29+s17+$0x0] =	vst.idx.msk $0xffff, v25;
	vm15 =	vgt.s32 v53, $0x0;
	v43 =	vadd.s32 v2, v43;
	v25 =	vand.u32 $0x3FFF, v34  }
0x8e: {  	v54 =	vmpcnt.ones.xlane vm14;
	v55 =	vsel vm15, $0x10, v0;
	vm15 =	vgt.s32 v57, $0x0  }
0x8f: {  	[tilespmem:v32+s17+$0x0] =	vst.idx.msk $0xffff, v27;
	v27 =	vsel vm7, $0x10, v0;
	v32 =	vadd.s32 v2, v25;
	v62 =	vsel vm15, $0x10, v0  }
0x90: {  	v24 =	vadd.s32 v34, v55;
	vm11 =	vgt.s32 v54, $0x0;
	vm14 =	vge.f32 v18, v3  }
0x91: {  	vm15 =	vge.f32 v17, v3;
	v41 =	vadd.s32 v24, v44;
	v24 =	vand.u32 $0x3FFF, v24  }
0x92: {  	v60 =	vmpcnt.ones.xlane vm14;
	v26 =	vsel vm11, $0x10, v0;
	vm14 =	vgt.s32 v61, $0x0  }
0x93: {  	[tilespmem:v52+s17+$0x0] =	vst.idx.msk $0xffff, v30;
	v34 =	vmpcnt.ones.xlane vm15;
	v30 =	vadd.s32 v2, v24;
	v25 =	vand.u32 $0x3FFF, v41  }
0x94: {  	[tilespmem:v39+s17+$0x0] =	vst.idx.msk $0xffff, v31;
	v24 =	vsel vm4, $0x10, v0;
	v63 =	vadd.s32 v41, v59;
	v29 =	vsel vm14, $0x10, v0  }
0x95: {  	[tilespmem:v37+s17+$0x0] =	vst.idx.msk $0xffff, v35;
	v31 =	vadd.s32 v2, v25;
	v25 =	vsel vm5, $0x10, v0;
	vm13 =	vgt.s32 v60, $0x0  }
0x96: {  	s22 =	smov.u32 s26;
	s26 =	simm.s32 $0x190;
	[tilespmem:v43+s17+$0x0] =	vst.idx.msk $0xffff, v36;
	v35 =	vand.u32 $0x3FFF, v63;
	v36 =	vadd.s32 v63, v62;
	v33 =	vsel vm13, $0x10, v0  }
.LBB2_7:
0x97: {  	p0 =	sne.s32 s26, $0x18510  }
0x98: {  	v37 =	vsel vm3, $0x10, v0;
	v38 =	vsel vm1, $0x10, v0;
	v39 =	vsel vm0, $0x10, v0;
	s25 =	sadd.s32 $0x190, s25;
	s28 =	smov.u32 s26;
	s26 =	sadd.s32 $0x190, s26  }
0x99: {  	vm0 =	vgt.s32 v34, $0x0;
	v26 =	vadd.s32 v36, v26;
	[tilespmem:v32+s17+$0x0] =	vst.idx.msk $0xffff, v21;
	v21 =	vand.u32 $0x3FFF, v36  }
0x9a: {  	v34 =	vsel vm2, $0x10, v0;
	v32 =	vsel vm0, $0x10, v0;
	[tilespmem:v30+s17+$0x0] =	vst.idx.msk $0xffff, v23;
	v23 =	vadd.s32 v2, v35  }
0x9b: {  	v21 =	vadd.s32 v2, v21;
	[tilespmem:v31+s17+$0x0] =	vst.idx.msk $0xffff, v22;
	v22 =	vand.u32 $0x3FFF, v26;
	v26 =	vadd.s32 v26, v28  }
0x9c: {  	v22 =	vadd.s32 v2, v22;
	v28 =	vand.u32 $0x3FFF, v26;
	v26 =	vadd.s32 v26, v33  }
0x9d: {  	v28 =	vadd.s32 v2, v28;
	v30 =	vand.u32 $0x3FFF, v26;
	v26 =	vadd.s32 v26, v29  }
0x9e: {  	v29 =	vadd.s32 v2, v30;
	v30 =	vand.u32 $0x3FFF, v26;
	v26 =	vadd.s32 v26, v32  }
0x9f: {  	[tilespmem:v23+s17+$0x0] =	vst.idx.msk $0xffff, v19;
	v19 =	vadd.s32 v2, v30;
	v23 =	vand.u32 $0x3FFF, v26;
	v26 =	vadd.s32 v26, v34  }
0xa0: {  	[tilespmem:v21+s17+$0x0] =	vst.idx.msk $0xffff, v20;
	v20 =	vadd.s32 v2, v23;
	v21 =	vand.u32 $0x3FFF, v26;
	v23 =	vadd.s32 v26, v27  }
0xa1: {  	[tilespmem:v22+s17+$0x0] =	vst.idx.msk $0xffff, v15;
	v15 =	vadd.s32 v2, v21;
	v21 =	vand.u32 $0x3FFF, v23;
	v16 =	vadd.s32 v23, v16  }
0xa2: {  	[tilespmem:v28+s17+$0x0] =	vst.idx.msk $0xffff, v18;
	v18 =	vadd.s32 v2, v21;
	v21 =	vand.u32 $0x3FFF, v16;
	v14 =	vadd.s32 v16, v14  }
0xa3: {  	[tilespmem:v29+s17+$0x0] =	vst.idx.msk $0xffff, v13;
	v13 =	vadd.s32 v2, v21;
	v16 =	vand.u32 $0x3FFF, v14;
	v14 =	vadd.s32 v14, v37  }
0xa4: {  	[tilespmem:v19+s17+$0x0] =	vst.idx.msk $0xffff, v17;
	v16 =	vadd.s32 v2, v16;
	v17 =	vand.u32 $0x3FFF, v14;
	v14 =	vadd.s32 v14, v38  }
0xa5: {  	[tilespmem:v20+s17+$0x0] =	vst.idx.msk $0xffff, v12;
	v12 =	vadd.s32 v2, v17;
	v17 =	vand.u32 $0x3FFF, v14;
	v14 =	vadd.s32 v14, v39  }
0xa6: {  	[tilespmem:v15+s17+$0x0] =	vst.idx.msk $0xffff, v11;
	v11 =	vadd.s32 v2, v17;
	v15 =	vand.u32 $0x3FFF, v14;
	v14 =	vadd.s32 v14, v24  }
0xa7: {  	[tilespmem:v18+s17+$0x0] =	vst.idx.msk $0xffff, v10;
	v10 =	vadd.s32 v2, v15;
	v15 =	vand.u32 $0x3FFF, v14;
	v19 =	vadd.s32 v14, v25  }
0xa8: {  	[tilespmem:v13+s17+$0x0] =	vst.idx.msk $0xffff, v9;
	v9 =	vadd.s32 v2, v15  }
0xa9: {  	[tilespmem:v16+s17+$0x0] =	vst.idx.msk $0xffff, v8  }
0xaa: {  	[tilespmem:v12+s17+$0x0] =	vst.idx.msk $0xffff, v7  }
0xab: {  	[tilespmem:v11+s17+$0x0] =	vst.idx.msk $0xffff, v6  }
0xac: {  	[tilespmem:v10+s17+$0x0] =	vst.idx.msk $0xffff, v4  }
0xad: {  	s28 =	sand.u32 $0x1FFF0, s28;
	[tilespmem:v9+s17+$0x0] =	vst.idx.msk $0xffff, v5  }
0xae: {  	v4 =	vld [tilespmem:s25+$0xB0]  }
0xaf: {  	v6 =	vld [tilespmem:s25+$0xA0]  }
0xb0: {  	v5 =	vld [tilespmem:s28+$0x180]  }
0xb1: {  	v7 =	vld [tilespmem:s25+$0x90]  }
0xb2: {  	v8 =	vld [tilespmem:s25+$0x80]  }
0xb3: {  	v9 =	vld [tilespmem:s25+$0x70];
	vm0 =	vge.f32 v4, v3  }
0xb4: {  	v10 =	vld [tilespmem:s25+$0x60];
	vm1 =	vge.f32 v6, v3;
	v13 =	vmpcnt.ones.xlane vm0  }
0xb5: {  	v11 =	vld [tilespmem:s25+$0x50];
	v14 =	vmpcnt.ones.xlane vm1;
	vm0 =	vge.f32 v5, v3  }
0xb6: {  	v12 =	vld [tilespmem:s28+$0x100];
	vm1 =	vge.f32 v7, v3;
	vm4 =	vgt.s32 v13, $0x0;
	v13 =	vmpcnt.ones.xlane vm0  }
0xb7: {  	v24 =	vld [tilespmem:s25+$0xFFFFFF40];
	vm2 =	vge.f32 v8, v3;
	v15 =	vmpcnt.ones.xlane vm1;
	vm0 =	vgt.s32 v14, $0x0  }
0xb8: {  	v25 =	vld [tilespmem:s25+$0xFFFFFF50];
	vm1 =	vge.f32 v9, v3;
	v26 =	vmpcnt.ones.xlane vm2;
	vm5 =	vgt.s32 v13, $0x0  }
0xb9: {  	v27 =	vld [tilespmem:s25+$0xFFFFFF60];
	vm2 =	vge.f32 v10, v3;
	v13 =	vmpcnt.ones.xlane vm1;
	vm1 =	vgt.s32 v15, $0x0  }
0xba: {  	v15 =	vand.u32 $0x3FFF, v19;
	v28 =	vld [tilespmem:s25+$0xFFFFFF70];
	vm3 =	vge.f32 v11, v3;
	v14 =	vmpcnt.ones.xlane vm2  }
0xbb: {  	v29 =	vld [tilespmem:s25+$0xFFFFFF80];
	vm2 =	vge.f32 v12, v3;
	v30 =	vmpcnt.ones.xlane vm3;
	vm3 =	vgt.s32 v13, $0x0  }
0xbc: {  	vm6 =	vge.f32 v24, v3;
	v17 =	vld [tilespmem:s25+$0x30];
	v20 =	vmpcnt.ones.xlane vm2;
	vm2 =	vgt.s32 v14, $0x0  }
0xbd: {  	v14 =	vsel vm3, $0x10, v0;
	v18 =	vmpcnt.ones.xlane vm6;
	vm6 =	vge.f32 v25, v3;
	v13 =	vld [tilespmem:s25+$0x20]  }
0xbe: {  	v16 =	vsel vm2, $0x10, v0;
	v21 =	vmpcnt.ones.xlane vm6;
	vm3 =	vge.f32 v27, v3;
	v31 =	vld [tilespmem:s25+$0xFFFFFF90]  }
0xbf: {  	v32 =	vadd.s32 v2, v15;
	vm2 =	vgt.s32 v18, $0x0;
	v22 =	vmpcnt.ones.xlane vm3;
	v18 =	vld [tilespmem:s25+$0x10]  }
0xc0: {  	vm3 =	vge.f32 v28, v3;
	v23 =	vsel vm2, $0x10, v0;
	vm2 =	vgt.s32 v21, $0x0;
	v15 =	vld [tilespmem:s25+$0x0]  }
0xc1: {  	v21 =	vsel vm2, $0x10, v0;
	v33 =	vld [tilespmem:s25+$0xFFFFFFA0];
	vm2 =	vgt.s32 v20, $0x0;
	v19 =	vadd.s32 v19, v23  }
0xc2: {  	v23 =	vmpcnt.ones.xlane vm3;
	v20 =	vld [tilespmem:s25+$0xFFFFFFF0];
	v34 =	vand.u32 $0x3FFF, v19;
	v35 =	vadd.s32 v19, v21  }
0xc3: {  	vm3 =	vge.f32 v29, v3;
	v19 =	vld [tilespmem:s25+$0xFFFFFFE0];
	v34 =	vadd.s32 v2, v34;
	v36 =	vand.u32 $0x3FFF, v35  }
0xc4: {  	vm6 =	vge.f32 v13, v3;
	vm7 =	vgt.s32 v23, $0x0;
	v21 =	vld [tilespmem:s25+$0xFFFFFFB0];
	v36 =	vadd.s32 v2, v36  }
0xc5: {  	vm8 =	vgt.s32 v22, $0x0;
	v37 =	vsel vm7, $0x10, v0;
	vm7 =	vge.f32 v31, v3;
	v23 =	vld [tilespmem:s28+$0x80]  }
0xc6: {  	v38 =	vsel vm8, $0x10, v0;
	v39 =	vmpcnt.ones.xlane vm7;
	vm7 =	vge.f32 v15, v3;
	v22 =	vld [tilespmem:s25+$0xFFFFFFD0]  }
0xc7: {  	v40 =	vmpcnt.ones.xlane vm3;
	vm3 =	vgt.s32 v26, $0x0;
	[tilespmem:v32+s17+$0x0] =	vst.idx.msk $0xffff, v24;
	v24 =	vadd.s32 v35, v38  }
0xc8: {  	vm9 =	vge.f32 v33, v3;
	vm8 =	vgt.s32 v39, $0x0;
	[tilespmem:v34+s17+$0x0] =	vst.idx.msk $0xffff, v25;
	v25 =	vand.u32 $0x3FFF, v24  }
0xc9: {  	v32 =	vmpcnt.ones.xlane vm9;
	v26 =	vsel vm8, $0x10, v0;
	v24 =	vadd.s32 v24, v37;
	[tilespmem:v36+s17+$0x0] =	vst.idx.msk $0xffff, v27  }
0xca: {  	vm8 =	vge.f32 v19, v3;
	vm9 =	vge.f32 v21, v3;
	v25 =	vadd.s32 v2, v25  }
0xcb: {  	vm10 =	vgt.s32 v32, $0x0;
	v27 =	vand.u32 $0x3FFF, v24;
	vm11 =	vge.f32 v22, v3  }
0xcc: {  	v32 =	vsel vm10, $0x10, v0;
	vm10 =	vge.f32 v23, v3;
	v27 =	vadd.s32 v2, v27  }
0xcd: {  	vm12 =	vgt.s32 v40, $0x0;
	v34 =	vmpcnt.ones.xlane vm9;
	v35 =	vmpcnt.ones.xlane vm11  }
0xce: {  	v36 =	vsel vm12, $0x10, v0;
	vm9 =	vge.f32 v20, v3;
	v37 =	vmpcnt.ones.xlane vm10  }
0xcf: {  	v24 =	vadd.s32 v24, v36;
	vm10 =	vgt.s32 v34, $0x0;
	v34 =	vmpcnt.ones.xlane vm9;
	[tilespmem:v25+s17+$0x0] =	vst.idx.msk $0xffff, v28  }
0xd0: {  	vm9 =	vgt.s32 v35, $0x0;
	v25 =	vsel vm10, $0x10, v0;
	v28 =	vadd.s32 v24, v26  }
0xd1: {  	vm11 =	vgt.s32 v34, $0x0;
	vm10 =	vgt.s32 v37, $0x0;
	v24 =	vand.u32 $0x3FFF, v24;
	[tilespmem:v27+s17+$0x0] =	vst.idx.msk $0xffff, v29  }
0xd2: {  	v26 =	vand.u32 $0x3FFF, v28;
	v27 =	vmpcnt.ones.xlane vm8;
	v29 =	vmpcnt.ones.xlane vm7  }
0xd3: {  	v35 =	vsel vm9, $0x10, v0;
	v24 =	vadd.s32 v2, v24;
	vm7 =	vge.f32 v18, v3  }
0xd4: {  	v34 =	vsel vm10, $0x10, v0;
	v37 =	vadd.s32 v2, v26;
	v36 =	vmpcnt.ones.xlane vm7  }
0xd5: {  	v38 =	vmpcnt.ones.xlane vm6;
	v26 =	vsel vm11, $0x10, v0  }
0xd6: {  	vm7 =	vgt.s32 v30, $0x0;
	vm6 =	vgt.s32 v27, $0x0;
	v27 =	vadd.s32 v28, v32  }
0xd7: {  	v39 =	vsel vm6, $0x10, v0;
	vm6 =	vgt.s32 v29, $0x0;
	v25 =	vadd.s32 v27, v25  }
0xd8: {  	v28 =	vsel vm6, $0x10, v0;
	vm6 =	vgt.s32 v36, $0x0;
	[tilespmem:v24+s17+$0x0] =	vst.idx.msk $0xffff, v31;
	v24 =	vand.u32 $0x3FFF, v27  }
0xd9: {  	vm9 =	vge.f32 v17, v3;
	vm8 =	vgt.s32 v38, $0x0;
	v36 =	vadd.s32 v25, v34;
	[tilespmem:v37+s17+$0x0] =	vst.idx.msk $0xffff, v33  }
.Ltmp6:
0xda: {  	v29 =	vsel vm8, $0x10, v0;
	v34 =	vmpcnt.ones.xlane vm9;
	v25 =	vand.u32 $0x3FFF, v25;
	(pc) =	sbr.rel @p0 .LBB2_7-.Ltmp6, $4  }
0xdb: {  	v27 =	vsel vm7, $0x10, v0;
	v33 =	vsel vm6, $0x10, v0;
	v32 =	vadd.s32 v2, v24  }
0xdc: {  	v30 =	vadd.s32 v2, v25;
	v25 =	vand.u32 $0x3FFF, v36  }
0xdd: {  	v36 =	vadd.s32 v36, v35;
	v31 =	vadd.s32 v2, v25;
	v24 =	vsel vm4, $0x10, v0  }
0xde: {  	v35 =	vand.u32 $0x3FFF, v36;
	v36 =	vadd.s32 v36, v39;
	v25 =	vsel vm5, $0x10, v0  }
0xdf: {  	v26 =	vadd.s32 v36, v26  }
0xe0: {  	v28 =	vadd.s32 v26, v28  }
0xe1: {  	vm4 =	vgt.s32 v34, $0x0;
	v33 =	vadd.s32 v28, v33  }
0xe2: {  	v34 =	vsel vm4, $0x10, v0;
	v29 =	vadd.s32 v33, v29  }
0xe3: {  	v37 =	vsel vm2, $0x10, v0;
	v34 =	vadd.s32 v29, v34  }
0xe4: {  	v37 =	vadd.s32 v34, v37  }
0xe5: {  	v27 =	vadd.s32 v37, v27  }
0xe6: {  	v16 =	vadd.s32 v27, v16  }
0xe7: {  	v38 =	vsel vm3, $0x10, v0;
	v14 =	vadd.s32 v16, v14  }
0xe8: {  	v39 =	vsel vm1, $0x10, v0;
	v38 =	vadd.s32 v14, v38  }
0xe9: {  	v40 =	vsel vm0, $0x10, v0;
	v39 =	vadd.s32 v38, v39  }
0xea: {  	v40 =	vadd.s32 v39, v40  }
0xeb: {  	v24 =	vadd.s32 v40, v24  }
0xec: {  	v25 =	vadd.s32 v24, v25  }
0xed: {  	v25 =	vxor.u32 $0x80000000, v25  }
0xee: {  	(xrf0) =	vmax.scan.msk.u32 $0xffff, v25;
	_ =	sdelay $0x5  }
0xef: {  	v41, _, _ =	vpop (xrf0)  }
0xf0: {  	(v2sf) =	vpush v41, $0xF;
	_ =	sdelay $0x1  }
0xf1: {  	v36 =	vand.u32 $0x3FFF, v36;
	v35 =	vadd.s32 v2, v35  }
0xf2: {  	v26 =	vand.u32 $0x3FFF, v26;
	v25 =	vadd.s32 v2, v36  }
0xf3: {  	[tilespmem:v32+s17+$0x0] =	vst.idx.msk $0xffff, v21;
	v42 =	vadd.s32 v2, v26;
	v43 =	vand.u32 $0x3FFF, v28  }
0xf4: {  	[tilespmem:v30+s17+$0x0] =	vst.idx.msk $0xffff, v23;
	v44 =	vadd.s32 v2, v43;
	v45 =	vand.u32 $0x3FFF, v33  }
0xf5: {  	[tilespmem:v31+s17+$0x0] =	vst.idx.msk $0xffff, v22;
	v46 =	vadd.s32 v2, v45;
	v47 =	vand.u32 $0x3FFF, v29  }
0xf6: {  	[tilespmem:v35+s17+$0x0] =	vst.idx.msk $0xffff, v19;
	v48 =	vadd.s32 v2, v47;
	v49 =	vand.u32 $0x3FFF, v34  }
0xf7: {  	v50 =	vadd.s32 v2, v49;
	v51 =	vand.u32 $0x3FFF, v37;
	[tilespmem:v25+s17+$0x0] =	vst.idx.msk $0xffff, v20  }
0xf8: {  	v52 =	vadd.s32 v2, v51;
	v53 =	vand.u32 $0x3FFF, v27;
	[tilespmem:v42+s17+$0x0] =	vst.idx.msk $0xffff, v15  }
0xf9: {  	v54 =	vadd.s32 v2, v53;
	v16 =	vand.u32 $0x3FFF, v16;
	[tilespmem:v44+s17+$0x0] =	vst.idx.msk $0xffff, v18  }
0xfa: {  	v55 =	vadd.s32 v2, v16;
	v14 =	vand.u32 $0x3FFF, v14;
	[tilespmem:v46+s17+$0x0] =	vst.idx.msk $0xffff, v13  }
0xfb: {  	v14 =	vadd.s32 v2, v14;
	v56 =	vand.u32 $0x3FFF, v38;
	[tilespmem:v48+s17+$0x0] =	vst.idx.msk $0xffff, v17  }
0xfc: {  	v57 =	vadd.s32 v2, v56;
	v58 =	vand.u32 $0x3FFF, v39;
	[tilespmem:v50+s17+$0x0] =	vst.idx.msk $0xffff, v12  }
0xfd: {  	v59 =	vadd.s32 v2, v58;
	v60 =	vand.u32 $0x3FFF, v40;
	[tilespmem:v52+s17+$0x0] =	vst.idx.msk $0xffff, v11  }
0xfe: {  	v61 =	vadd.s32 v2, v60;
	v62 =	vand.u32 $0x3FFF, v24;
	[tilespmem:v54+s17+$0x0] =	vst.idx.msk $0xffff, v10;
	s26 =	spop (v2sf)  }
0xff: {  	v63 =	vadd.s32 v2, v62;
	[tilespmem:v55+s17+$0x0] =	vst.idx.msk $0xffff, v9;
	s25 =	sxor.u32 $0x80000000, s26  }
0x100: {  	[tilespmem:v14+s17+$0x0] =	vst.idx.msk $0xffff, v8;
	p0 =	sgt.s32 s25, $0x4000  }
.Ltmp7:
0x101: {  	[tilespmem:v57+s17+$0x0] =	vst.idx.msk $0xffff, v7;
	(pc) =	sbr.rel @p0 .LBB2_15-.Ltmp7, $4  }
0x102: {  	[tilespmem:v59+s17+$0x0] =	vst.idx.msk $0xffff, v6  }
0x103: {  	[tilespmem:v61+s17+$0x0] =	vst.idx.msk $0xffff, v4  }
0x104: {  	[tilespmem:v63+s17+$0x0] =	vst.idx.msk $0xffff, v5  }
0x105: {  	[tilespmem:$0x1CA80] =	vst v0  }
0x106: {  	p1 =	slt.s32 s25, $0x1;
	p2 =	sgt.s32 s26, $0xFFFFFFFF;
	s28 =	sand.u32 $0xF, s26  }
0x107: {  	s29 =	sshra.s32 s25, $0x1F;
	p1 =	por p2, p1;
	p4 =	sne.s32 s28, $0x0  }
0x108: {  	s28 =	sshrl.u32 s29, $0x1C;
	p1 =	por !p4, !p1  }
0x109: {  	s29 =	simm.s32 $0x1;
	s28 =	sadd.s32 s28, s25;
	p1 =	por !p1, !p1  }
0x10a: {  	s28 =	sshra.s32 s28, $0x4;
	s29 =	simm.s32 @!p1 $0x0  }
0x10b: {  	s28 =	ssub.s32 s28, s29  }
0x10c: {  	s31 =	sadd.s32 $0x80000010, s26;
	s30 =	sadd.s32 $0x3, s28  }
0x10d: {  	v5 =	vadd.s32 s31, v2;
	s31 =	sand.u32 $0x3, s30  }
0x10e: {  	s0 =	sadd.s32 $0x80000020, s26;
	p5 =	slt.s32 s28, $0xFFFFFFFE;
	p6 =	sne.s32 s31, $0x0  }
0x10f: {  	s29 =	sadd.s32 $0x80000030, s26;
	s31 =	sshrl.u32 s30, $0x1E;
	p1 =	por !p5, !p6  }
0x110: {  	v4 =	vadd.s32 s25, v2;
	s28 =	simm.s32 $0x1;
	s26 =	sadd.s32 s31, s30;
	p1 =	por !p1, !p1  }
0x111: {  	s26 =	sshra.s32 s26, $0x2;
	s28 =	simm.s32 @!p1 $0x0  }
0x112: {  	v7 =	vadd.s32 s0, v2;
	s28 =	ssub.s32 s26, s28  }
0x113: {  	v8 =	vadd.s32 s29, v2;
	p1 =	slt.s32 s28, $0x1  }
.Ltmp8:
0x114: {  	v6 =	vimm.f32 $-3.000000010e+38;
	(pc) =	sbr.rel @p1 .LBB2_10-.Ltmp8, $4  }
0x115: {  	[tilespmem:v4+s17+$0x0] =	vst.idx.msk $0xffff, v6  }
0x116: {  	[tilespmem:v5+s17+$0x0] =	vst.idx.msk $0xffff, v6  }
0x117: {  	[tilespmem:v7+s17+$0x0] =	vst.idx.msk $0xffff, v6  }
0x118: {  	v5 =	vimm.s32 $0x0;
	[tilespmem:v8+s17+$0x0] =	vst.idx.msk $0xffff, v6;
	s26 =	simm.s32 $0x18720  }
0x119: {  	v7 =	vld [tilespmem:s26+$0xFFFFFFE0];
	_ =	sdelay $0x3  }
0x11a: {  	v8 =	vld [tilespmem:s26+$0xFFFFFFF0]  }
0x11b: {  	v9 =	vld [tilespmem:s26+$0x0];
	vm3 =	vge.f32 v7, v3  }
0x11c: {  	v4 =	vld [tilespmem:s26+$0x10];
	v10 =	vsel vm3, $0x1, v0  }
0x11d: {  	(xrf0) =	vadd.scan.msk.s32 $0xffff, v10;
	_ =	sdelay $0x1  }
0x11e: {  	vm2 =	vge.f32 v8, v3  }
0x11f: {  	vm1 =	vge.f32 v9, v3;
	v11 =	vsel vm2, $0x1, v0  }
0x120: {  	vm0 =	vge.f32 v4, v3;
	v53 =	vsel vm1, $0x1, v0;
	(xrf0) =	vadd.scan.msk.s32 $0xffff, v11  }
0x121: {  	v12 =	vsel vm0, $0x1, v0;
	(xrf0) =	vadd.scan.msk.s32 $0xffff, v53  }
0x122: {  	v13, _, _ =	vpop (xrf0);
	(xrf0) =	vadd.scan.msk.s32 $0xffff, v12  }
0x123: {  	v54 =	vmpcnt.ones.xlane vm3;
	v56 =	vadd.s32 v13, v5  }
0x124: {  	v55 =	vmpcnt.ones.xlane vm2;
	v14 =	vnsel vm3, $0xFF61B1E6, v7;
	v12 =	vadd.s32 $0xFFFFFFFF, v56  }
0x125: {  	v59 =	vmpcnt.ones.xlane vm1;
	v15 =	vnsel vm2, $0xFF61B1E6, v8;
	v6 =	vmax.f32 v6, v14  }
0x126: {  	v60 =	vnsel vm1, $0xFF61B1E6, v9;
	v6 =	vmax.f32 v6, v15;
	v5 =	vadd.s32 v5, v54;
	v57, _, _ =	vpop (xrf0)  }
0x127: {  	v6 =	vmax.f32 v6, v60;
	v10 =	vadd.s32 v57, v5;
	v5 =	vadd.s32 v5, v55;
	v58, _, _ =	vpop (xrf0)  }
0x128: {  	v10 =	vadd.s32 $0xFFFFFFFF, v10;
	v11 =	vadd.s32 v58, v5;
	v5 =	vadd.s32 v5, v59;
	v62, _, _ =	vpop (xrf0)  }
0x129: {  	p1 =	sne.s32 s28, $0x1;
	v11 =	vadd.s32 $0xFFFFFFFF, v11;
	[tilespmem:v12+s17+$0x0] =	vst.idx.msk vm3, v7;
	v7 =	vnsel vm0, $0xFF61B1E6, v4;
	v63 =	vadd.s32 v62, v5  }
.Ltmp9:
0x12a: {  	v6 =	vmax.f32 v6, v7;
	v7 =	vadd.s32 $0xFFFFFFFF, v63;
	(pc) =	sbr.rel @!p1 .LBB2_13-.Ltmp9, $4  }
0x12b: {  	_ = 	snop  }
0x12c: {  	v61 =	vmpcnt.ones.xlane vm0  }
0x12d: {  	[tilespmem:v10+s17+$0x0] =	vst.idx.msk vm2, v8  }
0x12e: {  	s28 =	sadd.s32 $0xFFFFFFFF, s28;
	v5 =	vadd.s32 v5, v61;
	[tilespmem:v11+s17+$0x0] =	vst.idx.msk vm1, v9  }
.LBB2_12:
0x12f: {  	p1 =	sne.s32 s28, $0x1;
	s28 =	sadd.s32 $0xFFFFFFFF, s28;
	[tilespmem:v7+s17+$0x0] =	vst.idx.msk vm0, v4;
	s26 =	sadd.s32 $0x40, s26  }
0x130: {  	v8 =	vld [tilespmem:s26+$0xFFFFFFE0]  }
0x131: {  	v9 =	vld [tilespmem:s26+$0xFFFFFFF0]  }
0x132: {  	v10 =	vld [tilespmem:s26+$0x0]  }
0x133: {  	v4 =	vld [tilespmem:s26+$0x10];
	_ =	sdelay $0x1  }
0x134: {  	vm1 =	vge.f32 v8, v3  }
0x135: {  	v7 =	vsel vm1, $0x1, v0;
	v11 =	vmpcnt.ones.xlane vm1;
	vm2 =	vge.f32 v9, v3  }
0x136: {  	v12 =	vsel vm2, $0x1, v0;
	v13 =	vmpcnt.ones.xlane vm2;
	vm3 =	vge.f32 v10, v3;
	(xrf0) =	vadd.scan.msk.s32 $0xffff, v7  }
0x137: {  	v7 =	vsel vm3, $0x1, v0;
	v14 =	vmpcnt.ones.xlane vm3;
	vm0 =	vge.f32 v4, v3;
	(xrf0) =	vadd.scan.msk.s32 $0xffff, v12  }
0x138: {  	v15 =	vnsel vm2, $0xFF61B1E6, v9;
	v12 =	vnsel vm1, $0xFF61B1E6, v8;
	v16 =	vsel vm0, $0x1, v0;
	(xrf0) =	vadd.scan.msk.s32 $0xffff, v7  }
0x139: {  	v6 =	vmax.f32 v6, v12;
	v7 =	vnsel vm3, $0xFF61B1E6, v10;
	v12 =	vnsel vm0, $0xFF61B1E6, v4;
	(xrf0) =	vadd.scan.msk.s32 $0xffff, v16  }
0x13a: {  	v6 =	vmax.f32 v6, v15  }
0x13b: {  	v6 =	vmax.f32 v6, v7  }
0x13c: {  	v6 =	vmax.f32 v6, v12;
	v7, _, _ =	vpop (xrf0)  }
0x13d: {  	v12 =	vmpcnt.ones.xlane vm0;
	v7 =	vadd.s32 v7, v5;
	v5 =	vadd.s32 v5, v11;
	v11, _, _ =	vpop (xrf0)  }
0x13e: {  	v15 =	vadd.s32 $0xFFFFFFFF, v7;
	v7 =	vadd.s32 v11, v5;
	v5 =	vadd.s32 v5, v13;
	v11, _, _ =	vpop (xrf0)  }
0x13f: {  	v13 =	vadd.s32 $0xFFFFFFFF, v7;
	v7 =	vadd.s32 v11, v5;
	v5 =	vadd.s32 v5, v14;
	v11, _, _ =	vpop (xrf0)  }
0x140: {  	v14 =	vadd.s32 $0xFFFFFFFF, v7;
	v7 =	vadd.s32 v11, v5;
	v5 =	vadd.s32 v5, v12  }
.Ltmp10:
0x141: {  	v7 =	vadd.s32 $0xFFFFFFFF, v7;
	(pc) =	sbr.rel @p1 .LBB2_12-.Ltmp10, $4  }
0x142: {  	_ = 	snop  }
0x143: {  	[tilespmem:v15+s17+$0x0] =	vst.idx.msk vm1, v8  }
0x144: {  	[tilespmem:v13+s17+$0x0] =	vst.idx.msk vm2, v9  }
0x145: {  	[tilespmem:v14+s17+$0x0] =	vst.idx.msk vm3, v10  }
.LBB2_13:
0x146: {  	_ = 	snop  }
.Ltmp11:
0x147: {  	_ = 	snop;
	(pc) =	sbr.rel .LBB2_14-.Ltmp11, $2  }
0x148: {  	_ =	sdelay $0x2  }
0x149: {  	[tilespmem:v7+s17+$0x0] =	vst.idx.msk vm0, v4  }
.LBB2_16:
.Ltmp12:
0x14a: {  	(pc) =	sbr.rel @p0 .LBB2_20-.Ltmp12, $1  }
0x14b: {  	_ =	sdelay $0x3  }
0x14c: {  	v3 =	vmov s23  }
0x14d: {  	v5 =	vsub.s32 $0x80000000, v3;
	vm0 =	vlt.s32 v3, $0x0  }
0x14e: {  	v4 =	vimm.s32 $0x0;
	s24 =	simm.s32 $0x0;
	s22 =	simm.s32 $0x40;
	v6 =	vnsel vm0, s23, v5;
	v5 =	vimm.s32 $0x0  }
.LBB2_18:
0x14f: {  	p0 =	sne.s32 s22, $0x61A40;
	v7 =	vld [tilespmem:s24+$0x0];
	_ =	sdelay $0x4  }
0x150: {  	vm0 =	vgt.f32 v7, v6  }
0x151: {  	v8 =	vsel vm0, $0x1, v0;
	v9 =	vmpcnt.ones.xlane vm0  }
0x152: {  	(xrf0) =	vadd.scan.msk.s32 $0xffff, v8  }
0x153: {  	v4 =	vadd.s32 v4, v9;
	_ =	sdelay $0x4  }
0x154: {  	v8, _, _ =	vpop (xrf0)  }
0x155: {  	v8 =	vadd.s32 v8, v5;
	v5 =	vmov v4  }
0x156: {  	v8 =	vadd.s32 $0xFFFFFFFF, v8  }
0x157: {  	vm1 =	vlt.s32 v8, $0x400F  }
0x158: {  	v8 =	vnsel vm1, $0x400F, v8  }
.Ltmp13:
0x159: {  	(pc) =	sbr.rel @p0 .LBB2_18-.Ltmp13, $2  }
0x15a: {  	_ =	sdelay $0x2  }
0x15b: {  	s24 =	sshra.s32 s22, $0x2;
	s22 =	sadd.s32 $0x40, s22;
	[tilespmem:v8+s17+$0x0] =	vst.idx.msk vm0, v7  }
0x15c: {  	v7 =	vld [tilespmem:s24+$0x0];
	_ =	sdelay $0x4  }
0x15d: {  	vm0 =	vgt.f32 v7, v6  }
0x15e: {  	v6 =	vsel vm0, $0x1, v0  }
0x15f: {  	(xrf0) =	vadd.scan.msk.s32 $0xffff, v6;
	_ =	sdelay $0x5  }
0x160: {  	v6, _, _ =	vpop (xrf0)  }
0x161: {  	v5 =	vadd.s32 v6, v5  }
0x162: {  	v5 =	vadd.s32 $0xFFFFFFFF, v5  }
0x163: {  	vm1 =	vlt.s32 v5, $0x400F  }
0x164: {  	v5 =	vnsel vm1, $0x400F, v5;
	_ =	sdelay $0x2  }
0x165: {  	v63 =	vmpcnt.ones.xlane vm0;
	_ =	sdelay $0x1  }
0x166: {  	v4 =	vadd.s32 v4, v63;
	[tilespmem:v5+s17+$0x0] =	vst.idx.msk vm0, v7  }
0x167: {  	[tilespmem:$0x1CA80] =	vst v4  }
0x168: {  	s22 =	smov.u32 s23;
	[tilespmem:$0x1CB00] =	vst v3  }
.LBB2_20:
0x169: {  	[tilespmem:s2], [sflag:$0x1] =	stream.strided.gather [hbm4b:s8+s14], $0x18700, s15, s14, $0x38;
	[tilespmem:$0x1CB80] =	vst v63  }
0x16a: {  	v3 =	vld [tilespmem:$0x1CA80];
	_ =	sdelay $0x4  }
0x16b: {  	v3 =	vxor.u32 $0x80000000, v3  }
0x16c: {  	(xrf0) =	vmax.scan.msk.u32 $0xffff, v3;
	v3 =	vld [tilespmem:$0x1CB00];
	_ =	sdelay $0x4  }
0x16d: {  	v3 =	vxor.u32 $0x80000000, v3  }
0x16e: {  	v4, _, _ =	vpop (xrf0);
	(xrf0) =	vmax.scan.msk.u32 $0xffff, v3;
	_ =	sdelay $0x3  }
0x16f: {  	(v2sf) =	vpush v4, $0xF;
	_ =	sdelay $0x1  }
0x170: {  	v3, _, _ =	vpop (xrf0)  }
0x171: {  	(v2sf) =	vpush v3, $0xF;
	_ =	sdelay $0xb  }
0x172: {  	s23 =	spop (v2sf)  }
0x173: {  	s24 =	sxor.u32 $0x80000000, s23  }
0x174: {  	s28 =	sadd.s32 $0x80000010, s23;
	v3 =	vadd.s32 s24, v2  }
0x175: {  	s29 =	sadd.s32 $0x80000020, s23;
	v63 =	vadd.s32 s28, v2;
	s31 =	spop (v2sf)  }
0x176: {  	s30 =	sadd.s32 $0x80000030, s23;
	v5 =	vadd.s32 s29, v2;
	s24 =	sxor.u32 $0x80000000, s31  }
0x177: {  	v6 =	vadd.s32 s30, v2;
	p0 =	sge.s32 s22, s24  }
.Ltmp14:
0x178: {  	_ = 	snop;
	(pc) =	sbr.rel @p0 .LBB2_28-.Ltmp14, $4  }
0x179: {  	[tilespmem:v3+s17+$0x0] =	vst.idx.msk $0xffff, v1  }
0x17a: {  	[tilespmem:v63+s17+$0x0] =	vst.idx.msk $0xffff, v1  }
0x17b: {  	[tilespmem:v5+s17+$0x0] =	vst.idx.msk $0xffff, v1  }
0x17c: {  	[tilespmem:v6+s17+$0x0] =	vst.idx.msk $0xffff, v1  }
0x17d: {  	s25 =	sadd.s32 $0x8000003F, s23  }
0x17e: {  	s26 =	sand.u32 $0x3F, s25;
	s28 =	sshra.s32 s25, $0x1F  }
.Ltmp15:
0x17f: {  	p0 =	slt.s32 s25, $0x1;
	p1 =	sne.s32 s26, $0x0;
	(pc) =	sbr.rel .LBB2_22-.Ltmp15, $4  }
0x180: {  	s31 =	sshrl.u32 s28, $0x1A;
	p0 =	por !p0, !p1  }
0x181: {  	s26 =	simm.s32 $0x1;
	s25 =	sadd.s32 s31, s25;
	p0 =	por !p0, !p0  }
0x182: {  	s25 =	sshra.s32 s25, $0x6;
	s26 =	simm.s32 @!p0 $0x0  }
0x183: {  	s25 =	ssub.s32 s25, s26  }
.LBB2_23:
0x184: {  	v3 =	vimm.s32 $0x80000000  }
.LBB2_27:
0x185: {  	(xrf0) =	vmax.scan.msk.u32 $0xffff, v3;
	_ =	sdelay $0x5  }
0x186: {  	v3, _, _ =	vpop (xrf0)  }
0x187: {  	(v2sf) =	vpush v3, $0xF;
	_ =	sdelay $0xe  }
0x188: {  	s28 =	spop (v2sf)  }
0x189: {  	p0 =	sgt.u32 s28, $0x800001FF;
	s28 =	sadd.s32 $0xFFFFFFFF, s26  }
0x18a: {  	s22 =	smov.u32 @p0 s26;
	s28 =	smov.u32 @p0 s24  }
0x18b: {  	p0 =	slt.s32 s22, s28  }
.Ltmp16:
0x18c: {  	_ = 	snop;
	(pc) =	sbr.rel @!p0 .LBB2_28-.Ltmp16, $2  }
0x18d: {  	_ =	sdelay $0x2  }
0x18e: {  	s24 =	smov.u32 s28  }
.LBB2_22:
0x18f: {  	p0 =	slt.s32 s25, $0x1  }
.Ltmp17:
0x190: {  	_ = 	snop;
	(pc) =	sbr.rel @p0 .LBB2_23-.Ltmp17, $4  }
0x191: {  	s26 =	sxor.u32 s22, s24  }
0x192: {  	s28 =	sand.u32 s24, s22;
	s29 =	sshra.s32 s26, $0x1  }
0x193: {  	s26 =	sand.u32 $0x1, s26;
	s28 =	sadd.s32 s29, s28  }
0x194: {  	s26 =	sadd.s32 s26, s28  }
0x195: {  	s29 =	simm.s32 $0x18720  }
0x196: {  	v3 =	vmov s26;
	p0 =	sne.s32 s25, $0x1;
	v8 =	vld [tilespmem:s29+$0xFFFFFFE0]  }
.Ltmp18:
0x197: {  	v5 =	vsub.s32 $0x80000000, v3;
	vm0 =	vlt.s32 v3, $0x0;
	v4 =	vld [tilespmem:s29+$0xFFFFFFF0];
	(pc) =	sbr.rel @!p0 .LBB2_26-.Ltmp18, $3  }
0x198: {  	v3 =	vnsel vm0, s26, v5;
	v5 =	vld [tilespmem:s29+$0x0]  }
0x199: {  	v6 =	vld [tilespmem:s29+$0x10];
	_ =	sdelay $0x1  }
0x19a: {  	v7 =	vimm.s32 $0x0;
	s28 =	sadd.s32 $0xFFFFFFFF, s25;
	s29 =	simm.s32 $0x18760;
	vm0 =	vge.f32 v8, v3  }
.LBB2_25:
0x19b: {  	v8 =	vld [tilespmem:s29+$0xFFFFFFE0];
	p0 =	sne.s32 s28, $0x1;
	s28 =	sadd.s32 $0xFFFFFFFF, s28;
	v9 =	vmpcnt.ones.xlane vm0;
	vm0 =	vge.f32 v4, v3  }
.Ltmp19:
0x19c: {  	v4 =	vld [tilespmem:s29+$0xFFFFFFF0];
	v10 =	vmpcnt.ones.xlane vm0;
	vm0 =	vge.f32 v5, v3;
	(pc) =	sbr.rel @p0 .LBB2_25-.Ltmp19, $4  }
0x19d: {  	v5 =	vld [tilespmem:s29+$0x0];
	v11 =	vmpcnt.ones.xlane vm0;
	vm0 =	vge.f32 v6, v3;
	v7 =	vadd.s32 v7, v9  }
0x19e: {  	v6 =	vld [tilespmem:s29+$0x10];
	v9 =	vmpcnt.ones.xlane vm0;
	v7 =	vadd.s32 v10, v7  }
0x19f: {  	v7 =	vadd.s32 v11, v7  }
0x1a0: {  	s29 =	sadd.s32 $0x40, s29;
	vm0 =	vge.f32 v8, v3;
	v7 =	vadd.s32 v9, v7  }
.LBB2_26:
0x1a1: {  	v8 =	vmpcnt.ones.xlane vm0;
	vm13 =	vge.f32 v4, v3  }
0x1a2: {  	v4 =	vmpcnt.ones.xlane vm13;
	vm14 =	vge.f32 v5, v3  }
.Ltmp20:
0x1a3: {  	v5 =	vmpcnt.ones.xlane vm14;
	vm15 =	vge.f32 v6, v3;
	v3 =	vadd.s32 v7, v8;
	(pc) =	sbr.rel .LBB2_27-.Ltmp20, $4  }
0x1a4: {  	v6 =	vmpcnt.ones.xlane vm15;
	v3 =	vadd.s32 v4, v3  }
0x1a5: {  	v3 =	vadd.s32 v5, v3  }
0x1a6: {  	v3 =	vadd.s32 v6, v3  }
0x1a7: {  	v3 =	vxor.u32 $0x80000000, v3  }
.LBB2_28:
0x1a8: {  	v3 =	vmov s22  }
0x1a9: {  	v4 =	vsub.s32 $0x80000000, v3;
	vm0 =	vlt.s32 v3, $0x0  }
0x1aa: {  	v3 =	vnsel vm0, s22, v4  }
0x1ab: {  	[tilespmem:$0x1C780] =	vst v3  }
0x1ac: {  	[tilespmem:$0x1C790] =	vst v3  }
0x1ad: {  	[tilespmem:$0x1C7A0] =	vst v3  }
0x1ae: {  	[tilespmem:$0x1C7B0] =	vst v3  }
0x1af: {  	[tilespmem:$0x1C7C0] =	vst v3  }
0x1b0: {  	[tilespmem:$0x1C7D0] =	vst v3  }
0x1b1: {  	[tilespmem:$0x1C7E0] =	vst v3  }
0x1b2: {  	[tilespmem:$0x1C7F0] =	vst v3  }
0x1b3: {  	[tilespmem:$0x1C800] =	vst v3  }
0x1b4: {  	[tilespmem:$0x1C810] =	vst v3  }
0x1b5: {  	[tilespmem:$0x1C820] =	vst v3  }
0x1b6: {  	[tilespmem:$0x1C830] =	vst v3  }
0x1b7: {  	[tilespmem:$0x1C840] =	vst v3  }
0x1b8: {  	[tilespmem:$0x1C850] =	vst v3  }
0x1b9: {  	[tilespmem:$0x1C860] =	vst v3  }
0x1ba: {  	[tilespmem:$0x1C870] =	vst v3  }
0x1bb: {  	[tilespmem:$0x1C880] =	vst v3  }
0x1bc: {  	[tilespmem:$0x1C890] =	vst v3  }
0x1bd: {  	[tilespmem:$0x1C8A0] =	vst v3  }
0x1be: {  	s23 =	sadd.s32 $0x8000000F, s23;
	[tilespmem:$0x1C8B0] =	vst v3  }
0x1bf: {  	s24 =	sand.u32 $0xF, s23;
	[tilespmem:$0x1C8C0] =	vst v3  }
0x1c0: {  	s31 =	sshra.s32 s23, $0x1F;
	p1 =	slt.s32 s23, $0x1;
	p0 =	sne.s32 s24, $0x0;
	[tilespmem:$0x1C8D0] =	vst v3  }
0x1c1: {  	s24 =	sshrl.u32 s31, $0x1C;
	[tilespmem:$0x1C8E0] =	vst v3;
	p0 =	por !p1, !p0  }
0x1c2: {  	[tilespmem:$0x1C8F0] =	vst v3;
	s23 =	sadd.s32 s24, s23;
	s24 =	simm.s32 $0x1;
	p0 =	por !p0, !p0  }
0x1c3: {  	[tilespmem:$0x1C900] =	vst v3;
	s23 =	sshra.s32 s23, $0x4;
	s24 =	simm.s32 @!p0 $0x0  }
0x1c4: {  	[tilespmem:$0x1C910] =	vst v3;
	s24 =	ssub.s32 s23, s24  }
0x1c5: {  	[tilespmem:$0x1C920] =	vst v3;
	p0 =	slt.s32 s24, $0x1  }
.Ltmp21:
0x1c6: {  	[tilespmem:$0x1C930] =	vst v3;
	(pc) =	sbr.rel @p0 .LBB2_32-.Ltmp21, $4  }
0x1c7: {  	[tilespmem:$0x1C940] =	vst v3  }
0x1c8: {  	[tilespmem:$0x1C950] =	vst v3  }
0x1c9: {  	[tilespmem:$0x1C960] =	vst v3  }
0x1ca: {  	[tilespmem:$0x1C970] =	vst v3  }
0x1cb: {  	p0 =	sne.s32 s24, $0x1  }
.Ltmp22:
0x1cc: {  	_ = 	snop;
	(pc) =	sbr.rel @!p0 .LBB2_31-.Ltmp22, $3  }
0x1cd: {  	_ =	sdelay $0x1  }
0x1ce: {  	s23 =	simm.s32 $0x18700  }
0x1cf: {  	v5 =	vimm.s32 $0x0;
	s24 =	sadd.s32 $0xFFFFFFFF, s24;
	v6 =	vimm.s32 $0x0;
	v4 =	vld [tilespmem:s23+$0x0]  }
.LBB2_30:
0x1d0: {  	p0 =	sne.s32 s24, $0x1;
	_ =	sdelay $0x3  }
0x1d1: {  	vm0 =	vgt.f32 v4, v3  }
0x1d2: {  	v7 =	vsel vm0, $0x1, v0;
	v8 =	vmpcnt.ones.xlane vm0  }
0x1d3: {  	(xrf0) =	vadd.scan.msk.s32 $0xffff, v7  }
0x1d4: {  	v6 =	vadd.s32 v6, v8;
	_ =	sdelay $0x4  }
0x1d5: {  	v7, _, _ =	vpop (xrf0)  }
0x1d6: {  	v7 =	vadd.s32 v7, v5;
	v5 =	vmov v6  }
0x1d7: {  	v7 =	vadd.s32 $0xFFFFFFFF, v7  }
0x1d8: {  	vm1 =	vlt.s32 v7, $0x1FF  }
0x1d9: {  	v7 =	vnsel vm1, $0x1FF, v7;
	_ =	sdelay $0x1  }
.Ltmp23:
0x1da: {  	(pc) =	sbr.rel @p0 .LBB2_30-.Ltmp23, $3  }
0x1db: {  	_ =	sdelay $0x1  }
0x1dc: {  	s23 =	sadd.s32 $0x10, s23;
	[tilespmem:v7+s19+$0x0] =	vst.idx.msk vm0, v4  }
0x1dd: {  	s24 =	sadd.s32 $0xFFFFFFFF, s24;
	v4 =	vld [tilespmem:s23+$0x0]  }
.LBB2_31:
0x1de: {  	_ =	sdelay $0x3  }
0x1df: {  	vm0 =	vgt.f32 v4, v3  }
0x1e0: {  	v3 =	vsel vm0, $0x1, v0  }
0x1e1: {  	(xrf0) =	vadd.scan.msk.s32 $0xffff, v3;
	_ =	sdelay $0x5  }
0x1e2: {  	v3, _, _ =	vpop (xrf0)  }
0x1e3: {  	v3 =	vadd.s32 v3, v5  }
0x1e4: {  	v3 =	vadd.s32 $0xFFFFFFFF, v3  }
0x1e5: {  	vm1 =	vlt.s32 v3, $0x1FF  }
0x1e6: {  	v3 =	vnsel vm1, $0x1FF, v3;
	_ =	sdelay $0x4  }
0x1e7: {  	[tilespmem:v3+s19+$0x0] =	vst.idx.msk vm0, v4  }
.LBB2_32:
.Ltmp24:
0x1e8: {  	(pc) =	sbr.rel .LBB2_33-.Ltmp24, $3  }
0x1e9: {  	_ =	sdelay $0x1  }
0x1ea: {  	[hbm4b:s9+s14] =	stream.strided.scatter [tilespmem:s19], [sflag:$0x2], $0x200, s15, s14, $0x38;
	[tilespmem:$0x1CB80] =	vst v63  }
0x1eb: {  	s23 =	simm.s32 $0x1  }
.LBB2_59:
0x1ec: {  	vm0 =	vgt.f32 v4, v3  }
0x1ed: {  	v3 =	vsel vm0, $0x1, v0  }
0x1ee: {  	(xrf0) =	vadd.scan.msk.s32 $0xffff, v3;
	_ =	sdelay $0x5  }
0x1ef: {  	v3, _, _ =	vpop (xrf0)  }
0x1f0: {  	v3 =	vadd.s32 v3, v5  }
0x1f1: {  	v3 =	vadd.s32 $0xFFFFFFFF, v3  }
0x1f2: {  	vm1 =	vlt.s32 v3, $0x1FF  }
0x1f3: {  	v3 =	vnsel vm1, $0x1FF, v3;
	_ =	sdelay $0x4  }
0x1f4: {  	[tilespmem:v3+s19+$0x0] =	vst.idx.msk vm0, v4  }
.LBB2_60:
0x1f5: {  	s0 =	sshll.u32 s23, $0x4;
	s23 =	sadd.s32 $0x1, s23  }
0x1f6: {  	p0 =	sne.s32 s23, $0x20  }
.Ltmp25:
0x1f7: {  	_ = 	snop;
	(pc) =	sbr.rel @!p0 .LBB2_61-.Ltmp25, $4  }
0x1f8: {  	s24 =	sshll.u32 s25, $0x6;
	s0 =	sand.u32 $0x70, s0  }
0x1f9: {  	s24 =	sand.u32 $0xFE00, s24;
	s0 =	sadd.s32 s5, s0  }
0x1fa: {  	s0 =	sadd.s32 s24, s0  }
0x1fb: {  	[hbm4b:s0+s14] =	stream.strided.scatter [tilespmem:s19], [sflag:$0x2], $0x200, s15, s14, $0x38;
	[tilespmem:$0x1CB80] =	vst v63  }
.LBB2_33:
0x1fc: {  	v3 =	vmov s23;
	_ =	sdelay $0x1  }
0x1fd: {  	_ =	swait.ge [sflag:s18], $0x18700  }
0x1fe: {  	[sflag:s18] =	ssyncset.done $0x0  }
0x1ff: {  	[sflag:s18] =	ssyncadd.s32 $0xFFFE7900  }
0x200: {  	v4 =	vld.idx.msk [tilespmem:v3+s12+$0x0], $0xffff;
	_ =	sdelay $0x7  }
0x201: {  	v5 =	vld.idx.msk [tilespmem:v4+s2+$0x0], $0xffff;
	_ =	sdelay $0x1  }
.Ltmp26:
0x202: {  	s29 =	sadd.s32 $0xFFF80000, s22;
	(pc) =	sbr.rel .LBB2_34-.Ltmp26, $4  }
0x203: {  	p0 =	sgt.s32 s29, $0x80800001  }
0x204: {  	s29 =	simm.s32 @!p0 $0x80800001  }
0x205: {  	p0 =	slt.s32 s29, $0x7F7FFFFF;
	[tilespmem:v3+s16+$0x0] =	vst.idx.msk $0x1, v5  }
0x206: {  	s22 =	simm.s32 $0x80800000;
	s25 =	simm.s32 $0x7F7FFFFF;
	s29 =	simm.s32 @!p0 $0x7F7FFFFF;
	[tilespmem:v4+s2+$0x0] =	vst.idx.msk $0x1, v1  }
.LBB2_38:
0x207: {  	v6 =	vimm.s32 $0xFF61B1E6  }
.LBB2_42:
0x208: {  	v3 =	vsub.s32 $0x80000000, v6;
	vm0 =	vlt.s32 v6, $0x0  }
0x209: {  	v4 =	vmov s25;
	v3 =	vsel vm0, v3, v6  }
0x20a: {  	vm0 =	vlt.s32 v4, v3  }
0x20b: {  	[tilespmem:$0x1CA80] =	vst v5;
	v3 =	vsel vm0, s25, v3  }
0x20c: {  	[tilespmem:$0x1CB00] =	vst v3  }
.LBB2_43:
0x20d: {  	v3 =	vld [tilespmem:$0x1CA80];
	_ =	sdelay $0x4  }
0x20e: {  	v3 =	vxor.u32 $0x80000000, v3  }
0x20f: {  	(xrf0) =	vmax.scan.msk.u32 $0xffff, v3;
	_ =	sdelay $0x5  }
0x210: {  	v3, _, _ =	vpop (xrf0)  }
0x211: {  	(v2sf) =	vpush v3, $0xF;
	_ =	sdelay $0xe  }
0x212: {  	s0 =	spop (v2sf)  }
0x213: {  	p1 =	sgt.u32 s0, $0x800001FF  }
0x214: {  	p2 =	slt.s32 s26, $0x4001;
	s0 =	sadd.s32 $0xFFFFFFFF, s24;
	p0 =	por p0, p1  }
0x215: {  	p5 =	por !p2, !p1;
	s22 =	smov.u32 @p0 s24;
	s0 =	smov.u32 @p0 s25  }
0x216: {  	p0 =	por !p5, !p5;
	p6 =	sge.s32 s22, s0  }
0x217: {  	p1 =	por p6, p0  }
.Ltmp27:
0x218: {  	s25 =	sxor.u32 s0, s22;
	(pc) =	sbr.rel @p1 .LBB2_44-.Ltmp27, $4  }
0x219: {  	s31 =	sand.u32 s22, s0;
	s28 =	sshra.s32 s25, $0x1  }
0x21a: {  	s25 =	sand.u32 $0x1, s25;
	s26 =	sadd.s32 s28, s31  }
0x21b: {  	s29 =	sadd.s32 s25, s26  }
0x21c: {  	s25 =	smov.u32 s0;
	s29 =	smov.u32 @p0 s24  }
.LBB2_34:
0x21d: {  	s26 =	simm.s32 $0xC0  }
0x21e: {  	v4 =	vld [tilespmem:s26+$0xB0]  }
0x21f: {  	v6 =	vld [tilespmem:s26+$0xA0]  }
0x220: {  	v7 =	vld [tilespmem:s26+$0x90]  }
0x221: {  	v8 =	vld [tilespmem:s26+$0x80]  }
0x222: {  	v11 =	vld [tilespmem:s26+$0x50]  }
0x223: {  	v24 =	vld [tilespmem:s26+$0xFFFFFF40]  }
0x224: {  	s24 =	simm.s32 $0x0;
	v35 =	vld [tilespmem:s26+$0xFFFFFF90]  }
0x225: {  	v3 =	vmov s29;
	s28 =	sand.u32 $0x1FFF0, s24;
	v36 =	vld [tilespmem:s26+$0xFFFFFFA0]  }
0x226: {  	v9 =	vsub.s32 $0x80000000, v3;
	vm0 =	vlt.s32 v3, $0x0;
	v5 =	vld [tilespmem:s28+$0x180]  }
0x227: {  	v17 =	vimm.s32 $0x0;
	v10 =	vld [tilespmem:s26+$0x60];
	v3 =	vnsel vm0, s29, v9  }
0x228: {  	v9 =	vld [tilespmem:s26+$0x70];
	vm0 =	vge.f32 v4, v3;
	vm1 =	vge.f32 v6, v3;
	vm2 =	vge.f32 v8, v3  }
0x229: {  	vm3 =	vge.f32 v11, v3;
	vm6 =	vge.f32 v24, v3;
	vm12 =	vge.f32 v35, v3  }
0x22a: {  	v12 =	vld [tilespmem:s28+$0x100];
	vm13 =	vge.f32 v36, v3;
	v13 =	vmpcnt.ones.xlane vm0;
	v14 =	vmpcnt.ones.xlane vm1  }
0x22b: {  	v25 =	vld [tilespmem:s26+$0xFFFFFF50];
	vm0 =	vge.f32 v5, v3;
	vm1 =	vge.f32 v7, v3;
	v18 =	vmpcnt.ones.xlane vm2  }
0x22c: {  	v23 =	vld [tilespmem:s28+$0x80];
	vm2 =	vge.f32 v10, v3;
	v26 =	vmpcnt.ones.xlane vm3;
	v34 =	vmpcnt.ones.xlane vm12  }
0x22d: {  	v51 =	vmpcnt.ones.xlane vm13;
	v15 =	vmpcnt.ones.xlane vm1;
	vm1 =	vge.f32 v9, v3  }
0x22e: {  	vm4 =	vgt.s32 v13, $0x0;
	v13 =	vmpcnt.ones.xlane vm0;
	vm0 =	vgt.s32 v14, $0x0  }
0x22f: {  	v27 =	vld [tilespmem:s26+$0xFFFFFF60];
	v14 =	vmpcnt.ones.xlane vm2;
	vm2 =	vge.f32 v12, v3;
	vm9 =	vgt.s32 v34, $0x0  }
0x230: {  	vm10 =	vgt.s32 v51, $0x0;
	v19 =	vmpcnt.ones.xlane vm2;
	vm2 =	vge.f32 v25, v3  }
0x231: {  	v38 =	vsel vm9, $0x10, v0;
	v34 =	vsel vm10, $0x10, v0;
	vm10 =	vge.f32 v23, v3  }
0x232: {  	vm5 =	vgt.s32 v13, $0x0;
	v13 =	vmpcnt.ones.xlane vm1;
	vm1 =	vgt.s32 v15, $0x0  }
0x233: {  	v15 =	vand.u32 $0x3FFF, v17;
	vm11 =	vgt.s32 v14, $0x0;
	v20 =	vmpcnt.ones.xlane vm2  }
0x234: {  	v30 =	vld [tilespmem:s26+$0xFFFFFF70];
	vm2 =	vge.f32 v27, v3;
	v42 =	vmpcnt.ones.xlane vm10;
	v16 =	vsel vm11, $0x10, v0  }
0x235: {  	v31 =	vld [tilespmem:s26+$0xFFFFFF80];
	v22 =	vmpcnt.ones.xlane vm2;
	vm3 =	vgt.s32 v13, $0x0;
	v13 =	vmpcnt.ones.xlane vm6  }
0x236: {  	v28 =	vadd.s32 v2, v15;
	vm2 =	vgt.s32 v20, $0x0;
	vm13 =	vgt.s32 v42, $0x0  }
0x237: {  	v14 =	vsel vm3, $0x10, v0;
	vm8 =	vgt.s32 v22, $0x0;
	v22 =	vld [tilespmem:s26+$0xFFFFFFD0];
	vm3 =	vgt.s32 v13, $0x0  }
0x238: {  	v21 =	vsel vm2, $0x10, v0;
	vm2 =	vgt.s32 v19, $0x0;
	v13 =	vld [tilespmem:s26+$0x20];
	v20 =	vsel vm3, $0x10, v0  }
0x239: {  	v15 =	vld [tilespmem:s26+$0x0];
	v44 =	vsel vm13, $0x10, v0;
	vm3 =	vge.f32 v30, v3;
	v17 =	vadd.s32 v17, v20  }
0x23a: {  	v19 =	vmpcnt.ones.xlane vm3;
	vm3 =	vge.f32 v31, v3;
	v20 =	vand.u32 $0x3FFF, v17  }
0x23b: {  	v17 =	vadd.s32 v17, v21;
	v37 =	vmpcnt.ones.xlane vm3;
	vm3 =	vgt.s32 v18, $0x0  }
0x23c: {  	v29 =	vadd.s32 v2, v20;
	v20 =	vand.u32 $0x3FFF, v17;
	vm7 =	vgt.s32 v19, $0x0  }
0x23d: {  	v21 =	vld [tilespmem:s26+$0xFFFFFFB0];
	vm11 =	vge.f32 v22, v3;
	vm6 =	vge.f32 v13, v3;
	v32 =	vadd.s32 v2, v20  }
0x23e: {  	v33 =	vsel vm7, $0x10, v0;
	v20 =	vsel vm8, $0x10, v0;
	vm7 =	vge.f32 v15, v3  }
0x23f: {  	v19 =	vld [tilespmem:s26+$0xFFFFFFE0];
	vm12 =	vgt.s32 v37, $0x0;
	v40 =	vmpcnt.ones.xlane vm11;
	v17 =	vadd.s32 v17, v20  }
0x240: {  	v41 =	vsel vm12, $0x10, v0;
	v58 =	vmpcnt.ones.xlane vm7;
	vm7 =	vgt.s32 v26, $0x0  }
0x241: {  	v61 =	vmpcnt.ones.xlane vm6;
	v18 =	vand.u32 $0x3FFF, v17;
	v17 =	vadd.s32 v17, v33  }
0x242: {  	v20 =	vld [tilespmem:s26+$0xFFFFFFF0];
	vm12 =	vgt.s32 v40, $0x0;
	vm8 =	vge.f32 v21, v3;
	v52 =	vadd.s32 v2, v18  }
0x243: {  	v18 =	vand.u32 $0x3FFF, v17;
	v17 =	vadd.s32 v17, v41;
	v59 =	vsel vm12, $0x10, v0  }
0x244: {  	vm12 =	vgt.s32 v58, $0x0;
	vm9 =	vge.f32 v19, v3;
	v53 =	vmpcnt.ones.xlane vm8  }
0x245: {  	v39 =	vadd.s32 v2, v18;
	v18 =	vld [tilespmem:s26+$0x10];
	v38 =	vadd.s32 v17, v38;
	v56 =	vand.u32 $0x3FFF, v17  }
0x246: {  	v17 =	vld [tilespmem:s26+$0x30];
	[tilespmem:v28+s17+$0x0] =	vst.idx.msk $0xffff, v24;
	v28 =	vsel vm12, $0x10, v0;
	v57 =	vmpcnt.ones.xlane vm9;
	v43 =	vand.u32 $0x3FFF, v38  }
0x247: {  	v34 =	vadd.s32 v38, v34;
	v37 =	vadd.s32 v2, v56;
	vm14 =	vge.f32 v20, v3  }
0x248: {  	[tilespmem:v29+s17+$0x0] =	vst.idx.msk $0xffff, v25;
	vm15 =	vgt.s32 v53, $0x0;
	v43 =	vadd.s32 v2, v43;
	v25 =	vand.u32 $0x3FFF, v34  }
0x249: {  	v54 =	vmpcnt.ones.xlane vm14;
	v55 =	vsel vm15, $0x10, v0;
	vm15 =	vgt.s32 v57, $0x0  }
0x24a: {  	[tilespmem:v32+s17+$0x0] =	vst.idx.msk $0xffff, v27;
	v27 =	vsel vm7, $0x10, v0;
	v32 =	vadd.s32 v2, v25;
	v62 =	vsel vm15, $0x10, v0  }
0x24b: {  	v24 =	vadd.s32 v34, v55;
	vm11 =	vgt.s32 v54, $0x0;
	vm14 =	vge.f32 v18, v3  }
0x24c: {  	vm15 =	vge.f32 v17, v3;
	v41 =	vadd.s32 v24, v44;
	v24 =	vand.u32 $0x3FFF, v24  }
0x24d: {  	v60 =	vmpcnt.ones.xlane vm14;
	v26 =	vsel vm11, $0x10, v0;
	vm14 =	vgt.s32 v61, $0x0  }
0x24e: {  	[tilespmem:v52+s17+$0x0] =	vst.idx.msk $0xffff, v30;
	v34 =	vmpcnt.ones.xlane vm15;
	v30 =	vadd.s32 v2, v24;
	v25 =	vand.u32 $0x3FFF, v41  }
0x24f: {  	[tilespmem:v39+s17+$0x0] =	vst.idx.msk $0xffff, v31;
	v24 =	vsel vm4, $0x10, v0;
	v63 =	vadd.s32 v41, v59;
	v29 =	vsel vm14, $0x10, v0  }
0x250: {  	[tilespmem:v37+s17+$0x0] =	vst.idx.msk $0xffff, v35;
	v31 =	vadd.s32 v2, v25;
	v25 =	vsel vm5, $0x10, v0;
	vm13 =	vgt.s32 v60, $0x0  }
0x251: {  	s24 =	smov.u32 s29;
	s28 =	simm.s32 $0x190;
	[tilespmem:v43+s17+$0x0] =	vst.idx.msk $0xffff, v36;
	v35 =	vand.u32 $0x3FFF, v63;
	v36 =	vadd.s32 v63, v62;
	v33 =	vsel vm13, $0x10, v0  }
.LBB2_35:
0x252: {  	p0 =	sne.s32 s28, $0x18510  }
0x253: {  	v37 =	vsel vm3, $0x10, v0;
	v38 =	vsel vm1, $0x10, v0;
	v39 =	vsel vm0, $0x10, v0;
	s26 =	sadd.s32 $0x190, s26;
	s29 =	smov.u32 s28;
	s28 =	sadd.s32 $0x190, s28  }
0x254: {  	vm0 =	vgt.s32 v34, $0x0;
	v26 =	vadd.s32 v36, v26;
	[tilespmem:v32+s17+$0x0] =	vst.idx.msk $0xffff, v21;
	v21 =	vand.u32 $0x3FFF, v36  }
0x255: {  	v34 =	vsel vm2, $0x10, v0;
	v32 =	vsel vm0, $0x10, v0;
	[tilespmem:v30+s17+$0x0] =	vst.idx.msk $0xffff, v23;
	v23 =	vadd.s32 v2, v35  }
0x256: {  	v21 =	vadd.s32 v2, v21;
	[tilespmem:v31+s17+$0x0] =	vst.idx.msk $0xffff, v22;
	v22 =	vand.u32 $0x3FFF, v26;
	v26 =	vadd.s32 v26, v28  }
0x257: {  	v22 =	vadd.s32 v2, v22;
	v28 =	vand.u32 $0x3FFF, v26;
	v26 =	vadd.s32 v26, v33  }
0x258: {  	v28 =	vadd.s32 v2, v28;
	v30 =	vand.u32 $0x3FFF, v26;
	v26 =	vadd.s32 v26, v29  }
0x259: {  	v29 =	vadd.s32 v2, v30;
	v30 =	vand.u32 $0x3FFF, v26;
	v26 =	vadd.s32 v26, v32  }
0x25a: {  	[tilespmem:v23+s17+$0x0] =	vst.idx.msk $0xffff, v19;
	v19 =	vadd.s32 v2, v30;
	v23 =	vand.u32 $0x3FFF, v26;
	v26 =	vadd.s32 v26, v34  }
0x25b: {  	[tilespmem:v21+s17+$0x0] =	vst.idx.msk $0xffff, v20;
	v20 =	vadd.s32 v2, v23;
	v21 =	vand.u32 $0x3FFF, v26;
	v23 =	vadd.s32 v26, v27  }
0x25c: {  	[tilespmem:v22+s17+$0x0] =	vst.idx.msk $0xffff, v15;
	v15 =	vadd.s32 v2, v21;
	v21 =	vand.u32 $0x3FFF, v23;
	v16 =	vadd.s32 v23, v16  }
0x25d: {  	[tilespmem:v28+s17+$0x0] =	vst.idx.msk $0xffff, v18;
	v18 =	vadd.s32 v2, v21;
	v21 =	vand.u32 $0x3FFF, v16;
	v14 =	vadd.s32 v16, v14  }
0x25e: {  	[tilespmem:v29+s17+$0x0] =	vst.idx.msk $0xffff, v13;
	v13 =	vadd.s32 v2, v21;
	v16 =	vand.u32 $0x3FFF, v14;
	v14 =	vadd.s32 v14, v37  }
0x25f: {  	[tilespmem:v19+s17+$0x0] =	vst.idx.msk $0xffff, v17;
	v16 =	vadd.s32 v2, v16;
	v17 =	vand.u32 $0x3FFF, v14;
	v14 =	vadd.s32 v14, v38  }
0x260: {  	[tilespmem:v20+s17+$0x0] =	vst.idx.msk $0xffff, v12;
	v12 =	vadd.s32 v2, v17;
	v17 =	vand.u32 $0x3FFF, v14;
	v14 =	vadd.s32 v14, v39  }
0x261: {  	[tilespmem:v15+s17+$0x0] =	vst.idx.msk $0xffff, v11;
	v11 =	vadd.s32 v2, v17;
	v15 =	vand.u32 $0x3FFF, v14;
	v14 =	vadd.s32 v14, v24  }
0x262: {  	[tilespmem:v18+s17+$0x0] =	vst.idx.msk $0xffff, v10;
	v10 =	vadd.s32 v2, v15;
	v15 =	vand.u32 $0x3FFF, v14;
	v19 =	vadd.s32 v14, v25  }
0x263: {  	[tilespmem:v13+s17+$0x0] =	vst.idx.msk $0xffff, v9;
	v9 =	vadd.s32 v2, v15  }
0x264: {  	[tilespmem:v16+s17+$0x0] =	vst.idx.msk $0xffff, v8  }
0x265: {  	[tilespmem:v12+s17+$0x0] =	vst.idx.msk $0xffff, v7  }
0x266: {  	[tilespmem:v11+s17+$0x0] =	vst.idx.msk $0xffff, v6  }
0x267: {  	[tilespmem:v10+s17+$0x0] =	vst.idx.msk $0xffff, v4  }
0x268: {  	s29 =	sand.u32 $0x1FFF0, s29;
	[tilespmem:v9+s17+$0x0] =	vst.idx.msk $0xffff, v5  }
0x269: {  	v4 =	vld [tilespmem:s26+$0xB0]  }
0x26a: {  	v6 =	vld [tilespmem:s26+$0xA0]  }
0x26b: {  	v5 =	vld [tilespmem:s29+$0x180]  }
0x26c: {  	v7 =	vld [tilespmem:s26+$0x90]  }
0x26d: {  	v8 =	vld [tilespmem:s26+$0x80]  }
0x26e: {  	v9 =	vld [tilespmem:s26+$0x70];
	vm0 =	vge.f32 v4, v3  }
0x26f: {  	v10 =	vld [tilespmem:s26+$0x60];
	vm1 =	vge.f32 v6, v3;
	v13 =	vmpcnt.ones.xlane vm0  }
0x270: {  	v11 =	vld [tilespmem:s26+$0x50];
	v14 =	vmpcnt.ones.xlane vm1;
	vm0 =	vge.f32 v5, v3  }
0x271: {  	v12 =	vld [tilespmem:s29+$0x100];
	vm1 =	vge.f32 v7, v3;
	vm4 =	vgt.s32 v13, $0x0;
	v13 =	vmpcnt.ones.xlane vm0  }
0x272: {  	v24 =	vld [tilespmem:s26+$0xFFFFFF40];
	vm2 =	vge.f32 v8, v3;
	v15 =	vmpcnt.ones.xlane vm1;
	vm0 =	vgt.s32 v14, $0x0  }
0x273: {  	v25 =	vld [tilespmem:s26+$0xFFFFFF50];
	vm1 =	vge.f32 v9, v3;
	v26 =	vmpcnt.ones.xlane vm2;
	vm5 =	vgt.s32 v13, $0x0  }
0x274: {  	v27 =	vld [tilespmem:s26+$0xFFFFFF60];
	vm2 =	vge.f32 v10, v3;
	v13 =	vmpcnt.ones.xlane vm1;
	vm1 =	vgt.s32 v15, $0x0  }
0x275: {  	v15 =	vand.u32 $0x3FFF, v19;
	v28 =	vld [tilespmem:s26+$0xFFFFFF70];
	vm3 =	vge.f32 v11, v3;
	v14 =	vmpcnt.ones.xlane vm2  }
0x276: {  	v29 =	vld [tilespmem:s26+$0xFFFFFF80];
	vm2 =	vge.f32 v12, v3;
	v30 =	vmpcnt.ones.xlane vm3;
	vm3 =	vgt.s32 v13, $0x0  }
0x277: {  	vm6 =	vge.f32 v24, v3;
	v17 =	vld [tilespmem:s26+$0x30];
	v20 =	vmpcnt.ones.xlane vm2;
	vm2 =	vgt.s32 v14, $0x0  }
0x278: {  	v14 =	vsel vm3, $0x10, v0;
	v18 =	vmpcnt.ones.xlane vm6;
	vm6 =	vge.f32 v25, v3;
	v13 =	vld [tilespmem:s26+$0x20]  }
0x279: {  	v16 =	vsel vm2, $0x10, v0;
	v21 =	vmpcnt.ones.xlane vm6;
	vm3 =	vge.f32 v27, v3;
	v31 =	vld [tilespmem:s26+$0xFFFFFF90]  }
0x27a: {  	v32 =	vadd.s32 v2, v15;
	vm2 =	vgt.s32 v18, $0x0;
	v22 =	vmpcnt.ones.xlane vm3;
	v18 =	vld [tilespmem:s26+$0x10]  }
0x27b: {  	vm3 =	vge.f32 v28, v3;
	v23 =	vsel vm2, $0x10, v0;
	vm2 =	vgt.s32 v21, $0x0;
	v15 =	vld [tilespmem:s26+$0x0]  }
0x27c: {  	v21 =	vsel vm2, $0x10, v0;
	v33 =	vld [tilespmem:s26+$0xFFFFFFA0];
	vm2 =	vgt.s32 v20, $0x0;
	v19 =	vadd.s32 v19, v23  }
0x27d: {  	v23 =	vmpcnt.ones.xlane vm3;
	v20 =	vld [tilespmem:s26+$0xFFFFFFF0];
	v34 =	vand.u32 $0x3FFF, v19;
	v35 =	vadd.s32 v19, v21  }
0x27e: {  	vm3 =	vge.f32 v29, v3;
	v19 =	vld [tilespmem:s26+$0xFFFFFFE0];
	v34 =	vadd.s32 v2, v34;
	v36 =	vand.u32 $0x3FFF, v35  }
0x27f: {  	vm6 =	vge.f32 v13, v3;
	vm7 =	vgt.s32 v23, $0x0;
	v21 =	vld [tilespmem:s26+$0xFFFFFFB0];
	v36 =	vadd.s32 v2, v36  }
0x280: {  	vm8 =	vgt.s32 v22, $0x0;
	v37 =	vsel vm7, $0x10, v0;
	vm7 =	vge.f32 v31, v3;
	v23 =	vld [tilespmem:s29+$0x80]  }
0x281: {  	v38 =	vsel vm8, $0x10, v0;
	v39 =	vmpcnt.ones.xlane vm7;
	vm7 =	vge.f32 v15, v3;
	v22 =	vld [tilespmem:s26+$0xFFFFFFD0]  }
0x282: {  	v40 =	vmpcnt.ones.xlane vm3;
	vm3 =	vgt.s32 v26, $0x0;
	[tilespmem:v32+s17+$0x0] =	vst.idx.msk $0xffff, v24;
	v24 =	vadd.s32 v35, v38  }
0x283: {  	vm9 =	vge.f32 v33, v3;
	vm8 =	vgt.s32 v39, $0x0;
	[tilespmem:v34+s17+$0x0] =	vst.idx.msk $0xffff, v25;
	v25 =	vand.u32 $0x3FFF, v24  }
0x284: {  	v32 =	vmpcnt.ones.xlane vm9;
	v26 =	vsel vm8, $0x10, v0;
	v24 =	vadd.s32 v24, v37;
	[tilespmem:v36+s17+$0x0] =	vst.idx.msk $0xffff, v27  }
0x285: {  	vm8 =	vge.f32 v19, v3;
	vm9 =	vge.f32 v21, v3;
	v25 =	vadd.s32 v2, v25  }
0x286: {  	vm10 =	vgt.s32 v32, $0x0;
	v27 =	vand.u32 $0x3FFF, v24;
	vm11 =	vge.f32 v22, v3  }
0x287: {  	v32 =	vsel vm10, $0x10, v0;
	vm10 =	vge.f32 v23, v3;
	v27 =	vadd.s32 v2, v27  }
0x288: {  	vm12 =	vgt.s32 v40, $0x0;
	v34 =	vmpcnt.ones.xlane vm9;
	v35 =	vmpcnt.ones.xlane vm11  }
0x289: {  	v36 =	vsel vm12, $0x10, v0;
	vm9 =	vge.f32 v20, v3;
	v37 =	vmpcnt.ones.xlane vm10  }
0x28a: {  	v24 =	vadd.s32 v24, v36;
	vm10 =	vgt.s32 v34, $0x0;
	v34 =	vmpcnt.ones.xlane vm9;
	[tilespmem:v25+s17+$0x0] =	vst.idx.msk $0xffff, v28  }
0x28b: {  	vm9 =	vgt.s32 v35, $0x0;
	v25 =	vsel vm10, $0x10, v0;
	v28 =	vadd.s32 v24, v26  }
0x28c: {  	vm11 =	vgt.s32 v34, $0x0;
	vm10 =	vgt.s32 v37, $0x0;
	v24 =	vand.u32 $0x3FFF, v24;
	[tilespmem:v27+s17+$0x0] =	vst.idx.msk $0xffff, v29  }
0x28d: {  	v26 =	vand.u32 $0x3FFF, v28;
	v27 =	vmpcnt.ones.xlane vm8;
	v29 =	vmpcnt.ones.xlane vm7  }
0x28e: {  	v35 =	vsel vm9, $0x10, v0;
	v24 =	vadd.s32 v2, v24;
	vm7 =	vge.f32 v18, v3  }
0x28f: {  	v34 =	vsel vm10, $0x10, v0;
	v37 =	vadd.s32 v2, v26;
	v36 =	vmpcnt.ones.xlane vm7  }
0x290: {  	v38 =	vmpcnt.ones.xlane vm6;
	v26 =	vsel vm11, $0x10, v0  }
0x291: {  	vm7 =	vgt.s32 v30, $0x0;
	vm6 =	vgt.s32 v27, $0x0;
	v27 =	vadd.s32 v28, v32  }
0x292: {  	v39 =	vsel vm6, $0x10, v0;
	vm6 =	vgt.s32 v29, $0x0;
	v25 =	vadd.s32 v27, v25  }
0x293: {  	v28 =	vsel vm6, $0x10, v0;
	vm6 =	vgt.s32 v36, $0x0;
	[tilespmem:v24+s17+$0x0] =	vst.idx.msk $0xffff, v31;
	v24 =	vand.u32 $0x3FFF, v27  }
0x294: {  	vm9 =	vge.f32 v17, v3;
	vm8 =	vgt.s32 v38, $0x0;
	v36 =	vadd.s32 v25, v34;
	[tilespmem:v37+s17+$0x0] =	vst.idx.msk $0xffff, v33  }
.Ltmp28:
0x295: {  	v29 =	vsel vm8, $0x10, v0;
	v34 =	vmpcnt.ones.xlane vm9;
	v25 =	vand.u32 $0x3FFF, v25;
	(pc) =	sbr.rel @p0 .LBB2_35-.Ltmp28, $4  }
0x296: {  	v27 =	vsel vm7, $0x10, v0;
	v33 =	vsel vm6, $0x10, v0;
	v32 =	vadd.s32 v2, v24  }
0x297: {  	v30 =	vadd.s32 v2, v25;
	v25 =	vand.u32 $0x3FFF, v36  }
0x298: {  	v36 =	vadd.s32 v36, v35;
	v31 =	vadd.s32 v2, v25;
	v24 =	vsel vm4, $0x10, v0  }
0x299: {  	v35 =	vand.u32 $0x3FFF, v36;
	v36 =	vadd.s32 v36, v39;
	v25 =	vsel vm5, $0x10, v0  }
0x29a: {  	v26 =	vadd.s32 v36, v26  }
0x29b: {  	v28 =	vadd.s32 v26, v28  }
0x29c: {  	vm4 =	vgt.s32 v34, $0x0;
	v33 =	vadd.s32 v28, v33  }
0x29d: {  	v34 =	vsel vm4, $0x10, v0;
	v29 =	vadd.s32 v33, v29  }
0x29e: {  	v37 =	vsel vm2, $0x10, v0;
	v34 =	vadd.s32 v29, v34  }
0x29f: {  	v37 =	vadd.s32 v34, v37  }
0x2a0: {  	v27 =	vadd.s32 v37, v27  }
0x2a1: {  	v16 =	vadd.s32 v27, v16  }
0x2a2: {  	v38 =	vsel vm3, $0x10, v0;
	v14 =	vadd.s32 v16, v14  }
0x2a3: {  	v39 =	vsel vm1, $0x10, v0;
	v38 =	vadd.s32 v14, v38  }
0x2a4: {  	v40 =	vsel vm0, $0x10, v0;
	v39 =	vadd.s32 v38, v39  }
0x2a5: {  	v40 =	vadd.s32 v39, v40  }
0x2a6: {  	v24 =	vadd.s32 v40, v24  }
0x2a7: {  	v25 =	vadd.s32 v24, v25  }
0x2a8: {  	v25 =	vxor.u32 $0x80000000, v25  }
0x2a9: {  	(xrf0) =	vmax.scan.msk.u32 $0xffff, v25;
	_ =	sdelay $0x5  }
0x2aa: {  	v41, _, _ =	vpop (xrf0)  }
0x2ab: {  	(v2sf) =	vpush v41, $0xF;
	_ =	sdelay $0x1  }
0x2ac: {  	v36 =	vand.u32 $0x3FFF, v36;
	v35 =	vadd.s32 v2, v35  }
0x2ad: {  	v26 =	vand.u32 $0x3FFF, v26;
	v25 =	vadd.s32 v2, v36  }
0x2ae: {  	[tilespmem:v32+s17+$0x0] =	vst.idx.msk $0xffff, v21;
	v42 =	vadd.s32 v2, v26;
	v43 =	vand.u32 $0x3FFF, v28  }
0x2af: {  	[tilespmem:v30+s17+$0x0] =	vst.idx.msk $0xffff, v23;
	v44 =	vadd.s32 v2, v43;
	v45 =	vand.u32 $0x3FFF, v33  }
0x2b0: {  	[tilespmem:v31+s17+$0x0] =	vst.idx.msk $0xffff, v22;
	v46 =	vadd.s32 v2, v45;
	v47 =	vand.u32 $0x3FFF, v29  }
0x2b1: {  	[tilespmem:v35+s17+$0x0] =	vst.idx.msk $0xffff, v19;
	v48 =	vadd.s32 v2, v47;
	v49 =	vand.u32 $0x3FFF, v34  }
0x2b2: {  	v50 =	vadd.s32 v2, v49;
	v51 =	vand.u32 $0x3FFF, v37;
	[tilespmem:v25+s17+$0x0] =	vst.idx.msk $0xffff, v20  }
0x2b3: {  	v52 =	vadd.s32 v2, v51;
	v53 =	vand.u32 $0x3FFF, v27;
	[tilespmem:v42+s17+$0x0] =	vst.idx.msk $0xffff, v15  }
0x2b4: {  	v54 =	vadd.s32 v2, v53;
	v16 =	vand.u32 $0x3FFF, v16;
	[tilespmem:v44+s17+$0x0] =	vst.idx.msk $0xffff, v18  }
0x2b5: {  	v55 =	vadd.s32 v2, v16;
	v14 =	vand.u32 $0x3FFF, v14;
	[tilespmem:v46+s17+$0x0] =	vst.idx.msk $0xffff, v13  }
0x2b6: {  	v14 =	vadd.s32 v2, v14;
	v56 =	vand.u32 $0x3FFF, v38;
	[tilespmem:v48+s17+$0x0] =	vst.idx.msk $0xffff, v17  }
0x2b7: {  	v57 =	vadd.s32 v2, v56;
	v58 =	vand.u32 $0x3FFF, v39;
	[tilespmem:v50+s17+$0x0] =	vst.idx.msk $0xffff, v12  }
0x2b8: {  	v59 =	vadd.s32 v2, v58;
	v60 =	vand.u32 $0x3FFF, v40;
	[tilespmem:v52+s17+$0x0] =	vst.idx.msk $0xffff, v11  }
0x2b9: {  	v61 =	vadd.s32 v2, v60;
	v62 =	vand.u32 $0x3FFF, v24;
	[tilespmem:v54+s17+$0x0] =	vst.idx.msk $0xffff, v10;
	s28 =	spop (v2sf)  }
0x2ba: {  	v63 =	vadd.s32 v2, v62;
	[tilespmem:v55+s17+$0x0] =	vst.idx.msk $0xffff, v9;
	s26 =	sxor.u32 $0x80000000, s28  }
0x2bb: {  	[tilespmem:v14+s17+$0x0] =	vst.idx.msk $0xffff, v8;
	p0 =	sgt.s32 s26, $0x4000  }
.Ltmp29:
0x2bc: {  	[tilespmem:v57+s17+$0x0] =	vst.idx.msk $0xffff, v7;
	(pc) =	sbr.rel @p0 .LBB2_43-.Ltmp29, $4  }
0x2bd: {  	[tilespmem:v59+s17+$0x0] =	vst.idx.msk $0xffff, v6  }
0x2be: {  	[tilespmem:v61+s17+$0x0] =	vst.idx.msk $0xffff, v4  }
0x2bf: {  	[tilespmem:v63+s17+$0x0] =	vst.idx.msk $0xffff, v5  }
0x2c0: {  	[tilespmem:$0x1CA80] =	vst v0  }
0x2c1: {  	p1 =	slt.s32 s26, $0x1;
	p2 =	sgt.s32 s28, $0xFFFFFFFF;
	s29 =	sand.u32 $0xF, s28  }
0x2c2: {  	s30 =	sshra.s32 s26, $0x1F;
	p1 =	por p2, p1;
	p4 =	sne.s32 s29, $0x0  }
0x2c3: {  	s29 =	sshrl.u32 s30, $0x1C;
	p1 =	por !p4, !p1  }
0x2c4: {  	s30 =	simm.s32 $0x1;
	s29 =	sadd.s32 s29, s26;
	p1 =	por !p1, !p1  }
0x2c5: {  	s29 =	sshra.s32 s29, $0x4;
	s30 =	simm.s32 @!p1 $0x0  }
0x2c6: {  	s29 =	ssub.s32 s29, s30  }
0x2c7: {  	s0 =	sadd.s32 $0x80000010, s28;
	s31 =	sadd.s32 $0x3, s29  }
0x2c8: {  	v5 =	vadd.s32 s0, v2;
	s0 =	sand.u32 $0x3, s31  }
0x2c9: {  	s30 =	sadd.s32 $0x80000020, s28;
	p5 =	slt.s32 s29, $0xFFFFFFFE;
	p6 =	sne.s32 s0, $0x0  }
0x2ca: {  	s28 =	sadd.s32 $0x80000030, s28;
	v7 =	vadd.s32 s30, v2;
	s30 =	sshrl.u32 s31, $0x1E;
	p1 =	por !p5, !p6  }
0x2cb: {  	v4 =	vadd.s32 s26, v2;
	v8 =	vadd.s32 s28, v2;
	s28 =	simm.s32 $0x1;
	s0 =	sadd.s32 s30, s31;
	p1 =	por !p1, !p1  }
0x2cc: {  	s0 =	sshra.s32 s0, $0x2;
	s28 =	simm.s32 @!p1 $0x0  }
0x2cd: {  	s29 =	ssub.s32 s0, s28  }
0x2ce: {  	p1 =	slt.s32 s29, $0x1  }
.Ltmp30:
0x2cf: {  	v6 =	vimm.f32 $-3.000000010e+38;
	(pc) =	sbr.rel @p1 .LBB2_38-.Ltmp30, $4  }
0x2d0: {  	[tilespmem:v4+s17+$0x0] =	vst.idx.msk $0xffff, v6  }
0x2d1: {  	[tilespmem:v5+s17+$0x0] =	vst.idx.msk $0xffff, v6  }
0x2d2: {  	[tilespmem:v7+s17+$0x0] =	vst.idx.msk $0xffff, v6  }
0x2d3: {  	v5 =	vimm.s32 $0x0;
	[tilespmem:v8+s17+$0x0] =	vst.idx.msk $0xffff, v6;
	s28 =	simm.s32 $0x18720  }
0x2d4: {  	v7 =	vld [tilespmem:s28+$0xFFFFFFE0];
	_ =	sdelay $0x3  }
0x2d5: {  	v8 =	vld [tilespmem:s28+$0xFFFFFFF0]  }
0x2d6: {  	v9 =	vld [tilespmem:s28+$0x0];
	vm3 =	vge.f32 v7, v3  }
0x2d7: {  	v4 =	vld [tilespmem:s28+$0x10];
	v10 =	vsel vm3, $0x1, v0  }
0x2d8: {  	(xrf0) =	vadd.scan.msk.s32 $0xffff, v10;
	_ =	sdelay $0x1  }
0x2d9: {  	vm2 =	vge.f32 v8, v3  }
0x2da: {  	vm1 =	vge.f32 v9, v3;
	v11 =	vsel vm2, $0x1, v0  }
0x2db: {  	vm0 =	vge.f32 v4, v3;
	v53 =	vsel vm1, $0x1, v0;
	(xrf0) =	vadd.scan.msk.s32 $0xffff, v11  }
0x2dc: {  	v12 =	vsel vm0, $0x1, v0;
	(xrf0) =	vadd.scan.msk.s32 $0xffff, v53  }
0x2dd: {  	v13, _, _ =	vpop (xrf0);
	(xrf0) =	vadd.scan.msk.s32 $0xffff, v12  }
0x2de: {  	v54 =	vmpcnt.ones.xlane vm3;
	v56 =	vadd.s32 v13, v5  }
0x2df: {  	v55 =	vmpcnt.ones.xlane vm2;
	v14 =	vnsel vm3, $0xFF61B1E6, v7;
	v12 =	vadd.s32 $0xFFFFFFFF, v56  }
0x2e0: {  	v59 =	vmpcnt.ones.xlane vm1;
	v15 =	vnsel vm2, $0xFF61B1E6, v8;
	v6 =	vmax.f32 v6, v14  }
0x2e1: {  	v60 =	vnsel vm1, $0xFF61B1E6, v9;
	v6 =	vmax.f32 v6, v15;
	v5 =	vadd.s32 v5, v54;
	v57, _, _ =	vpop (xrf0)  }
0x2e2: {  	v6 =	vmax.f32 v6, v60;
	v10 =	vadd.s32 v57, v5;
	v5 =	vadd.s32 v5, v55;
	v58, _, _ =	vpop (xrf0)  }
0x2e3: {  	v10 =	vadd.s32 $0xFFFFFFFF, v10;
	v11 =	vadd.s32 v58, v5;
	v5 =	vadd.s32 v5, v59;
	v62, _, _ =	vpop (xrf0)  }
0x2e4: {  	p1 =	sne.s32 s29, $0x1;
	v11 =	vadd.s32 $0xFFFFFFFF, v11;
	[tilespmem:v12+s17+$0x0] =	vst.idx.msk vm3, v7;
	v7 =	vnsel vm0, $0xFF61B1E6, v4;
	v63 =	vadd.s32 v62, v5  }
.Ltmp31:
0x2e5: {  	v6 =	vmax.f32 v6, v7;
	v7 =	vadd.s32 $0xFFFFFFFF, v63;
	(pc) =	sbr.rel @!p1 .LBB2_41-.Ltmp31, $4  }
0x2e6: {  	_ = 	snop  }
0x2e7: {  	v61 =	vmpcnt.ones.xlane vm0  }
0x2e8: {  	[tilespmem:v10+s17+$0x0] =	vst.idx.msk vm2, v8  }
0x2e9: {  	s29 =	sadd.s32 $0xFFFFFFFF, s29;
	v5 =	vadd.s32 v5, v61;
	[tilespmem:v11+s17+$0x0] =	vst.idx.msk vm1, v9  }
.LBB2_40:
0x2ea: {  	p1 =	sne.s32 s29, $0x1;
	s29 =	sadd.s32 $0xFFFFFFFF, s29;
	[tilespmem:v7+s17+$0x0] =	vst.idx.msk vm0, v4;
	s28 =	sadd.s32 $0x40, s28  }
0x2eb: {  	v8 =	vld [tilespmem:s28+$0xFFFFFFE0]  }
0x2ec: {  	v9 =	vld [tilespmem:s28+$0xFFFFFFF0]  }
0x2ed: {  	v10 =	vld [tilespmem:s28+$0x0]  }
0x2ee: {  	v4 =	vld [tilespmem:s28+$0x10];
	_ =	sdelay $0x1  }
0x2ef: {  	vm1 =	vge.f32 v8, v3  }
0x2f0: {  	v7 =	vsel vm1, $0x1, v0;
	v11 =	vmpcnt.ones.xlane vm1;
	vm2 =	vge.f32 v9, v3  }
0x2f1: {  	v12 =	vsel vm2, $0x1, v0;
	v13 =	vmpcnt.ones.xlane vm2;
	vm3 =	vge.f32 v10, v3;
	(xrf0) =	vadd.scan.msk.s32 $0xffff, v7  }
0x2f2: {  	v7 =	vsel vm3, $0x1, v0;
	v14 =	vmpcnt.ones.xlane vm3;
	vm0 =	vge.f32 v4, v3;
	(xrf0) =	vadd.scan.msk.s32 $0xffff, v12  }
0x2f3: {  	v15 =	vnsel vm2, $0xFF61B1E6, v9;
	v12 =	vnsel vm1, $0xFF61B1E6, v8;
	v16 =	vsel vm0, $0x1, v0;
	(xrf0) =	vadd.scan.msk.s32 $0xffff, v7  }
0x2f4: {  	v6 =	vmax.f32 v6, v12;
	v7 =	vnsel vm3, $0xFF61B1E6, v10;
	v12 =	vnsel vm0, $0xFF61B1E6, v4;
	(xrf0) =	vadd.scan.msk.s32 $0xffff, v16  }
0x2f5: {  	v6 =	vmax.f32 v6, v15  }
0x2f6: {  	v6 =	vmax.f32 v6, v7  }
0x2f7: {  	v6 =	vmax.f32 v6, v12;
	v7, _, _ =	vpop (xrf0)  }
0x2f8: {  	v12 =	vmpcnt.ones.xlane vm0;
	v7 =	vadd.s32 v7, v5;
	v5 =	vadd.s32 v5, v11;
	v11, _, _ =	vpop (xrf0)  }
0x2f9: {  	v15 =	vadd.s32 $0xFFFFFFFF, v7;
	v7 =	vadd.s32 v11, v5;
	v5 =	vadd.s32 v5, v13;
	v11, _, _ =	vpop (xrf0)  }
0x2fa: {  	v13 =	vadd.s32 $0xFFFFFFFF, v7;
	v7 =	vadd.s32 v11, v5;
	v5 =	vadd.s32 v5, v14;
	v11, _, _ =	vpop (xrf0)  }
0x2fb: {  	v14 =	vadd.s32 $0xFFFFFFFF, v7;
	v7 =	vadd.s32 v11, v5;
	v5 =	vadd.s32 v5, v12  }
.Ltmp32:
0x2fc: {  	v7 =	vadd.s32 $0xFFFFFFFF, v7;
	(pc) =	sbr.rel @p1 .LBB2_40-.Ltmp32, $4  }
0x2fd: {  	_ = 	snop  }
0x2fe: {  	[tilespmem:v15+s17+$0x0] =	vst.idx.msk vm1, v8  }
0x2ff: {  	[tilespmem:v13+s17+$0x0] =	vst.idx.msk vm2, v9  }
0x300: {  	[tilespmem:v14+s17+$0x0] =	vst.idx.msk vm3, v10  }
.LBB2_41:
0x301: {  	_ = 	snop  }
.Ltmp33:
0x302: {  	_ = 	snop;
	(pc) =	sbr.rel .LBB2_42-.Ltmp33, $2  }
0x303: {  	_ =	sdelay $0x2  }
0x304: {  	[tilespmem:v7+s17+$0x0] =	vst.idx.msk vm0, v4  }
.LBB2_44:
.Ltmp34:
0x305: {  	(pc) =	sbr.rel @p0 .LBB2_48-.Ltmp34, $1  }
0x306: {  	_ =	sdelay $0x3  }
0x307: {  	v3 =	vmov s22  }
0x308: {  	v5 =	vsub.s32 $0x80000000, v3;
	vm0 =	vlt.s32 v3, $0x0  }
0x309: {  	v4 =	vimm.s32 $0x0;
	s26 =	simm.s32 $0x0;
	s25 =	simm.s32 $0x40;
	v6 =	vnsel vm0, s22, v5;
	v5 =	vimm.s32 $0x0  }
.LBB2_46:
0x30a: {  	p1 =	sne.s32 s25, $0x61A40;
	v7 =	vld [tilespmem:s26+$0x0];
	_ =	sdelay $0x4  }
0x30b: {  	vm0 =	vgt.f32 v7, v6  }
0x30c: {  	v8 =	vsel vm0, $0x1, v0;
	v9 =	vmpcnt.ones.xlane vm0  }
0x30d: {  	(xrf0) =	vadd.scan.msk.s32 $0xffff, v8  }
0x30e: {  	v4 =	vadd.s32 v4, v9;
	_ =	sdelay $0x4  }
0x30f: {  	v8, _, _ =	vpop (xrf0)  }
0x310: {  	v8 =	vadd.s32 v8, v5;
	v5 =	vmov v4  }
0x311: {  	v8 =	vadd.s32 $0xFFFFFFFF, v8  }
0x312: {  	vm1 =	vlt.s32 v8, $0x400F  }
0x313: {  	v8 =	vnsel vm1, $0x400F, v8  }
.Ltmp35:
0x314: {  	(pc) =	sbr.rel @p1 .LBB2_46-.Ltmp35, $2  }
0x315: {  	_ =	sdelay $0x2  }
0x316: {  	s26 =	sshra.s32 s25, $0x2;
	s25 =	sadd.s32 $0x40, s25;
	[tilespmem:v8+s17+$0x0] =	vst.idx.msk vm0, v7  }
0x317: {  	v7 =	vld [tilespmem:s26+$0x0];
	_ =	sdelay $0x4  }
0x318: {  	vm0 =	vgt.f32 v7, v6  }
0x319: {  	v6 =	vsel vm0, $0x1, v0  }
0x31a: {  	(xrf0) =	vadd.scan.msk.s32 $0xffff, v6;
	_ =	sdelay $0x5  }
0x31b: {  	v6, _, _ =	vpop (xrf0)  }
0x31c: {  	v5 =	vadd.s32 v6, v5  }
0x31d: {  	v5 =	vadd.s32 $0xFFFFFFFF, v5  }
0x31e: {  	vm1 =	vlt.s32 v5, $0x400F  }
0x31f: {  	v5 =	vnsel vm1, $0x400F, v5;
	_ =	sdelay $0x2  }
0x320: {  	v63 =	vmpcnt.ones.xlane vm0;
	_ =	sdelay $0x1  }
0x321: {  	v4 =	vadd.s32 v4, v63;
	[tilespmem:v5+s17+$0x0] =	vst.idx.msk vm0, v7  }
0x322: {  	[tilespmem:$0x1CA80] =	vst v4  }
0x323: {  	[tilespmem:$0x1CB00] =	vst v3  }
.LBB2_48:
0x324: {  	s25 =	sor.u32 s3, s23;
	p1 =	seq.s32 s23, $0x1F  }
0x325: {  	s0 =	sadd.s32 @!p1 $0x1, s25  }
0x326: {  	s26 =	sshrl.u32 @!p1 s0, $0x3  }
0x327: {  	s0 =	sshll.u32 @!p1 s0, $0x7;
	s26 =	smul.u32 @!p1 $0xC3800, s26  }
0x328: {  	s0 =	sand.u32 @!p1 $0x380, s0  }
0x329: {  	s0 =	sor.u32 @!p1 s0, s26  }
0x32a: {  	s28 =	simm.s32 @!p1 $0x400;
	s0 =	sshrl.u32 @!p1 s0, $0x3  }
0x32b: {  	s29 =	simm.s32 @!p1 $0x0;
	s26 =	simm.s32 @!p1 $0x80;
	s0 =	sadd.s32 @!p1 s4, s0  }
0x32c: {  	[tilespmem:s29], [sflag:$0x1] =	stream.strided.gather @!p1 [hbm4b:s0+s26], $0x18700, s28, s26, $0x38;
	[tilespmem:$0x1CB80] =	vst v63  }
0x32d: {  	v3 =	vld [tilespmem:$0x1CA80];
	_ =	sdelay $0x4  }
0x32e: {  	v3 =	vxor.u32 $0x80000000, v3  }
0x32f: {  	(xrf0) =	vmax.scan.msk.u32 $0xffff, v3;
	v3 =	vld [tilespmem:$0x1CB00];
	_ =	sdelay $0x4  }
0x330: {  	v3 =	vxor.u32 $0x80000000, v3  }
0x331: {  	v4, _, _ =	vpop (xrf0);
	(xrf0) =	vmax.scan.msk.u32 $0xffff, v3;
	_ =	sdelay $0x3  }
0x332: {  	(v2sf) =	vpush v4, $0xF;
	_ =	sdelay $0x1  }
0x333: {  	v3, _, _ =	vpop (xrf0)  }
0x334: {  	(v2sf) =	vpush v3, $0xF;
	_ =	sdelay $0xb  }
0x335: {  	s26 =	spop (v2sf)  }
0x336: {  	s30 =	sxor.u32 $0x80000000, s26  }
0x337: {  	s31 =	sadd.s32 $0x80000010, s26;
	v3 =	vadd.s32 s30, v2  }
0x338: {  	s29 =	sadd.s32 $0x80000020, s26;
	v63 =	vadd.s32 s31, v2;
	s31 =	spop (v2sf)  }
0x339: {  	s22 =	smov.u32 @p0 s24;
	v5 =	vadd.s32 s29, v2;
	s30 =	sadd.s32 $0x80000030, s26;
	s28 =	sxor.u32 $0x80000000, s31  }
0x33a: {  	v6 =	vadd.s32 s30, v2;
	p0 =	sge.s32 s22, s28  }
.Ltmp36:
0x33b: {  	_ = 	snop;
	(pc) =	sbr.rel @p0 .LBB2_56-.Ltmp36, $4  }
0x33c: {  	[tilespmem:v3+s17+$0x0] =	vst.idx.msk $0xffff, v1  }
0x33d: {  	[tilespmem:v63+s17+$0x0] =	vst.idx.msk $0xffff, v1  }
0x33e: {  	[tilespmem:v5+s17+$0x0] =	vst.idx.msk $0xffff, v1  }
0x33f: {  	[tilespmem:v6+s17+$0x0] =	vst.idx.msk $0xffff, v1  }
0x340: {  	s0 =	sadd.s32 $0x8000003F, s26  }
0x341: {  	s24 =	sand.u32 $0x3F, s0;
	s29 =	sshra.s32 s0, $0x1F  }
.Ltmp37:
0x342: {  	p0 =	slt.s32 s0, $0x1;
	p1 =	sne.s32 s24, $0x0;
	(pc) =	sbr.rel .LBB2_50-.Ltmp37, $4  }
0x343: {  	s31 =	sshrl.u32 s29, $0x1A;
	p0 =	por !p0, !p1  }
0x344: {  	s24 =	simm.s32 $0x1;
	s0 =	sadd.s32 s31, s0;
	p0 =	por !p0, !p0  }
0x345: {  	s0 =	sshra.s32 s0, $0x6;
	s24 =	simm.s32 @!p0 $0x0  }
0x346: {  	s24 =	ssub.s32 s0, s24  }
.LBB2_51:
0x347: {  	v3 =	vimm.s32 $0x80000000  }
.LBB2_55:
0x348: {  	(xrf0) =	vmax.scan.msk.u32 $0xffff, v3;
	_ =	sdelay $0x5  }
0x349: {  	v3, _, _ =	vpop (xrf0)  }
0x34a: {  	(v2sf) =	vpush v3, $0xF;
	_ =	sdelay $0xe  }
0x34b: {  	s0 =	spop (v2sf)  }
0x34c: {  	p0 =	sgt.u32 s0, $0x800001FF;
	s0 =	sadd.s32 $0xFFFFFFFF, s29  }
0x34d: {  	s22 =	smov.u32 @p0 s29;
	s0 =	smov.u32 @p0 s28  }
0x34e: {  	p0 =	slt.s32 s22, s0  }
.Ltmp38:
0x34f: {  	_ = 	snop;
	(pc) =	sbr.rel @!p0 .LBB2_56-.Ltmp38, $2  }
0x350: {  	_ =	sdelay $0x2  }
0x351: {  	s28 =	smov.u32 s0  }
.LBB2_50:
0x352: {  	p0 =	slt.s32 s24, $0x1  }
.Ltmp39:
0x353: {  	_ = 	snop;
	(pc) =	sbr.rel @p0 .LBB2_51-.Ltmp39, $4  }
0x354: {  	s0 =	sxor.u32 s22, s28  }
0x355: {  	s29 =	sand.u32 s28, s22;
	s30 =	sshra.s32 s0, $0x1  }
0x356: {  	s0 =	sand.u32 $0x1, s0;
	s29 =	sadd.s32 s30, s29  }
0x357: {  	s29 =	sadd.s32 s0, s29  }
0x358: {  	s0 =	simm.s32 $0x18720  }
0x359: {  	v3 =	vmov s29;
	p0 =	sne.s32 s24, $0x1;
	v8 =	vld [tilespmem:s0+$0xFFFFFFE0]  }
.Ltmp40:
0x35a: {  	v5 =	vsub.s32 $0x80000000, v3;
	vm0 =	vlt.s32 v3, $0x0;
	v4 =	vld [tilespmem:s0+$0xFFFFFFF0];
	(pc) =	sbr.rel @!p0 .LBB2_54-.Ltmp40, $3  }
0x35b: {  	v3 =	vnsel vm0, s29, v5;
	v5 =	vld [tilespmem:s0+$0x0]  }
0x35c: {  	v6 =	vld [tilespmem:s0+$0x10];
	_ =	sdelay $0x1  }
0x35d: {  	v7 =	vimm.s32 $0x0;
	s30 =	sadd.s32 $0xFFFFFFFF, s24;
	s31 =	simm.s32 $0x18760;
	vm0 =	vge.f32 v8, v3  }
.LBB2_53:
0x35e: {  	v8 =	vld [tilespmem:s31+$0xFFFFFFE0];
	p0 =	sne.s32 s30, $0x1;
	s30 =	sadd.s32 $0xFFFFFFFF, s30;
	v9 =	vmpcnt.ones.xlane vm0;
	vm0 =	vge.f32 v4, v3  }
.Ltmp41:
0x35f: {  	v4 =	vld [tilespmem:s31+$0xFFFFFFF0];
	v10 =	vmpcnt.ones.xlane vm0;
	vm0 =	vge.f32 v5, v3;
	(pc) =	sbr.rel @p0 .LBB2_53-.Ltmp41, $4  }
0x360: {  	v5 =	vld [tilespmem:s31+$0x0];
	v11 =	vmpcnt.ones.xlane vm0;
	vm0 =	vge.f32 v6, v3;
	v7 =	vadd.s32 v7, v9  }
0x361: {  	v6 =	vld [tilespmem:s31+$0x10];
	v9 =	vmpcnt.ones.xlane vm0;
	v7 =	vadd.s32 v10, v7  }
0x362: {  	v7 =	vadd.s32 v11, v7  }
0x363: {  	s31 =	sadd.s32 $0x40, s31;
	vm0 =	vge.f32 v8, v3;
	v7 =	vadd.s32 v9, v7  }
.LBB2_54:
0x364: {  	v8 =	vmpcnt.ones.xlane vm0;
	vm13 =	vge.f32 v4, v3  }
0x365: {  	v4 =	vmpcnt.ones.xlane vm13;
	vm14 =	vge.f32 v5, v3  }
.Ltmp42:
0x366: {  	v5 =	vmpcnt.ones.xlane vm14;
	vm15 =	vge.f32 v6, v3;
	v3 =	vadd.s32 v7, v8;
	(pc) =	sbr.rel .LBB2_55-.Ltmp42, $4  }
0x367: {  	v6 =	vmpcnt.ones.xlane vm15;
	v3 =	vadd.s32 v4, v3  }
0x368: {  	v3 =	vadd.s32 v5, v3  }
0x369: {  	v3 =	vadd.s32 v6, v3  }
0x36a: {  	v3 =	vxor.u32 $0x80000000, v3  }
.LBB2_56:
0x36b: {  	_ =	swait.ge [sflag:s20], $0x200;
	v3 =	vmov s22  }
0x36c: {  	[sflag:s20] =	ssyncset.done $0x0;
	v4 =	vsub.s32 $0x80000000, v3;
	vm0 =	vlt.s32 v3, $0x0  }
0x36d: {  	[sflag:s20] =	ssyncadd.s32 $0xFFFFFE00;
	v3 =	vnsel vm0, s22, v4  }
0x36e: {  	[tilespmem:$0x1C780] =	vst v3  }
0x36f: {  	[tilespmem:$0x1C790] =	vst v3  }
0x370: {  	[tilespmem:$0x1C7A0] =	vst v3  }
0x371: {  	[tilespmem:$0x1C7B0] =	vst v3  }
0x372: {  	[tilespmem:$0x1C7C0] =	vst v3  }
0x373: {  	[tilespmem:$0x1C7D0] =	vst v3  }
0x374: {  	[tilespmem:$0x1C7E0] =	vst v3  }
0x375: {  	[tilespmem:$0x1C7F0] =	vst v3  }
0x376: {  	[tilespmem:$0x1C800] =	vst v3  }
0x377: {  	[tilespmem:$0x1C810] =	vst v3  }
0x378: {  	[tilespmem:$0x1C820] =	vst v3  }
0x379: {  	[tilespmem:$0x1C830] =	vst v3  }
0x37a: {  	[tilespmem:$0x1C840] =	vst v3  }
0x37b: {  	[tilespmem:$0x1C850] =	vst v3  }
0x37c: {  	[tilespmem:$0x1C860] =	vst v3  }
0x37d: {  	[tilespmem:$0x1C870] =	vst v3  }
0x37e: {  	[tilespmem:$0x1C880] =	vst v3  }
0x37f: {  	[tilespmem:$0x1C890] =	vst v3  }
0x380: {  	[tilespmem:$0x1C8A0] =	vst v3  }
0x381: {  	s0 =	sadd.s32 $0x8000000F, s26;
	[tilespmem:$0x1C8B0] =	vst v3  }
0x382: {  	s24 =	sand.u32 $0xF, s0;
	[tilespmem:$0x1C8C0] =	vst v3  }
0x383: {  	s31 =	sshra.s32 s0, $0x1F;
	p1 =	slt.s32 s0, $0x1;
	p0 =	sne.s32 s24, $0x0;
	[tilespmem:$0x1C8D0] =	vst v3  }
0x384: {  	s24 =	sshrl.u32 s31, $0x1C;
	[tilespmem:$0x1C8E0] =	vst v3;
	p0 =	por !p1, !p0  }
0x385: {  	[tilespmem:$0x1C8F0] =	vst v3;
	s0 =	sadd.s32 s24, s0;
	s24 =	simm.s32 $0x1;
	p0 =	por !p0, !p0  }
0x386: {  	[tilespmem:$0x1C900] =	vst v3;
	s0 =	sshra.s32 s0, $0x4;
	s24 =	simm.s32 @!p0 $0x0  }
0x387: {  	[tilespmem:$0x1C910] =	vst v3;
	s26 =	ssub.s32 s0, s24  }
0x388: {  	[tilespmem:$0x1C920] =	vst v3;
	p0 =	slt.s32 s26, $0x1  }
.Ltmp43:
0x389: {  	[tilespmem:$0x1C930] =	vst v3;
	(pc) =	sbr.rel @p0 .LBB2_60-.Ltmp43, $4  }
0x38a: {  	[tilespmem:$0x1C940] =	vst v3  }
0x38b: {  	[tilespmem:$0x1C950] =	vst v3  }
0x38c: {  	[tilespmem:$0x1C960] =	vst v3  }
0x38d: {  	[tilespmem:$0x1C970] =	vst v3  }
0x38e: {  	s24 =	simm.s32 $0x18700;
	p0 =	sne.s32 s26, $0x1  }
.Ltmp44:
0x38f: {  	v4 =	vld [tilespmem:s24+$0x0];
	(pc) =	sbr.rel @!p0 .LBB2_59-.Ltmp44, $2  }
0x390: {  	_ =	sdelay $0x2  }
0x391: {  	v5 =	vimm.s32 $0x0;
	s26 =	sadd.s32 $0xFFFFFFFF, s26;
	v6 =	vimm.s32 $0x0  }
.LBB2_58:
0x392: {  	p0 =	sne.s32 s26, $0x1;
	_ =	sdelay $0x3  }
0x393: {  	vm0 =	vgt.f32 v4, v3  }
0x394: {  	v7 =	vsel vm0, $0x1, v0;
	v8 =	vmpcnt.ones.xlane vm0  }
0x395: {  	(xrf0) =	vadd.scan.msk.s32 $0xffff, v7  }
0x396: {  	v6 =	vadd.s32 v6, v8;
	_ =	sdelay $0x4  }
0x397: {  	v7, _, _ =	vpop (xrf0)  }
0x398: {  	v7 =	vadd.s32 v7, v5;
	v5 =	vmov v6  }
0x399: {  	v7 =	vadd.s32 $0xFFFFFFFF, v7  }
0x39a: {  	vm1 =	vlt.s32 v7, $0x1FF  }
0x39b: {  	v7 =	vnsel vm1, $0x1FF, v7;
	_ =	sdelay $0x1  }
.Ltmp45:
0x39c: {  	(pc) =	sbr.rel @p0 .LBB2_58-.Ltmp45, $3  }
0x39d: {  	_ =	sdelay $0x1  }
0x39e: {  	s24 =	sadd.s32 $0x10, s24;
	[tilespmem:v7+s19+$0x0] =	vst.idx.msk vm0, v4  }
0x39f: {  	s26 =	sadd.s32 $0xFFFFFFFF, s26;
	v4 =	vld [tilespmem:s24+$0x0]  }
.Ltmp46:
0x3a0: {  	_ = 	snop;
	(pc) =	sbr.rel .LBB2_59-.Ltmp46, $1  }
0x3a1: {  	_ =	sdelay $0x3  }
.LBB2_62:
0x3a2: {  	_ =	sfence.sel $0x180000  }
0x3a3: {  	[bflag:$0x0] =	sbarrier.arrive $0xFFFF  }
0x3a4: {  	_ =	strace $0x90000047  }
0x3a5: {  	[bflag:$0x2] =	sbarrier.arrive $0xFFFF  }
0x3a6: {  	p0 =	sne.s32 s1, $0x0;
	s0 =	rddreg [dreg:$0x2]  }
0x3a7: {  	s0 =	sadd.s32 @!p0 $0x100000, s0  }
0x3a8: {  	[sflag:s0] =	ssyncadd.tile.s32 @!p0 $0x1;
	_ =	shalt  }
.Lfunc_end2:
_tile_overlayer_lowered:
.L_overlay_start_2:
0x3a9: {  	(tag) =	ssettag $0x2  }
0x3aa: {  	s0 =	rddreg [dreg:$0x0];
	s2 =	stileid.u32  }
0x3ab: {  	s1 =	rddreg [dreg:$0x1];
	p0 =	sne.s32 s2, $0x0  }
0x3ac: {  	s3 =	rddreg [dreg:$0x2];
	[bflag:$0x3] =	sbarrier.arrive $0xFFFF;
	s2 =	simm.s32 @!p0 $0x1C03  }
0x3ad: {  	[timem:s3], [sflag:s2] =	dma.local @!p0 [hbm:s0], s1  }
0x3ae: {  	s0 =	simm.s32 @!p0 $0x3  }
0x3af: {  	_ =	swait.ge @!p0 [sflag:s0], s1  }
0x3b0: {  	s1 =	ssub.s32 @!p0 $0x0, s1;
	[sflag:s0] =	ssyncset.done @!p0 $0x0  }
0x3b1: {  	[sflag:s0] =	ssyncadd.s32 @!p0 s1  }
0x3b2: {  	[bflag:$0x3] =	sbarrier.arrive $0xFFFF  }
0x3b3: {  	_ =	shalt  }

</sc_bundles>
